<compile_context>
chip_gen: v7x
topology: tpu7x:2x2x1
jax: 0.10.2.dev20260603
libtpu: 0.0.44.dev20260713+nightly
codegen_flags: <defaults>
</compile_context>

<pallas_src>
import jax
import jax.numpy as jnp
import numpy as np
from jax import lax
from jax.experimental import pallas as pl
from jax.experimental.pallas import tpu as pltpu
from jax.experimental.pallas import tpu_sc as plsc

_B = 4096
_TOTAL = 204800
_VOCAB = 100000
_D = 128
_H = 512
_HH = _H // 2
_NC = 2
_NS = 16
_K = 128
_HW = _HH // 2
_UPT = _B // _NS
_CUPAD = 4224
_VR = 4000
_UB = 512



def _pack_bf16_pair(x):
    def rnd(v):
        b = lax.bitcast_convert_type(v, jnp.int32)
        return b + jnp.int32(0x8000)

    w = lax.bitwise_or(
        lax.shift_right_logical(rnd(x[:, :_HW]), 16),
        lax.bitwise_and(rnd(x[:, _HW:]), jnp.int32(-65536)))
    return lax.bitcast_convert_type(w, jnp.float32)


def _mlp1_body(tab_ref, w1_ref, b1_ref, outa_ref, outb_ref):
    h = jnp.dot(tab_ref[...], w1_ref[...], preferred_element_type=jnp.float32)
    h = jnp.maximum(h + b1_ref[...], 0.0)
    outa_ref[...] = _pack_bf16_pair(h[:, :_HH])
    outb_ref[...] = _pack_bf16_pair(h[:, _HH:])


def _mlp1(table, w1, b1_2d):
    return pl.pallas_call(
        _mlp1_body,
        grid=(_VOCAB // _VR,),
        in_specs=[
            pl.BlockSpec((_VR, _D), lambda i: (i, 0)),
            pl.BlockSpec((_D, _H), lambda i: (0, 0)),
            pl.BlockSpec((1, _H), lambda i: (0, 0)),
        ],
        out_specs=[
            pl.BlockSpec((_VR, _HW), lambda i: (i, 0)),
            pl.BlockSpec((_VR, _HW), lambda i: (i, 0)),
        ],
        out_shape=[
            jax.ShapeDtypeStruct((_VOCAB, _HW), jnp.float32),
            jax.ShapeDtypeStruct((_VOCAB, _HW), jnp.float32),
        ],
    )(table, w1, b1_2d)



def _scal(ref, i):
    return ref[pl.ds(i, 16)][0]


def _chunk_loop(s, ids_hbm, cu_v, t1_hbm, ids0, ids1, rows0, rows1, acc_v,
                gsem0, gsem1, isem0, isem1):
    u0 = s * _UPT
    t0 = _scal(cu_v, u0)
    t1 = _scal(cu_v, u0 + _UPT)
    t0a = (t0 // 8) * 8
    nchunks = (t1 - t0a + _K - 1) // _K
    npairs = (nchunks + 1) // 2
    nreg = _HH // 16

    def walk(st_in, base, rows_b):
        hi = jnp.minimum(t1, base + _K)

        def ubody(st):
            u, t = st

            def sc(st2):
                return st2[1] <= t

            def sb(st2):
                u2 = st2[0] + 1
                return (u2, _scal(cu_v, u2 + 1))

            u, e_user = lax.while_loop(sc, sb, (u, _scal(cu_v, u + 1)))
            e = jnp.minimum(e_user, hi)
            tl0 = t - base

            def tok(k, regs):
                tl = tl0 + k
                new = list(regs)
                for g in range(8):
                    w = plsc.bitcast(rows_b[tl, pl.ds(g * 16, 16)],
                                     jnp.int32)
                    lo16 = plsc.bitcast(lax.shift_left(w, 16), jnp.float32)
                    hi16 = plsc.bitcast(w, jnp.float32)
                    new[g] = regs[g] + lo16
                    new[8 + g] = regs[8 + g] + hi16
                return tuple(new)

            regs = plsc.parallel_loop(
                jnp.int32(0), e - t, jnp.int32(1), unroll=4,
                carry=tuple(jnp.zeros((16,), jnp.float32)
                            for _ in range(nreg)))(tok)
            lu = u - u0
            for c0 in range(nreg):
                plsc.addupdate(acc_v.at[lu, pl.ds(c0 * 16, 16)], regs[c0])
            return (u, e)

        return lax.while_loop(lambda st: st[1] < hi, ubody, st_in)

    def cbase(i):
        return jnp.minimum(t0a + i * _K, _TOTAL - _K)

    def ids_start(i, ids_b, isem_b):
        pltpu.async_copy(ids_hbm.at[pl.ds(cbase(i), _K)], ids_b, isem_b)

    def ids_wait(i, ids_b, isem_b):
        pltpu.make_async_copy(
            ids_hbm.at[pl.ds(cbase(i), _K)], ids_b, isem_b).wait()

    pltpu.sync_copy(ids_hbm.at[pl.ds(cbase(0), _K)], ids0)
    pltpu.async_copy(t1_hbm.at[ids0], rows0, gsem0)
    ids_start(1, ids1, isem1)

    def pair(p, st):
        ia = 2 * p + 1
        ids_wait(ia, ids1, isem1)
        pltpu.async_copy(t1_hbm.at[ids1], rows1, gsem1)
        pltpu.make_async_copy(t1_hbm.at[ids0], rows0, gsem0).wait()
        ids_start(ia + 1, ids0, isem0)
        st = walk(st, cbase(ia - 1), rows0)
        ids_wait(ia + 1, ids0, isem0)
        pltpu.async_copy(t1_hbm.at[ids0], rows0, gsem0)
        pltpu.make_async_copy(t1_hbm.at[ids1], rows1, gsem1).wait()
        ids_start(ia + 2, ids1, isem1)
        st = walk(st, cbase(ia), rows1)
        return st

    st_fin = lax.fori_loop(0, npairs, pair, (u0, t0), unroll=False)
    pltpu.make_async_copy(t1_hbm.at[ids0], rows0, gsem0).wait()
    ids_wait(2 * npairs + 1, ids1, isem1)
    return st_fin


def _seg_body(ids_hbm, cu_hbm, t1a_hbm, t1b_hbm, outa_hbm, outb_hbm,
              cu_v, ids0, ids1, rows0, rows1, acc_v,
              gsem0, gsem1, isem0, isem1):
    c = lax.axis_index("c")
    s = lax.axis_index("s")
    row0 = s * _UPT

    pltpu.sync_copy(cu_hbm, cu_v.at[pl.ds(0, _B + 1)])

    def zrow(r, cc):
        for c0 in range(_HH // 16):
            acc_v[r, pl.ds(c0 * 16, 16)] = jnp.zeros((16,), jnp.float32)
        return cc

    lax.fori_loop(0, _UPT, zrow, 0, unroll=False)

    @pl.when(c == 0)
    def _():
        _chunk_loop(s, ids_hbm, cu_v, t1a_hbm, ids0, ids1, rows0, rows1,
                    acc_v, gsem0, gsem1, isem0, isem1)
        pltpu.sync_copy(acc_v, outa_hbm.at[pl.ds(row0, _UPT)])

    @pl.when(c == 1)
    def _():
        _chunk_loop(s, ids_hbm, cu_v, t1b_hbm, ids0, ids1, rows0, rows1,
                    acc_v, gsem0, gsem1, isem0, isem1)
        pltpu.sync_copy(acc_v, outb_hbm.at[pl.ds(row0, _UPT)])


def _segsum(ids_padded, cu_pad, t1a, t1b):
    return pl.kernel(
        _seg_body,
        out_type=(
            jax.ShapeDtypeStruct((_B, _HH), jnp.float32),
            jax.ShapeDtypeStruct((_B, _HH), jnp.float32),
        ),
        mesh=plsc.VectorSubcoreMesh(
            core_axis_name="c", subcore_axis_name="s",
            num_cores=_NC, num_subcores=_NS,
        ),
        scratch_types=[
            pltpu.VMEM((_CUPAD,), jnp.int32),
            pltpu.VMEM((_K,), jnp.int32),
            pltpu.VMEM((_K,), jnp.int32),
            pltpu.VMEM((_K, _HW), jnp.float32),
            pltpu.VMEM((_K, _HW), jnp.float32),
            pltpu.VMEM((_UPT, _HH), jnp.float32),
            pltpu.SemaphoreType.DMA,
            pltpu.SemaphoreType.DMA,
            pltpu.SemaphoreType.DMA,
            pltpu.SemaphoreType.DMA,
        ],
        compiler_params=pltpu.CompilerParams(needs_layout_passes=False),
    )(ids_padded, cu_pad, t1a, t1b)



def _out_body(a_ref, b_ref, lo_ref, hi_ref, w2a_ref, w2b_ref, b2_ref, o_ref):
    cnt = (hi_ref[...] - lo_ref[...]).astype(jnp.float32)
    inv = 1.0 / jnp.maximum(cnt, 1.0)
    y = jnp.dot(a_ref[...] * inv, w2a_ref[...],
                preferred_element_type=jnp.float32)
    y = y + jnp.dot(b_ref[...] * inv, w2b_ref[...],
                    preferred_element_type=jnp.float32)
    y = y + b2_ref[...]
    o_ref[...] = jnp.where(cnt > 0.0, y, jnp.zeros_like(y))


def _finish(suma, sumb, cu_lo, cu_hi, w2a, w2b, b2_2d):
    return pl.pallas_call(
        _out_body,
        grid=(_B // _UB,),
        in_specs=[
            pl.BlockSpec((_UB, _HH), lambda i: (i, 0)),
            pl.BlockSpec((_UB, _HH), lambda i: (i, 0)),
            pl.BlockSpec((_UB, 1), lambda i: (i, 0)),
            pl.BlockSpec((_UB, 1), lambda i: (i, 0)),
            pl.BlockSpec((_HH, _D), lambda i: (0, 0)),
            pl.BlockSpec((_HH, _D), lambda i: (0, 0)),
            pl.BlockSpec((1, _D), lambda i: (0, 0)),
        ],
        out_specs=pl.BlockSpec((_UB, _D), lambda i: (i, 0)),
        out_shape=jax.ShapeDtypeStruct((_B, _D), jnp.float32),
    )(suma, sumb, cu_lo, cu_hi, w2a, w2b, b2_2d)



def kernel(flat_movie_ids, cu_seqlens, table, W1, b1, W2, b2):
    t1a, t1b = _mlp1(table, W1, b1.reshape(1, _H))
    suma, sumb = _segsum(flat_movie_ids, cu_seqlens, t1a, t1b)
    out = _finish(
        suma, sumb,
        cu_seqlens[:-1].reshape(_B, 1), cu_seqlens[1:].reshape(_B, 1),
        W2[:_HH], W2[_HH:], b2.reshape(1, _D),
    )
    return out

# --- scband reference (transcript-rebuilt; emitter-appended) ---
"""Pipeline reference for scband-personalized-user-tower-49873160241305 (READ-ONLY COPY).

The authoritative reference and input builder live on the scoring server;
editing this copy changes nothing except your own understanding.
"""

import jax, jax.numpy as jnp
import numpy as np

B = 4096
TOTAL = 204800
VOCAB = 100000
D = 128
H = 512


def setup_inputs(seed: int = 0) -> dict:
    key = jax.random.key(seed)
    ks = jax.random.split(key, 7)
    flat_movie_ids = jax.random.randint(ks[0], (TOTAL,), 0, VOCAB, dtype=jnp.int32)
    inner = jnp.sort(jax.random.randint(ks[1], (B - 1,), 0, TOTAL + 1, dtype=jnp.int32))
    cu_seqlens = jnp.concatenate([
        jnp.zeros((1,), dtype=jnp.int32), inner,
        jnp.array([TOTAL], dtype=jnp.int32)
    ])
    table = jax.random.normal(ks[2], (VOCAB, D), dtype=jnp.float32) * 0.02
    W1 = jax.random.normal(ks[3], (D, H), dtype=jnp.float32) * (1.0 / np.sqrt(D))
    b1 = jnp.zeros((H,), dtype=jnp.float32)
    W2 = jax.random.normal(ks[4], (H, D), dtype=jnp.float32) * (1.0 / np.sqrt(H))
    b2 = jnp.zeros((D,), dtype=jnp.float32)
    return {
        'flat_movie_ids': flat_movie_ids,
        'cu_seqlens': cu_seqlens,
        'table': table,
        'W1': W1,
        'b1': b1,
        'W2': W2,
        'b2': b2,
    }


def reference(flat_movie_ids, cu_seqlens, table, W1, b1, W2, b2):
    # Ragged equivalent of PersonalizedUserTower.forward:
    # flat_movie_ids = concat of dataset.get_user_movies_except(user_i, pos_i)
    # cu_seqlens[i]:cu_seqlens[i+1] delimits user i's history (split_sizes prefix sums).
    counts = jnp.diff(cu_seqlens)
    num_users = counts.shape[0]
    # movie_tower(all_movies_tensor): embedding lookup + 2-layer MLP
    embs = jnp.take(table, flat_movie_ids, axis=0)
    h = jax.nn.relu(jnp.dot(embs, W1) + b1)
    movie_embs = jnp.dot(h, W2) + b2
    # per-user mean over each user's movie embeddings (zeros for empty users)
    seg_ids = jnp.repeat(jnp.arange(num_users), counts,
                         total_repeat_length=flat_movie_ids.shape[0])
    sums = jax.ops.segment_sum(movie_embs, seg_ids, num_segments=num_users)
    denom = jnp.maximum(counts, 1).astype(sums.dtype)[:, None]
    means = sums / denom
    means = jnp.where((counts > 0)[:, None], means, jnp.zeros_like(means))
    return means

if __name__ == "__main__":
    import jax
    _d = setup_inputs()
    print(jax.jit(kernel)(*tuple(_d.values())))

</pallas_src>

<mosaic_0001>
#map = affine_map<(d0, d1) -> (0)>
#map1 = affine_map<(d0, d1) -> (0, 0)>
module attributes {stable_mosaic.version = 14 : i64} {
  func.func @_seg_body(%arg0: i32, %arg1: i32, %arg2: memref<204800xi32, #tpu.memory_space<hbm>>, %arg3: memref<4097xi32, #tpu.memory_space<hbm>>, %arg4: memref<100000x128xf32, #tpu.memory_space<hbm>>, %arg5: memref<100000x128xf32, #tpu.memory_space<hbm>>, %arg6: memref<4096x256xf32, #tpu.memory_space<hbm>>, %arg7: memref<4096x256xf32, #tpu.memory_space<hbm>>, %arg8: memref<4224xi32, #tpu.memory_space<vmem>>, %arg9: memref<128xi32, #tpu.memory_space<vmem>>, %arg10: memref<128xi32, #tpu.memory_space<vmem>>, %arg11: memref<128x128xf32, #tpu.memory_space<vmem>>, %arg12: memref<128x128xf32, #tpu.memory_space<vmem>>, %arg13: memref<256x256xf32, #tpu.memory_space<vmem>>, %arg14: memref<!tpu.dma_semaphore, #tpu.memory_space<semaphore_mem>>, %arg15: memref<!tpu.dma_semaphore, #tpu.memory_space<semaphore_mem>>, %arg16: memref<!tpu.dma_semaphore, #tpu.memory_space<semaphore_mem>>, %arg17: memref<!tpu.dma_semaphore, #tpu.memory_space<semaphore_mem>>) attributes {dimension_semantics = [#tpu.dimension_semantics<core_parallel>, #tpu.dimension_semantics<subcore_parallel>], iteration_bounds = array<i64: 2, 16>, scalar_prefetch = 0 : i64, scratch_operands = 10 : i64, tpu.core_type = #tpu.core_type<sc_vector_subcore>, window_params = [{transform_indices = #map}, {transform_indices = #map}, {transform_indices = #map1}, {transform_indices = #map1}, {transform_indices = #map1}, {transform_indices = #map1}]} {
    %mul3A = arith.constant 256 : i32
    %mul3A_0 = arith.muli %arg1, %mul3A : i32
    "tpu.region"() ({
      %run_scoped3A = tpu.sem_alloc : memref<!tpu.dma_semaphore, #tpu.memory_space<semaphore_mem>>
      %dma_start3A = arith.constant 0 : i32
      %dma_start3A_13 = tpu.memref_slice %arg8[%dma_start3A] : memref<4224xi32, #tpu.memory_space<vmem>> -> memref<4097xi32, #tpu.memory_space<vmem>>
      %dma_start3A_14 = arith.constant 0 : i32
      %dma_start3A_15 = tpu.memref_slice %arg8[%dma_start3A_14] : memref<4224xi32, #tpu.memory_space<vmem>> -> memref<4097xi32, #tpu.memory_space<vmem>>
      tpu.enqueue_dma source(%arg3 : memref<4097xi32, #tpu.memory_space<hbm>>) target(%dma_start3A_15 : memref<4097xi32, #tpu.memory_space<vmem>>) target_semaphore(%run_scoped3A : memref<!tpu.dma_semaphore, #tpu.memory_space<semaphore_mem>>)
      %dma_wait3A = arith.constant 0 : i32
      %dma_wait3A_16 = tpu.memref_slice %arg8[%dma_wait3A] : memref<4224xi32, #tpu.memory_space<vmem>> -> memref<4097xi32, #tpu.memory_space<vmem>>
      %dma_wait3A_17 = arith.constant 0 : i32
      %dma_wait3A_18 = tpu.memref_slice %arg8[%dma_wait3A_17] : memref<4224xi32, #tpu.memory_space<vmem>> -> memref<4097xi32, #tpu.memory_space<vmem>>
      tpu.wait_dma2 semaphore(%run_scoped3A : memref<!tpu.dma_semaphore, #tpu.memory_space<semaphore_mem>>) src(%arg3 : memref<4097xi32, #tpu.memory_space<hbm>>) dst(%dma_wait3A_18 : memref<4097xi32, #tpu.memory_space<vmem>>)
      tpu.yield
    }) : () -> ()
    %scan3A = arith.constant 0 : i32
    %scan3A_1 = arith.constant 0 : i32
    %scan3A_2 = arith.constant 256 : i32
    %scan3A_3 = arith.addi %scan3A_1, %scan3A_2 : i32
    %scan3A_4 = arith.constant 1 : i32
    scf.for %scan3A_13 = %scan3A_1 to %scan3A_3 step %scan3A_4  : i32 {
      %broadcast_in_dim3A = arith.constant 0.000000e+00 : f32
      %broadcast_in_dim3A_14 = vector.broadcast %broadcast_in_dim3A : f32 to vector<16xf32>
      %swap3A = arith.index_cast %scan3A_13 : i32 to index
      %swap3A_15 = arith.constant 0 : index
      %swap3A_16 = tpu.vector_load %arg13[%swap3A, %swap3A_15] {strides = array<i32>} : memref<256x256xf32, #tpu.memory_space<vmem>>, vector<16xf32>,
      tpu.vector_store %arg13[%swap3A, %swap3A_15], %broadcast_in_dim3A_14 {strides = array<i32>} : memref<256x256xf32, #tpu.memory_space<vmem>>, vector<16xf32>,
      %broadcast_in_dim3A_17 = arith.constant 0.000000e+00 : f32
      %broadcast_in_dim3A_18 = vector.broadcast %broadcast_in_dim3A_17 : f32 to vector<16xf32>
      %swap3A_19 = arith.index_cast %scan3A_13 : i32 to index
      %swap3A_20 = arith.constant 16 : index
      %swap3A_21 = tpu.vector_load %arg13[%swap3A_19, %swap3A_20] {strides = array<i32>} : memref<256x256xf32, #tpu.memory_space<vmem>>, vector<16xf32>,
      tpu.vector_store %arg13[%swap3A_19, %swap3A_20], %broadcast_in_dim3A_18 {strides = array<i32>} : memref<256x256xf32, #tpu.memory_space<vmem>>, vector<16xf32>,
      %broadcast_in_dim3A_22 = arith.constant 0.000000e+00 : f32
      %broadcast_in_dim3A_23 = vector.broadcast %broadcast_in_dim3A_22 : f32 to vector<16xf32>
      %swap3A_24 = arith.index_cast %scan3A_13 : i32 to index
      %swap3A_25 = arith.constant 32 : index
      %swap3A_26 = tpu.vector_load %arg13[%swap3A_24, %swap3A_25] {strides = array<i32>} : memref<256x256xf32, #tpu.memory_space<vmem>>, vector<16xf32>,
      tpu.vector_store %arg13[%swap3A_24, %swap3A_25], %broadcast_in_dim3A_23 {strides = array<i32>} : memref<256x256xf32, #tpu.memory_space<vmem>>, vector<16xf32>,
      %broadcast_in_dim3A_27 = arith.constant 0.000000e+00 : f32
      %broadcast_in_dim3A_28 = vector.broadcast %broadcast_in_dim3A_27 : f32 to vector<16xf32>
      %swap3A_29 = arith.index_cast %scan3A_13 : i32 to index
      %swap3A_30 = arith.constant 48 : index
      %swap3A_31 = tpu.vector_load %arg13[%swap3A_29, %swap3A_30] {strides = array<i32>} : memref<256x256xf32, #tpu.memory_space<vmem>>, vector<16xf32>,
      tpu.vector_store %arg13[%swap3A_29, %swap3A_30], %broadcast_in_dim3A_28 {strides = array<i32>} : memref<256x256xf32, #tpu.memory_space<vmem>>, vector<16xf32>,
      %broadcast_in_dim3A_32 = arith.constant 0.000000e+00 : f32
      %broadcast_in_dim3A_33 = vector.broadcast %broadcast_in_dim3A_32 : f32 to vector<16xf32>
      %swap3A_34 = arith.index_cast %scan3A_13 : i32 to index
      %swap3A_35 = arith.constant 64 : index
      %swap3A_36 = tpu.vector_load %arg13[%swap3A_34, %swap3A_35] {strides = array<i32>} : memref<256x256xf32, #tpu.memory_space<vmem>>, vector<16xf32>,
      tpu.vector_store %arg13[%swap3A_34, %swap3A_35], %broadcast_in_dim3A_33 {strides = array<i32>} : memref<256x256xf32, #tpu.memory_space<vmem>>, vector<16xf32>,
      %broadcast_in_dim3A_37 = arith.constant 0.000000e+00 : f32
      %broadcast_in_dim3A_38 = vector.broadcast %broadcast_in_dim3A_37 : f32 to vector<16xf32>
      %swap3A_39 = arith.index_cast %scan3A_13 : i32 to index
      %swap3A_40 = arith.constant 80 : index
      %swap3A_41 = tpu.vector_load %arg13[%swap3A_39, %swap3A_40] {strides = array<i32>} : memref<256x256xf32, #tpu.memory_space<vmem>>, vector<16xf32>,
      tpu.vector_store %arg13[%swap3A_39, %swap3A_40], %broadcast_in_dim3A_38 {strides = array<i32>} : memref<256x256xf32, #tpu.memory_space<vmem>>, vector<16xf32>,
      %broadcast_in_dim3A_42 = arith.constant 0.000000e+00 : f32
      %broadcast_in_dim3A_43 = vector.broadcast %broadcast_in_dim3A_42 : f32 to vector<16xf32>
      %swap3A_44 = arith.index_cast %scan3A_13 : i32 to index
      %swap3A_45 = arith.constant 96 : index
      %swap3A_46 = tpu.vector_load %arg13[%swap3A_44, %swap3A_45] {strides = array<i32>} : memref<256x256xf32, #tpu.memory_space<vmem>>, vector<16xf32>,
      tpu.vector_store %arg13[%swap3A_44, %swap3A_45], %broadcast_in_dim3A_43 {strides = array<i32>} : memref<256x256xf32, #tpu.memory_space<vmem>>, vector<16xf32>,
      %broadcast_in_dim3A_47 = arith.constant 0.000000e+00 : f32
      %broadcast_in_dim3A_48 = vector.broadcast %broadcast_in_dim3A_47 : f32 to vector<16xf32>
      %swap3A_49 = arith.index_cast %scan3A_13 : i32 to index
      %swap3A_50 = arith.constant 112 : index
      %swap3A_51 = tpu.vector_load %arg13[%swap3A_49, %swap3A_50] {strides = array<i32>} : memref<256x256xf32, #tpu.memory_space<vmem>>, vector<16xf32>,
      tpu.vector_store %arg13[%swap3A_49, %swap3A_50], %broadcast_in_dim3A_48 {strides = array<i32>} : memref<256x256xf32, #tpu.memory_space<vmem>>, vector<16xf32>,
      %broadcast_in_dim3A_52 = arith.constant 0.000000e+00 : f32
      %broadcast_in_dim3A_53 = vector.broadcast %broadcast_in_dim3A_52 : f32 to vector<16xf32>
      %swap3A_54 = arith.index_cast %scan3A_13 : i32 to index
      %swap3A_55 = arith.constant 128 : index
      %swap3A_56 = tpu.vector_load %arg13[%swap3A_54, %swap3A_55] {strides = array<i32>} : memref<256x256xf32, #tpu.memory_space<vmem>>, vector<16xf32>,
      tpu.vector_store %arg13[%swap3A_54, %swap3A_55], %broadcast_in_dim3A_53 {strides = array<i32>} : memref<256x256xf32, #tpu.memory_space<vmem>>, vector<16xf32>,
      %broadcast_in_dim3A_57 = arith.constant 0.000000e+00 : f32
      %broadcast_in_dim3A_58 = vector.broadcast %broadcast_in_dim3A_57 : f32 to vector<16xf32>
      %swap3A_59 = arith.index_cast %scan3A_13 : i32 to index
      %swap3A_60 = arith.constant 144 : index
      %swap3A_61 = tpu.vector_load %arg13[%swap3A_59, %swap3A_60] {strides = array<i32>} : memref<256x256xf32, #tpu.memory_space<vmem>>, vector<16xf32>,
      tpu.vector_store %arg13[%swap3A_59, %swap3A_60], %broadcast_in_dim3A_58 {strides = array<i32>} : memref<256x256xf32, #tpu.memory_space<vmem>>, vector<16xf32>,
      %broadcast_in_dim3A_62 = arith.constant 0.000000e+00 : f32
      %broadcast_in_dim3A_63 = vector.broadcast %broadcast_in_dim3A_62 : f32 to vector<16xf32>
      %swap3A_64 = arith.index_cast %scan3A_13 : i32 to index
      %swap3A_65 = arith.constant 160 : index
      %swap3A_66 = tpu.vector_load %arg13[%swap3A_64, %swap3A_65] {strides = array<i32>} : memref<256x256xf32, #tpu.memory_space<vmem>>, vector<16xf32>,
      tpu.vector_store %arg13[%swap3A_64, %swap3A_65], %broadcast_in_dim3A_63 {strides = array<i32>} : memref<256x256xf32, #tpu.memory_space<vmem>>, vector<16xf32>,
      %broadcast_in_dim3A_67 = arith.constant 0.000000e+00 : f32
      %broadcast_in_dim3A_68 = vector.broadcast %broadcast_in_dim3A_67 : f32 to vector<16xf32>
      %swap3A_69 = arith.index_cast %scan3A_13 : i32 to index
      %swap3A_70 = arith.constant 176 : index
      %swap3A_71 = tpu.vector_load %arg13[%swap3A_69, %swap3A_70] {strides = array<i32>} : memref<256x256xf32, #tpu.memory_space<vmem>>, vector<16xf32>,
      tpu.vector_store %arg13[%swap3A_69, %swap3A_70], %broadcast_in_dim3A_68 {strides = array<i32>} : memref<256x256xf32, #tpu.memory_space<vmem>>, vector<16xf32>,
      %broadcast_in_dim3A_72 = arith.constant 0.000000e+00 : f32
      %broadcast_in_dim3A_73 = vector.broadcast %broadcast_in_dim3A_72 : f32 to vector<16xf32>
      %swap3A_74 = arith.index_cast %scan3A_13 : i32 to index
      %swap3A_75 = arith.constant 192 : index
      %swap3A_76 = tpu.vector_load %arg13[%swap3A_74, %swap3A_75] {strides = array<i32>} : memref<256x256xf32, #tpu.memory_space<vmem>>, vector<16xf32>,
      tpu.vector_store %arg13[%swap3A_74, %swap3A_75], %broadcast_in_dim3A_73 {strides = array<i32>} : memref<256x256xf32, #tpu.memory_space<vmem>>, vector<16xf32>,
      %broadcast_in_dim3A_77 = arith.constant 0.000000e+00 : f32
      %broadcast_in_dim3A_78 = vector.broadcast %broadcast_in_dim3A_77 : f32 to vector<16xf32>
      %swap3A_79 = arith.index_cast %scan3A_13 : i32 to index
      %swap3A_80 = arith.constant 208 : index
      %swap3A_81 = tpu.vector_load %arg13[%swap3A_79, %swap3A_80] {strides = array<i32>} : memref<256x256xf32, #tpu.memory_space<vmem>>, vector<16xf32>,
      tpu.vector_store %arg13[%swap3A_79, %swap3A_80], %broadcast_in_dim3A_78 {strides = array<i32>} : memref<256x256xf32, #tpu.memory_space<vmem>>, vector<16xf32>,
      %broadcast_in_dim3A_82 = arith.constant 0.000000e+00 : f32
      %broadcast_in_dim3A_83 = vector.broadcast %broadcast_in_dim3A_82 : f32 to vector<16xf32>
      %swap3A_84 = arith.index_cast %scan3A_13 : i32 to index
      %swap3A_85 = arith.constant 224 : index
      %swap3A_86 = tpu.vector_load %arg13[%swap3A_84, %swap3A_85] {strides = array<i32>} : memref<256x256xf32, #tpu.memory_space<vmem>>, vector<16xf32>,
      tpu.vector_store %arg13[%swap3A_84, %swap3A_85], %broadcast_in_dim3A_83 {strides = array<i32>} : memref<256x256xf32, #tpu.memory_space<vmem>>, vector<16xf32>,
      %broadcast_in_dim3A_87 = arith.constant 0.000000e+00 : f32
      %broadcast_in_dim3A_88 = vector.broadcast %broadcast_in_dim3A_87 : f32 to vector<16xf32>
      %swap3A_89 = arith.index_cast %scan3A_13 : i32 to index
      %swap3A_90 = arith.constant 240 : index
      %swap3A_91 = tpu.vector_load %arg13[%swap3A_89, %swap3A_90] {strides = array<i32>} : memref<256x256xf32, #tpu.memory_space<vmem>>, vector<16xf32>,
      tpu.vector_store %arg13[%swap3A_89, %swap3A_90], %broadcast_in_dim3A_88 {strides = array<i32>} : memref<256x256xf32, #tpu.memory_space<vmem>>, vector<16xf32>,
    }
    %scan3A_5 = arith.constant 256 : i32
    %eq3A = arith.constant 0 : i32
    %eq3A_6 = arith.cmpi eq, %arg0, %eq3A : i32
    %convert_element_type3A = arith.extui %eq3A_6 : i1 to i32
    %cond3A = arith.constant 0 : i32
    %cond3A_7 = arith.cmpi ne, %convert_element_type3A, %cond3A : i32
    scf.if %cond3A_7 {
      %mul3A_13 = arith.constant 256 : i32
      %mul3A_14 = arith.muli %arg1, %mul3A_13 : i32
      %get3A = arith.index_cast %mul3A_14 : i32 to index
      %get3A_15 = tpu.vector_load %arg8[%get3A] {strides = array<i32>} : memref<4224xi32, #tpu.memory_space<vmem>>, vector<16xi32>,
      %slice3A = vector.extract_strided_slice %get3A_15 {offsets = [0], sizes = [1], strides = [1]} : vector<16xi32> to vector<1xi32>
      %squeeze3A = vector.extract %slice3A[0] : i32 from vector<1xi32>
      %add3A = arith.constant 256 : i32
      %add3A_16 = arith.addi %mul3A_14, %add3A : i32
      %get3A_17 = arith.index_cast %add3A_16 : i32 to index
      %get3A_18 = tpu.vector_load %arg8[%get3A_17] {strides = array<i32>} : memref<4224xi32, #tpu.memory_space<vmem>>, vector<16xi32>,
      %slice3A_19 = vector.extract_strided_slice %get3A_18 {offsets = [0], sizes = [1], strides = [1]} : vector<16xi32> to vector<1xi32>
      %squeeze3A_20 = vector.extract %slice3A_19[0] : i32 from vector<1xi32>
      %jit3A = arith.constant 8 : i32
      %div3A = arith.divsi %squeeze3A, %jit3A : i32
      %sign3A = arith.constant 0 : i32
      %sign3A_21 = arith.cmpi sgt, %squeeze3A, %sign3A : i32
      %sign3A_22 = arith.extui %sign3A_21 : i1 to i32
      %sign3A_23 = arith.constant 0 : i32
      %sign3A_24 = arith.cmpi slt, %squeeze3A, %sign3A_23 : i32
      %sign3A_25 = arith.extui %sign3A_24 : i1 to i32
      %sign3A_26 = arith.subi %sign3A_22, %sign3A_25 : i32
      %sign3A_27 = arith.constant 0 : i32
      %sign3A_28 = arith.cmpi sgt, %jit3A, %sign3A_27 : i32
      %sign3A_29 = arith.extui %sign3A_28 : i1 to i32
      %sign3A_30 = arith.constant 0 : i32
      %sign3A_31 = arith.cmpi slt, %jit3A, %sign3A_30 : i32
      %sign3A_32 = arith.extui %sign3A_31 : i1 to i32
      %sign3A_33 = arith.subi %sign3A_29, %sign3A_32 : i32
      %ne3A = arith.cmpi ne, %sign3A_26, %sign3A_33 : i32
      %rem3A = arith.remsi %squeeze3A, %jit3A : i32
      %ne3A_34 = arith.constant 0 : i32
      %ne3A_35 = arith.cmpi ne, %rem3A, %ne3A_34 : i32
      %and3A = arith.andi %ne3A, %ne3A_35 : i1
      %sub3A = arith.constant 1 : i32
      %sub3A_36 = arith.subi %div3A, %sub3A : i32
      %select_n3A = arith.select %and3A, %sub3A_36, %div3A : i32
      %mul3A_37 = arith.constant 8 : i32
      %mul3A_38 = arith.muli %select_n3A, %mul3A_37 : i32
      %sub3A_39 = arith.subi %squeeze3A_20, %mul3A_38 : i32
      %add3A_40 = arith.constant 128 : i32
      %add3A_41 = arith.addi %sub3A_39, %add3A_40 : i32
      %sub3A_42 = arith.constant 1 : i32
      %sub3A_43 = arith.subi %add3A_41, %sub3A_42 : i32
      %jit3A_44 = arith.constant 128 : i32
      %div3A_45 = arith.divsi %sub3A_43, %jit3A_44 : i32
      %sign3A_46 = arith.constant 0 : i32
      %sign3A_47 = arith.cmpi sgt, %sub3A_43, %sign3A_46 : i32
      %sign3A_48 = arith.extui %sign3A_47 : i1 to i32
      %sign3A_49 = arith.constant 0 : i32
      %sign3A_50 = arith.cmpi slt, %sub3A_43, %sign3A_49 : i32
      %sign3A_51 = arith.extui %sign3A_50 : i1 to i32
      %sign3A_52 = arith.subi %sign3A_48, %sign3A_51 : i32
      %sign3A_53 = arith.constant 0 : i32
      %sign3A_54 = arith.cmpi sgt, %jit3A_44, %sign3A_53 : i32
      %sign3A_55 = arith.extui %sign3A_54 : i1 to i32
      %sign3A_56 = arith.constant 0 : i32
      %sign3A_57 = arith.cmpi slt, %jit3A_44, %sign3A_56 : i32
      %sign3A_58 = arith.extui %sign3A_57 : i1 to i32
      %sign3A_59 = arith.subi %sign3A_55, %sign3A_58 : i32
      %ne3A_60 = arith.cmpi ne, %sign3A_52, %sign3A_59 : i32
      %rem3A_61 = arith.remsi %sub3A_43, %jit3A_44 : i32
      %ne3A_62 = arith.constant 0 : i32
      %ne3A_63 = arith.cmpi ne, %rem3A_61, %ne3A_62 : i32
      %and3A_64 = arith.andi %ne3A_60, %ne3A_63 : i1
      %sub3A_65 = arith.constant 1 : i32
      %sub3A_66 = arith.subi %div3A_45, %sub3A_65 : i32
      %select_n3A_67 = arith.select %and3A_64, %sub3A_66, %div3A_45 : i32
      %add3A_68 = arith.constant 1 : i32
      %add3A_69 = arith.addi %select_n3A_67, %add3A_68 : i32
      %jit3A_70 = arith.constant 2 : i32
      %div3A_71 = arith.divsi %add3A_69, %jit3A_70 : i32
      %sign3A_72 = arith.constant 0 : i32
      %sign3A_73 = arith.cmpi sgt, %add3A_69, %sign3A_72 : i32
      %sign3A_74 = arith.extui %sign3A_73 : i1 to i32
      %sign3A_75 = arith.constant 0 : i32
      %sign3A_76 = arith.cmpi slt, %add3A_69, %sign3A_75 : i32
      %sign3A_77 = arith.extui %sign3A_76 : i1 to i32
      %sign3A_78 = arith.subi %sign3A_74, %sign3A_77 : i32
      %sign3A_79 = arith.constant 0 : i32
      %sign3A_80 = arith.cmpi sgt, %jit3A_70, %sign3A_79 : i32
      %sign3A_81 = arith.extui %sign3A_80 : i1 to i32
      %sign3A_82 = arith.constant 0 : i32
      %sign3A_83 = arith.cmpi slt, %jit3A_70, %sign3A_82 : i32
      %sign3A_84 = arith.extui %sign3A_83 : i1 to i32
      %sign3A_85 = arith.subi %sign3A_81, %sign3A_84 : i32
      %ne3A_86 = arith.cmpi ne, %sign3A_78, %sign3A_85 : i32
      %rem3A_87 = arith.remsi %add3A_69, %jit3A_70 : i32
      %ne3A_88 = arith.constant 0 : i32
      %ne3A_89 = arith.cmpi ne, %rem3A_87, %ne3A_88 : i32
      %and3A_90 = arith.andi %ne3A_86, %ne3A_89 : i1
      %sub3A_91 = arith.constant 1 : i32
      %sub3A_92 = arith.subi %div3A_71, %sub3A_91 : i32
      %select_n3A_93 = arith.select %and3A_90, %sub3A_92, %div3A_71 : i32
      %add3A_94 = arith.constant 0 : i32
      %add3A_95 = arith.addi %mul3A_38, %add3A_94 : i32
      %min3A = arith.constant 204672 : i32
      %min3A_96 = arith.minsi %add3A_95, %min3A : i32
      "tpu.region"() ({
        %run_scoped3A = tpu.sem_alloc : memref<!tpu.dma_semaphore, #tpu.memory_space<semaphore_mem>>
        %dma_start3A_128 = tpu.memref_slice %arg2[%min3A_96] : memref<204800xi32, #tpu.memory_space<hbm>> -> memref<128xi32, #tpu.memory_space<hbm>>
        %dma_start3A_129 = tpu.memref_slice %arg2[%min3A_96] : memref<204800xi32, #tpu.memory_space<hbm>> -> memref<128xi32, #tpu.memory_space<hbm>>
        tpu.enqueue_dma source(%dma_start3A_129 : memref<128xi32, #tpu.memory_space<hbm>>) target(%arg9 : memref<128xi32, #tpu.memory_space<vmem>>) target_semaphore(%run_scoped3A : memref<!tpu.dma_semaphore, #tpu.memory_space<semaphore_mem>>)
        %dma_wait3A_130 = tpu.memref_slice %arg2[%min3A_96] : memref<204800xi32, #tpu.memory_space<hbm>> -> memref<128xi32, #tpu.memory_space<hbm>>
        %dma_wait3A_131 = tpu.memref_slice %arg2[%min3A_96] : memref<204800xi32, #tpu.memory_space<hbm>> -> memref<128xi32, #tpu.memory_space<hbm>>
        tpu.wait_dma2 semaphore(%run_scoped3A : memref<!tpu.dma_semaphore, #tpu.memory_space<semaphore_mem>>) src(%dma_wait3A_131 : memref<128xi32, #tpu.memory_space<hbm>>) dst(%arg9 : memref<128xi32, #tpu.memory_space<vmem>>)
        tpu.yield
      }) : () -> ()
      %dma_start3A = arith.constant 0 : i32
      %dma_start3A_97 = arith.constant 0 : i32
      %dma_start3A_98 = tpu.memref_slice %arg4[%dma_start3A, %dma_start3A_97] : memref<100000x128xf32, #tpu.memory_space<hbm>> -> memref<100000x128xf32, #tpu.memory_space<hbm>>
      tpu.enqueue_indirect_dma source(%dma_start3A_98 : memref<100000x128xf32, #tpu.memory_space<hbm>>) target(%arg11 : memref<128x128xf32, #tpu.memory_space<vmem>>) offsets(%arg9 : memref<128xi32, #tpu.memory_space<vmem>>) semaphore(%arg14 : memref<!tpu.dma_semaphore, #tpu.memory_space<semaphore_mem>>)
      %add3A_99 = arith.constant 128 : i32
      %add3A_100 = arith.addi %mul3A_38, %add3A_99 : i32
      %min3A_101 = arith.constant 204672 : i32
      %min3A_102 = arith.minsi %add3A_100, %min3A_101 : i32
      %dma_start3A_103 = tpu.memref_slice %arg2[%min3A_102] : memref<204800xi32, #tpu.memory_space<hbm>> -> memref<128xi32, #tpu.memory_space<hbm>>
      %dma_start3A_104 = tpu.memref_slice %arg2[%min3A_102] : memref<204800xi32, #tpu.memory_space<hbm>> -> memref<128xi32, #tpu.memory_space<hbm>>
      tpu.enqueue_dma source(%dma_start3A_104 : memref<128xi32, #tpu.memory_space<hbm>>) target(%arg10 : memref<128xi32, #tpu.memory_space<vmem>>) target_semaphore(%arg17 : memref<!tpu.dma_semaphore, #tpu.memory_space<semaphore_mem>>)
      %while3A = arith.constant 0 : i32
      %while3A_105 = arith.subi %select_n3A_93, %while3A : i32
      %while3A_106 = arith.addi %while3A, %while3A_105 : i32
      %while3A_107 = arith.constant 1 : i32
      %while3A_108 = arith.divsi %while3A_105, %while3A_107 : i32
      %while3A_109 = arith.muli %while3A_108, %while3A_107 : i32
      %while3A_110 = arith.addi %while3A, %while3A_109 : i32
      %while3A_111 = arith.constant 1 : i32
      %while3A_112:2 = scf.for %while3A_128 = %while3A to %while3A_110 step %while3A_111 iter_args(%while3A_129 = %mul3A_14, %while3A_130 = %squeeze3A) -> (i32, i32)  : i32 {
        %mul3A_131 = arith.constant 2 : i32
        %mul3A_132 = arith.muli %mul3A_131, %while3A_128 : i32
        %add3A_133 = arith.constant 1 : i32
        %add3A_134 = arith.addi %mul3A_132, %add3A_133 : i32
        %mul3A_135 = arith.constant 128 : i32
        %mul3A_136 = arith.muli %add3A_134, %mul3A_135 : i32
        %add3A_137 = arith.addi %mul3A_38, %mul3A_136 : i32
        %min3A_138 = arith.constant 204672 : i32
        %min3A_139 = arith.minsi %add3A_137, %min3A_138 : i32
        %dma_wait3A_140 = tpu.memref_slice %arg2[%min3A_139] : memref<204800xi32, #tpu.memory_space<hbm>> -> memref<128xi32, #tpu.memory_space<hbm>>
        %dma_wait3A_141 = tpu.memref_slice %arg2[%min3A_139] : memref<204800xi32, #tpu.memory_space<hbm>> -> memref<128xi32, #tpu.memory_space<hbm>>
        tpu.wait_dma2 semaphore(%arg17 : memref<!tpu.dma_semaphore, #tpu.memory_space<semaphore_mem>>) src(%dma_wait3A_141 : memref<128xi32, #tpu.memory_space<hbm>>) dst(%arg10 : memref<128xi32, #tpu.memory_space<vmem>>)
        %dma_start3A_142 = arith.constant 0 : i32
        %dma_start3A_143 = arith.constant 0 : i32
        %dma_start3A_144 = tpu.memref_slice %arg4[%dma_start3A_142, %dma_start3A_143] : memref<100000x128xf32, #tpu.memory_space<hbm>> -> memref<100000x128xf32, #tpu.memory_space<hbm>>
        tpu.enqueue_indirect_dma source(%dma_start3A_144 : memref<100000x128xf32, #tpu.memory_space<hbm>>) target(%arg12 : memref<128x128xf32, #tpu.memory_space<vmem>>) offsets(%arg10 : memref<128xi32, #tpu.memory_space<vmem>>) semaphore(%arg15 : memref<!tpu.dma_semaphore, #tpu.memory_space<semaphore_mem>>)
        %dma_wait3A_145 = arith.constant 0 : i32
        %dma_wait3A_146 = arith.constant 0 : i32
        %dma_wait3A_147 = tpu.memref_slice %arg4[%dma_wait3A_145, %dma_wait3A_146] : memref<100000x128xf32, #tpu.memory_space<hbm>> -> memref<100000x128xf32, #tpu.memory_space<hbm>>
        tpu.wait_indirect_dma semaphore(%arg14 : memref<!tpu.dma_semaphore, #tpu.memory_space<semaphore_mem>>) src(%dma_wait3A_147 : memref<100000x128xf32, #tpu.memory_space<hbm>>) dst(%arg11 : memref<128x128xf32, #tpu.memory_space<vmem>>)
        %add3A_148 = arith.constant 1 : i32
        %add3A_149 = arith.addi %add3A_134, %add3A_148 : i32
        %mul3A_150 = arith.constant 128 : i32
        %mul3A_151 = arith.muli %add3A_149, %mul3A_150 : i32
        %add3A_152 = arith.addi %mul3A_38, %mul3A_151 : i32
        %min3A_153 = arith.constant 204672 : i32
        %min3A_154 = arith.minsi %add3A_152, %min3A_153 : i32
        %dma_start3A_155 = tpu.memref_slice %arg2[%min3A_154] : memref<204800xi32, #tpu.memory_space<hbm>> -> memref<128xi32, #tpu.memory_space<hbm>>
        %dma_start3A_156 = tpu.memref_slice %arg2[%min3A_154] : memref<204800xi32, #tpu.memory_space<hbm>> -> memref<128xi32, #tpu.memory_space<hbm>>
        tpu.enqueue_dma source(%dma_start3A_156 : memref<128xi32, #tpu.memory_space<hbm>>) target(%arg9 : memref<128xi32, #tpu.memory_space<vmem>>) target_semaphore(%arg16 : memref<!tpu.dma_semaphore, #tpu.memory_space<semaphore_mem>>)
        %sub3A_157 = arith.constant 1 : i32
        %sub3A_158 = arith.subi %add3A_134, %sub3A_157 : i32
        %mul3A_159 = arith.constant 128 : i32
        %mul3A_160 = arith.muli %sub3A_158, %mul3A_159 : i32
        %add3A_161 = arith.addi %mul3A_38, %mul3A_160 : i32
        %min3A_162 = arith.constant 204672 : i32
        %min3A_163 = arith.minsi %add3A_161, %min3A_162 : i32
        %add3A_164 = arith.constant 128 : i32
        %add3A_165 = arith.addi %min3A_163, %add3A_164 : i32
        %min3A_166 = arith.minsi %squeeze3A_20, %add3A_165 : i32
        %while3A_167:2 = scf.while (%while3A_201 = %while3A_129, %while3A_202 = %while3A_130) : (i32, i32) -> (i32, i32) {
          %lt3A = arith.cmpi slt, %while3A_202, %min3A_166 : i32
          scf.condition(%lt3A) %while3A_201, %while3A_202 : i32, i32
        } do {
        ^bb0(%while3A_201: i32, %while3A_202: i32):
          %add3A_203 = arith.constant 1 : i32
          %add3A_204 = arith.addi %while3A_201, %add3A_203 : i32
          %get3A_205 = arith.index_cast %add3A_204 : i32 to index
          %get3A_206 = tpu.vector_load %arg8[%get3A_205] {strides = array<i32>} : memref<4224xi32, #tpu.memory_space<vmem>>, vector<16xi32>,
          %slice3A_207 = vector.extract_strided_slice %get3A_206 {offsets = [0], sizes = [1], strides = [1]} : vector<16xi32> to vector<1xi32>
          %squeeze3A_208 = vector.extract %slice3A_207[0] : i32 from vector<1xi32>
          %while3A_209:2 = scf.while (%while3A_294 = %while3A_201, %while3A_295 = %squeeze3A_208) : (i32, i32) -> (i32, i32) {
            %le3A = arith.cmpi sle, %while3A_295, %while3A_202 : i32
            scf.condition(%le3A) %while3A_294, %while3A_295 : i32, i32
          } do {
          ^bb0(%while3A_294: i32, %while3A_295: i32):
            %add3A_296 = arith.constant 1 : i32
            %add3A_297 = arith.addi %while3A_294, %add3A_296 : i32
            %add3A_298 = arith.constant 1 : i32
            %add3A_299 = arith.addi %add3A_297, %add3A_298 : i32
            %get3A_300 = arith.index_cast %add3A_299 : i32 to index
            %get3A_301 = tpu.vector_load %arg8[%get3A_300] {strides = array<i32>} : memref<4224xi32, #tpu.memory_space<vmem>>, vector<16xi32>,
            %slice3A_302 = vector.extract_strided_slice %get3A_301 {offsets = [0], sizes = [1], strides = [1]} : vector<16xi32> to vector<1xi32>
            %squeeze3A_303 = vector.extract %slice3A_302[0] : i32 from vector<1xi32>
            scf.yield %add3A_297, %squeeze3A_303 : i32, i32
          }
          %min3A_210 = arith.minsi %while3A_209#1, %min3A_166 : i32
          %sub3A_211 = arith.subi %while3A_202, %min3A_163 : i32
          %sub3A_212 = arith.subi %min3A_210, %while3A_202 : i32
          %broadcast_in_dim3A = arith.constant 0.000000e+00 : f32
          %broadcast_in_dim3A_213 = vector.broadcast %broadcast_in_dim3A : f32 to vector<16xf32>
          %broadcast_in_dim3A_214 = arith.constant 0.000000e+00 : f32
          %broadcast_in_dim3A_215 = vector.broadcast %broadcast_in_dim3A_214 : f32 to vector<16xf32>
          %broadcast_in_dim3A_216 = arith.constant 0.000000e+00 : f32
          %broadcast_in_dim3A_217 = vector.broadcast %broadcast_in_dim3A_216 : f32 to vector<16xf32>
          %broadcast_in_dim3A_218 = arith.constant 0.000000e+00 : f32
          %broadcast_in_dim3A_219 = vector.broadcast %broadcast_in_dim3A_218 : f32 to vector<16xf32>
          %broadcast_in_dim3A_220 = arith.constant 0.000000e+00 : f32
          %broadcast_in_dim3A_221 = vector.broadcast %broadcast_in_dim3A_220 : f32 to vector<16xf32>
          %broadcast_in_dim3A_222 = arith.constant 0.000000e+00 : f32
          %broadcast_in_dim3A_223 = vector.broadcast %broadcast_in_dim3A_222 : f32 to vector<16xf32>
          %broadcast_in_dim3A_224 = arith.constant 0.000000e+00 : f32
          %broadcast_in_dim3A_225 = vector.broadcast %broadcast_in_dim3A_224 : f32 to vector<16xf32>
          %broadcast_in_dim3A_226 = arith.constant 0.000000e+00 : f32
          %broadcast_in_dim3A_227 = vector.broadcast %broadcast_in_dim3A_226 : f32 to vector<16xf32>
          %broadcast_in_dim3A_228 = arith.constant 0.000000e+00 : f32
          %broadcast_in_dim3A_229 = vector.broadcast %broadcast_in_dim3A_228 : f32 to vector<16xf32>
          %broadcast_in_dim3A_230 = arith.constant 0.000000e+00 : f32
          %broadcast_in_dim3A_231 = vector.broadcast %broadcast_in_dim3A_230 : f32 to vector<16xf32>
          %broadcast_in_dim3A_232 = arith.constant 0.000000e+00 : f32
          %broadcast_in_dim3A_233 = vector.broadcast %broadcast_in_dim3A_232 : f32 to vector<16xf32>
          %broadcast_in_dim3A_234 = arith.constant 0.000000e+00 : f32
          %broadcast_in_dim3A_235 = vector.broadcast %broadcast_in_dim3A_234 : f32 to vector<16xf32>
          %broadcast_in_dim3A_236 = arith.constant 0.000000e+00 : f32
          %broadcast_in_dim3A_237 = vector.broadcast %broadcast_in_dim3A_236 : f32 to vector<16xf32>
          %broadcast_in_dim3A_238 = arith.constant 0.000000e+00 : f32
          %broadcast_in_dim3A_239 = vector.broadcast %broadcast_in_dim3A_238 : f32 to vector<16xf32>
          %broadcast_in_dim3A_240 = arith.constant 0.000000e+00 : f32
          %broadcast_in_dim3A_241 = vector.broadcast %broadcast_in_dim3A_240 : f32 to vector<16xf32>
          %broadcast_in_dim3A_242 = arith.constant 0.000000e+00 : f32
          %broadcast_in_dim3A_243 = vector.broadcast %broadcast_in_dim3A_242 : f32 to vector<16xf32>
          %parallel_loop3A = arith.constant 0 : i32
          %parallel_loop3A_244 = arith.constant 1 : i32
          %parallel_loop3A_245:16 = scf.for %parallel_loop3A_294 = %parallel_loop3A to %sub3A_212 step %parallel_loop3A_244 iter_args(%parallel_loop3A_295 = %broadcast_in_dim3A_213, %parallel_loop3A_296 = %broadcast_in_dim3A_215, %parallel_loop3A_297 = %broadcast_in_dim3A_217, %parallel_loop3A_298 = %broadcast_in_dim3A_219, %parallel_loop3A_299 = %broadcast_in_dim3A_221, %parallel_loop3A_300 = %broadcast_in_dim3A_223, %parallel_loop3A_301 = %broadcast_in_dim3A_225, %parallel_loop3A_302 = %broadcast_in_dim3A_227, %parallel_loop3A_303 = %broadcast_in_dim3A_229, %parallel_loop3A_304 = %broadcast_in_dim3A_231, %parallel_loop3A_305 = %broadcast_in_dim3A_233, %parallel_loop3A_306 = %broadcast_in_dim3A_235, %parallel_loop3A_307 = %broadcast_in_dim3A_237, %parallel_loop3A_308 = %broadcast_in_dim3A_239, %parallel_loop3A_309 = %broadcast_in_dim3A_241, %parallel_loop3A_310 = %broadcast_in_dim3A_243) -> (vector<16xf32>, vector<16xf32>, vector<16xf32>, vector<16xf32>, vector<16xf32>, vector<16xf32>, vector<16xf32>, vector<16xf32>, vector<16xf32>, vector<16xf32>, vector<16xf32>, vector<16xf32>, vector<16xf32>, vector<16xf32>, vector<16xf32>, vector<16xf32>)  : i32 {
            %parallel_loop3A_311 = arith.addi %sub3A_211, %parallel_loop3A_294 : i32
            %parallel_loop3A_312 = arith.index_cast %parallel_loop3A_311 : i32 to index
            %parallel_loop3A_313 = arith.constant 0 : index
            %parallel_loop3A_314 = tpu.vector_load %arg11[%parallel_loop3A_312, %parallel_loop3A_313] {strides = array<i32>} : memref<128x128xf32, #tpu.memory_space<vmem>>, vector<16xf32>,
            %parallel_loop3A_315 = vector.bitcast %parallel_loop3A_314 : vector<16xf32> to vector<16xi32>
            %parallel_loop3A_316 = arith.constant 16 : i32
            %parallel_loop3A_317 = vector.broadcast %parallel_loop3A_316 : i32 to vector<16xi32>
            %parallel_loop3A_318 = arith.shli %parallel_loop3A_315, %parallel_loop3A_317 : vector<16xi32>
            %parallel_loop3A_319 = vector.bitcast %parallel_loop3A_318 : vector<16xi32> to vector<16xf32>
            %parallel_loop3A_320 = vector.bitcast %parallel_loop3A_315 : vector<16xi32> to vector<16xf32>
            %parallel_loop3A_321 = arith.addf %parallel_loop3A_295, %parallel_loop3A_319 : vector<16xf32>
            %parallel_loop3A_322 = arith.addf %parallel_loop3A_303, %parallel_loop3A_320 : vector<16xf32>
            %parallel_loop3A_323 = arith.index_cast %parallel_loop3A_311 : i32 to index
            %parallel_loop3A_324 = arith.constant 16 : index
            %parallel_loop3A_325 = tpu.vector_load %arg11[%parallel_loop3A_323, %parallel_loop3A_324] {strides = array<i32>} : memref<128x128xf32, #tpu.memory_space<vmem>>, vector<16xf32>,
            %parallel_loop3A_326 = vector.bitcast %parallel_loop3A_325 : vector<16xf32> to vector<16xi32>
            %parallel_loop3A_327 = arith.constant 16 : i32
            %parallel_loop3A_328 = vector.broadcast %parallel_loop3A_327 : i32 to vector<16xi32>
            %parallel_loop3A_329 = arith.shli %parallel_loop3A_326, %parallel_loop3A_328 : vector<16xi32>
            %parallel_loop3A_330 = vector.bitcast %parallel_loop3A_329 : vector<16xi32> to vector<16xf32>
            %parallel_loop3A_331 = vector.bitcast %parallel_loop3A_326 : vector<16xi32> to vector<16xf32>
            %parallel_loop3A_332 = arith.addf %parallel_loop3A_296, %parallel_loop3A_330 : vector<16xf32>
            %parallel_loop3A_333 = arith.addf %parallel_loop3A_304, %parallel_loop3A_331 : vector<16xf32>
            %parallel_loop3A_334 = arith.index_cast %parallel_loop3A_311 : i32 to index
            %parallel_loop3A_335 = arith.constant 32 : index
            %parallel_loop3A_336 = tpu.vector_load %arg11[%parallel_loop3A_334, %parallel_loop3A_335] {strides = array<i32>} : memref<128x128xf32, #tpu.memory_space<vmem>>, vector<16xf32>,
            %parallel_loop3A_337 = vector.bitcast %parallel_loop3A_336 : vector<16xf32> to vector<16xi32>
            %parallel_loop3A_338 = arith.constant 16 : i32
            %parallel_loop3A_339 = vector.broadcast %parallel_loop3A_338 : i32 to vector<16xi32>
            %parallel_loop3A_340 = arith.shli %parallel_loop3A_337, %parallel_loop3A_339 : vector<16xi32>
            %parallel_loop3A_341 = vector.bitcast %parallel_loop3A_340 : vector<16xi32> to vector<16xf32>
            %parallel_loop3A_342 = vector.bitcast %parallel_loop3A_337 : vector<16xi32> to vector<16xf32>
            %parallel_loop3A_343 = arith.addf %parallel_loop3A_297, %parallel_loop3A_341 : vector<16xf32>
            %parallel_loop3A_344 = arith.addf %parallel_loop3A_305, %parallel_loop3A_342 : vector<16xf32>
            %parallel_loop3A_345 = arith.index_cast %parallel_loop3A_311 : i32 to index
            %parallel_loop3A_346 = arith.constant 48 : index
            %parallel_loop3A_347 = tpu.vector_load %arg11[%parallel_loop3A_345, %parallel_loop3A_346] {strides = array<i32>} : memref<128x128xf32, #tpu.memory_space<vmem>>, vector<16xf32>,
            %parallel_loop3A_348 = vector.bitcast %parallel_loop3A_347 : vector<16xf32> to vector<16xi32>
            %parallel_loop3A_349 = arith.constant 16 : i32
            %parallel_loop3A_350 = vector.broadcast %parallel_loop3A_349 : i32 to vector<16xi32>
            %parallel_loop3A_351 = arith.shli %parallel_loop3A_348, %parallel_loop3A_350 : vector<16xi32>
            %parallel_loop3A_352 = vector.bitcast %parallel_loop3A_351 : vector<16xi32> to vector<16xf32>
            %parallel_loop3A_353 = vector.bitcast %parallel_loop3A_348 : vector<16xi32> to vector<16xf32>
            %parallel_loop3A_354 = arith.addf %parallel_loop3A_298, %parallel_loop3A_352 : vector<16xf32>
            %parallel_loop3A_355 = arith.addf %parallel_loop3A_306, %parallel_loop3A_353 : vector<16xf32>
            %parallel_loop3A_356 = arith.index_cast %parallel_loop3A_311 : i32 to index
            %parallel_loop3A_357 = arith.constant 64 : index
            %parallel_loop3A_358 = tpu.vector_load %arg11[%parallel_loop3A_356, %parallel_loop3A_357] {strides = array<i32>} : memref<128x128xf32, #tpu.memory_space<vmem>>, vector<16xf32>,
            %parallel_loop3A_359 = vector.bitcast %parallel_loop3A_358 : vector<16xf32> to vector<16xi32>
            %parallel_loop3A_360 = arith.constant 16 : i32
            %parallel_loop3A_361 = vector.broadcast %parallel_loop3A_360 : i32 to vector<16xi32>
            %parallel_loop3A_362 = arith.shli %parallel_loop3A_359, %parallel_loop3A_361 : vector<16xi32>
            %parallel_loop3A_363 = vector.bitcast %parallel_loop3A_362 : vector<16xi32> to vector<16xf32>
            %parallel_loop3A_364 = vector.bitcast %parallel_loop3A_359 : vector<16xi32> to vector<16xf32>
            %parallel_loop3A_365 = arith.addf %parallel_loop3A_299, %parallel_loop3A_363 : vector<16xf32>
            %parallel_loop3A_366 = arith.addf %parallel_loop3A_307, %parallel_loop3A_364 : vector<16xf32>
            %parallel_loop3A_367 = arith.index_cast %parallel_loop3A_311 : i32 to index
            %parallel_loop3A_368 = arith.constant 80 : index
            %parallel_loop3A_369 = tpu.vector_load %arg11[%parallel_loop3A_367, %parallel_loop3A_368] {strides = array<i32>} : memref<128x128xf32, #tpu.memory_space<vmem>>, vector<16xf32>,
            %parallel_loop3A_370 = vector.bitcast %parallel_loop3A_369 : vector<16xf32> to vector<16xi32>
            %parallel_loop3A_371 = arith.constant 16 : i32
            %parallel_loop3A_372 = vector.broadcast %parallel_loop3A_371 : i32 to vector<16xi32>
            %parallel_loop3A_373 = arith.shli %parallel_loop3A_370, %parallel_loop3A_372 : vector<16xi32>
            %parallel_loop3A_374 = vector.bitcast %parallel_loop3A_373 : vector<16xi32> to vector<16xf32>
            %parallel_loop3A_375 = vector.bitcast %parallel_loop3A_370 : vector<16xi32> to vector<16xf32>
            %parallel_loop3A_376 = arith.addf %parallel_loop3A_300, %parallel_loop3A_374 : vector<16xf32>
            %parallel_loop3A_377 = arith.addf %parallel_loop3A_308, %parallel_loop3A_375 : vector<16xf32>
            %parallel_loop3A_378 = arith.index_cast %parallel_loop3A_311 : i32 to index
            %parallel_loop3A_379 = arith.constant 96 : index
            %parallel_loop3A_380 = tpu.vector_load %arg11[%parallel_loop3A_378, %parallel_loop3A_379] {strides = array<i32>} : memref<128x128xf32, #tpu.memory_space<vmem>>, vector<16xf32>,
            %parallel_loop3A_381 = vector.bitcast %parallel_loop3A_380 : vector<16xf32> to vector<16xi32>
            %parallel_loop3A_382 = arith.constant 16 : i32
            %parallel_loop3A_383 = vector.broadcast %parallel_loop3A_382 : i32 to vector<16xi32>
            %parallel_loop3A_384 = arith.shli %parallel_loop3A_381, %parallel_loop3A_383 : vector<16xi32>
            %parallel_loop3A_385 = vector.bitcast %parallel_loop3A_384 : vector<16xi32> to vector<16xf32>
            %parallel_loop3A_386 = vector.bitcast %parallel_loop3A_381 : vector<16xi32> to vector<16xf32>
            %parallel_loop3A_387 = arith.addf %parallel_loop3A_301, %parallel_loop3A_385 : vector<16xf32>
            %parallel_loop3A_388 = arith.addf %parallel_loop3A_309, %parallel_loop3A_386 : vector<16xf32>
            %parallel_loop3A_389 = arith.index_cast %parallel_loop3A_311 : i32 to index
            %parallel_loop3A_390 = arith.constant 112 : index
            %parallel_loop3A_391 = tpu.vector_load %arg11[%parallel_loop3A_389, %parallel_loop3A_390] {strides = array<i32>} : memref<128x128xf32, #tpu.memory_space<vmem>>, vector<16xf32>,
            %parallel_loop3A_392 = vector.bitcast %parallel_loop3A_391 : vector<16xf32> to vector<16xi32>
            %parallel_loop3A_393 = arith.constant 16 : i32
            %parallel_loop3A_394 = vector.broadcast %parallel_loop3A_393 : i32 to vector<16xi32>
            %parallel_loop3A_395 = arith.shli %parallel_loop3A_392, %parallel_loop3A_394 : vector<16xi32>
            %parallel_loop3A_396 = vector.bitcast %parallel_loop3A_395 : vector<16xi32> to vector<16xf32>
            %parallel_loop3A_397 = vector.bitcast %parallel_loop3A_392 : vector<16xi32> to vector<16xf32>
            %parallel_loop3A_398 = arith.addf %parallel_loop3A_302, %parallel_loop3A_396 : vector<16xf32>
            %parallel_loop3A_399 = arith.addf %parallel_loop3A_310, %parallel_loop3A_397 : vector<16xf32>
            scf.yield %parallel_loop3A_321, %parallel_loop3A_332, %parallel_loop3A_343, %parallel_loop3A_354, %parallel_loop3A_365, %parallel_loop3A_376, %parallel_loop3A_387, %parallel_loop3A_398, %parallel_loop3A_322, %parallel_loop3A_333, %parallel_loop3A_344, %parallel_loop3A_355, %parallel_loop3A_366, %parallel_loop3A_377, %parallel_loop3A_388, %parallel_loop3A_399 : vector<16xf32>, vector<16xf32>, vector<16xf32>, vector<16xf32>, vector<16xf32>, vector<16xf32>, vector<16xf32>, vector<16xf32>, vector<16xf32>, vector<16xf32>, vector<16xf32>, vector<16xf32>, vector<16xf32>, vector<16xf32>, vector<16xf32>, vector<16xf32>
          } {sc.loop_unroll_factor = 4 : i64, sc.parallel_access}
          %sub3A_246 = arith.subi %while3A_209#0, %mul3A_14 : i32
          %swap3A = arith.index_cast %sub3A_246 : i32 to index
          %swap3A_247 = arith.constant 0 : index
          %swap3A_248 = tpu.vector_load %arg13[%swap3A, %swap3A_247] {strides = array<i32>} : memref<256x256xf32, #tpu.memory_space<vmem>>, vector<16xf32>,
          tpu.vector_store %arg13[%swap3A, %swap3A_247], %parallel_loop3A_245#0 {add = true, strides = array<i32>} : memref<256x256xf32, #tpu.memory_space<vmem>>, vector<16xf32>,
          %swap3A_249 = arith.index_cast %sub3A_246 : i32 to index
          %swap3A_250 = arith.constant 16 : index
          %swap3A_251 = tpu.vector_load %arg13[%swap3A_249, %swap3A_250] {strides = array<i32>} : memref<256x256xf32, #tpu.memory_space<vmem>>, vector<16xf32>,
          tpu.vector_store %arg13[%swap3A_249, %swap3A_250], %parallel_loop3A_245#1 {add = true, strides = array<i32>} : memref<256x256xf32, #tpu.memory_space<vmem>>, vector<16xf32>,
          %swap3A_252 = arith.index_cast %sub3A_246 : i32 to index
          %swap3A_253 = arith.constant 32 : index
          %swap3A_254 = tpu.vector_load %arg13[%swap3A_252, %swap3A_253] {strides = array<i32>} : memref<256x256xf32, #tpu.memory_space<vmem>>, vector<16xf32>,
          tpu.vector_store %arg13[%swap3A_252, %swap3A_253], %parallel_loop3A_245#2 {add = true, strides = array<i32>} : memref<256x256xf32, #tpu.memory_space<vmem>>, vector<16xf32>,
          %swap3A_255 = arith.index_cast %sub3A_246 : i32 to index
          %swap3A_256 = arith.constant 48 : index
          %swap3A_257 = tpu.vector_load %arg13[%swap3A_255, %swap3A_256] {strides = array<i32>} : memref<256x256xf32, #tpu.memory_space<vmem>>, vector<16xf32>,
          tpu.vector_store %arg13[%swap3A_255, %swap3A_256], %parallel_loop3A_245#3 {add = true, strides = array<i32>} : memref<256x256xf32, #tpu.memory_space<vmem>>, vector<16xf32>,
          %swap3A_258 = arith.index_cast %sub3A_246 : i32 to index
          %swap3A_259 = arith.constant 64 : index
          %swap3A_260 = tpu.vector_load %arg13[%swap3A_258, %swap3A_259] {strides = array<i32>} : memref<256x256xf32, #tpu.memory_space<vmem>>, vector<16xf32>,
          tpu.vector_store %arg13[%swap3A_258, %swap3A_259], %parallel_loop3A_245#4 {add = true, strides = array<i32>} : memref<256x256xf32, #tpu.memory_space<vmem>>, vector<16xf32>,
          %swap3A_261 = arith.index_cast %sub3A_246 : i32 to index
          %swap3A_262 = arith.constant 80 : index
          %swap3A_263 = tpu.vector_load %arg13[%swap3A_261, %swap3A_262] {strides = array<i32>} : memref<256x256xf32, #tpu.memory_space<vmem>>, vector<16xf32>,
          tpu.vector_store %arg13[%swap3A_261, %swap3A_262], %parallel_loop3A_245#5 {add = true, strides = array<i32>} : memref<256x256xf32, #tpu.memory_space<vmem>>, vector<16xf32>,
          %swap3A_264 = arith.index_cast %sub3A_246 : i32 to index
          %swap3A_265 = arith.constant 96 : index
          %swap3A_266 = tpu.vector_load %arg13[%swap3A_264, %swap3A_265] {strides = array<i32>} : memref<256x256xf32, #tpu.memory_space<vmem>>, vector<16xf32>,
          tpu.vector_store %arg13[%swap3A_264, %swap3A_265], %parallel_loop3A_245#6 {add = true, strides = array<i32>} : memref<256x256xf32, #tpu.memory_space<vmem>>, vector<16xf32>,
          %swap3A_267 = arith.index_cast %sub3A_246 : i32 to index
          %swap3A_268 = arith.constant 112 : index
          %swap3A_269 = tpu.vector_load %arg13[%swap3A_267, %swap3A_268] {strides = array<i32>} : memref<256x256xf32, #tpu.memory_space<vmem>>, vector<16xf32>,
          tpu.vector_store %arg13[%swap3A_267, %swap3A_268], %parallel_loop3A_245#7 {add = true, strides = array<i32>} : memref<256x256xf32, #tpu.memory_space<vmem>>, vector<16xf32>,
          %swap3A_270 = arith.index_cast %sub3A_246 : i32 to index
          %swap3A_271 = arith.constant 128 : index
          %swap3A_272 = tpu.vector_load %arg13[%swap3A_270, %swap3A_271] {strides = array<i32>} : memref<256x256xf32, #tpu.memory_space<vmem>>, vector<16xf32>,
          tpu.vector_store %arg13[%swap3A_270, %swap3A_271], %parallel_loop3A_245#8 {add = true, strides = array<i32>} : memref<256x256xf32, #tpu.memory_space<vmem>>, vector<16xf32>,
          %swap3A_273 = arith.index_cast %sub3A_246 : i32 to index
          %swap3A_274 = arith.constant 144 : index
          %swap3A_275 = tpu.vector_load %arg13[%swap3A_273, %swap3A_274] {strides = array<i32>} : memref<256x256xf32, #tpu.memory_space<vmem>>, vector<16xf32>,
          tpu.vector_store %arg13[%swap3A_273, %swap3A_274], %parallel_loop3A_245#9 {add = true, strides = array<i32>} : memref<256x256xf32, #tpu.memory_space<vmem>>, vector<16xf32>,
          %swap3A_276 = arith.index_cast %sub3A_246 : i32 to index
          %swap3A_277 = arith.constant 160 : index
          %swap3A_278 = tpu.vector_load %arg13[%swap3A_276, %swap3A_277] {strides = array<i32>} : memref<256x256xf32, #tpu.memory_space<vmem>>, vector<16xf32>,
          tpu.vector_store %arg13[%swap3A_276, %swap3A_277], %parallel_loop3A_245#10 {add = true, strides = array<i32>} : memref<256x256xf32, #tpu.memory_space<vmem>>, vector<16xf32>,
          %swap3A_279 = arith.index_cast %sub3A_246 : i32 to index
          %swap3A_280 = arith.constant 176 : index
          %swap3A_281 = tpu.vector_load %arg13[%swap3A_279, %swap3A_280] {strides = array<i32>} : memref<256x256xf32, #tpu.memory_space<vmem>>, vector<16xf32>,
          tpu.vector_store %arg13[%swap3A_279, %swap3A_280], %parallel_loop3A_245#11 {add = true, strides = array<i32>} : memref<256x256xf32, #tpu.memory_space<vmem>>, vector<16xf32>,
          %swap3A_282 = arith.index_cast %sub3A_246 : i32 to index
          %swap3A_283 = arith.constant 192 : index
          %swap3A_284 = tpu.vector_load %arg13[%swap3A_282, %swap3A_283] {strides = array<i32>} : memref<256x256xf32, #tpu.memory_space<vmem>>, vector<16xf32>,
          tpu.vector_store %arg13[%swap3A_282, %swap3A_283], %parallel_loop3A_245#12 {add = true, strides = array<i32>} : memref<256x256xf32, #tpu.memory_space<vmem>>, vector<16xf32>,
          %swap3A_285 = arith.index_cast %sub3A_246 : i32 to index
          %swap3A_286 = arith.constant 208 : index
          %swap3A_287 = tpu.vector_load %arg13[%swap3A_285, %swap3A_286] {strides = array<i32>} : memref<256x256xf32, #tpu.memory_space<vmem>>, vector<16xf32>,
          tpu.vector_store %arg13[%swap3A_285, %swap3A_286], %parallel_loop3A_245#13 {add = true, strides = array<i32>} : memref<256x256xf32, #tpu.memory_space<vmem>>, vector<16xf32>,
          %swap3A_288 = arith.index_cast %sub3A_246 : i32 to index
          %swap3A_289 = arith.constant 224 : index
          %swap3A_290 = tpu.vector_load %arg13[%swap3A_288, %swap3A_289] {strides = array<i32>} : memref<256x256xf32, #tpu.memory_space<vmem>>, vector<16xf32>,
          tpu.vector_store %arg13[%swap3A_288, %swap3A_289], %parallel_loop3A_245#14 {add = true, strides = array<i32>} : memref<256x256xf32, #tpu.memory_space<vmem>>, vector<16xf32>,
          %swap3A_291 = arith.index_cast %sub3A_246 : i32 to index
          %swap3A_292 = arith.constant 240 : index
          %swap3A_293 = tpu.vector_load %arg13[%swap3A_291, %swap3A_292] {strides = array<i32>} : memref<256x256xf32, #tpu.memory_space<vmem>>, vector<16xf32>,
          tpu.vector_store %arg13[%swap3A_291, %swap3A_292], %parallel_loop3A_245#15 {add = true, strides = array<i32>} : memref<256x256xf32, #tpu.memory_space<vmem>>, vector<16xf32>,
          scf.yield %while3A_209#0, %min3A_210 : i32, i32
        }
        %add3A_168 = arith.constant 1 : i32
        %add3A_169 = arith.addi %add3A_134, %add3A_168 : i32
        %mul3A_170 = arith.constant 128 : i32
        %mul3A_171 = arith.muli %add3A_169, %mul3A_170 : i32
        %add3A_172 = arith.addi %mul3A_38, %mul3A_171 : i32
        %min3A_173 = arith.constant 204672 : i32
        %min3A_174 = arith.minsi %add3A_172, %min3A_173 : i32
        %dma_wait3A_175 = tpu.memref_slice %arg2[%min3A_174] : memref<204800xi32, #tpu.memory_space<hbm>> -> memref<128xi32, #tpu.memory_space<hbm>>
        %dma_wait3A_176 = tpu.memref_slice %arg2[%min3A_174] : memref<204800xi32, #tpu.memory_space<hbm>> -> memref<128xi32, #tpu.memory_space<hbm>>
        tpu.wait_dma2 semaphore(%arg16 : memref<!tpu.dma_semaphore, #tpu.memory_space<semaphore_mem>>) src(%dma_wait3A_176 : memref<128xi32, #tpu.memory_space<hbm>>) dst(%arg9 : memref<128xi32, #tpu.memory_space<vmem>>)
        %dma_start3A_177 = arith.constant 0 : i32
        %dma_start3A_178 = arith.constant 0 : i32
        %dma_start3A_179 = tpu.memref_slice %arg4[%dma_start3A_177, %dma_start3A_178] : memref<100000x128xf32, #tpu.memory_space<hbm>> -> memref<100000x128xf32, #tpu.memory_space<hbm>>
        tpu.enqueue_indirect_dma source(%dma_start3A_179 : memref<100000x128xf32, #tpu.memory_space<hbm>>) target(%arg11 : memref<128x128xf32, #tpu.memory_space<vmem>>) offsets(%arg9 : memref<128xi32, #tpu.memory_space<vmem>>) semaphore(%arg14 : memref<!tpu.dma_semaphore, #tpu.memory_space<semaphore_mem>>)
        %dma_wait3A_180 = arith.constant 0 : i32
        %dma_wait3A_181 = arith.constant 0 : i32
        %dma_wait3A_182 = tpu.memref_slice %arg4[%dma_wait3A_180, %dma_wait3A_181] : memref<100000x128xf32, #tpu.memory_space<hbm>> -> memref<100000x128xf32, #tpu.memory_space<hbm>>
        tpu.wait_indirect_dma semaphore(%arg15 : memref<!tpu.dma_semaphore, #tpu.memory_space<semaphore_mem>>) src(%dma_wait3A_182 : memref<100000x128xf32, #tpu.memory_space<hbm>>) dst(%arg12 : memref<128x128xf32, #tpu.memory_space<vmem>>)
        %add3A_183 = arith.constant 2 : i32
        %add3A_184 = arith.addi %add3A_134, %add3A_183 : i32
        %mul3A_185 = arith.constant 128 : i32
        %mul3A_186 = arith.muli %add3A_184, %mul3A_185 : i32
        %add3A_187 = arith.addi %mul3A_38, %mul3A_186 : i32
        %min3A_188 = arith.constant 204672 : i32
        %min3A_189 = arith.minsi %add3A_187, %min3A_188 : i32
        %dma_start3A_190 = tpu.memref_slice %arg2[%min3A_189] : memref<204800xi32, #tpu.memory_space<hbm>> -> memref<128xi32, #tpu.memory_space<hbm>>
        %dma_start3A_191 = tpu.memref_slice %arg2[%min3A_189] : memref<204800xi32, #tpu.memory_space<hbm>> -> memref<128xi32, #tpu.memory_space<hbm>>
        tpu.enqueue_dma source(%dma_start3A_191 : memref<128xi32, #tpu.memory_space<hbm>>) target(%arg10 : memref<128xi32, #tpu.memory_space<vmem>>) target_semaphore(%arg17 : memref<!tpu.dma_semaphore, #tpu.memory_space<semaphore_mem>>)
        %mul3A_192 = arith.constant 128 : i32
        %mul3A_193 = arith.muli %add3A_134, %mul3A_192 : i32
        %add3A_194 = arith.addi %mul3A_38, %mul3A_193 : i32
        %min3A_195 = arith.constant 204672 : i32
        %min3A_196 = arith.minsi %add3A_194, %min3A_195 : i32
        %add3A_197 = arith.constant 128 : i32
        %add3A_198 = arith.addi %min3A_196, %add3A_197 : i32
        %min3A_199 = arith.minsi %squeeze3A_20, %add3A_198 : i32
        %while3A_200:2 = scf.while (%while3A_201 = %while3A_167#0, %while3A_202 = %while3A_167#1) : (i32, i32) -> (i32, i32) {
          %lt3A = arith.cmpi slt, %while3A_202, %min3A_199 : i32
          scf.condition(%lt3A) %while3A_201, %while3A_202 : i32, i32
        } do {
        ^bb0(%while3A_201: i32, %while3A_202: i32):
          %add3A_203 = arith.constant 1 : i32
          %add3A_204 = arith.addi %while3A_201, %add3A_203 : i32
          %get3A_205 = arith.index_cast %add3A_204 : i32 to index
          %get3A_206 = tpu.vector_load %arg8[%get3A_205] {strides = array<i32>} : memref<4224xi32, #tpu.memory_space<vmem>>, vector<16xi32>,
          %slice3A_207 = vector.extract_strided_slice %get3A_206 {offsets = [0], sizes = [1], strides = [1]} : vector<16xi32> to vector<1xi32>
          %squeeze3A_208 = vector.extract %slice3A_207[0] : i32 from vector<1xi32>
          %while3A_209:2 = scf.while (%while3A_294 = %while3A_201, %while3A_295 = %squeeze3A_208) : (i32, i32) -> (i32, i32) {
            %le3A = arith.cmpi sle, %while3A_295, %while3A_202 : i32
            scf.condition(%le3A) %while3A_294, %while3A_295 : i32, i32
          } do {
          ^bb0(%while3A_294: i32, %while3A_295: i32):
            %add3A_296 = arith.constant 1 : i32
            %add3A_297 = arith.addi %while3A_294, %add3A_296 : i32
            %add3A_298 = arith.constant 1 : i32
            %add3A_299 = arith.addi %add3A_297, %add3A_298 : i32
            %get3A_300 = arith.index_cast %add3A_299 : i32 to index
            %get3A_301 = tpu.vector_load %arg8[%get3A_300] {strides = array<i32>} : memref<4224xi32, #tpu.memory_space<vmem>>, vector<16xi32>,
            %slice3A_302 = vector.extract_strided_slice %get3A_301 {offsets = [0], sizes = [1], strides = [1]} : vector<16xi32> to vector<1xi32>
            %squeeze3A_303 = vector.extract %slice3A_302[0] : i32 from vector<1xi32>
            scf.yield %add3A_297, %squeeze3A_303 : i32, i32
          }
          %min3A_210 = arith.minsi %while3A_209#1, %min3A_199 : i32
          %sub3A_211 = arith.subi %while3A_202, %min3A_196 : i32
          %sub3A_212 = arith.subi %min3A_210, %while3A_202 : i32
          %broadcast_in_dim3A = arith.constant 0.000000e+00 : f32
          %broadcast_in_dim3A_213 = vector.broadcast %broadcast_in_dim3A : f32 to vector<16xf32>
          %broadcast_in_dim3A_214 = arith.constant 0.000000e+00 : f32
          %broadcast_in_dim3A_215 = vector.broadcast %broadcast_in_dim3A_214 : f32 to vector<16xf32>
          %broadcast_in_dim3A_216 = arith.constant 0.000000e+00 : f32
          %broadcast_in_dim3A_217 = vector.broadcast %broadcast_in_dim3A_216 : f32 to vector<16xf32>
          %broadcast_in_dim3A_218 = arith.constant 0.000000e+00 : f32
          %broadcast_in_dim3A_219 = vector.broadcast %broadcast_in_dim3A_218 : f32 to vector<16xf32>
          %broadcast_in_dim3A_220 = arith.constant 0.000000e+00 : f32
          %broadcast_in_dim3A_221 = vector.broadcast %broadcast_in_dim3A_220 : f32 to vector<16xf32>
          %broadcast_in_dim3A_222 = arith.constant 0.000000e+00 : f32
          %broadcast_in_dim3A_223 = vector.broadcast %broadcast_in_dim3A_222 : f32 to vector<16xf32>
          %broadcast_in_dim3A_224 = arith.constant 0.000000e+00 : f32
          %broadcast_in_dim3A_225 = vector.broadcast %broadcast_in_dim3A_224 : f32 to vector<16xf32>
          %broadcast_in_dim3A_226 = arith.constant 0.000000e+00 : f32
          %broadcast_in_dim3A_227 = vector.broadcast %broadcast_in_dim3A_226 : f32 to vector<16xf32>
          %broadcast_in_dim3A_228 = arith.constant 0.000000e+00 : f32
          %broadcast_in_dim3A_229 = vector.broadcast %broadcast_in_dim3A_228 : f32 to vector<16xf32>
          %broadcast_in_dim3A_230 = arith.constant 0.000000e+00 : f32
          %broadcast_in_dim3A_231 = vector.broadcast %broadcast_in_dim3A_230 : f32 to vector<16xf32>
          %broadcast_in_dim3A_232 = arith.constant 0.000000e+00 : f32
          %broadcast_in_dim3A_233 = vector.broadcast %broadcast_in_dim3A_232 : f32 to vector<16xf32>
          %broadcast_in_dim3A_234 = arith.constant 0.000000e+00 : f32
          %broadcast_in_dim3A_235 = vector.broadcast %broadcast_in_dim3A_234 : f32 to vector<16xf32>
          %broadcast_in_dim3A_236 = arith.constant 0.000000e+00 : f32
          %broadcast_in_dim3A_237 = vector.broadcast %broadcast_in_dim3A_236 : f32 to vector<16xf32>
          %broadcast_in_dim3A_238 = arith.constant 0.000000e+00 : f32
          %broadcast_in_dim3A_239 = vector.broadcast %broadcast_in_dim3A_238 : f32 to vector<16xf32>
          %broadcast_in_dim3A_240 = arith.constant 0.000000e+00 : f32
          %broadcast_in_dim3A_241 = vector.broadcast %broadcast_in_dim3A_240 : f32 to vector<16xf32>
          %broadcast_in_dim3A_242 = arith.constant 0.000000e+00 : f32
          %broadcast_in_dim3A_243 = vector.broadcast %broadcast_in_dim3A_242 : f32 to vector<16xf32>
          %parallel_loop3A = arith.constant 0 : i32
          %parallel_loop3A_244 = arith.constant 1 : i32
          %parallel_loop3A_245:16 = scf.for %parallel_loop3A_294 = %parallel_loop3A to %sub3A_212 step %parallel_loop3A_244 iter_args(%parallel_loop3A_295 = %broadcast_in_dim3A_213, %parallel_loop3A_296 = %broadcast_in_dim3A_215, %parallel_loop3A_297 = %broadcast_in_dim3A_217, %parallel_loop3A_298 = %broadcast_in_dim3A_219, %parallel_loop3A_299 = %broadcast_in_dim3A_221, %parallel_loop3A_300 = %broadcast_in_dim3A_223, %parallel_loop3A_301 = %broadcast_in_dim3A_225, %parallel_loop3A_302 = %broadcast_in_dim3A_227, %parallel_loop3A_303 = %broadcast_in_dim3A_229, %parallel_loop3A_304 = %broadcast_in_dim3A_231, %parallel_loop3A_305 = %broadcast_in_dim3A_233, %parallel_loop3A_306 = %broadcast_in_dim3A_235, %parallel_loop3A_307 = %broadcast_in_dim3A_237, %parallel_loop3A_308 = %broadcast_in_dim3A_239, %parallel_loop3A_309 = %broadcast_in_dim3A_241, %parallel_loop3A_310 = %broadcast_in_dim3A_243) -> (vector<16xf32>, vector<16xf32>, vector<16xf32>, vector<16xf32>, vector<16xf32>, vector<16xf32>, vector<16xf32>, vector<16xf32>, vector<16xf32>, vector<16xf32>, vector<16xf32>, vector<16xf32>, vector<16xf32>, vector<16xf32>, vector<16xf32>, vector<16xf32>)  : i32 {
            %parallel_loop3A_311 = arith.addi %sub3A_211, %parallel_loop3A_294 : i32
            %parallel_loop3A_312 = arith.index_cast %parallel_loop3A_311 : i32 to index
            %parallel_loop3A_313 = arith.constant 0 : index
            %parallel_loop3A_314 = tpu.vector_load %arg12[%parallel_loop3A_312, %parallel_loop3A_313] {strides = array<i32>} : memref<128x128xf32, #tpu.memory_space<vmem>>, vector<16xf32>,
            %parallel_loop3A_315 = vector.bitcast %parallel_loop3A_314 : vector<16xf32> to vector<16xi32>
            %parallel_loop3A_316 = arith.constant 16 : i32
            %parallel_loop3A_317 = vector.broadcast %parallel_loop3A_316 : i32 to vector<16xi32>
            %parallel_loop3A_318 = arith.shli %parallel_loop3A_315, %parallel_loop3A_317 : vector<16xi32>
            %parallel_loop3A_319 = vector.bitcast %parallel_loop3A_318 : vector<16xi32> to vector<16xf32>
            %parallel_loop3A_320 = vector.bitcast %parallel_loop3A_315 : vector<16xi32> to vector<16xf32>
            %parallel_loop3A_321 = arith.addf %parallel_loop3A_295, %parallel_loop3A_319 : vector<16xf32>
            %parallel_loop3A_322 = arith.addf %parallel_loop3A_303, %parallel_loop3A_320 : vector<16xf32>
            %parallel_loop3A_323 = arith.index_cast %parallel_loop3A_311 : i32 to index
            %parallel_loop3A_324 = arith.constant 16 : index
            %parallel_loop3A_325 = tpu.vector_load %arg12[%parallel_loop3A_323, %parallel_loop3A_324] {strides = array<i32>} : memref<128x128xf32, #tpu.memory_space<vmem>>, vector<16xf32>,
            %parallel_loop3A_326 = vector.bitcast %parallel_loop3A_325 : vector<16xf32> to vector<16xi32>
            %parallel_loop3A_327 = arith.constant 16 : i32
            %parallel_loop3A_328 = vector.broadcast %parallel_loop3A_327 : i32 to vector<16xi32>
            %parallel_loop3A_329 = arith.shli %parallel_loop3A_326, %parallel_loop3A_328 : vector<16xi32>
            %parallel_loop3A_330 = vector.bitcast %parallel_loop3A_329 : vector<16xi32> to vector<16xf32>
            %parallel_loop3A_331 = vector.bitcast %parallel_loop3A_326 : vector<16xi32> to vector<16xf32>
            %parallel_loop3A_332 = arith.addf %parallel_loop3A_296, %parallel_loop3A_330 : vector<16xf32>
            %parallel_loop3A_333 = arith.addf %parallel_loop3A_304, %parallel_loop3A_331 : vector<16xf32>
            %parallel_loop3A_334 = arith.index_cast %parallel_loop3A_311 : i32 to index
            %parallel_loop3A_335 = arith.constant 32 : index
            %parallel_loop3A_336 = tpu.vector_load %arg12[%parallel_loop3A_334, %parallel_loop3A_335] {strides = array<i32>} : memref<128x128xf32, #tpu.memory_space<vmem>>, vector<16xf32>,
            %parallel_loop3A_337 = vector.bitcast %parallel_loop3A_336 : vector<16xf32> to vector<16xi32>
            %parallel_loop3A_338 = arith.constant 16 : i32
            %parallel_loop3A_339 = vector.broadcast %parallel_loop3A_338 : i32 to vector<16xi32>
            %parallel_loop3A_340 = arith.shli %parallel_loop3A_337, %parallel_loop3A_339 : vector<16xi32>
            %parallel_loop3A_341 = vector.bitcast %parallel_loop3A_340 : vector<16xi32> to vector<16xf32>
            %parallel_loop3A_342 = vector.bitcast %parallel_loop3A_337 : vector<16xi32> to vector<16xf32>
            %parallel_loop3A_343 = arith.addf %parallel_loop3A_297, %parallel_loop3A_341 : vector<16xf32>
            %parallel_loop3A_344 = arith.addf %parallel_loop3A_305, %parallel_loop3A_342 : vector<16xf32>
            %parallel_loop3A_345 = arith.index_cast %parallel_loop3A_311 : i32 to index
            %parallel_loop3A_346 = arith.constant 48 : index
            %parallel_loop3A_347 = tpu.vector_load %arg12[%parallel_loop3A_345, %parallel_loop3A_346] {strides = array<i32>} : memref<128x128xf32, #tpu.memory_space<vmem>>, vector<16xf32>,
            %parallel_loop3A_348 = vector.bitcast %parallel_loop3A_347 : vector<16xf32> to vector<16xi32>
            %parallel_loop3A_349 = arith.constant 16 : i32
            %parallel_loop3A_350 = vector.broadcast %parallel_loop3A_349 : i32 to vector<16xi32>
            %parallel_loop3A_351 = arith.shli %parallel_loop3A_348, %parallel_loop3A_350 : vector<16xi32>
            %parallel_loop3A_352 = vector.bitcast %parallel_loop3A_351 : vector<16xi32> to vector<16xf32>
            %parallel_loop3A_353 = vector.bitcast %parallel_loop3A_348 : vector<16xi32> to vector<16xf32>
            %parallel_loop3A_354 = arith.addf %parallel_loop3A_298, %parallel_loop3A_352 : vector<16xf32>
            %parallel_loop3A_355 = arith.addf %parallel_loop3A_306, %parallel_loop3A_353 : vector<16xf32>
            %parallel_loop3A_356 = arith.index_cast %parallel_loop3A_311 : i32 to index
            %parallel_loop3A_357 = arith.constant 64 : index
            %parallel_loop3A_358 = tpu.vector_load %arg12[%parallel_loop3A_356, %parallel_loop3A_357] {strides = array<i32>} : memref<128x128xf32, #tpu.memory_space<vmem>>, vector<16xf32>,
            %parallel_loop3A_359 = vector.bitcast %parallel_loop3A_358 : vector<16xf32> to vector<16xi32>
            %parallel_loop3A_360 = arith.constant 16 : i32
            %parallel_loop3A_361 = vector.broadcast %parallel_loop3A_360 : i32 to vector<16xi32>
            %parallel_loop3A_362 = arith.shli %parallel_loop3A_359, %parallel_loop3A_361 : vector<16xi32>
            %parallel_loop3A_363 = vector.bitcast %parallel_loop3A_362 : vector<16xi32> to vector<16xf32>
            %parallel_loop3A_364 = vector.bitcast %parallel_loop3A_359 : vector<16xi32> to vector<16xf32>
            %parallel_loop3A_365 = arith.addf %parallel_loop3A_299, %parallel_loop3A_363 : vector<16xf32>
            %parallel_loop3A_366 = arith.addf %parallel_loop3A_307, %parallel_loop3A_364 : vector<16xf32>
            %parallel_loop3A_367 = arith.index_cast %parallel_loop3A_311 : i32 to index
            %parallel_loop3A_368 = arith.constant 80 : index
            %parallel_loop3A_369 = tpu.vector_load %arg12[%parallel_loop3A_367, %parallel_loop3A_368] {strides = array<i32>} : memref<128x128xf32, #tpu.memory_space<vmem>>, vector<16xf32>,
            %parallel_loop3A_370 = vector.bitcast %parallel_loop3A_369 : vector<16xf32> to vector<16xi32>
            %parallel_loop3A_371 = arith.constant 16 : i32
            %parallel_loop3A_372 = vector.broadcast %parallel_loop3A_371 : i32 to vector<16xi32>
            %parallel_loop3A_373 = arith.shli %parallel_loop3A_370, %parallel_loop3A_372 : vector<16xi32>
            %parallel_loop3A_374 = vector.bitcast %parallel_loop3A_373 : vector<16xi32> to vector<16xf32>
            %parallel_loop3A_375 = vector.bitcast %parallel_loop3A_370 : vector<16xi32> to vector<16xf32>
            %parallel_loop3A_376 = arith.addf %parallel_loop3A_300, %parallel_loop3A_374 : vector<16xf32>
            %parallel_loop3A_377 = arith.addf %parallel_loop3A_308, %parallel_loop3A_375 : vector<16xf32>
            %parallel_loop3A_378 = arith.index_cast %parallel_loop3A_311 : i32 to index
            %parallel_loop3A_379 = arith.constant 96 : index
            %parallel_loop3A_380 = tpu.vector_load %arg12[%parallel_loop3A_378, %parallel_loop3A_379] {strides = array<i32>} : memref<128x128xf32, #tpu.memory_space<vmem>>, vector<16xf32>,
            %parallel_loop3A_381 = vector.bitcast %parallel_loop3A_380 : vector<16xf32> to vector<16xi32>
            %parallel_loop3A_382 = arith.constant 16 : i32
            %parallel_loop3A_383 = vector.broadcast %parallel_loop3A_382 : i32 to vector<16xi32>
            %parallel_loop3A_384 = arith.shli %parallel_loop3A_381, %parallel_loop3A_383 : vector<16xi32>
            %parallel_loop3A_385 = vector.bitcast %parallel_loop3A_384 : vector<16xi32> to vector<16xf32>
            %parallel_loop3A_386 = vector.bitcast %parallel_loop3A_381 : vector<16xi32> to vector<16xf32>
            %parallel_loop3A_387 = arith.addf %parallel_loop3A_301, %parallel_loop3A_385 : vector<16xf32>
            %parallel_loop3A_388 = arith.addf %parallel_loop3A_309, %parallel_loop3A_386 : vector<16xf32>
            %parallel_loop3A_389 = arith.index_cast %parallel_loop3A_311 : i32 to index
            %parallel_loop3A_390 = arith.constant 112 : index
            %parallel_loop3A_391 = tpu.vector_load %arg12[%parallel_loop3A_389, %parallel_loop3A_390] {strides = array<i32>} : memref<128x128xf32, #tpu.memory_space<vmem>>, vector<16xf32>,
            %parallel_loop3A_392 = vector.bitcast %parallel_loop3A_391 : vector<16xf32> to vector<16xi32>
            %parallel_loop3A_393 = arith.constant 16 : i32
            %parallel_loop3A_394 = vector.broadcast %parallel_loop3A_393 : i32 to vector<16xi32>
            %parallel_loop3A_395 = arith.shli %parallel_loop3A_392, %parallel_loop3A_394 : vector<16xi32>
            %parallel_loop3A_396 = vector.bitcast %parallel_loop3A_395 : vector<16xi32> to vector<16xf32>
            %parallel_loop3A_397 = vector.bitcast %parallel_loop3A_392 : vector<16xi32> to vector<16xf32>
            %parallel_loop3A_398 = arith.addf %parallel_loop3A_302, %parallel_loop3A_396 : vector<16xf32>
            %parallel_loop3A_399 = arith.addf %parallel_loop3A_310, %parallel_loop3A_397 : vector<16xf32>
            scf.yield %parallel_loop3A_321, %parallel_loop3A_332, %parallel_loop3A_343, %parallel_loop3A_354, %parallel_loop3A_365, %parallel_loop3A_376, %parallel_loop3A_387, %parallel_loop3A_398, %parallel_loop3A_322, %parallel_loop3A_333, %parallel_loop3A_344, %parallel_loop3A_355, %parallel_loop3A_366, %parallel_loop3A_377, %parallel_loop3A_388, %parallel_loop3A_399 : vector<16xf32>, vector<16xf32>, vector<16xf32>, vector<16xf32>, vector<16xf32>, vector<16xf32>, vector<16xf32>, vector<16xf32>, vector<16xf32>, vector<16xf32>, vector<16xf32>, vector<16xf32>, vector<16xf32>, vector<16xf32>, vector<16xf32>, vector<16xf32>
          } {sc.loop_unroll_factor = 4 : i64, sc.parallel_access}
          %sub3A_246 = arith.subi %while3A_209#0, %mul3A_14 : i32
          %swap3A = arith.index_cast %sub3A_246 : i32 to index
          %swap3A_247 = arith.constant 0 : index
          %swap3A_248 = tpu.vector_load %arg13[%swap3A, %swap3A_247] {strides = array<i32>} : memref<256x256xf32, #tpu.memory_space<vmem>>, vector<16xf32>,
          tpu.vector_store %arg13[%swap3A, %swap3A_247], %parallel_loop3A_245#0 {add = true, strides = array<i32>} : memref<256x256xf32, #tpu.memory_space<vmem>>, vector<16xf32>,
          %swap3A_249 = arith.index_cast %sub3A_246 : i32 to index
          %swap3A_250 = arith.constant 16 : index
          %swap3A_251 = tpu.vector_load %arg13[%swap3A_249, %swap3A_250] {strides = array<i32>} : memref<256x256xf32, #tpu.memory_space<vmem>>, vector<16xf32>,
          tpu.vector_store %arg13[%swap3A_249, %swap3A_250], %parallel_loop3A_245#1 {add = true, strides = array<i32>} : memref<256x256xf32, #tpu.memory_space<vmem>>, vector<16xf32>,
          %swap3A_252 = arith.index_cast %sub3A_246 : i32 to index
          %swap3A_253 = arith.constant 32 : index
          %swap3A_254 = tpu.vector_load %arg13[%swap3A_252, %swap3A_253] {strides = array<i32>} : memref<256x256xf32, #tpu.memory_space<vmem>>, vector<16xf32>,
          tpu.vector_store %arg13[%swap3A_252, %swap3A_253], %parallel_loop3A_245#2 {add = true, strides = array<i32>} : memref<256x256xf32, #tpu.memory_space<vmem>>, vector<16xf32>,
          %swap3A_255 = arith.index_cast %sub3A_246 : i32 to index
          %swap3A_256 = arith.constant 48 : index
          %swap3A_257 = tpu.vector_load %arg13[%swap3A_255, %swap3A_256] {strides = array<i32>} : memref<256x256xf32, #tpu.memory_space<vmem>>, vector<16xf32>,
          tpu.vector_store %arg13[%swap3A_255, %swap3A_256], %parallel_loop3A_245#3 {add = true, strides = array<i32>} : memref<256x256xf32, #tpu.memory_space<vmem>>, vector<16xf32>,
          %swap3A_258 = arith.index_cast %sub3A_246 : i32 to index
          %swap3A_259 = arith.constant 64 : index
          %swap3A_260 = tpu.vector_load %arg13[%swap3A_258, %swap3A_259] {strides = array<i32>} : memref<256x256xf32, #tpu.memory_space<vmem>>, vector<16xf32>,
          tpu.vector_store %arg13[%swap3A_258, %swap3A_259], %parallel_loop3A_245#4 {add = true, strides = array<i32>} : memref<256x256xf32, #tpu.memory_space<vmem>>, vector<16xf32>,
          %swap3A_261 = arith.index_cast %sub3A_246 : i32 to index
          %swap3A_262 = arith.constant 80 : index
          %swap3A_263 = tpu.vector_load %arg13[%swap3A_261, %swap3A_262] {strides = array<i32>} : memref<256x256xf32, #tpu.memory_space<vmem>>, vector<16xf32>,
          tpu.vector_store %arg13[%swap3A_261, %swap3A_262], %parallel_loop3A_245#5 {add = true, strides = array<i32>} : memref<256x256xf32, #tpu.memory_space<vmem>>, vector<16xf32>,
          %swap3A_264 = arith.index_cast %sub3A_246 : i32 to index
          %swap3A_265 = arith.constant 96 : index
          %swap3A_266 = tpu.vector_load %arg13[%swap3A_264, %swap3A_265] {strides = array<i32>} : memref<256x256xf32, #tpu.memory_space<vmem>>, vector<16xf32>,
          tpu.vector_store %arg13[%swap3A_264, %swap3A_265], %parallel_loop3A_245#6 {add = true, strides = array<i32>} : memref<256x256xf32, #tpu.memory_space<vmem>>, vector<16xf32>,
          %swap3A_267 = arith.index_cast %sub3A_246 : i32 to index
          %swap3A_268 = arith.constant 112 : index
          %swap3A_269 = tpu.vector_load %arg13[%swap3A_267, %swap3A_268] {strides = array<i32>} : memref<256x256xf32, #tpu.memory_space<vmem>>, vector<16xf32>,
          tpu.vector_store %arg13[%swap3A_267, %swap3A_268], %parallel_loop3A_245#7 {add = true, strides = array<i32>} : memref<256x256xf32, #tpu.memory_space<vmem>>, vector<16xf32>,
          %swap3A_270 = arith.index_cast %sub3A_246 : i32 to index
          %swap3A_271 = arith.constant 128 : index
          %swap3A_272 = tpu.vector_load %arg13[%swap3A_270, %swap3A_271] {strides = array<i32>} : memref<256x256xf32, #tpu.memory_space<vmem>>, vector<16xf32>,
          tpu.vector_store %arg13[%swap3A_270, %swap3A_271], %parallel_loop3A_245#8 {add = true, strides = array<i32>} : memref<256x256xf32, #tpu.memory_space<vmem>>, vector<16xf32>,
          %swap3A_273 = arith.index_cast %sub3A_246 : i32 to index
          %swap3A_274 = arith.constant 144 : index
          %swap3A_275 = tpu.vector_load %arg13[%swap3A_273, %swap3A_274] {strides = array<i32>} : memref<256x256xf32, #tpu.memory_space<vmem>>, vector<16xf32>,
          tpu.vector_store %arg13[%swap3A_273, %swap3A_274], %parallel_loop3A_245#9 {add = true, strides = array<i32>} : memref<256x256xf32, #tpu.memory_space<vmem>>, vector<16xf32>,
          %swap3A_276 = arith.index_cast %sub3A_246 : i32 to index
          %swap3A_277 = arith.constant 160 : index
          %swap3A_278 = tpu.vector_load %arg13[%swap3A_276, %swap3A_277] {strides = array<i32>} : memref<256x256xf32, #tpu.memory_space<vmem>>, vector<16xf32>,
          tpu.vector_store %arg13[%swap3A_276, %swap3A_277], %parallel_loop3A_245#10 {add = true, strides = array<i32>} : memref<256x256xf32, #tpu.memory_space<vmem>>, vector<16xf32>,
          %swap3A_279 = arith.index_cast %sub3A_246 : i32 to index
          %swap3A_280 = arith.constant 176 : index
          %swap3A_281 = tpu.vector_load %arg13[%swap3A_279, %swap3A_280] {strides = array<i32>} : memref<256x256xf32, #tpu.memory_space<vmem>>, vector<16xf32>,
          tpu.vector_store %arg13[%swap3A_279, %swap3A_280], %parallel_loop3A_245#11 {add = true, strides = array<i32>} : memref<256x256xf32, #tpu.memory_space<vmem>>, vector<16xf32>,
          %swap3A_282 = arith.index_cast %sub3A_246 : i32 to index
          %swap3A_283 = arith.constant 192 : index
          %swap3A_284 = tpu.vector_load %arg13[%swap3A_282, %swap3A_283] {strides = array<i32>} : memref<256x256xf32, #tpu.memory_space<vmem>>, vector<16xf32>,
          tpu.vector_store %arg13[%swap3A_282, %swap3A_283], %parallel_loop3A_245#12 {add = true, strides = array<i32>} : memref<256x256xf32, #tpu.memory_space<vmem>>, vector<16xf32>,
          %swap3A_285 = arith.index_cast %sub3A_246 : i32 to index
          %swap3A_286 = arith.constant 208 : index
          %swap3A_287 = tpu.vector_load %arg13[%swap3A_285, %swap3A_286] {strides = array<i32>} : memref<256x256xf32, #tpu.memory_space<vmem>>, vector<16xf32>,
          tpu.vector_store %arg13[%swap3A_285, %swap3A_286], %parallel_loop3A_245#13 {add = true, strides = array<i32>} : memref<256x256xf32, #tpu.memory_space<vmem>>, vector<16xf32>,
          %swap3A_288 = arith.index_cast %sub3A_246 : i32 to index
          %swap3A_289 = arith.constant 224 : index
          %swap3A_290 = tpu.vector_load %arg13[%swap3A_288, %swap3A_289] {strides = array<i32>} : memref<256x256xf32, #tpu.memory_space<vmem>>, vector<16xf32>,
          tpu.vector_store %arg13[%swap3A_288, %swap3A_289], %parallel_loop3A_245#14 {add = true, strides = array<i32>} : memref<256x256xf32, #tpu.memory_space<vmem>>, vector<16xf32>,
          %swap3A_291 = arith.index_cast %sub3A_246 : i32 to index
          %swap3A_292 = arith.constant 240 : index
          %swap3A_293 = tpu.vector_load %arg13[%swap3A_291, %swap3A_292] {strides = array<i32>} : memref<256x256xf32, #tpu.memory_space<vmem>>, vector<16xf32>,
          tpu.vector_store %arg13[%swap3A_291, %swap3A_292], %parallel_loop3A_245#15 {add = true, strides = array<i32>} : memref<256x256xf32, #tpu.memory_space<vmem>>, vector<16xf32>,
          scf.yield %while3A_209#0, %min3A_210 : i32, i32
        }
        scf.yield %while3A_200#0, %while3A_200#1 : i32, i32
      }
      %while3A_113 = arith.constant 1 : i32
      %while3A_114:2 = scf.for %while3A_128 = %while3A_110 to %while3A_106 step %while3A_113 iter_args(%while3A_129 = %while3A_112#0, %while3A_130 = %while3A_112#1) -> (i32, i32)  : i32 {
        %mul3A_131 = arith.constant 2 : i32
        %mul3A_132 = arith.muli %mul3A_131, %while3A_128 : i32
        %add3A_133 = arith.constant 1 : i32
        %add3A_134 = arith.addi %mul3A_132, %add3A_133 : i32
        %mul3A_135 = arith.constant 128 : i32
        %mul3A_136 = arith.muli %add3A_134, %mul3A_135 : i32
        %add3A_137 = arith.addi %mul3A_38, %mul3A_136 : i32
        %min3A_138 = arith.constant 204672 : i32
        %min3A_139 = arith.minsi %add3A_137, %min3A_138 : i32
        %dma_wait3A_140 = tpu.memref_slice %arg2[%min3A_139] : memref<204800xi32, #tpu.memory_space<hbm>> -> memref<128xi32, #tpu.memory_space<hbm>>
        %dma_wait3A_141 = tpu.memref_slice %arg2[%min3A_139] : memref<204800xi32, #tpu.memory_space<hbm>> -> memref<128xi32, #tpu.memory_space<hbm>>
        tpu.wait_dma2 semaphore(%arg17 : memref<!tpu.dma_semaphore, #tpu.memory_space<semaphore_mem>>) src(%dma_wait3A_141 : memref<128xi32, #tpu.memory_space<hbm>>) dst(%arg10 : memref<128xi32, #tpu.memory_space<vmem>>)
        %dma_start3A_142 = arith.constant 0 : i32
        %dma_start3A_143 = arith.constant 0 : i32
        %dma_start3A_144 = tpu.memref_slice %arg4[%dma_start3A_142, %dma_start3A_143] : memref<100000x128xf32, #tpu.memory_space<hbm>> -> memref<100000x128xf32, #tpu.memory_space<hbm>>
        tpu.enqueue_indirect_dma source(%dma_start3A_144 : memref<100000x128xf32, #tpu.memory_space<hbm>>) target(%arg12 : memref<128x128xf32, #tpu.memory_space<vmem>>) offsets(%arg10 : memref<128xi32, #tpu.memory_space<vmem>>) semaphore(%arg15 : memref<!tpu.dma_semaphore, #tpu.memory_space<semaphore_mem>>)
        %dma_wait3A_145 = arith.constant 0 : i32
        %dma_wait3A_146 = arith.constant 0 : i32
        %dma_wait3A_147 = tpu.memref_slice %arg4[%dma_wait3A_145, %dma_wait3A_146] : memref<100000x128xf32, #tpu.memory_space<hbm>> -> memref<100000x128xf32, #tpu.memory_space<hbm>>
        tpu.wait_indirect_dma semaphore(%arg14 : memref<!tpu.dma_semaphore, #tpu.memory_space<semaphore_mem>>) src(%dma_wait3A_147 : memref<100000x128xf32, #tpu.memory_space<hbm>>) dst(%arg11 : memref<128x128xf32, #tpu.memory_space<vmem>>)
        %add3A_148 = arith.constant 1 : i32
        %add3A_149 = arith.addi %add3A_134, %add3A_148 : i32
        %mul3A_150 = arith.constant 128 : i32
        %mul3A_151 = arith.muli %add3A_149, %mul3A_150 : i32
        %add3A_152 = arith.addi %mul3A_38, %mul3A_151 : i32
        %min3A_153 = arith.constant 204672 : i32
        %min3A_154 = arith.minsi %add3A_152, %min3A_153 : i32
        %dma_start3A_155 = tpu.memref_slice %arg2[%min3A_154] : memref<204800xi32, #tpu.memory_space<hbm>> -> memref<128xi32, #tpu.memory_space<hbm>>
        %dma_start3A_156 = tpu.memref_slice %arg2[%min3A_154] : memref<204800xi32, #tpu.memory_space<hbm>> -> memref<128xi32, #tpu.memory_space<hbm>>
        tpu.enqueue_dma source(%dma_start3A_156 : memref<128xi32, #tpu.memory_space<hbm>>) target(%arg9 : memref<128xi32, #tpu.memory_space<vmem>>) target_semaphore(%arg16 : memref<!tpu.dma_semaphore, #tpu.memory_space<semaphore_mem>>)
        %sub3A_157 = arith.constant 1 : i32
        %sub3A_158 = arith.subi %add3A_134, %sub3A_157 : i32
        %mul3A_159 = arith.constant 128 : i32
        %mul3A_160 = arith.muli %sub3A_158, %mul3A_159 : i32
        %add3A_161 = arith.addi %mul3A_38, %mul3A_160 : i32
        %min3A_162 = arith.constant 204672 : i32
        %min3A_163 = arith.minsi %add3A_161, %min3A_162 : i32
        %add3A_164 = arith.constant 128 : i32
        %add3A_165 = arith.addi %min3A_163, %add3A_164 : i32
        %min3A_166 = arith.minsi %squeeze3A_20, %add3A_165 : i32
        %while3A_167:2 = scf.while (%while3A_201 = %while3A_129, %while3A_202 = %while3A_130) : (i32, i32) -> (i32, i32) {
          %lt3A = arith.cmpi slt, %while3A_202, %min3A_166 : i32
          scf.condition(%lt3A) %while3A_201, %while3A_202 : i32, i32
        } do {
        ^bb0(%while3A_201: i32, %while3A_202: i32):
          %add3A_203 = arith.constant 1 : i32
          %add3A_204 = arith.addi %while3A_201, %add3A_203 : i32
          %get3A_205 = arith.index_cast %add3A_204 : i32 to index
          %get3A_206 = tpu.vector_load %arg8[%get3A_205] {strides = array<i32>} : memref<4224xi32, #tpu.memory_space<vmem>>, vector<16xi32>,
          %slice3A_207 = vector.extract_strided_slice %get3A_206 {offsets = [0], sizes = [1], strides = [1]} : vector<16xi32> to vector<1xi32>
          %squeeze3A_208 = vector.extract %slice3A_207[0] : i32 from vector<1xi32>
          %while3A_209:2 = scf.while (%while3A_294 = %while3A_201, %while3A_295 = %squeeze3A_208) : (i32, i32) -> (i32, i32) {
            %le3A = arith.cmpi sle, %while3A_295, %while3A_202 : i32
            scf.condition(%le3A) %while3A_294, %while3A_295 : i32, i32
          } do {
          ^bb0(%while3A_294: i32, %while3A_295: i32):
            %add3A_296 = arith.constant 1 : i32
            %add3A_297 = arith.addi %while3A_294, %add3A_296 : i32
            %add3A_298 = arith.constant 1 : i32
            %add3A_299 = arith.addi %add3A_297, %add3A_298 : i32
            %get3A_300 = arith.index_cast %add3A_299 : i32 to index
            %get3A_301 = tpu.vector_load %arg8[%get3A_300] {strides = array<i32>} : memref<4224xi32, #tpu.memory_space<vmem>>, vector<16xi32>,
            %slice3A_302 = vector.extract_strided_slice %get3A_301 {offsets = [0], sizes = [1], strides = [1]} : vector<16xi32> to vector<1xi32>
            %squeeze3A_303 = vector.extract %slice3A_302[0] : i32 from vector<1xi32>
            scf.yield %add3A_297, %squeeze3A_303 : i32, i32
          }
          %min3A_210 = arith.minsi %while3A_209#1, %min3A_166 : i32
          %sub3A_211 = arith.subi %while3A_202, %min3A_163 : i32
          %sub3A_212 = arith.subi %min3A_210, %while3A_202 : i32
          %broadcast_in_dim3A = arith.constant 0.000000e+00 : f32
          %broadcast_in_dim3A_213 = vector.broadcast %broadcast_in_dim3A : f32 to vector<16xf32>
          %broadcast_in_dim3A_214 = arith.constant 0.000000e+00 : f32
          %broadcast_in_dim3A_215 = vector.broadcast %broadcast_in_dim3A_214 : f32 to vector<16xf32>
          %broadcast_in_dim3A_216 = arith.constant 0.000000e+00 : f32
          %broadcast_in_dim3A_217 = vector.broadcast %broadcast_in_dim3A_216 : f32 to vector<16xf32>
          %broadcast_in_dim3A_218 = arith.constant 0.000000e+00 : f32
          %broadcast_in_dim3A_219 = vector.broadcast %broadcast_in_dim3A_218 : f32 to vector<16xf32>
          %broadcast_in_dim3A_220 = arith.constant 0.000000e+00 : f32
          %broadcast_in_dim3A_221 = vector.broadcast %broadcast_in_dim3A_220 : f32 to vector<16xf32>
          %broadcast_in_dim3A_222 = arith.constant 0.000000e+00 : f32
          %broadcast_in_dim3A_223 = vector.broadcast %broadcast_in_dim3A_222 : f32 to vector<16xf32>
          %broadcast_in_dim3A_224 = arith.constant 0.000000e+00 : f32
          %broadcast_in_dim3A_225 = vector.broadcast %broadcast_in_dim3A_224 : f32 to vector<16xf32>
          %broadcast_in_dim3A_226 = arith.constant 0.000000e+00 : f32
          %broadcast_in_dim3A_227 = vector.broadcast %broadcast_in_dim3A_226 : f32 to vector<16xf32>
          %broadcast_in_dim3A_228 = arith.constant 0.000000e+00 : f32
          %broadcast_in_dim3A_229 = vector.broadcast %broadcast_in_dim3A_228 : f32 to vector<16xf32>
          %broadcast_in_dim3A_230 = arith.constant 0.000000e+00 : f32
          %broadcast_in_dim3A_231 = vector.broadcast %broadcast_in_dim3A_230 : f32 to vector<16xf32>
          %broadcast_in_dim3A_232 = arith.constant 0.000000e+00 : f32
          %broadcast_in_dim3A_233 = vector.broadcast %broadcast_in_dim3A_232 : f32 to vector<16xf32>
          %broadcast_in_dim3A_234 = arith.constant 0.000000e+00 : f32
          %broadcast_in_dim3A_235 = vector.broadcast %broadcast_in_dim3A_234 : f32 to vector<16xf32>
          %broadcast_in_dim3A_236 = arith.constant 0.000000e+00 : f32
          %broadcast_in_dim3A_237 = vector.broadcast %broadcast_in_dim3A_236 : f32 to vector<16xf32>
          %broadcast_in_dim3A_238 = arith.constant 0.000000e+00 : f32
          %broadcast_in_dim3A_239 = vector.broadcast %broadcast_in_dim3A_238 : f32 to vector<16xf32>
          %broadcast_in_dim3A_240 = arith.constant 0.000000e+00 : f32
          %broadcast_in_dim3A_241 = vector.broadcast %broadcast_in_dim3A_240 : f32 to vector<16xf32>
          %broadcast_in_dim3A_242 = arith.constant 0.000000e+00 : f32
          %broadcast_in_dim3A_243 = vector.broadcast %broadcast_in_dim3A_242 : f32 to vector<16xf32>
          %parallel_loop3A = arith.constant 0 : i32
          %parallel_loop3A_244 = arith.constant 1 : i32
          %parallel_loop3A_245:16 = scf.for %parallel_loop3A_294 = %parallel_loop3A to %sub3A_212 step %parallel_loop3A_244 iter_args(%parallel_loop3A_295 = %broadcast_in_dim3A_213, %parallel_loop3A_296 = %broadcast_in_dim3A_215, %parallel_loop3A_297 = %broadcast_in_dim3A_217, %parallel_loop3A_298 = %broadcast_in_dim3A_219, %parallel_loop3A_299 = %broadcast_in_dim3A_221, %parallel_loop3A_300 = %broadcast_in_dim3A_223, %parallel_loop3A_301 = %broadcast_in_dim3A_225, %parallel_loop3A_302 = %broadcast_in_dim3A_227, %parallel_loop3A_303 = %broadcast_in_dim3A_229, %parallel_loop3A_304 = %broadcast_in_dim3A_231, %parallel_loop3A_305 = %broadcast_in_dim3A_233, %parallel_loop3A_306 = %broadcast_in_dim3A_235, %parallel_loop3A_307 = %broadcast_in_dim3A_237, %parallel_loop3A_308 = %broadcast_in_dim3A_239, %parallel_loop3A_309 = %broadcast_in_dim3A_241, %parallel_loop3A_310 = %broadcast_in_dim3A_243) -> (vector<16xf32>, vector<16xf32>, vector<16xf32>, vector<16xf32>, vector<16xf32>, vector<16xf32>, vector<16xf32>, vector<16xf32>, vector<16xf32>, vector<16xf32>, vector<16xf32>, vector<16xf32>, vector<16xf32>, vector<16xf32>, vector<16xf32>, vector<16xf32>)  : i32 {
            %parallel_loop3A_311 = arith.addi %sub3A_211, %parallel_loop3A_294 : i32
            %parallel_loop3A_312 = arith.index_cast %parallel_loop3A_311 : i32 to index
            %parallel_loop3A_313 = arith.constant 0 : index
            %parallel_loop3A_314 = tpu.vector_load %arg11[%parallel_loop3A_312, %parallel_loop3A_313] {strides = array<i32>} : memref<128x128xf32, #tpu.memory_space<vmem>>, vector<16xf32>,
            %parallel_loop3A_315 = vector.bitcast %parallel_loop3A_314 : vector<16xf32> to vector<16xi32>
            %parallel_loop3A_316 = arith.constant 16 : i32
            %parallel_loop3A_317 = vector.broadcast %parallel_loop3A_316 : i32 to vector<16xi32>
            %parallel_loop3A_318 = arith.shli %parallel_loop3A_315, %parallel_loop3A_317 : vector<16xi32>
            %parallel_loop3A_319 = vector.bitcast %parallel_loop3A_318 : vector<16xi32> to vector<16xf32>
            %parallel_loop3A_320 = vector.bitcast %parallel_loop3A_315 : vector<16xi32> to vector<16xf32>
            %parallel_loop3A_321 = arith.addf %parallel_loop3A_295, %parallel_loop3A_319 : vector<16xf32>
            %parallel_loop3A_322 = arith.addf %parallel_loop3A_303, %parallel_loop3A_320 : vector<16xf32>
            %parallel_loop3A_323 = arith.index_cast %parallel_loop3A_311 : i32 to index
            %parallel_loop3A_324 = arith.constant 16 : index
            %parallel_loop3A_325 = tpu.vector_load %arg11[%parallel_loop3A_323, %parallel_loop3A_324] {strides = array<i32>} : memref<128x128xf32, #tpu.memory_space<vmem>>, vector<16xf32>,
            %parallel_loop3A_326 = vector.bitcast %parallel_loop3A_325 : vector<16xf32> to vector<16xi32>
            %parallel_loop3A_327 = arith.constant 16 : i32
            %parallel_loop3A_328 = vector.broadcast %parallel_loop3A_327 : i32 to vector<16xi32>
            %parallel_loop3A_329 = arith.shli %parallel_loop3A_326, %parallel_loop3A_328 : vector<16xi32>
            %parallel_loop3A_330 = vector.bitcast %parallel_loop3A_329 : vector<16xi32> to vector<16xf32>
            %parallel_loop3A_331 = vector.bitcast %parallel_loop3A_326 : vector<16xi32> to vector<16xf32>
            %parallel_loop3A_332 = arith.addf %parallel_loop3A_296, %parallel_loop3A_330 : vector<16xf32>
            %parallel_loop3A_333 = arith.addf %parallel_loop3A_304, %parallel_loop3A_331 : vector<16xf32>
            %parallel_loop3A_334 = arith.index_cast %parallel_loop3A_311 : i32 to index
            %parallel_loop3A_335 = arith.constant 32 : index
            %parallel_loop3A_336 = tpu.vector_load %arg11[%parallel_loop3A_334, %parallel_loop3A_335] {strides = array<i32>} : memref<128x128xf32, #tpu.memory_space<vmem>>, vector<16xf32>,
            %parallel_loop3A_337 = vector.bitcast %parallel_loop3A_336 : vector<16xf32> to vector<16xi32>
            %parallel_loop3A_338 = arith.constant 16 : i32
            %parallel_loop3A_339 = vector.broadcast %parallel_loop3A_338 : i32 to vector<16xi32>
            %parallel_loop3A_340 = arith.shli %parallel_loop3A_337, %parallel_loop3A_339 : vector<16xi32>
            %parallel_loop3A_341 = vector.bitcast %parallel_loop3A_340 : vector<16xi32> to vector<16xf32>
            %parallel_loop3A_342 = vector.bitcast %parallel_loop3A_337 : vector<16xi32> to vector<16xf32>
            %parallel_loop3A_343 = arith.addf %parallel_loop3A_297, %parallel_loop3A_341 : vector<16xf32>
            %parallel_loop3A_344 = arith.addf %parallel_loop3A_305, %parallel_loop3A_342 : vector<16xf32>
            %parallel_loop3A_345 = arith.index_cast %parallel_loop3A_311 : i32 to index
            %parallel_loop3A_346 = arith.constant 48 : index
            %parallel_loop3A_347 = tpu.vector_load %arg11[%parallel_loop3A_345, %parallel_loop3A_346] {strides = array<i32>} : memref<128x128xf32, #tpu.memory_space<vmem>>, vector<16xf32>,
            %parallel_loop3A_348 = vector.bitcast %parallel_loop3A_347 : vector<16xf32> to vector<16xi32>
            %parallel_loop3A_349 = arith.constant 16 : i32
            %parallel_loop3A_350 = vector.broadcast %parallel_loop3A_349 : i32 to vector<16xi32>
            %parallel_loop3A_351 = arith.shli %parallel_loop3A_348, %parallel_loop3A_350 : vector<16xi32>
            %parallel_loop3A_352 = vector.bitcast %parallel_loop3A_351 : vector<16xi32> to vector<16xf32>
            %parallel_loop3A_353 = vector.bitcast %parallel_loop3A_348 : vector<16xi32> to vector<16xf32>
            %parallel_loop3A_354 = arith.addf %parallel_loop3A_298, %parallel_loop3A_352 : vector<16xf32>
            %parallel_loop3A_355 = arith.addf %parallel_loop3A_306, %parallel_loop3A_353 : vector<16xf32>
            %parallel_loop3A_356 = arith.index_cast %parallel_loop3A_311 : i32 to index
            %parallel_loop3A_357 = arith.constant 64 : index
            %parallel_loop3A_358 = tpu.vector_load %arg11[%parallel_loop3A_356, %parallel_loop3A_357] {strides = array<i32>} : memref<128x128xf32, #tpu.memory_space<vmem>>, vector<16xf32>,
            %parallel_loop3A_359 = vector.bitcast %parallel_loop3A_358 : vector<16xf32> to vector<16xi32>
            %parallel_loop3A_360 = arith.constant 16 : i32
            %parallel_loop3A_361 = vector.broadcast %parallel_loop3A_360 : i32 to vector<16xi32>
            %parallel_loop3A_362 = arith.shli %parallel_loop3A_359, %parallel_loop3A_361 : vector<16xi32>
            %parallel_loop3A_363 = vector.bitcast %parallel_loop3A_362 : vector<16xi32> to vector<16xf32>
            %parallel_loop3A_364 = vector.bitcast %parallel_loop3A_359 : vector<16xi32> to vector<16xf32>
            %parallel_loop3A_365 = arith.addf %parallel_loop3A_299, %parallel_loop3A_363 : vector<16xf32>
            %parallel_loop3A_366 = arith.addf %parallel_loop3A_307, %parallel_loop3A_364 : vector<16xf32>
            %parallel_loop3A_367 = arith.index_cast %parallel_loop3A_311 : i32 to index
            %parallel_loop3A_368 = arith.constant 80 : index
            %parallel_loop3A_369 = tpu.vector_load %arg11[%parallel_loop3A_367, %parallel_loop3A_368] {strides = array<i32>} : memref<128x128xf32, #tpu.memory_space<vmem>>, vector<16xf32>,
            %parallel_loop3A_370 = vector.bitcast %parallel_loop3A_369 : vector<16xf32> to vector<16xi32>
            %parallel_loop3A_371 = arith.constant 16 : i32
            %parallel_loop3A_372 = vector.broadcast %parallel_loop3A_371 : i32 to vector<16xi32>
            %parallel_loop3A_373 = arith.shli %parallel_loop3A_370, %parallel_loop3A_372 : vector<16xi32>
            %parallel_loop3A_374 = vector.bitcast %parallel_loop3A_373 : vector<16xi32> to vector<16xf32>
            %parallel_loop3A_375 = vector.bitcast %parallel_loop3A_370 : vector<16xi32> to vector<16xf32>
            %parallel_loop3A_376 = arith.addf %parallel_loop3A_300, %parallel_loop3A_374 : vector<16xf32>
            %parallel_loop3A_377 = arith.addf %parallel_loop3A_308, %parallel_loop3A_375 : vector<16xf32>
            %parallel_loop3A_378 = arith.index_cast %parallel_loop3A_311 : i32 to index
            %parallel_loop3A_379 = arith.constant 96 : index
            %parallel_loop3A_380 = tpu.vector_load %arg11[%parallel_loop3A_378, %parallel_loop3A_379] {strides = array<i32>} : memref<128x128xf32, #tpu.memory_space<vmem>>, vector<16xf32>,
            %parallel_loop3A_381 = vector.bitcast %parallel_loop3A_380 : vector<16xf32> to vector<16xi32>
            %parallel_loop3A_382 = arith.constant 16 : i32
            %parallel_loop3A_383 = vector.broadcast %parallel_loop3A_382 : i32 to vector<16xi32>
            %parallel_loop3A_384 = arith.shli %parallel_loop3A_381, %parallel_loop3A_383 : vector<16xi32>
            %parallel_loop3A_385 = vector.bitcast %parallel_loop3A_384 : vector<16xi32> to vector<16xf32>
            %parallel_loop3A_386 = vector.bitcast %parallel_loop3A_381 : vector<16xi32> to vector<16xf32>
            %parallel_loop3A_387 = arith.addf %parallel_loop3A_301, %parallel_loop3A_385 : vector<16xf32>
            %parallel_loop3A_388 = arith.addf %parallel_loop3A_309, %parallel_loop3A_386 : vector<16xf32>
            %parallel_loop3A_389 = arith.index_cast %parallel_loop3A_311 : i32 to index
            %parallel_loop3A_390 = arith.constant 112 : index
            %parallel_loop3A_391 = tpu.vector_load %arg11[%parallel_loop3A_389, %parallel_loop3A_390] {strides = array<i32>} : memref<128x128xf32, #tpu.memory_space<vmem>>, vector<16xf32>,
            %parallel_loop3A_392 = vector.bitcast %parallel_loop3A_391 : vector<16xf32> to vector<16xi32>
            %parallel_loop3A_393 = arith.constant 16 : i32
            %parallel_loop3A_394 = vector.broadcast %parallel_loop3A_393 : i32 to vector<16xi32>
            %parallel_loop3A_395 = arith.shli %parallel_loop3A_392, %parallel_loop3A_394 : vector<16xi32>
            %parallel_loop3A_396 = vector.bitcast %parallel_loop3A_395 : vector<16xi32> to vector<16xf32>
            %parallel_loop3A_397 = vector.bitcast %parallel_loop3A_392 : vector<16xi32> to vector<16xf32>
            %parallel_loop3A_398 = arith.addf %parallel_loop3A_302, %parallel_loop3A_396 : vector<16xf32>
            %parallel_loop3A_399 = arith.addf %parallel_loop3A_310, %parallel_loop3A_397 : vector<16xf32>
            scf.yield %parallel_loop3A_321, %parallel_loop3A_332, %parallel_loop3A_343, %parallel_loop3A_354, %parallel_loop3A_365, %parallel_loop3A_376, %parallel_loop3A_387, %parallel_loop3A_398, %parallel_loop3A_322, %parallel_loop3A_333, %parallel_loop3A_344, %parallel_loop3A_355, %parallel_loop3A_366, %parallel_loop3A_377, %parallel_loop3A_388, %parallel_loop3A_399 : vector<16xf32>, vector<16xf32>, vector<16xf32>, vector<16xf32>, vector<16xf32>, vector<16xf32>, vector<16xf32>, vector<16xf32>, vector<16xf32>, vector<16xf32>, vector<16xf32>, vector<16xf32>, vector<16xf32>, vector<16xf32>, vector<16xf32>, vector<16xf32>
          } {sc.loop_unroll_factor = 4 : i64, sc.parallel_access}
          %sub3A_246 = arith.subi %while3A_209#0, %mul3A_14 : i32
          %swap3A = arith.index_cast %sub3A_246 : i32 to index
          %swap3A_247 = arith.constant 0 : index
          %swap3A_248 = tpu.vector_load %arg13[%swap3A, %swap3A_247] {strides = array<i32>} : memref<256x256xf32, #tpu.memory_space<vmem>>, vector<16xf32>,
          tpu.vector_store %arg13[%swap3A, %swap3A_247], %parallel_loop3A_245#0 {add = true, strides = array<i32>} : memref<256x256xf32, #tpu.memory_space<vmem>>, vector<16xf32>,
          %swap3A_249 = arith.index_cast %sub3A_246 : i32 to index
          %swap3A_250 = arith.constant 16 : index
          %swap3A_251 = tpu.vector_load %arg13[%swap3A_249, %swap3A_250] {strides = array<i32>} : memref<256x256xf32, #tpu.memory_space<vmem>>, vector<16xf32>,
          tpu.vector_store %arg13[%swap3A_249, %swap3A_250], %parallel_loop3A_245#1 {add = true, strides = array<i32>} : memref<256x256xf32, #tpu.memory_space<vmem>>, vector<16xf32>,
          %swap3A_252 = arith.index_cast %sub3A_246 : i32 to index
          %swap3A_253 = arith.constant 32 : index
          %swap3A_254 = tpu.vector_load %arg13[%swap3A_252, %swap3A_253] {strides = array<i32>} : memref<256x256xf32, #tpu.memory_space<vmem>>, vector<16xf32>,
          tpu.vector_store %arg13[%swap3A_252, %swap3A_253], %parallel_loop3A_245#2 {add = true, strides = array<i32>} : memref<256x256xf32, #tpu.memory_space<vmem>>, vector<16xf32>,
          %swap3A_255 = arith.index_cast %sub3A_246 : i32 to index
          %swap3A_256 = arith.constant 48 : index
          %swap3A_257 = tpu.vector_load %arg13[%swap3A_255, %swap3A_256] {strides = array<i32>} : memref<256x256xf32, #tpu.memory_space<vmem>>, vector<16xf32>,
          tpu.vector_store %arg13[%swap3A_255, %swap3A_256], %parallel_loop3A_245#3 {add = true, strides = array<i32>} : memref<256x256xf32, #tpu.memory_space<vmem>>, vector<16xf32>,
          %swap3A_258 = arith.index_cast %sub3A_246 : i32 to index
          %swap3A_259 = arith.constant 64 : index
          %swap3A_260 = tpu.vector_load %arg13[%swap3A_258, %swap3A_259] {strides = array<i32>} : memref<256x256xf32, #tpu.memory_space<vmem>>, vector<16xf32>,
          tpu.vector_store %arg13[%swap3A_258, %swap3A_259], %parallel_loop3A_245#4 {add = true, strides = array<i32>} : memref<256x256xf32, #tpu.memory_space<vmem>>, vector<16xf32>,
          %swap3A_261 = arith.index_cast %sub3A_246 : i32 to index
          %swap3A_262 = arith.constant 80 : index
          %swap3A_263 = tpu.vector_load %arg13[%swap3A_261, %swap3A_262] {strides = array<i32>} : memref<256x256xf32, #tpu.memory_space<vmem>>, vector<16xf32>,
          tpu.vector_store %arg13[%swap3A_261, %swap3A_262], %parallel_loop3A_245#5 {add = true, strides = array<i32>} : memref<256x256xf32, #tpu.memory_space<vmem>>, vector<16xf32>,
          %swap3A_264 = arith.index_cast %sub3A_246 : i32 to index
          %swap3A_265 = arith.constant 96 : index
          %swap3A_266 = tpu.vector_load %arg13[%swap3A_264, %swap3A_265] {strides = array<i32>} : memref<256x256xf32, #tpu.memory_space<vmem>>, vector<16xf32>,
          tpu.vector_store %arg13[%swap3A_264, %swap3A_265], %parallel_loop3A_245#6 {add = true, strides = array<i32>} : memref<256x256xf32, #tpu.memory_space<vmem>>, vector<16xf32>,
          %swap3A_267 = arith.index_cast %sub3A_246 : i32 to index
          %swap3A_268 = arith.constant 112 : index
          %swap3A_269 = tpu.vector_load %arg13[%swap3A_267, %swap3A_268] {strides = array<i32>} : memref<256x256xf32, #tpu.memory_space<vmem>>, vector<16xf32>,
          tpu.vector_store %arg13[%swap3A_267, %swap3A_268], %parallel_loop3A_245#7 {add = true, strides = array<i32>} : memref<256x256xf32, #tpu.memory_space<vmem>>, vector<16xf32>,
          %swap3A_270 = arith.index_cast %sub3A_246 : i32 to index
          %swap3A_271 = arith.constant 128 : index
          %swap3A_272 = tpu.vector_load %arg13[%swap3A_270, %swap3A_271] {strides = array<i32>} : memref<256x256xf32, #tpu.memory_space<vmem>>, vector<16xf32>,
          tpu.vector_store %arg13[%swap3A_270, %swap3A_271], %parallel_loop3A_245#8 {add = true, strides = array<i32>} : memref<256x256xf32, #tpu.memory_space<vmem>>, vector<16xf32>,
          %swap3A_273 = arith.index_cast %sub3A_246 : i32 to index
          %swap3A_274 = arith.constant 144 : index
          %swap3A_275 = tpu.vector_load %arg13[%swap3A_273, %swap3A_274] {strides = array<i32>} : memref<256x256xf32, #tpu.memory_space<vmem>>, vector<16xf32>,
          tpu.vector_store %arg13[%swap3A_273, %swap3A_274], %parallel_loop3A_245#9 {add = true, strides = array<i32>} : memref<256x256xf32, #tpu.memory_space<vmem>>, vector<16xf32>,
          %swap3A_276 = arith.index_cast %sub3A_246 : i32 to index
          %swap3A_277 = arith.constant 160 : index
          %swap3A_278 = tpu.vector_load %arg13[%swap3A_276, %swap3A_277] {strides = array<i32>} : memref<256x256xf32, #tpu.memory_space<vmem>>, vector<16xf32>,
          tpu.vector_store %arg13[%swap3A_276, %swap3A_277], %parallel_loop3A_245#10 {add = true, strides = array<i32>} : memref<256x256xf32, #tpu.memory_space<vmem>>, vector<16xf32>,
          %swap3A_279 = arith.index_cast %sub3A_246 : i32 to index
          %swap3A_280 = arith.constant 176 : index
          %swap3A_281 = tpu.vector_load %arg13[%swap3A_279, %swap3A_280] {strides = array<i32>} : memref<256x256xf32, #tpu.memory_space<vmem>>, vector<16xf32>,
          tpu.vector_store %arg13[%swap3A_279, %swap3A_280], %parallel_loop3A_245#11 {add = true, strides = array<i32>} : memref<256x256xf32, #tpu.memory_space<vmem>>, vector<16xf32>,
          %swap3A_282 = arith.index_cast %sub3A_246 : i32 to index
          %swap3A_283 = arith.constant 192 : index
          %swap3A_284 = tpu.vector_load %arg13[%swap3A_282, %swap3A_283] {strides = array<i32>} : memref<256x256xf32, #tpu.memory_space<vmem>>, vector<16xf32>,
          tpu.vector_store %arg13[%swap3A_282, %swap3A_283], %parallel_loop3A_245#12 {add = true, strides = array<i32>} : memref<256x256xf32, #tpu.memory_space<vmem>>, vector<16xf32>,
          %swap3A_285 = arith.index_cast %sub3A_246 : i32 to index
          %swap3A_286 = arith.constant 208 : index
          %swap3A_287 = tpu.vector_load %arg13[%swap3A_285, %swap3A_286] {strides = array<i32>} : memref<256x256xf32, #tpu.memory_space<vmem>>, vector<16xf32>,
          tpu.vector_store %arg13[%swap3A_285, %swap3A_286], %parallel_loop3A_245#13 {add = true, strides = array<i32>} : memref<256x256xf32, #tpu.memory_space<vmem>>, vector<16xf32>,
          %swap3A_288 = arith.index_cast %sub3A_246 : i32 to index
          %swap3A_289 = arith.constant 224 : index
          %swap3A_290 = tpu.vector_load %arg13[%swap3A_288, %swap3A_289] {strides = array<i32>} : memref<256x256xf32, #tpu.memory_space<vmem>>, vector<16xf32>,
          tpu.vector_store %arg13[%swap3A_288, %swap3A_289], %parallel_loop3A_245#14 {add = true, strides = array<i32>} : memref<256x256xf32, #tpu.memory_space<vmem>>, vector<16xf32>,
          %swap3A_291 = arith.index_cast %sub3A_246 : i32 to index
          %swap3A_292 = arith.constant 240 : index
          %swap3A_293 = tpu.vector_load %arg13[%swap3A_291, %swap3A_292] {strides = array<i32>} : memref<256x256xf32, #tpu.memory_space<vmem>>, vector<16xf32>,
          tpu.vector_store %arg13[%swap3A_291, %swap3A_292], %parallel_loop3A_245#15 {add = true, strides = array<i32>} : memref<256x256xf32, #tpu.memory_space<vmem>>, vector<16xf32>,
          scf.yield %while3A_209#0, %min3A_210 : i32, i32
        }
        %add3A_168 = arith.constant 1 : i32
        %add3A_169 = arith.addi %add3A_134, %add3A_168 : i32
        %mul3A_170 = arith.constant 128 : i32
        %mul3A_171 = arith.muli %add3A_169, %mul3A_170 : i32
        %add3A_172 = arith.addi %mul3A_38, %mul3A_171 : i32
        %min3A_173 = arith.constant 204672 : i32
        %min3A_174 = arith.minsi %add3A_172, %min3A_173 : i32
        %dma_wait3A_175 = tpu.memref_slice %arg2[%min3A_174] : memref<204800xi32, #tpu.memory_space<hbm>> -> memref<128xi32, #tpu.memory_space<hbm>>
        %dma_wait3A_176 = tpu.memref_slice %arg2[%min3A_174] : memref<204800xi32, #tpu.memory_space<hbm>> -> memref<128xi32, #tpu.memory_space<hbm>>
        tpu.wait_dma2 semaphore(%arg16 : memref<!tpu.dma_semaphore, #tpu.memory_space<semaphore_mem>>) src(%dma_wait3A_176 : memref<128xi32, #tpu.memory_space<hbm>>) dst(%arg9 : memref<128xi32, #tpu.memory_space<vmem>>)
        %dma_start3A_177 = arith.constant 0 : i32
        %dma_start3A_178 = arith.constant 0 : i32
        %dma_start3A_179 = tpu.memref_slice %arg4[%dma_start3A_177, %dma_start3A_178] : memref<100000x128xf32, #tpu.memory_space<hbm>> -> memref<100000x128xf32, #tpu.memory_space<hbm>>
        tpu.enqueue_indirect_dma source(%dma_start3A_179 : memref<100000x128xf32, #tpu.memory_space<hbm>>) target(%arg11 : memref<128x128xf32, #tpu.memory_space<vmem>>) offsets(%arg9 : memref<128xi32, #tpu.memory_space<vmem>>) semaphore(%arg14 : memref<!tpu.dma_semaphore, #tpu.memory_space<semaphore_mem>>)
        %dma_wait3A_180 = arith.constant 0 : i32
        %dma_wait3A_181 = arith.constant 0 : i32
        %dma_wait3A_182 = tpu.memref_slice %arg4[%dma_wait3A_180, %dma_wait3A_181] : memref<100000x128xf32, #tpu.memory_space<hbm>> -> memref<100000x128xf32, #tpu.memory_space<hbm>>
        tpu.wait_indirect_dma semaphore(%arg15 : memref<!tpu.dma_semaphore, #tpu.memory_space<semaphore_mem>>) src(%dma_wait3A_182 : memref<100000x128xf32, #tpu.memory_space<hbm>>) dst(%arg12 : memref<128x128xf32, #tpu.memory_space<vmem>>)
        %add3A_183 = arith.constant 2 : i32
        %add3A_184 = arith.addi %add3A_134, %add3A_183 : i32
        %mul3A_185 = arith.constant 128 : i32
        %mul3A_186 = arith.muli %add3A_184, %mul3A_185 : i32
        %add3A_187 = arith.addi %mul3A_38, %mul3A_186 : i32
        %min3A_188 = arith.constant 204672 : i32
        %min3A_189 = arith.minsi %add3A_187, %min3A_188 : i32
        %dma_start3A_190 = tpu.memref_slice %arg2[%min3A_189] : memref<204800xi32, #tpu.memory_space<hbm>> -> memref<128xi32, #tpu.memory_space<hbm>>
        %dma_start3A_191 = tpu.memref_slice %arg2[%min3A_189] : memref<204800xi32, #tpu.memory_space<hbm>> -> memref<128xi32, #tpu.memory_space<hbm>>
        tpu.enqueue_dma source(%dma_start3A_191 : memref<128xi32, #tpu.memory_space<hbm>>) target(%arg10 : memref<128xi32, #tpu.memory_space<vmem>>) target_semaphore(%arg17 : memref<!tpu.dma_semaphore, #tpu.memory_space<semaphore_mem>>)
        %mul3A_192 = arith.constant 128 : i32
        %mul3A_193 = arith.muli %add3A_134, %mul3A_192 : i32
        %add3A_194 = arith.addi %mul3A_38, %mul3A_193 : i32
        %min3A_195 = arith.constant 204672 : i32
        %min3A_196 = arith.minsi %add3A_194, %min3A_195 : i32
        %add3A_197 = arith.constant 128 : i32
        %add3A_198 = arith.addi %min3A_196, %add3A_197 : i32
        %min3A_199 = arith.minsi %squeeze3A_20, %add3A_198 : i32
        %while3A_200:2 = scf.while (%while3A_201 = %while3A_167#0, %while3A_202 = %while3A_167#1) : (i32, i32) -> (i32, i32) {
          %lt3A = arith.cmpi slt, %while3A_202, %min3A_199 : i32
          scf.condition(%lt3A) %while3A_201, %while3A_202 : i32, i32
        } do {
        ^bb0(%while3A_201: i32, %while3A_202: i32):
          %add3A_203 = arith.constant 1 : i32
          %add3A_204 = arith.addi %while3A_201, %add3A_203 : i32
          %get3A_205 = arith.index_cast %add3A_204 : i32 to index
          %get3A_206 = tpu.vector_load %arg8[%get3A_205] {strides = array<i32>} : memref<4224xi32, #tpu.memory_space<vmem>>, vector<16xi32>,
          %slice3A_207 = vector.extract_strided_slice %get3A_206 {offsets = [0], sizes = [1], strides = [1]} : vector<16xi32> to vector<1xi32>
          %squeeze3A_208 = vector.extract %slice3A_207[0] : i32 from vector<1xi32>
          %while3A_209:2 = scf.while (%while3A_294 = %while3A_201, %while3A_295 = %squeeze3A_208) : (i32, i32) -> (i32, i32) {
            %le3A = arith.cmpi sle, %while3A_295, %while3A_202 : i32
            scf.condition(%le3A) %while3A_294, %while3A_295 : i32, i32
          } do {
          ^bb0(%while3A_294: i32, %while3A_295: i32):
            %add3A_296 = arith.constant 1 : i32
            %add3A_297 = arith.addi %while3A_294, %add3A_296 : i32
            %add3A_298 = arith.constant 1 : i32
            %add3A_299 = arith.addi %add3A_297, %add3A_298 : i32
            %get3A_300 = arith.index_cast %add3A_299 : i32 to index
            %get3A_301 = tpu.vector_load %arg8[%get3A_300] {strides = array<i32>} : memref<4224xi32, #tpu.memory_space<vmem>>, vector<16xi32>,
            %slice3A_302 = vector.extract_strided_slice %get3A_301 {offsets = [0], sizes = [1], strides = [1]} : vector<16xi32> to vector<1xi32>
            %squeeze3A_303 = vector.extract %slice3A_302[0] : i32 from vector<1xi32>
            scf.yield %add3A_297, %squeeze3A_303 : i32, i32
          }
          %min3A_210 = arith.minsi %while3A_209#1, %min3A_199 : i32
          %sub3A_211 = arith.subi %while3A_202, %min3A_196 : i32
          %sub3A_212 = arith.subi %min3A_210, %while3A_202 : i32
          %broadcast_in_dim3A = arith.constant 0.000000e+00 : f32
          %broadcast_in_dim3A_213 = vector.broadcast %broadcast_in_dim3A : f32 to vector<16xf32>
          %broadcast_in_dim3A_214 = arith.constant 0.000000e+00 : f32
          %broadcast_in_dim3A_215 = vector.broadcast %broadcast_in_dim3A_214 : f32 to vector<16xf32>
          %broadcast_in_dim3A_216 = arith.constant 0.000000e+00 : f32
          %broadcast_in_dim3A_217 = vector.broadcast %broadcast_in_dim3A_216 : f32 to vector<16xf32>
          %broadcast_in_dim3A_218 = arith.constant 0.000000e+00 : f32
          %broadcast_in_dim3A_219 = vector.broadcast %broadcast_in_dim3A_218 : f32 to vector<16xf32>
          %broadcast_in_dim3A_220 = arith.constant 0.000000e+00 : f32
          %broadcast_in_dim3A_221 = vector.broadcast %broadcast_in_dim3A_220 : f32 to vector<16xf32>
          %broadcast_in_dim3A_222 = arith.constant 0.000000e+00 : f32
          %broadcast_in_dim3A_223 = vector.broadcast %broadcast_in_dim3A_222 : f32 to vector<16xf32>
          %broadcast_in_dim3A_224 = arith.constant 0.000000e+00 : f32
          %broadcast_in_dim3A_225 = vector.broadcast %broadcast_in_dim3A_224 : f32 to vector<16xf32>
          %broadcast_in_dim3A_226 = arith.constant 0.000000e+00 : f32
          %broadcast_in_dim3A_227 = vector.broadcast %broadcast_in_dim3A_226 : f32 to vector<16xf32>
          %broadcast_in_dim3A_228 = arith.constant 0.000000e+00 : f32
          %broadcast_in_dim3A_229 = vector.broadcast %broadcast_in_dim3A_228 : f32 to vector<16xf32>
          %broadcast_in_dim3A_230 = arith.constant 0.000000e+00 : f32
          %broadcast_in_dim3A_231 = vector.broadcast %broadcast_in_dim3A_230 : f32 to vector<16xf32>
          %broadcast_in_dim3A_232 = arith.constant 0.000000e+00 : f32
          %broadcast_in_dim3A_233 = vector.broadcast %broadcast_in_dim3A_232 : f32 to vector<16xf32>
          %broadcast_in_dim3A_234 = arith.constant 0.000000e+00 : f32
          %broadcast_in_dim3A_235 = vector.broadcast %broadcast_in_dim3A_234 : f32 to vector<16xf32>
          %broadcast_in_dim3A_236 = arith.constant 0.000000e+00 : f32
          %broadcast_in_dim3A_237 = vector.broadcast %broadcast_in_dim3A_236 : f32 to vector<16xf32>
          %broadcast_in_dim3A_238 = arith.constant 0.000000e+00 : f32
          %broadcast_in_dim3A_239 = vector.broadcast %broadcast_in_dim3A_238 : f32 to vector<16xf32>
          %broadcast_in_dim3A_240 = arith.constant 0.000000e+00 : f32
          %broadcast_in_dim3A_241 = vector.broadcast %broadcast_in_dim3A_240 : f32 to vector<16xf32>
          %broadcast_in_dim3A_242 = arith.constant 0.000000e+00 : f32
          %broadcast_in_dim3A_243 = vector.broadcast %broadcast_in_dim3A_242 : f32 to vector<16xf32>
          %parallel_loop3A = arith.constant 0 : i32
          %parallel_loop3A_244 = arith.constant 1 : i32
          %parallel_loop3A_245:16 = scf.for %parallel_loop3A_294 = %parallel_loop3A to %sub3A_212 step %parallel_loop3A_244 iter_args(%parallel_loop3A_295 = %broadcast_in_dim3A_213, %parallel_loop3A_296 = %broadcast_in_dim3A_215, %parallel_loop3A_297 = %broadcast_in_dim3A_217, %parallel_loop3A_298 = %broadcast_in_dim3A_219, %parallel_loop3A_299 = %broadcast_in_dim3A_221, %parallel_loop3A_300 = %broadcast_in_dim3A_223, %parallel_loop3A_301 = %broadcast_in_dim3A_225, %parallel_loop3A_302 = %broadcast_in_dim3A_227, %parallel_loop3A_303 = %broadcast_in_dim3A_229, %parallel_loop3A_304 = %broadcast_in_dim3A_231, %parallel_loop3A_305 = %broadcast_in_dim3A_233, %parallel_loop3A_306 = %broadcast_in_dim3A_235, %parallel_loop3A_307 = %broadcast_in_dim3A_237, %parallel_loop3A_308 = %broadcast_in_dim3A_239, %parallel_loop3A_309 = %broadcast_in_dim3A_241, %parallel_loop3A_310 = %broadcast_in_dim3A_243) -> (vector<16xf32>, vector<16xf32>, vector<16xf32>, vector<16xf32>, vector<16xf32>, vector<16xf32>, vector<16xf32>, vector<16xf32>, vector<16xf32>, vector<16xf32>, vector<16xf32>, vector<16xf32>, vector<16xf32>, vector<16xf32>, vector<16xf32>, vector<16xf32>)  : i32 {
            %parallel_loop3A_311 = arith.addi %sub3A_211, %parallel_loop3A_294 : i32
            %parallel_loop3A_312 = arith.index_cast %parallel_loop3A_311 : i32 to index
            %parallel_loop3A_313 = arith.constant 0 : index
            %parallel_loop3A_314 = tpu.vector_load %arg12[%parallel_loop3A_312, %parallel_loop3A_313] {strides = array<i32>} : memref<128x128xf32, #tpu.memory_space<vmem>>, vector<16xf32>,
            %parallel_loop3A_315 = vector.bitcast %parallel_loop3A_314 : vector<16xf32> to vector<16xi32>
            %parallel_loop3A_316 = arith.constant 16 : i32
            %parallel_loop3A_317 = vector.broadcast %parallel_loop3A_316 : i32 to vector<16xi32>
            %parallel_loop3A_318 = arith.shli %parallel_loop3A_315, %parallel_loop3A_317 : vector<16xi32>
            %parallel_loop3A_319 = vector.bitcast %parallel_loop3A_318 : vector<16xi32> to vector<16xf32>
            %parallel_loop3A_320 = vector.bitcast %parallel_loop3A_315 : vector<16xi32> to vector<16xf32>
            %parallel_loop3A_321 = arith.addf %parallel_loop3A_295, %parallel_loop3A_319 : vector<16xf32>
            %parallel_loop3A_322 = arith.addf %parallel_loop3A_303, %parallel_loop3A_320 : vector<16xf32>
            %parallel_loop3A_323 = arith.index_cast %parallel_loop3A_311 : i32 to index
            %parallel_loop3A_324 = arith.constant 16 : index
            %parallel_loop3A_325 = tpu.vector_load %arg12[%parallel_loop3A_323, %parallel_loop3A_324] {strides = array<i32>} : memref<128x128xf32, #tpu.memory_space<vmem>>, vector<16xf32>,
            %parallel_loop3A_326 = vector.bitcast %parallel_loop3A_325 : vector<16xf32> to vector<16xi32>
            %parallel_loop3A_327 = arith.constant 16 : i32
            %parallel_loop3A_328 = vector.broadcast %parallel_loop3A_327 : i32 to vector<16xi32>
            %parallel_loop3A_329 = arith.shli %parallel_loop3A_326, %parallel_loop3A_328 : vector<16xi32>
            %parallel_loop3A_330 = vector.bitcast %parallel_loop3A_329 : vector<16xi32> to vector<16xf32>
            %parallel_loop3A_331 = vector.bitcast %parallel_loop3A_326 : vector<16xi32> to vector<16xf32>
            %parallel_loop3A_332 = arith.addf %parallel_loop3A_296, %parallel_loop3A_330 : vector<16xf32>
            %parallel_loop3A_333 = arith.addf %parallel_loop3A_304, %parallel_loop3A_331 : vector<16xf32>
            %parallel_loop3A_334 = arith.index_cast %parallel_loop3A_311 : i32 to index
            %parallel_loop3A_335 = arith.constant 32 : index
            %parallel_loop3A_336 = tpu.vector_load %arg12[%parallel_loop3A_334, %parallel_loop3A_335] {strides = array<i32>} : memref<128x128xf32, #tpu.memory_space<vmem>>, vector<16xf32>,
            %parallel_loop3A_337 = vector.bitcast %parallel_loop3A_336 : vector<16xf32> to vector<16xi32>
            %parallel_loop3A_338 = arith.constant 16 : i32
            %parallel_loop3A_339 = vector.broadcast %parallel_loop3A_338 : i32 to vector<16xi32>
            %parallel_loop3A_340 = arith.shli %parallel_loop3A_337, %parallel_loop3A_339 : vector<16xi32>
            %parallel_loop3A_341 = vector.bitcast %parallel_loop3A_340 : vector<16xi32> to vector<16xf32>
            %parallel_loop3A_342 = vector.bitcast %parallel_loop3A_337 : vector<16xi32> to vector<16xf32>
            %parallel_loop3A_343 = arith.addf %parallel_loop3A_297, %parallel_loop3A_341 : vector<16xf32>
            %parallel_loop3A_344 = arith.addf %parallel_loop3A_305, %parallel_loop3A_342 : vector<16xf32>
            %parallel_loop3A_345 = arith.index_cast %parallel_loop3A_311 : i32 to index
            %parallel_loop3A_346 = arith.constant 48 : index
            %parallel_loop3A_347 = tpu.vector_load %arg12[%parallel_loop3A_345, %parallel_loop3A_346] {strides = array<i32>} : memref<128x128xf32, #tpu.memory_space<vmem>>, vector<16xf32>,
            %parallel_loop3A_348 = vector.bitcast %parallel_loop3A_347 : vector<16xf32> to vector<16xi32>
            %parallel_loop3A_349 = arith.constant 16 : i32
            %parallel_loop3A_350 = vector.broadcast %parallel_loop3A_349 : i32 to vector<16xi32>
            %parallel_loop3A_351 = arith.shli %parallel_loop3A_348, %parallel_loop3A_350 : vector<16xi32>
            %parallel_loop3A_352 = vector.bitcast %parallel_loop3A_351 : vector<16xi32> to vector<16xf32>
            %parallel_loop3A_353 = vector.bitcast %parallel_loop3A_348 : vector<16xi32> to vector<16xf32>
            %parallel_loop3A_354 = arith.addf %parallel_loop3A_298, %parallel_loop3A_352 : vector<16xf32>
            %parallel_loop3A_355 = arith.addf %parallel_loop3A_306, %parallel_loop3A_353 : vector<16xf32>
            %parallel_loop3A_356 = arith.index_cast %parallel_loop3A_311 : i32 to index
            %parallel_loop3A_357 = arith.constant 64 : index
            %parallel_loop3A_358 = tpu.vector_load %arg12[%parallel_loop3A_356, %parallel_loop3A_357] {strides = array<i32>} : memref<128x128xf32, #tpu.memory_space<vmem>>, vector<16xf32>,
            %parallel_loop3A_359 = vector.bitcast %parallel_loop3A_358 : vector<16xf32> to vector<16xi32>
            %parallel_loop3A_360 = arith.constant 16 : i32
            %parallel_loop3A_361 = vector.broadcast %parallel_loop3A_360 : i32 to vector<16xi32>
            %parallel_loop3A_362 = arith.shli %parallel_loop3A_359, %parallel_loop3A_361 : vector<16xi32>
            %parallel_loop3A_363 = vector.bitcast %parallel_loop3A_362 : vector<16xi32> to vector<16xf32>
            %parallel_loop3A_364 = vector.bitcast %parallel_loop3A_359 : vector<16xi32> to vector<16xf32>
            %parallel_loop3A_365 = arith.addf %parallel_loop3A_299, %parallel_loop3A_363 : vector<16xf32>
            %parallel_loop3A_366 = arith.addf %parallel_loop3A_307, %parallel_loop3A_364 : vector<16xf32>
            %parallel_loop3A_367 = arith.index_cast %parallel_loop3A_311 : i32 to index
            %parallel_loop3A_368 = arith.constant 80 : index
            %parallel_loop3A_369 = tpu.vector_load %arg12[%parallel_loop3A_367, %parallel_loop3A_368] {strides = array<i32>} : memref<128x128xf32, #tpu.memory_space<vmem>>, vector<16xf32>,
            %parallel_loop3A_370 = vector.bitcast %parallel_loop3A_369 : vector<16xf32> to vector<16xi32>
            %parallel_loop3A_371 = arith.constant 16 : i32
            %parallel_loop3A_372 = vector.broadcast %parallel_loop3A_371 : i32 to vector<16xi32>
            %parallel_loop3A_373 = arith.shli %parallel_loop3A_370, %parallel_loop3A_372 : vector<16xi32>
            %parallel_loop3A_374 = vector.bitcast %parallel_loop3A_373 : vector<16xi32> to vector<16xf32>
            %parallel_loop3A_375 = vector.bitcast %parallel_loop3A_370 : vector<16xi32> to vector<16xf32>
            %parallel_loop3A_376 = arith.addf %parallel_loop3A_300, %parallel_loop3A_374 : vector<16xf32>
            %parallel_loop3A_377 = arith.addf %parallel_loop3A_308, %parallel_loop3A_375 : vector<16xf32>
            %parallel_loop3A_378 = arith.index_cast %parallel_loop3A_311 : i32 to index
            %parallel_loop3A_379 = arith.constant 96 : index
            %parallel_loop3A_380 = tpu.vector_load %arg12[%parallel_loop3A_378, %parallel_loop3A_379] {strides = array<i32>} : memref<128x128xf32, #tpu.memory_space<vmem>>, vector<16xf32>,
            %parallel_loop3A_381 = vector.bitcast %parallel_loop3A_380 : vector<16xf32> to vector<16xi32>
            %parallel_loop3A_382 = arith.constant 16 : i32
            %parallel_loop3A_383 = vector.broadcast %parallel_loop3A_382 : i32 to vector<16xi32>
            %parallel_loop3A_384 = arith.shli %parallel_loop3A_381, %parallel_loop3A_383 : vector<16xi32>
            %parallel_loop3A_385 = vector.bitcast %parallel_loop3A_384 : vector<16xi32> to vector<16xf32>
            %parallel_loop3A_386 = vector.bitcast %parallel_loop3A_381 : vector<16xi32> to vector<16xf32>
            %parallel_loop3A_387 = arith.addf %parallel_loop3A_301, %parallel_loop3A_385 : vector<16xf32>
            %parallel_loop3A_388 = arith.addf %parallel_loop3A_309, %parallel_loop3A_386 : vector<16xf32>
            %parallel_loop3A_389 = arith.index_cast %parallel_loop3A_311 : i32 to index
            %parallel_loop3A_390 = arith.constant 112 : index
            %parallel_loop3A_391 = tpu.vector_load %arg12[%parallel_loop3A_389, %parallel_loop3A_390] {strides = array<i32>} : memref<128x128xf32, #tpu.memory_space<vmem>>, vector<16xf32>,
            %parallel_loop3A_392 = vector.bitcast %parallel_loop3A_391 : vector<16xf32> to vector<16xi32>
            %parallel_loop3A_393 = arith.constant 16 : i32
            %parallel_loop3A_394 = vector.broadcast %parallel_loop3A_393 : i32 to vector<16xi32>
            %parallel_loop3A_395 = arith.shli %parallel_loop3A_392, %parallel_loop3A_394 : vector<16xi32>
            %parallel_loop3A_396 = vector.bitcast %parallel_loop3A_395 : vector<16xi32> to vector<16xf32>
            %parallel_loop3A_397 = vector.bitcast %parallel_loop3A_392 : vector<16xi32> to vector<16xf32>
            %parallel_loop3A_398 = arith.addf %parallel_loop3A_302, %parallel_loop3A_396 : vector<16xf32>
            %parallel_loop3A_399 = arith.addf %parallel_loop3A_310, %parallel_loop3A_397 : vector<16xf32>
            scf.yield %parallel_loop3A_321, %parallel_loop3A_332, %parallel_loop3A_343, %parallel_loop3A_354, %parallel_loop3A_365, %parallel_loop3A_376, %parallel_loop3A_387, %parallel_loop3A_398, %parallel_loop3A_322, %parallel_loop3A_333, %parallel_loop3A_344, %parallel_loop3A_355, %parallel_loop3A_366, %parallel_loop3A_377, %parallel_loop3A_388, %parallel_loop3A_399 : vector<16xf32>, vector<16xf32>, vector<16xf32>, vector<16xf32>, vector<16xf32>, vector<16xf32>, vector<16xf32>, vector<16xf32>, vector<16xf32>, vector<16xf32>, vector<16xf32>, vector<16xf32>, vector<16xf32>, vector<16xf32>, vector<16xf32>, vector<16xf32>
          } {sc.loop_unroll_factor = 4 : i64, sc.parallel_access}
          %sub3A_246 = arith.subi %while3A_209#0, %mul3A_14 : i32
          %swap3A = arith.index_cast %sub3A_246 : i32 to index
          %swap3A_247 = arith.constant 0 : index
          %swap3A_248 = tpu.vector_load %arg13[%swap3A, %swap3A_247] {strides = array<i32>} : memref<256x256xf32, #tpu.memory_space<vmem>>, vector<16xf32>,
          tpu.vector_store %arg13[%swap3A, %swap3A_247], %parallel_loop3A_245#0 {add = true, strides = array<i32>} : memref<256x256xf32, #tpu.memory_space<vmem>>, vector<16xf32>,
          %swap3A_249 = arith.index_cast %sub3A_246 : i32 to index
          %swap3A_250 = arith.constant 16 : index
          %swap3A_251 = tpu.vector_load %arg13[%swap3A_249, %swap3A_250] {strides = array<i32>} : memref<256x256xf32, #tpu.memory_space<vmem>>, vector<16xf32>,
          tpu.vector_store %arg13[%swap3A_249, %swap3A_250], %parallel_loop3A_245#1 {add = true, strides = array<i32>} : memref<256x256xf32, #tpu.memory_space<vmem>>, vector<16xf32>,
          %swap3A_252 = arith.index_cast %sub3A_246 : i32 to index
          %swap3A_253 = arith.constant 32 : index
          %swap3A_254 = tpu.vector_load %arg13[%swap3A_252, %swap3A_253] {strides = array<i32>} : memref<256x256xf32, #tpu.memory_space<vmem>>, vector<16xf32>,
          tpu.vector_store %arg13[%swap3A_252, %swap3A_253], %parallel_loop3A_245#2 {add = true, strides = array<i32>} : memref<256x256xf32, #tpu.memory_space<vmem>>, vector<16xf32>,
          %swap3A_255 = arith.index_cast %sub3A_246 : i32 to index
          %swap3A_256 = arith.constant 48 : index
          %swap3A_257 = tpu.vector_load %arg13[%swap3A_255, %swap3A_256] {strides = array<i32>} : memref<256x256xf32, #tpu.memory_space<vmem>>, vector<16xf32>,
          tpu.vector_store %arg13[%swap3A_255, %swap3A_256], %parallel_loop3A_245#3 {add = true, strides = array<i32>} : memref<256x256xf32, #tpu.memory_space<vmem>>, vector<16xf32>,
          %swap3A_258 = arith.index_cast %sub3A_246 : i32 to index
          %swap3A_259 = arith.constant 64 : index
          %swap3A_260 = tpu.vector_load %arg13[%swap3A_258, %swap3A_259] {strides = array<i32>} : memref<256x256xf32, #tpu.memory_space<vmem>>, vector<16xf32>,
          tpu.vector_store %arg13[%swap3A_258, %swap3A_259], %parallel_loop3A_245#4 {add = true, strides = array<i32>} : memref<256x256xf32, #tpu.memory_space<vmem>>, vector<16xf32>,
          %swap3A_261 = arith.index_cast %sub3A_246 : i32 to index
          %swap3A_262 = arith.constant 80 : index
          %swap3A_263 = tpu.vector_load %arg13[%swap3A_261, %swap3A_262] {strides = array<i32>} : memref<256x256xf32, #tpu.memory_space<vmem>>, vector<16xf32>,
          tpu.vector_store %arg13[%swap3A_261, %swap3A_262], %parallel_loop3A_245#5 {add = true, strides = array<i32>} : memref<256x256xf32, #tpu.memory_space<vmem>>, vector<16xf32>,
          %swap3A_264 = arith.index_cast %sub3A_246 : i32 to index
          %swap3A_265 = arith.constant 96 : index
          %swap3A_266 = tpu.vector_load %arg13[%swap3A_264, %swap3A_265] {strides = array<i32>} : memref<256x256xf32, #tpu.memory_space<vmem>>, vector<16xf32>,
          tpu.vector_store %arg13[%swap3A_264, %swap3A_265], %parallel_loop3A_245#6 {add = true, strides = array<i32>} : memref<256x256xf32, #tpu.memory_space<vmem>>, vector<16xf32>,
          %swap3A_267 = arith.index_cast %sub3A_246 : i32 to index
          %swap3A_268 = arith.constant 112 : index
          %swap3A_269 = tpu.vector_load %arg13[%swap3A_267, %swap3A_268] {strides = array<i32>} : memref<256x256xf32, #tpu.memory_space<vmem>>, vector<16xf32>,
          tpu.vector_store %arg13[%swap3A_267, %swap3A_268], %parallel_loop3A_245#7 {add = true, strides = array<i32>} : memref<256x256xf32, #tpu.memory_space<vmem>>, vector<16xf32>,
          %swap3A_270 = arith.index_cast %sub3A_246 : i32 to index
          %swap3A_271 = arith.constant 128 : index
          %swap3A_272 = tpu.vector_load %arg13[%swap3A_270, %swap3A_271] {strides = array<i32>} : memref<256x256xf32, #tpu.memory_space<vmem>>, vector<16xf32>,
          tpu.vector_store %arg13[%swap3A_270, %swap3A_271], %parallel_loop3A_245#8 {add = true, strides = array<i32>} : memref<256x256xf32, #tpu.memory_space<vmem>>, vector<16xf32>,
          %swap3A_273 = arith.index_cast %sub3A_246 : i32 to index
          %swap3A_274 = arith.constant 144 : index
          %swap3A_275 = tpu.vector_load %arg13[%swap3A_273, %swap3A_274] {strides = array<i32>} : memref<256x256xf32, #tpu.memory_space<vmem>>, vector<16xf32>,
          tpu.vector_store %arg13[%swap3A_273, %swap3A_274], %parallel_loop3A_245#9 {add = true, strides = array<i32>} : memref<256x256xf32, #tpu.memory_space<vmem>>, vector<16xf32>,
          %swap3A_276 = arith.index_cast %sub3A_246 : i32 to index
          %swap3A_277 = arith.constant 160 : index
          %swap3A_278 = tpu.vector_load %arg13[%swap3A_276, %swap3A_277] {strides = array<i32>} : memref<256x256xf32, #tpu.memory_space<vmem>>, vector<16xf32>,
          tpu.vector_store %arg13[%swap3A_276, %swap3A_277], %parallel_loop3A_245#10 {add = true, strides = array<i32>} : memref<256x256xf32, #tpu.memory_space<vmem>>, vector<16xf32>,
          %swap3A_279 = arith.index_cast %sub3A_246 : i32 to index
          %swap3A_280 = arith.constant 176 : index
          %swap3A_281 = tpu.vector_load %arg13[%swap3A_279, %swap3A_280] {strides = array<i32>} : memref<256x256xf32, #tpu.memory_space<vmem>>, vector<16xf32>,
          tpu.vector_store %arg13[%swap3A_279, %swap3A_280], %parallel_loop3A_245#11 {add = true, strides = array<i32>} : memref<256x256xf32, #tpu.memory_space<vmem>>, vector<16xf32>,
          %swap3A_282 = arith.index_cast %sub3A_246 : i32 to index
          %swap3A_283 = arith.constant 192 : index
          %swap3A_284 = tpu.vector_load %arg13[%swap3A_282, %swap3A_283] {strides = array<i32>} : memref<256x256xf32, #tpu.memory_space<vmem>>, vector<16xf32>,
          tpu.vector_store %arg13[%swap3A_282, %swap3A_283], %parallel_loop3A_245#12 {add = true, strides = array<i32>} : memref<256x256xf32, #tpu.memory_space<vmem>>, vector<16xf32>,
          %swap3A_285 = arith.index_cast %sub3A_246 : i32 to index
          %swap3A_286 = arith.constant 208 : index
          %swap3A_287 = tpu.vector_load %arg13[%swap3A_285, %swap3A_286] {strides = array<i32>} : memref<256x256xf32, #tpu.memory_space<vmem>>, vector<16xf32>,
          tpu.vector_store %arg13[%swap3A_285, %swap3A_286], %parallel_loop3A_245#13 {add = true, strides = array<i32>} : memref<256x256xf32, #tpu.memory_space<vmem>>, vector<16xf32>,
          %swap3A_288 = arith.index_cast %sub3A_246 : i32 to index
          %swap3A_289 = arith.constant 224 : index
          %swap3A_290 = tpu.vector_load %arg13[%swap3A_288, %swap3A_289] {strides = array<i32>} : memref<256x256xf32, #tpu.memory_space<vmem>>, vector<16xf32>,
          tpu.vector_store %arg13[%swap3A_288, %swap3A_289], %parallel_loop3A_245#14 {add = true, strides = array<i32>} : memref<256x256xf32, #tpu.memory_space<vmem>>, vector<16xf32>,
          %swap3A_291 = arith.index_cast %sub3A_246 : i32 to index
          %swap3A_292 = arith.constant 240 : index
          %swap3A_293 = tpu.vector_load %arg13[%swap3A_291, %swap3A_292] {strides = array<i32>} : memref<256x256xf32, #tpu.memory_space<vmem>>, vector<16xf32>,
          tpu.vector_store %arg13[%swap3A_291, %swap3A_292], %parallel_loop3A_245#15 {add = true, strides = array<i32>} : memref<256x256xf32, #tpu.memory_space<vmem>>, vector<16xf32>,
          scf.yield %while3A_209#0, %min3A_210 : i32, i32
        }
        scf.yield %while3A_200#0, %while3A_200#1 : i32, i32
      }
      %dma_wait3A = arith.constant 0 : i32
      %dma_wait3A_115 = arith.constant 0 : i32
      %dma_wait3A_116 = tpu.memref_slice %arg4[%dma_wait3A, %dma_wait3A_115] : memref<100000x128xf32, #tpu.memory_space<hbm>> -> memref<100000x128xf32, #tpu.memory_space<hbm>>
      tpu.wait_indirect_dma semaphore(%arg14 : memref<!tpu.dma_semaphore, #tpu.memory_space<semaphore_mem>>) src(%dma_wait3A_116 : memref<100000x128xf32, #tpu.memory_space<hbm>>) dst(%arg11 : memref<128x128xf32, #tpu.memory_space<vmem>>)
      %mul3A_117 = arith.constant 2 : i32
      %mul3A_118 = arith.muli %mul3A_117, %select_n3A_93 : i32
      %add3A_119 = arith.constant 1 : i32
      %add3A_120 = arith.addi %mul3A_118, %add3A_119 : i32
      %mul3A_121 = arith.constant 128 : i32
      %mul3A_122 = arith.muli %add3A_120, %mul3A_121 : i32
      %add3A_123 = arith.addi %mul3A_38, %mul3A_122 : i32
      %min3A_124 = arith.constant 204672 : i32
      %min3A_125 = arith.minsi %add3A_123, %min3A_124 : i32
      %dma_wait3A_126 = tpu.memref_slice %arg2[%min3A_125] : memref<204800xi32, #tpu.memory_space<hbm>> -> memref<128xi32, #tpu.memory_space<hbm>>
      %dma_wait3A_127 = tpu.memref_slice %arg2[%min3A_125] : memref<204800xi32, #tpu.memory_space<hbm>> -> memref<128xi32, #tpu.memory_space<hbm>>
      tpu.wait_dma2 semaphore(%arg17 : memref<!tpu.dma_semaphore, #tpu.memory_space<semaphore_mem>>) src(%dma_wait3A_127 : memref<128xi32, #tpu.memory_space<hbm>>) dst(%arg10 : memref<128xi32, #tpu.memory_space<vmem>>)
      "tpu.region"() ({
        %run_scoped3A = tpu.sem_alloc : memref<!tpu.dma_semaphore, #tpu.memory_space<semaphore_mem>>
        %dma_start3A_128 = arith.constant 0 : i32
        %dma_start3A_129 = tpu.memref_slice %arg6[%mul3A_0, %dma_start3A_128] : memref<4096x256xf32, #tpu.memory_space<hbm>> -> memref<256x256xf32, #tpu.memory_space<hbm>>
        %dma_start3A_130 = arith.constant 0 : i32
        %dma_start3A_131 = tpu.memref_slice %arg6[%mul3A_0, %dma_start3A_130] : memref<4096x256xf32, #tpu.memory_space<hbm>> -> memref<256x256xf32, #tpu.memory_space<hbm>>
        tpu.enqueue_dma source(%arg13 : memref<256x256xf32, #tpu.memory_space<vmem>>) target(%dma_start3A_131 : memref<256x256xf32, #tpu.memory_space<hbm>>) target_semaphore(%run_scoped3A : memref<!tpu.dma_semaphore, #tpu.memory_space<semaphore_mem>>)
        %dma_wait3A_132 = arith.constant 0 : i32
        %dma_wait3A_133 = tpu.memref_slice %arg6[%mul3A_0, %dma_wait3A_132] : memref<4096x256xf32, #tpu.memory_space<hbm>> -> memref<256x256xf32, #tpu.memory_space<hbm>>
        %dma_wait3A_134 = arith.constant 0 : i32
        %dma_wait3A_135 = tpu.memref_slice %arg6[%mul3A_0, %dma_wait3A_134] : memref<4096x256xf32, #tpu.memory_space<hbm>> -> memref<256x256xf32, #tpu.memory_space<hbm>>
        tpu.wait_dma2 semaphore(%run_scoped3A : memref<!tpu.dma_semaphore, #tpu.memory_space<semaphore_mem>>) src(%arg13 : memref<256x256xf32, #tpu.memory_space<vmem>>) dst(%dma_wait3A_135 : memref<256x256xf32, #tpu.memory_space<hbm>>)
        tpu.yield
      }) : () -> ()
    } else {
    }
    %eq3A_8 = arith.constant 1 : i32
    %eq3A_9 = arith.cmpi eq, %arg0, %eq3A_8 : i32
    %convert_element_type3A_10 = arith.extui %eq3A_9 : i1 to i32
    %cond3A_11 = arith.constant 0 : i32
    %cond3A_12 = arith.cmpi ne, %convert_element_type3A_10, %cond3A_11 : i32
    scf.if %cond3A_12 {
      %mul3A_13 = arith.constant 256 : i32
      %mul3A_14 = arith.muli %arg1, %mul3A_13 : i32
      %get3A = arith.index_cast %mul3A_14 : i32 to index
      %get3A_15 = tpu.vector_load %arg8[%get3A] {strides = array<i32>} : memref<4224xi32, #tpu.memory_space<vmem>>, vector<16xi32>,
      %slice3A = vector.extract_strided_slice %get3A_15 {offsets = [0], sizes = [1], strides = [1]} : vector<16xi32> to vector<1xi32>
      %squeeze3A = vector.extract %slice3A[0] : i32 from vector<1xi32>
      %add3A = arith.constant 256 : i32
      %add3A_16 = arith.addi %mul3A_14, %add3A : i32
      %get3A_17 = arith.index_cast %add3A_16 : i32 to index
      %get3A_18 = tpu.vector_load %arg8[%get3A_17] {strides = array<i32>} : memref<4224xi32, #tpu.memory_space<vmem>>, vector<16xi32>,
      %slice3A_19 = vector.extract_strided_slice %get3A_18 {offsets = [0], sizes = [1], strides = [1]} : vector<16xi32> to vector<1xi32>
      %squeeze3A_20 = vector.extract %slice3A_19[0] : i32 from vector<1xi32>
      %jit3A = arith.constant 8 : i32
      %div3A = arith.divsi %squeeze3A, %jit3A : i32
      %sign3A = arith.constant 0 : i32
      %sign3A_21 = arith.cmpi sgt, %squeeze3A, %sign3A : i32
      %sign3A_22 = arith.extui %sign3A_21 : i1 to i32
      %sign3A_23 = arith.constant 0 : i32
      %sign3A_24 = arith.cmpi slt, %squeeze3A, %sign3A_23 : i32
      %sign3A_25 = arith.extui %sign3A_24 : i1 to i32
      %sign3A_26 = arith.subi %sign3A_22, %sign3A_25 : i32
      %sign3A_27 = arith.constant 0 : i32
      %sign3A_28 = arith.cmpi sgt, %jit3A, %sign3A_27 : i32
      %sign3A_29 = arith.extui %sign3A_28 : i1 to i32
      %sign3A_30 = arith.constant 0 : i32
      %sign3A_31 = arith.cmpi slt, %jit3A, %sign3A_30 : i32
      %sign3A_32 = arith.extui %sign3A_31 : i1 to i32
      %sign3A_33 = arith.subi %sign3A_29, %sign3A_32 : i32
      %ne3A = arith.cmpi ne, %sign3A_26, %sign3A_33 : i32
      %rem3A = arith.remsi %squeeze3A, %jit3A : i32
      %ne3A_34 = arith.constant 0 : i32
      %ne3A_35 = arith.cmpi ne, %rem3A, %ne3A_34 : i32
      %and3A = arith.andi %ne3A, %ne3A_35 : i1
      %sub3A = arith.constant 1 : i32
      %sub3A_36 = arith.subi %div3A, %sub3A : i32
      %select_n3A = arith.select %and3A, %sub3A_36, %div3A : i32
      %mul3A_37 = arith.constant 8 : i32
      %mul3A_38 = arith.muli %select_n3A, %mul3A_37 : i32
      %sub3A_39 = arith.subi %squeeze3A_20, %mul3A_38 : i32
      %add3A_40 = arith.constant 128 : i32
      %add3A_41 = arith.addi %sub3A_39, %add3A_40 : i32
      %sub3A_42 = arith.constant 1 : i32
      %sub3A_43 = arith.subi %add3A_41, %sub3A_42 : i32
      %jit3A_44 = arith.constant 128 : i32
      %div3A_45 = arith.divsi %sub3A_43, %jit3A_44 : i32
      %sign3A_46 = arith.constant 0 : i32
      %sign3A_47 = arith.cmpi sgt, %sub3A_43, %sign3A_46 : i32
      %sign3A_48 = arith.extui %sign3A_47 : i1 to i32
      %sign3A_49 = arith.constant 0 : i32
      %sign3A_50 = arith.cmpi slt, %sub3A_43, %sign3A_49 : i32
      %sign3A_51 = arith.extui %sign3A_50 : i1 to i32
      %sign3A_52 = arith.subi %sign3A_48, %sign3A_51 : i32
      %sign3A_53 = arith.constant 0 : i32
      %sign3A_54 = arith.cmpi sgt, %jit3A_44, %sign3A_53 : i32
      %sign3A_55 = arith.extui %sign3A_54 : i1 to i32
      %sign3A_56 = arith.constant 0 : i32
      %sign3A_57 = arith.cmpi slt, %jit3A_44, %sign3A_56 : i32
      %sign3A_58 = arith.extui %sign3A_57 : i1 to i32
      %sign3A_59 = arith.subi %sign3A_55, %sign3A_58 : i32
      %ne3A_60 = arith.cmpi ne, %sign3A_52, %sign3A_59 : i32
      %rem3A_61 = arith.remsi %sub3A_43, %jit3A_44 : i32
      %ne3A_62 = arith.constant 0 : i32
      %ne3A_63 = arith.cmpi ne, %rem3A_61, %ne3A_62 : i32
      %and3A_64 = arith.andi %ne3A_60, %ne3A_63 : i1
      %sub3A_65 = arith.constant 1 : i32
      %sub3A_66 = arith.subi %div3A_45, %sub3A_65 : i32
      %select_n3A_67 = arith.select %and3A_64, %sub3A_66, %div3A_45 : i32
      %add3A_68 = arith.constant 1 : i32
      %add3A_69 = arith.addi %select_n3A_67, %add3A_68 : i32
      %jit3A_70 = arith.constant 2 : i32
      %div3A_71 = arith.divsi %add3A_69, %jit3A_70 : i32
      %sign3A_72 = arith.constant 0 : i32
      %sign3A_73 = arith.cmpi sgt, %add3A_69, %sign3A_72 : i32
      %sign3A_74 = arith.extui %sign3A_73 : i1 to i32
      %sign3A_75 = arith.constant 0 : i32
      %sign3A_76 = arith.cmpi slt, %add3A_69, %sign3A_75 : i32
      %sign3A_77 = arith.extui %sign3A_76 : i1 to i32
      %sign3A_78 = arith.subi %sign3A_74, %sign3A_77 : i32
      %sign3A_79 = arith.constant 0 : i32
      %sign3A_80 = arith.cmpi sgt, %jit3A_70, %sign3A_79 : i32
      %sign3A_81 = arith.extui %sign3A_80 : i1 to i32
      %sign3A_82 = arith.constant 0 : i32
      %sign3A_83 = arith.cmpi slt, %jit3A_70, %sign3A_82 : i32
      %sign3A_84 = arith.extui %sign3A_83 : i1 to i32
      %sign3A_85 = arith.subi %sign3A_81, %sign3A_84 : i32
      %ne3A_86 = arith.cmpi ne, %sign3A_78, %sign3A_85 : i32
      %rem3A_87 = arith.remsi %add3A_69, %jit3A_70 : i32
      %ne3A_88 = arith.constant 0 : i32
      %ne3A_89 = arith.cmpi ne, %rem3A_87, %ne3A_88 : i32
      %and3A_90 = arith.andi %ne3A_86, %ne3A_89 : i1
      %sub3A_91 = arith.constant 1 : i32
      %sub3A_92 = arith.subi %div3A_71, %sub3A_91 : i32
      %select_n3A_93 = arith.select %and3A_90, %sub3A_92, %div3A_71 : i32
      %add3A_94 = arith.constant 0 : i32
      %add3A_95 = arith.addi %mul3A_38, %add3A_94 : i32
      %min3A = arith.constant 204672 : i32
      %min3A_96 = arith.minsi %add3A_95, %min3A : i32
      "tpu.region"() ({
        %run_scoped3A = tpu.sem_alloc : memref<!tpu.dma_semaphore, #tpu.memory_space<semaphore_mem>>
        %dma_start3A_128 = tpu.memref_slice %arg2[%min3A_96] : memref<204800xi32, #tpu.memory_space<hbm>> -> memref<128xi32, #tpu.memory_space<hbm>>
        %dma_start3A_129 = tpu.memref_slice %arg2[%min3A_96] : memref<204800xi32, #tpu.memory_space<hbm>> -> memref<128xi32, #tpu.memory_space<hbm>>
        tpu.enqueue_dma source(%dma_start3A_129 : memref<128xi32, #tpu.memory_space<hbm>>) target(%arg9 : memref<128xi32, #tpu.memory_space<vmem>>) target_semaphore(%run_scoped3A : memref<!tpu.dma_semaphore, #tpu.memory_space<semaphore_mem>>)
        %dma_wait3A_130 = tpu.memref_slice %arg2[%min3A_96] : memref<204800xi32, #tpu.memory_space<hbm>> -> memref<128xi32, #tpu.memory_space<hbm>>
        %dma_wait3A_131 = tpu.memref_slice %arg2[%min3A_96] : memref<204800xi32, #tpu.memory_space<hbm>> -> memref<128xi32, #tpu.memory_space<hbm>>
        tpu.wait_dma2 semaphore(%run_scoped3A : memref<!tpu.dma_semaphore, #tpu.memory_space<semaphore_mem>>) src(%dma_wait3A_131 : memref<128xi32, #tpu.memory_space<hbm>>) dst(%arg9 : memref<128xi32, #tpu.memory_space<vmem>>)
        tpu.yield
      }) : () -> ()
      %dma_start3A = arith.constant 0 : i32
      %dma_start3A_97 = arith.constant 0 : i32
      %dma_start3A_98 = tpu.memref_slice %arg5[%dma_start3A, %dma_start3A_97] : memref<100000x128xf32, #tpu.memory_space<hbm>> -> memref<100000x128xf32, #tpu.memory_space<hbm>>
      tpu.enqueue_indirect_dma source(%dma_start3A_98 : memref<100000x128xf32, #tpu.memory_space<hbm>>) target(%arg11 : memref<128x128xf32, #tpu.memory_space<vmem>>) offsets(%arg9 : memref<128xi32, #tpu.memory_space<vmem>>) semaphore(%arg14 : memref<!tpu.dma_semaphore, #tpu.memory_space<semaphore_mem>>)
      %add3A_99 = arith.constant 128 : i32
      %add3A_100 = arith.addi %mul3A_38, %add3A_99 : i32
      %min3A_101 = arith.constant 204672 : i32
      %min3A_102 = arith.minsi %add3A_100, %min3A_101 : i32
      %dma_start3A_103 = tpu.memref_slice %arg2[%min3A_102] : memref<204800xi32, #tpu.memory_space<hbm>> -> memref<128xi32, #tpu.memory_space<hbm>>
      %dma_start3A_104 = tpu.memref_slice %arg2[%min3A_102] : memref<204800xi32, #tpu.memory_space<hbm>> -> memref<128xi32, #tpu.memory_space<hbm>>
      tpu.enqueue_dma source(%dma_start3A_104 : memref<128xi32, #tpu.memory_space<hbm>>) target(%arg10 : memref<128xi32, #tpu.memory_space<vmem>>) target_semaphore(%arg17 : memref<!tpu.dma_semaphore, #tpu.memory_space<semaphore_mem>>)
      %while3A = arith.constant 0 : i32
      %while3A_105 = arith.subi %select_n3A_93, %while3A : i32
      %while3A_106 = arith.addi %while3A, %while3A_105 : i32
      %while3A_107 = arith.constant 1 : i32
      %while3A_108 = arith.divsi %while3A_105, %while3A_107 : i32
      %while3A_109 = arith.muli %while3A_108, %while3A_107 : i32
      %while3A_110 = arith.addi %while3A, %while3A_109 : i32
      %while3A_111 = arith.constant 1 : i32
      %while3A_112:2 = scf.for %while3A_128 = %while3A to %while3A_110 step %while3A_111 iter_args(%while3A_129 = %mul3A_14, %while3A_130 = %squeeze3A) -> (i32, i32)  : i32 {
        %mul3A_131 = arith.constant 2 : i32
        %mul3A_132 = arith.muli %mul3A_131, %while3A_128 : i32
        %add3A_133 = arith.constant 1 : i32
        %add3A_134 = arith.addi %mul3A_132, %add3A_133 : i32
        %mul3A_135 = arith.constant 128 : i32
        %mul3A_136 = arith.muli %add3A_134, %mul3A_135 : i32
        %add3A_137 = arith.addi %mul3A_38, %mul3A_136 : i32
        %min3A_138 = arith.constant 204672 : i32
        %min3A_139 = arith.minsi %add3A_137, %min3A_138 : i32
        %dma_wait3A_140 = tpu.memref_slice %arg2[%min3A_139] : memref<204800xi32, #tpu.memory_space<hbm>> -> memref<128xi32, #tpu.memory_space<hbm>>
        %dma_wait3A_141 = tpu.memref_slice %arg2[%min3A_139] : memref<204800xi32, #tpu.memory_space<hbm>> -> memref<128xi32, #tpu.memory_space<hbm>>
        tpu.wait_dma2 semaphore(%arg17 : memref<!tpu.dma_semaphore, #tpu.memory_space<semaphore_mem>>) src(%dma_wait3A_141 : memref<128xi32, #tpu.memory_space<hbm>>) dst(%arg10 : memref<128xi32, #tpu.memory_space<vmem>>)
        %dma_start3A_142 = arith.constant 0 : i32
        %dma_start3A_143 = arith.constant 0 : i32
        %dma_start3A_144 = tpu.memref_slice %arg5[%dma_start3A_142, %dma_start3A_143] : memref<100000x128xf32, #tpu.memory_space<hbm>> -> memref<100000x128xf32, #tpu.memory_space<hbm>>
        tpu.enqueue_indirect_dma source(%dma_start3A_144 : memref<100000x128xf32, #tpu.memory_space<hbm>>) target(%arg12 : memref<128x128xf32, #tpu.memory_space<vmem>>) offsets(%arg10 : memref<128xi32, #tpu.memory_space<vmem>>) semaphore(%arg15 : memref<!tpu.dma_semaphore, #tpu.memory_space<semaphore_mem>>)
        %dma_wait3A_145 = arith.constant 0 : i32
        %dma_wait3A_146 = arith.constant 0 : i32
        %dma_wait3A_147 = tpu.memref_slice %arg5[%dma_wait3A_145, %dma_wait3A_146] : memref<100000x128xf32, #tpu.memory_space<hbm>> -> memref<100000x128xf32, #tpu.memory_space<hbm>>
        tpu.wait_indirect_dma semaphore(%arg14 : memref<!tpu.dma_semaphore, #tpu.memory_space<semaphore_mem>>) src(%dma_wait3A_147 : memref<100000x128xf32, #tpu.memory_space<hbm>>) dst(%arg11 : memref<128x128xf32, #tpu.memory_space<vmem>>)
        %add3A_148 = arith.constant 1 : i32
        %add3A_149 = arith.addi %add3A_134, %add3A_148 : i32
        %mul3A_150 = arith.constant 128 : i32
        %mul3A_151 = arith.muli %add3A_149, %mul3A_150 : i32
        %add3A_152 = arith.addi %mul3A_38, %mul3A_151 : i32
        %min3A_153 = arith.constant 204672 : i32
        %min3A_154 = arith.minsi %add3A_152, %min3A_153 : i32
        %dma_start3A_155 = tpu.memref_slice %arg2[%min3A_154] : memref<204800xi32, #tpu.memory_space<hbm>> -> memref<128xi32, #tpu.memory_space<hbm>>
        %dma_start3A_156 = tpu.memref_slice %arg2[%min3A_154] : memref<204800xi32, #tpu.memory_space<hbm>> -> memref<128xi32, #tpu.memory_space<hbm>>
        tpu.enqueue_dma source(%dma_start3A_156 : memref<128xi32, #tpu.memory_space<hbm>>) target(%arg9 : memref<128xi32, #tpu.memory_space<vmem>>) target_semaphore(%arg16 : memref<!tpu.dma_semaphore, #tpu.memory_space<semaphore_mem>>)
        %sub3A_157 = arith.constant 1 : i32
        %sub3A_158 = arith.subi %add3A_134, %sub3A_157 : i32
        %mul3A_159 = arith.constant 128 : i32
        %mul3A_160 = arith.muli %sub3A_158, %mul3A_159 : i32
        %add3A_161 = arith.addi %mul3A_38, %mul3A_160 : i32
        %min3A_162 = arith.constant 204672 : i32
        %min3A_163 = arith.minsi %add3A_161, %min3A_162 : i32
        %add3A_164 = arith.constant 128 : i32
        %add3A_165 = arith.addi %min3A_163, %add3A_164 : i32
        %min3A_166 = arith.minsi %squeeze3A_20, %add3A_165 : i32
        %while3A_167:2 = scf.while (%while3A_201 = %while3A_129, %while3A_202 = %while3A_130) : (i32, i32) -> (i32, i32) {
          %lt3A = arith.cmpi slt, %while3A_202, %min3A_166 : i32
          scf.condition(%lt3A) %while3A_201, %while3A_202 : i32, i32
        } do {
        ^bb0(%while3A_201: i32, %while3A_202: i32):
          %add3A_203 = arith.constant 1 : i32
          %add3A_204 = arith.addi %while3A_201, %add3A_203 : i32
          %get3A_205 = arith.index_cast %add3A_204 : i32 to index
          %get3A_206 = tpu.vector_load %arg8[%get3A_205] {strides = array<i32>} : memref<4224xi32, #tpu.memory_space<vmem>>, vector<16xi32>,
          %slice3A_207 = vector.extract_strided_slice %get3A_206 {offsets = [0], sizes = [1], strides = [1]} : vector<16xi32> to vector<1xi32>
          %squeeze3A_208 = vector.extract %slice3A_207[0] : i32 from vector<1xi32>
          %while3A_209:2 = scf.while (%while3A_294 = %while3A_201, %while3A_295 = %squeeze3A_208) : (i32, i32) -> (i32, i32) {
            %le3A = arith.cmpi sle, %while3A_295, %while3A_202 : i32
            scf.condition(%le3A) %while3A_294, %while3A_295 : i32, i32
          } do {
          ^bb0(%while3A_294: i32, %while3A_295: i32):
            %add3A_296 = arith.constant 1 : i32
            %add3A_297 = arith.addi %while3A_294, %add3A_296 : i32
            %add3A_298 = arith.constant 1 : i32
            %add3A_299 = arith.addi %add3A_297, %add3A_298 : i32
            %get3A_300 = arith.index_cast %add3A_299 : i32 to index
            %get3A_301 = tpu.vector_load %arg8[%get3A_300] {strides = array<i32>} : memref<4224xi32, #tpu.memory_space<vmem>>, vector<16xi32>,
            %slice3A_302 = vector.extract_strided_slice %get3A_301 {offsets = [0], sizes = [1], strides = [1]} : vector<16xi32> to vector<1xi32>
            %squeeze3A_303 = vector.extract %slice3A_302[0] : i32 from vector<1xi32>
            scf.yield %add3A_297, %squeeze3A_303 : i32, i32
          }
          %min3A_210 = arith.minsi %while3A_209#1, %min3A_166 : i32
          %sub3A_211 = arith.subi %while3A_202, %min3A_163 : i32
          %sub3A_212 = arith.subi %min3A_210, %while3A_202 : i32
          %broadcast_in_dim3A = arith.constant 0.000000e+00 : f32
          %broadcast_in_dim3A_213 = vector.broadcast %broadcast_in_dim3A : f32 to vector<16xf32>
          %broadcast_in_dim3A_214 = arith.constant 0.000000e+00 : f32
          %broadcast_in_dim3A_215 = vector.broadcast %broadcast_in_dim3A_214 : f32 to vector<16xf32>
          %broadcast_in_dim3A_216 = arith.constant 0.000000e+00 : f32
          %broadcast_in_dim3A_217 = vector.broadcast %broadcast_in_dim3A_216 : f32 to vector<16xf32>
          %broadcast_in_dim3A_218 = arith.constant 0.000000e+00 : f32
          %broadcast_in_dim3A_219 = vector.broadcast %broadcast_in_dim3A_218 : f32 to vector<16xf32>
          %broadcast_in_dim3A_220 = arith.constant 0.000000e+00 : f32
          %broadcast_in_dim3A_221 = vector.broadcast %broadcast_in_dim3A_220 : f32 to vector<16xf32>
          %broadcast_in_dim3A_222 = arith.constant 0.000000e+00 : f32
          %broadcast_in_dim3A_223 = vector.broadcast %broadcast_in_dim3A_222 : f32 to vector<16xf32>
          %broadcast_in_dim3A_224 = arith.constant 0.000000e+00 : f32
          %broadcast_in_dim3A_225 = vector.broadcast %broadcast_in_dim3A_224 : f32 to vector<16xf32>
          %broadcast_in_dim3A_226 = arith.constant 0.000000e+00 : f32
          %broadcast_in_dim3A_227 = vector.broadcast %broadcast_in_dim3A_226 : f32 to vector<16xf32>
          %broadcast_in_dim3A_228 = arith.constant 0.000000e+00 : f32
          %broadcast_in_dim3A_229 = vector.broadcast %broadcast_in_dim3A_228 : f32 to vector<16xf32>
          %broadcast_in_dim3A_230 = arith.constant 0.000000e+00 : f32
          %broadcast_in_dim3A_231 = vector.broadcast %broadcast_in_dim3A_230 : f32 to vector<16xf32>
          %broadcast_in_dim3A_232 = arith.constant 0.000000e+00 : f32
          %broadcast_in_dim3A_233 = vector.broadcast %broadcast_in_dim3A_232 : f32 to vector<16xf32>
          %broadcast_in_dim3A_234 = arith.constant 0.000000e+00 : f32
          %broadcast_in_dim3A_235 = vector.broadcast %broadcast_in_dim3A_234 : f32 to vector<16xf32>
          %broadcast_in_dim3A_236 = arith.constant 0.000000e+00 : f32
          %broadcast_in_dim3A_237 = vector.broadcast %broadcast_in_dim3A_236 : f32 to vector<16xf32>
          %broadcast_in_dim3A_238 = arith.constant 0.000000e+00 : f32
          %broadcast_in_dim3A_239 = vector.broadcast %broadcast_in_dim3A_238 : f32 to vector<16xf32>
          %broadcast_in_dim3A_240 = arith.constant 0.000000e+00 : f32
          %broadcast_in_dim3A_241 = vector.broadcast %broadcast_in_dim3A_240 : f32 to vector<16xf32>
          %broadcast_in_dim3A_242 = arith.constant 0.000000e+00 : f32
          %broadcast_in_dim3A_243 = vector.broadcast %broadcast_in_dim3A_242 : f32 to vector<16xf32>
          %parallel_loop3A = arith.constant 0 : i32
          %parallel_loop3A_244 = arith.constant 1 : i32
          %parallel_loop3A_245:16 = scf.for %parallel_loop3A_294 = %parallel_loop3A to %sub3A_212 step %parallel_loop3A_244 iter_args(%parallel_loop3A_295 = %broadcast_in_dim3A_213, %parallel_loop3A_296 = %broadcast_in_dim3A_215, %parallel_loop3A_297 = %broadcast_in_dim3A_217, %parallel_loop3A_298 = %broadcast_in_dim3A_219, %parallel_loop3A_299 = %broadcast_in_dim3A_221, %parallel_loop3A_300 = %broadcast_in_dim3A_223, %parallel_loop3A_301 = %broadcast_in_dim3A_225, %parallel_loop3A_302 = %broadcast_in_dim3A_227, %parallel_loop3A_303 = %broadcast_in_dim3A_229, %parallel_loop3A_304 = %broadcast_in_dim3A_231, %parallel_loop3A_305 = %broadcast_in_dim3A_233, %parallel_loop3A_306 = %broadcast_in_dim3A_235, %parallel_loop3A_307 = %broadcast_in_dim3A_237, %parallel_loop3A_308 = %broadcast_in_dim3A_239, %parallel_loop3A_309 = %broadcast_in_dim3A_241, %parallel_loop3A_310 = %broadcast_in_dim3A_243) -> (vector<16xf32>, vector<16xf32>, vector<16xf32>, vector<16xf32>, vector<16xf32>, vector<16xf32>, vector<16xf32>, vector<16xf32>, vector<16xf32>, vector<16xf32>, vector<16xf32>, vector<16xf32>, vector<16xf32>, vector<16xf32>, vector<16xf32>, vector<16xf32>)  : i32 {
            %parallel_loop3A_311 = arith.addi %sub3A_211, %parallel_loop3A_294 : i32
            %parallel_loop3A_312 = arith.index_cast %parallel_loop3A_311 : i32 to index
            %parallel_loop3A_313 = arith.constant 0 : index
            %parallel_loop3A_314 = tpu.vector_load %arg11[%parallel_loop3A_312, %parallel_loop3A_313] {strides = array<i32>} : memref<128x128xf32, #tpu.memory_space<vmem>>, vector<16xf32>,
            %parallel_loop3A_315 = vector.bitcast %parallel_loop3A_314 : vector<16xf32> to vector<16xi32>
            %parallel_loop3A_316 = arith.constant 16 : i32
            %parallel_loop3A_317 = vector.broadcast %parallel_loop3A_316 : i32 to vector<16xi32>
            %parallel_loop3A_318 = arith.shli %parallel_loop3A_315, %parallel_loop3A_317 : vector<16xi32>
            %parallel_loop3A_319 = vector.bitcast %parallel_loop3A_318 : vector<16xi32> to vector<16xf32>
            %parallel_loop3A_320 = vector.bitcast %parallel_loop3A_315 : vector<16xi32> to vector<16xf32>
            %parallel_loop3A_321 = arith.addf %parallel_loop3A_295, %parallel_loop3A_319 : vector<16xf32>
            %parallel_loop3A_322 = arith.addf %parallel_loop3A_303, %parallel_loop3A_320 : vector<16xf32>
            %parallel_loop3A_323 = arith.index_cast %parallel_loop3A_311 : i32 to index
            %parallel_loop3A_324 = arith.constant 16 : index
            %parallel_loop3A_325 = tpu.vector_load %arg11[%parallel_loop3A_323, %parallel_loop3A_324] {strides = array<i32>} : memref<128x128xf32, #tpu.memory_space<vmem>>, vector<16xf32>,
            %parallel_loop3A_326 = vector.bitcast %parallel_loop3A_325 : vector<16xf32> to vector<16xi32>
            %parallel_loop3A_327 = arith.constant 16 : i32
            %parallel_loop3A_328 = vector.broadcast %parallel_loop3A_327 : i32 to vector<16xi32>
            %parallel_loop3A_329 = arith.shli %parallel_loop3A_326, %parallel_loop3A_328 : vector<16xi32>
            %parallel_loop3A_330 = vector.bitcast %parallel_loop3A_329 : vector<16xi32> to vector<16xf32>
            %parallel_loop3A_331 = vector.bitcast %parallel_loop3A_326 : vector<16xi32> to vector<16xf32>
            %parallel_loop3A_332 = arith.addf %parallel_loop3A_296, %parallel_loop3A_330 : vector<16xf32>
            %parallel_loop3A_333 = arith.addf %parallel_loop3A_304, %parallel_loop3A_331 : vector<16xf32>
            %parallel_loop3A_334 = arith.index_cast %parallel_loop3A_311 : i32 to index
            %parallel_loop3A_335 = arith.constant 32 : index
            %parallel_loop3A_336 = tpu.vector_load %arg11[%parallel_loop3A_334, %parallel_loop3A_335] {strides = array<i32>} : memref<128x128xf32, #tpu.memory_space<vmem>>, vector<16xf32>,
            %parallel_loop3A_337 = vector.bitcast %parallel_loop3A_336 : vector<16xf32> to vector<16xi32>
            %parallel_loop3A_338 = arith.constant 16 : i32
            %parallel_loop3A_339 = vector.broadcast %parallel_loop3A_338 : i32 to vector<16xi32>
            %parallel_loop3A_340 = arith.shli %parallel_loop3A_337, %parallel_loop3A_339 : vector<16xi32>
            %parallel_loop3A_341 = vector.bitcast %parallel_loop3A_340 : vector<16xi32> to vector<16xf32>
            %parallel_loop3A_342 = vector.bitcast %parallel_loop3A_337 : vector<16xi32> to vector<16xf32>
            %parallel_loop3A_343 = arith.addf %parallel_loop3A_297, %parallel_loop3A_341 : vector<16xf32>
            %parallel_loop3A_344 = arith.addf %parallel_loop3A_305, %parallel_loop3A_342 : vector<16xf32>
            %parallel_loop3A_345 = arith.index_cast %parallel_loop3A_311 : i32 to index
            %parallel_loop3A_346 = arith.constant 48 : index
            %parallel_loop3A_347 = tpu.vector_load %arg11[%parallel_loop3A_345, %parallel_loop3A_346] {strides = array<i32>} : memref<128x128xf32, #tpu.memory_space<vmem>>, vector<16xf32>,
            %parallel_loop3A_348 = vector.bitcast %parallel_loop3A_347 : vector<16xf32> to vector<16xi32>
            %parallel_loop3A_349 = arith.constant 16 : i32
            %parallel_loop3A_350 = vector.broadcast %parallel_loop3A_349 : i32 to vector<16xi32>
            %parallel_loop3A_351 = arith.shli %parallel_loop3A_348, %parallel_loop3A_350 : vector<16xi32>
            %parallel_loop3A_352 = vector.bitcast %parallel_loop3A_351 : vector<16xi32> to vector<16xf32>
            %parallel_loop3A_353 = vector.bitcast %parallel_loop3A_348 : vector<16xi32> to vector<16xf32>
            %parallel_loop3A_354 = arith.addf %parallel_loop3A_298, %parallel_loop3A_352 : vector<16xf32>
            %parallel_loop3A_355 = arith.addf %parallel_loop3A_306, %parallel_loop3A_353 : vector<16xf32>
            %parallel_loop3A_356 = arith.index_cast %parallel_loop3A_311 : i32 to index
            %parallel_loop3A_357 = arith.constant 64 : index
            %parallel_loop3A_358 = tpu.vector_load %arg11[%parallel_loop3A_356, %parallel_loop3A_357] {strides = array<i32>} : memref<128x128xf32, #tpu.memory_space<vmem>>, vector<16xf32>,
            %parallel_loop3A_359 = vector.bitcast %parallel_loop3A_358 : vector<16xf32> to vector<16xi32>
            %parallel_loop3A_360 = arith.constant 16 : i32
            %parallel_loop3A_361 = vector.broadcast %parallel_loop3A_360 : i32 to vector<16xi32>
            %parallel_loop3A_362 = arith.shli %parallel_loop3A_359, %parallel_loop3A_361 : vector<16xi32>
            %parallel_loop3A_363 = vector.bitcast %parallel_loop3A_362 : vector<16xi32> to vector<16xf32>
            %parallel_loop3A_364 = vector.bitcast %parallel_loop3A_359 : vector<16xi32> to vector<16xf32>
            %parallel_loop3A_365 = arith.addf %parallel_loop3A_299, %parallel_loop3A_363 : vector<16xf32>
            %parallel_loop3A_366 = arith.addf %parallel_loop3A_307, %parallel_loop3A_364 : vector<16xf32>
            %parallel_loop3A_367 = arith.index_cast %parallel_loop3A_311 : i32 to index
            %parallel_loop3A_368 = arith.constant 80 : index
            %parallel_loop3A_369 = tpu.vector_load %arg11[%parallel_loop3A_367, %parallel_loop3A_368] {strides = array<i32>} : memref<128x128xf32, #tpu.memory_space<vmem>>, vector<16xf32>,
            %parallel_loop3A_370 = vector.bitcast %parallel_loop3A_369 : vector<16xf32> to vector<16xi32>
            %parallel_loop3A_371 = arith.constant 16 : i32
            %parallel_loop3A_372 = vector.broadcast %parallel_loop3A_371 : i32 to vector<16xi32>
            %parallel_loop3A_373 = arith.shli %parallel_loop3A_370, %parallel_loop3A_372 : vector<16xi32>
            %parallel_loop3A_374 = vector.bitcast %parallel_loop3A_373 : vector<16xi32> to vector<16xf32>
            %parallel_loop3A_375 = vector.bitcast %parallel_loop3A_370 : vector<16xi32> to vector<16xf32>
            %parallel_loop3A_376 = arith.addf %parallel_loop3A_300, %parallel_loop3A_374 : vector<16xf32>
            %parallel_loop3A_377 = arith.addf %parallel_loop3A_308, %parallel_loop3A_375 : vector<16xf32>
            %parallel_loop3A_378 = arith.index_cast %parallel_loop3A_311 : i32 to index
            %parallel_loop3A_379 = arith.constant 96 : index
            %parallel_loop3A_380 = tpu.vector_load %arg11[%parallel_loop3A_378, %parallel_loop3A_379] {strides = array<i32>} : memref<128x128xf32, #tpu.memory_space<vmem>>, vector<16xf32>,
            %parallel_loop3A_381 = vector.bitcast %parallel_loop3A_380 : vector<16xf32> to vector<16xi32>
            %parallel_loop3A_382 = arith.constant 16 : i32
            %parallel_loop3A_383 = vector.broadcast %parallel_loop3A_382 : i32 to vector<16xi32>
            %parallel_loop3A_384 = arith.shli %parallel_loop3A_381, %parallel_loop3A_383 : vector<16xi32>
            %parallel_loop3A_385 = vector.bitcast %parallel_loop3A_384 : vector<16xi32> to vector<16xf32>
            %parallel_loop3A_386 = vector.bitcast %parallel_loop3A_381 : vector<16xi32> to vector<16xf32>
            %parallel_loop3A_387 = arith.addf %parallel_loop3A_301, %parallel_loop3A_385 : vector<16xf32>
            %parallel_loop3A_388 = arith.addf %parallel_loop3A_309, %parallel_loop3A_386 : vector<16xf32>
            %parallel_loop3A_389 = arith.index_cast %parallel_loop3A_311 : i32 to index
            %parallel_loop3A_390 = arith.constant 112 : index
            %parallel_loop3A_391 = tpu.vector_load %arg11[%parallel_loop3A_389, %parallel_loop3A_390] {strides = array<i32>} : memref<128x128xf32, #tpu.memory_space<vmem>>, vector<16xf32>,
            %parallel_loop3A_392 = vector.bitcast %parallel_loop3A_391 : vector<16xf32> to vector<16xi32>
            %parallel_loop3A_393 = arith.constant 16 : i32
            %parallel_loop3A_394 = vector.broadcast %parallel_loop3A_393 : i32 to vector<16xi32>
            %parallel_loop3A_395 = arith.shli %parallel_loop3A_392, %parallel_loop3A_394 : vector<16xi32>
            %parallel_loop3A_396 = vector.bitcast %parallel_loop3A_395 : vector<16xi32> to vector<16xf32>
            %parallel_loop3A_397 = vector.bitcast %parallel_loop3A_392 : vector<16xi32> to vector<16xf32>
            %parallel_loop3A_398 = arith.addf %parallel_loop3A_302, %parallel_loop3A_396 : vector<16xf32>
            %parallel_loop3A_399 = arith.addf %parallel_loop3A_310, %parallel_loop3A_397 : vector<16xf32>
            scf.yield %parallel_loop3A_321, %parallel_loop3A_332, %parallel_loop3A_343, %parallel_loop3A_354, %parallel_loop3A_365, %parallel_loop3A_376, %parallel_loop3A_387, %parallel_loop3A_398, %parallel_loop3A_322, %parallel_loop3A_333, %parallel_loop3A_344, %parallel_loop3A_355, %parallel_loop3A_366, %parallel_loop3A_377, %parallel_loop3A_388, %parallel_loop3A_399 : vector<16xf32>, vector<16xf32>, vector<16xf32>, vector<16xf32>, vector<16xf32>, vector<16xf32>, vector<16xf32>, vector<16xf32>, vector<16xf32>, vector<16xf32>, vector<16xf32>, vector<16xf32>, vector<16xf32>, vector<16xf32>, vector<16xf32>, vector<16xf32>
          } {sc.loop_unroll_factor = 4 : i64, sc.parallel_access}
          %sub3A_246 = arith.subi %while3A_209#0, %mul3A_14 : i32
          %swap3A = arith.index_cast %sub3A_246 : i32 to index
          %swap3A_247 = arith.constant 0 : index
          %swap3A_248 = tpu.vector_load %arg13[%swap3A, %swap3A_247] {strides = array<i32>} : memref<256x256xf32, #tpu.memory_space<vmem>>, vector<16xf32>,
          tpu.vector_store %arg13[%swap3A, %swap3A_247], %parallel_loop3A_245#0 {add = true, strides = array<i32>} : memref<256x256xf32, #tpu.memory_space<vmem>>, vector<16xf32>,
          %swap3A_249 = arith.index_cast %sub3A_246 : i32 to index
          %swap3A_250 = arith.constant 16 : index
          %swap3A_251 = tpu.vector_load %arg13[%swap3A_249, %swap3A_250] {strides = array<i32>} : memref<256x256xf32, #tpu.memory_space<vmem>>, vector<16xf32>,
          tpu.vector_store %arg13[%swap3A_249, %swap3A_250], %parallel_loop3A_245#1 {add = true, strides = array<i32>} : memref<256x256xf32, #tpu.memory_space<vmem>>, vector<16xf32>,
          %swap3A_252 = arith.index_cast %sub3A_246 : i32 to index
          %swap3A_253 = arith.constant 32 : index
          %swap3A_254 = tpu.vector_load %arg13[%swap3A_252, %swap3A_253] {strides = array<i32>} : memref<256x256xf32, #tpu.memory_space<vmem>>, vector<16xf32>,
          tpu.vector_store %arg13[%swap3A_252, %swap3A_253], %parallel_loop3A_245#2 {add = true, strides = array<i32>} : memref<256x256xf32, #tpu.memory_space<vmem>>, vector<16xf32>,
          %swap3A_255 = arith.index_cast %sub3A_246 : i32 to index
          %swap3A_256 = arith.constant 48 : index
          %swap3A_257 = tpu.vector_load %arg13[%swap3A_255, %swap3A_256] {strides = array<i32>} : memref<256x256xf32, #tpu.memory_space<vmem>>, vector<16xf32>,
          tpu.vector_store %arg13[%swap3A_255, %swap3A_256], %parallel_loop3A_245#3 {add = true, strides = array<i32>} : memref<256x256xf32, #tpu.memory_space<vmem>>, vector<16xf32>,
          %swap3A_258 = arith.index_cast %sub3A_246 : i32 to index
          %swap3A_259 = arith.constant 64 : index
          %swap3A_260 = tpu.vector_load %arg13[%swap3A_258, %swap3A_259] {strides = array<i32>} : memref<256x256xf32, #tpu.memory_space<vmem>>, vector<16xf32>,
          tpu.vector_store %arg13[%swap3A_258, %swap3A_259], %parallel_loop3A_245#4 {add = true, strides = array<i32>} : memref<256x256xf32, #tpu.memory_space<vmem>>, vector<16xf32>,
          %swap3A_261 = arith.index_cast %sub3A_246 : i32 to index
          %swap3A_262 = arith.constant 80 : index
          %swap3A_263 = tpu.vector_load %arg13[%swap3A_261, %swap3A_262] {strides = array<i32>} : memref<256x256xf32, #tpu.memory_space<vmem>>, vector<16xf32>,
          tpu.vector_store %arg13[%swap3A_261, %swap3A_262], %parallel_loop3A_245#5 {add = true, strides = array<i32>} : memref<256x256xf32, #tpu.memory_space<vmem>>, vector<16xf32>,
          %swap3A_264 = arith.index_cast %sub3A_246 : i32 to index
          %swap3A_265 = arith.constant 96 : index
          %swap3A_266 = tpu.vector_load %arg13[%swap3A_264, %swap3A_265] {strides = array<i32>} : memref<256x256xf32, #tpu.memory_space<vmem>>, vector<16xf32>,
          tpu.vector_store %arg13[%swap3A_264, %swap3A_265], %parallel_loop3A_245#6 {add = true, strides = array<i32>} : memref<256x256xf32, #tpu.memory_space<vmem>>, vector<16xf32>,
          %swap3A_267 = arith.index_cast %sub3A_246 : i32 to index
          %swap3A_268 = arith.constant 112 : index
          %swap3A_269 = tpu.vector_load %arg13[%swap3A_267, %swap3A_268] {strides = array<i32>} : memref<256x256xf32, #tpu.memory_space<vmem>>, vector<16xf32>,
          tpu.vector_store %arg13[%swap3A_267, %swap3A_268], %parallel_loop3A_245#7 {add = true, strides = array<i32>} : memref<256x256xf32, #tpu.memory_space<vmem>>, vector<16xf32>,
          %swap3A_270 = arith.index_cast %sub3A_246 : i32 to index
          %swap3A_271 = arith.constant 128 : index
          %swap3A_272 = tpu.vector_load %arg13[%swap3A_270, %swap3A_271] {strides = array<i32>} : memref<256x256xf32, #tpu.memory_space<vmem>>, vector<16xf32>,
          tpu.vector_store %arg13[%swap3A_270, %swap3A_271], %parallel_loop3A_245#8 {add = true, strides = array<i32>} : memref<256x256xf32, #tpu.memory_space<vmem>>, vector<16xf32>,
          %swap3A_273 = arith.index_cast %sub3A_246 : i32 to index
          %swap3A_274 = arith.constant 144 : index
          %swap3A_275 = tpu.vector_load %arg13[%swap3A_273, %swap3A_274] {strides = array<i32>} : memref<256x256xf32, #tpu.memory_space<vmem>>, vector<16xf32>,
          tpu.vector_store %arg13[%swap3A_273, %swap3A_274], %parallel_loop3A_245#9 {add = true, strides = array<i32>} : memref<256x256xf32, #tpu.memory_space<vmem>>, vector<16xf32>,
          %swap3A_276 = arith.index_cast %sub3A_246 : i32 to index
          %swap3A_277 = arith.constant 160 : index
          %swap3A_278 = tpu.vector_load %arg13[%swap3A_276, %swap3A_277] {strides = array<i32>} : memref<256x256xf32, #tpu.memory_space<vmem>>, vector<16xf32>,
          tpu.vector_store %arg13[%swap3A_276, %swap3A_277], %parallel_loop3A_245#10 {add = true, strides = array<i32>} : memref<256x256xf32, #tpu.memory_space<vmem>>, vector<16xf32>,
          %swap3A_279 = arith.index_cast %sub3A_246 : i32 to index
          %swap3A_280 = arith.constant 176 : index
          %swap3A_281 = tpu.vector_load %arg13[%swap3A_279, %swap3A_280] {strides = array<i32>} : memref<256x256xf32, #tpu.memory_space<vmem>>, vector<16xf32>,
          tpu.vector_store %arg13[%swap3A_279, %swap3A_280], %parallel_loop3A_245#11 {add = true, strides = array<i32>} : memref<256x256xf32, #tpu.memory_space<vmem>>, vector<16xf32>,
          %swap3A_282 = arith.index_cast %sub3A_246 : i32 to index
          %swap3A_283 = arith.constant 192 : index
          %swap3A_284 = tpu.vector_load %arg13[%swap3A_282, %swap3A_283] {strides = array<i32>} : memref<256x256xf32, #tpu.memory_space<vmem>>, vector<16xf32>,
          tpu.vector_store %arg13[%swap3A_282, %swap3A_283], %parallel_loop3A_245#12 {add = true, strides = array<i32>} : memref<256x256xf32, #tpu.memory_space<vmem>>, vector<16xf32>,
          %swap3A_285 = arith.index_cast %sub3A_246 : i32 to index
          %swap3A_286 = arith.constant 208 : index
          %swap3A_287 = tpu.vector_load %arg13[%swap3A_285, %swap3A_286] {strides = array<i32>} : memref<256x256xf32, #tpu.memory_space<vmem>>, vector<16xf32>,
          tpu.vector_store %arg13[%swap3A_285, %swap3A_286], %parallel_loop3A_245#13 {add = true, strides = array<i32>} : memref<256x256xf32, #tpu.memory_space<vmem>>, vector<16xf32>,
          %swap3A_288 = arith.index_cast %sub3A_246 : i32 to index
          %swap3A_289 = arith.constant 224 : index
          %swap3A_290 = tpu.vector_load %arg13[%swap3A_288, %swap3A_289] {strides = array<i32>} : memref<256x256xf32, #tpu.memory_space<vmem>>, vector<16xf32>,
          tpu.vector_store %arg13[%swap3A_288, %swap3A_289], %parallel_loop3A_245#14 {add = true, strides = array<i32>} : memref<256x256xf32, #tpu.memory_space<vmem>>, vector<16xf32>,
          %swap3A_291 = arith.index_cast %sub3A_246 : i32 to index
          %swap3A_292 = arith.constant 240 : index
          %swap3A_293 = tpu.vector_load %arg13[%swap3A_291, %swap3A_292] {strides = array<i32>} : memref<256x256xf32, #tpu.memory_space<vmem>>, vector<16xf32>,
          tpu.vector_store %arg13[%swap3A_291, %swap3A_292], %parallel_loop3A_245#15 {add = true, strides = array<i32>} : memref<256x256xf32, #tpu.memory_space<vmem>>, vector<16xf32>,
          scf.yield %while3A_209#0, %min3A_210 : i32, i32
        }
        %add3A_168 = arith.constant 1 : i32
        %add3A_169 = arith.addi %add3A_134, %add3A_168 : i32
        %mul3A_170 = arith.constant 128 : i32
        %mul3A_171 = arith.muli %add3A_169, %mul3A_170 : i32
        %add3A_172 = arith.addi %mul3A_38, %mul3A_171 : i32
        %min3A_173 = arith.constant 204672 : i32
        %min3A_174 = arith.minsi %add3A_172, %min3A_173 : i32
        %dma_wait3A_175 = tpu.memref_slice %arg2[%min3A_174] : memref<204800xi32, #tpu.memory_space<hbm>> -> memref<128xi32, #tpu.memory_space<hbm>>
        %dma_wait3A_176 = tpu.memref_slice %arg2[%min3A_174] : memref<204800xi32, #tpu.memory_space<hbm>> -> memref<128xi32, #tpu.memory_space<hbm>>
        tpu.wait_dma2 semaphore(%arg16 : memref<!tpu.dma_semaphore, #tpu.memory_space<semaphore_mem>>) src(%dma_wait3A_176 : memref<128xi32, #tpu.memory_space<hbm>>) dst(%arg9 : memref<128xi32, #tpu.memory_space<vmem>>)
        %dma_start3A_177 = arith.constant 0 : i32
        %dma_start3A_178 = arith.constant 0 : i32
        %dma_start3A_179 = tpu.memref_slice %arg5[%dma_start3A_177, %dma_start3A_178] : memref<100000x128xf32, #tpu.memory_space<hbm>> -> memref<100000x128xf32, #tpu.memory_space<hbm>>
        tpu.enqueue_indirect_dma source(%dma_start3A_179 : memref<100000x128xf32, #tpu.memory_space<hbm>>) target(%arg11 : memref<128x128xf32, #tpu.memory_space<vmem>>) offsets(%arg9 : memref<128xi32, #tpu.memory_space<vmem>>) semaphore(%arg14 : memref<!tpu.dma_semaphore, #tpu.memory_space<semaphore_mem>>)
        %dma_wait3A_180 = arith.constant 0 : i32
        %dma_wait3A_181 = arith.constant 0 : i32
        %dma_wait3A_182 = tpu.memref_slice %arg5[%dma_wait3A_180, %dma_wait3A_181] : memref<100000x128xf32, #tpu.memory_space<hbm>> -> memref<100000x128xf32, #tpu.memory_space<hbm>>
        tpu.wait_indirect_dma semaphore(%arg15 : memref<!tpu.dma_semaphore, #tpu.memory_space<semaphore_mem>>) src(%dma_wait3A_182 : memref<100000x128xf32, #tpu.memory_space<hbm>>) dst(%arg12 : memref<128x128xf32, #tpu.memory_space<vmem>>)
        %add3A_183 = arith.constant 2 : i32
        %add3A_184 = arith.addi %add3A_134, %add3A_183 : i32
        %mul3A_185 = arith.constant 128 : i32
        %mul3A_186 = arith.muli %add3A_184, %mul3A_185 : i32
        %add3A_187 = arith.addi %mul3A_38, %mul3A_186 : i32
        %min3A_188 = arith.constant 204672 : i32
        %min3A_189 = arith.minsi %add3A_187, %min3A_188 : i32
        %dma_start3A_190 = tpu.memref_slice %arg2[%min3A_189] : memref<204800xi32, #tpu.memory_space<hbm>> -> memref<128xi32, #tpu.memory_space<hbm>>
        %dma_start3A_191 = tpu.memref_slice %arg2[%min3A_189] : memref<204800xi32, #tpu.memory_space<hbm>> -> memref<128xi32, #tpu.memory_space<hbm>>
        tpu.enqueue_dma source(%dma_start3A_191 : memref<128xi32, #tpu.memory_space<hbm>>) target(%arg10 : memref<128xi32, #tpu.memory_space<vmem>>) target_semaphore(%arg17 : memref<!tpu.dma_semaphore, #tpu.memory_space<semaphore_mem>>)
        %mul3A_192 = arith.constant 128 : i32
        %mul3A_193 = arith.muli %add3A_134, %mul3A_192 : i32
        %add3A_194 = arith.addi %mul3A_38, %mul3A_193 : i32
        %min3A_195 = arith.constant 204672 : i32
        %min3A_196 = arith.minsi %add3A_194, %min3A_195 : i32
        %add3A_197 = arith.constant 128 : i32
        %add3A_198 = arith.addi %min3A_196, %add3A_197 : i32
        %min3A_199 = arith.minsi %squeeze3A_20, %add3A_198 : i32
        %while3A_200:2 = scf.while (%while3A_201 = %while3A_167#0, %while3A_202 = %while3A_167#1) : (i32, i32) -> (i32, i32) {
          %lt3A = arith.cmpi slt, %while3A_202, %min3A_199 : i32
          scf.condition(%lt3A) %while3A_201, %while3A_202 : i32, i32
        } do {
        ^bb0(%while3A_201: i32, %while3A_202: i32):
          %add3A_203 = arith.constant 1 : i32
          %add3A_204 = arith.addi %while3A_201, %add3A_203 : i32
          %get3A_205 = arith.index_cast %add3A_204 : i32 to index
          %get3A_206 = tpu.vector_load %arg8[%get3A_205] {strides = array<i32>} : memref<4224xi32, #tpu.memory_space<vmem>>, vector<16xi32>,
          %slice3A_207 = vector.extract_strided_slice %get3A_206 {offsets = [0], sizes = [1], strides = [1]} : vector<16xi32> to vector<1xi32>
          %squeeze3A_208 = vector.extract %slice3A_207[0] : i32 from vector<1xi32>
          %while3A_209:2 = scf.while (%while3A_294 = %while3A_201, %while3A_295 = %squeeze3A_208) : (i32, i32) -> (i32, i32) {
            %le3A = arith.cmpi sle, %while3A_295, %while3A_202 : i32
            scf.condition(%le3A) %while3A_294, %while3A_295 : i32, i32
          } do {
          ^bb0(%while3A_294: i32, %while3A_295: i32):
            %add3A_296 = arith.constant 1 : i32
            %add3A_297 = arith.addi %while3A_294, %add3A_296 : i32
            %add3A_298 = arith.constant 1 : i32
            %add3A_299 = arith.addi %add3A_297, %add3A_298 : i32
            %get3A_300 = arith.index_cast %add3A_299 : i32 to index
            %get3A_301 = tpu.vector_load %arg8[%get3A_300] {strides = array<i32>} : memref<4224xi32, #tpu.memory_space<vmem>>, vector<16xi32>,
            %slice3A_302 = vector.extract_strided_slice %get3A_301 {offsets = [0], sizes = [1], strides = [1]} : vector<16xi32> to vector<1xi32>
            %squeeze3A_303 = vector.extract %slice3A_302[0] : i32 from vector<1xi32>
            scf.yield %add3A_297, %squeeze3A_303 : i32, i32
          }
          %min3A_210 = arith.minsi %while3A_209#1, %min3A_199 : i32
          %sub3A_211 = arith.subi %while3A_202, %min3A_196 : i32
          %sub3A_212 = arith.subi %min3A_210, %while3A_202 : i32
          %broadcast_in_dim3A = arith.constant 0.000000e+00 : f32
          %broadcast_in_dim3A_213 = vector.broadcast %broadcast_in_dim3A : f32 to vector<16xf32>
          %broadcast_in_dim3A_214 = arith.constant 0.000000e+00 : f32
          %broadcast_in_dim3A_215 = vector.broadcast %broadcast_in_dim3A_214 : f32 to vector<16xf32>
          %broadcast_in_dim3A_216 = arith.constant 0.000000e+00 : f32
          %broadcast_in_dim3A_217 = vector.broadcast %broadcast_in_dim3A_216 : f32 to vector<16xf32>
          %broadcast_in_dim3A_218 = arith.constant 0.000000e+00 : f32
          %broadcast_in_dim3A_219 = vector.broadcast %broadcast_in_dim3A_218 : f32 to vector<16xf32>
          %broadcast_in_dim3A_220 = arith.constant 0.000000e+00 : f32
          %broadcast_in_dim3A_221 = vector.broadcast %broadcast_in_dim3A_220 : f32 to vector<16xf32>
          %broadcast_in_dim3A_222 = arith.constant 0.000000e+00 : f32
          %broadcast_in_dim3A_223 = vector.broadcast %broadcast_in_dim3A_222 : f32 to vector<16xf32>
          %broadcast_in_dim3A_224 = arith.constant 0.000000e+00 : f32
          %broadcast_in_dim3A_225 = vector.broadcast %broadcast_in_dim3A_224 : f32 to vector<16xf32>
          %broadcast_in_dim3A_226 = arith.constant 0.000000e+00 : f32
          %broadcast_in_dim3A_227 = vector.broadcast %broadcast_in_dim3A_226 : f32 to vector<16xf32>
          %broadcast_in_dim3A_228 = arith.constant 0.000000e+00 : f32
          %broadcast_in_dim3A_229 = vector.broadcast %broadcast_in_dim3A_228 : f32 to vector<16xf32>
          %broadcast_in_dim3A_230 = arith.constant 0.000000e+00 : f32
          %broadcast_in_dim3A_231 = vector.broadcast %broadcast_in_dim3A_230 : f32 to vector<16xf32>
          %broadcast_in_dim3A_232 = arith.constant 0.000000e+00 : f32
          %broadcast_in_dim3A_233 = vector.broadcast %broadcast_in_dim3A_232 : f32 to vector<16xf32>
          %broadcast_in_dim3A_234 = arith.constant 0.000000e+00 : f32
          %broadcast_in_dim3A_235 = vector.broadcast %broadcast_in_dim3A_234 : f32 to vector<16xf32>
          %broadcast_in_dim3A_236 = arith.constant 0.000000e+00 : f32
          %broadcast_in_dim3A_237 = vector.broadcast %broadcast_in_dim3A_236 : f32 to vector<16xf32>
          %broadcast_in_dim3A_238 = arith.constant 0.000000e+00 : f32
          %broadcast_in_dim3A_239 = vector.broadcast %broadcast_in_dim3A_238 : f32 to vector<16xf32>
          %broadcast_in_dim3A_240 = arith.constant 0.000000e+00 : f32
          %broadcast_in_dim3A_241 = vector.broadcast %broadcast_in_dim3A_240 : f32 to vector<16xf32>
          %broadcast_in_dim3A_242 = arith.constant 0.000000e+00 : f32
          %broadcast_in_dim3A_243 = vector.broadcast %broadcast_in_dim3A_242 : f32 to vector<16xf32>
          %parallel_loop3A = arith.constant 0 : i32
          %parallel_loop3A_244 = arith.constant 1 : i32
          %parallel_loop3A_245:16 = scf.for %parallel_loop3A_294 = %parallel_loop3A to %sub3A_212 step %parallel_loop3A_244 iter_args(%parallel_loop3A_295 = %broadcast_in_dim3A_213, %parallel_loop3A_296 = %broadcast_in_dim3A_215, %parallel_loop3A_297 = %broadcast_in_dim3A_217, %parallel_loop3A_298 = %broadcast_in_dim3A_219, %parallel_loop3A_299 = %broadcast_in_dim3A_221, %parallel_loop3A_300 = %broadcast_in_dim3A_223, %parallel_loop3A_301 = %broadcast_in_dim3A_225, %parallel_loop3A_302 = %broadcast_in_dim3A_227, %parallel_loop3A_303 = %broadcast_in_dim3A_229, %parallel_loop3A_304 = %broadcast_in_dim3A_231, %parallel_loop3A_305 = %broadcast_in_dim3A_233, %parallel_loop3A_306 = %broadcast_in_dim3A_235, %parallel_loop3A_307 = %broadcast_in_dim3A_237, %parallel_loop3A_308 = %broadcast_in_dim3A_239, %parallel_loop3A_309 = %broadcast_in_dim3A_241, %parallel_loop3A_310 = %broadcast_in_dim3A_243) -> (vector<16xf32>, vector<16xf32>, vector<16xf32>, vector<16xf32>, vector<16xf32>, vector<16xf32>, vector<16xf32>, vector<16xf32>, vector<16xf32>, vector<16xf32>, vector<16xf32>, vector<16xf32>, vector<16xf32>, vector<16xf32>, vector<16xf32>, vector<16xf32>)  : i32 {
            %parallel_loop3A_311 = arith.addi %sub3A_211, %parallel_loop3A_294 : i32
            %parallel_loop3A_312 = arith.index_cast %parallel_loop3A_311 : i32 to index
            %parallel_loop3A_313 = arith.constant 0 : index
            %parallel_loop3A_314 = tpu.vector_load %arg12[%parallel_loop3A_312, %parallel_loop3A_313] {strides = array<i32>} : memref<128x128xf32, #tpu.memory_space<vmem>>, vector<16xf32>,
            %parallel_loop3A_315 = vector.bitcast %parallel_loop3A_314 : vector<16xf32> to vector<16xi32>
            %parallel_loop3A_316 = arith.constant 16 : i32
            %parallel_loop3A_317 = vector.broadcast %parallel_loop3A_316 : i32 to vector<16xi32>
            %parallel_loop3A_318 = arith.shli %parallel_loop3A_315, %parallel_loop3A_317 : vector<16xi32>
            %parallel_loop3A_319 = vector.bitcast %parallel_loop3A_318 : vector<16xi32> to vector<16xf32>
            %parallel_loop3A_320 = vector.bitcast %parallel_loop3A_315 : vector<16xi32> to vector<16xf32>
            %parallel_loop3A_321 = arith.addf %parallel_loop3A_295, %parallel_loop3A_319 : vector<16xf32>
            %parallel_loop3A_322 = arith.addf %parallel_loop3A_303, %parallel_loop3A_320 : vector<16xf32>
            %parallel_loop3A_323 = arith.index_cast %parallel_loop3A_311 : i32 to index
            %parallel_loop3A_324 = arith.constant 16 : index
            %parallel_loop3A_325 = tpu.vector_load %arg12[%parallel_loop3A_323, %parallel_loop3A_324] {strides = array<i32>} : memref<128x128xf32, #tpu.memory_space<vmem>>, vector<16xf32>,
            %parallel_loop3A_326 = vector.bitcast %parallel_loop3A_325 : vector<16xf32> to vector<16xi32>
            %parallel_loop3A_327 = arith.constant 16 : i32
            %parallel_loop3A_328 = vector.broadcast %parallel_loop3A_327 : i32 to vector<16xi32>
            %parallel_loop3A_329 = arith.shli %parallel_loop3A_326, %parallel_loop3A_328 : vector<16xi32>
            %parallel_loop3A_330 = vector.bitcast %parallel_loop3A_329 : vector<16xi32> to vector<16xf32>
            %parallel_loop3A_331 = vector.bitcast %parallel_loop3A_326 : vector<16xi32> to vector<16xf32>
            %parallel_loop3A_332 = arith.addf %parallel_loop3A_296, %parallel_loop3A_330 : vector<16xf32>
            %parallel_loop3A_333 = arith.addf %parallel_loop3A_304, %parallel_loop3A_331 : vector<16xf32>
            %parallel_loop3A_334 = arith.index_cast %parallel_loop3A_311 : i32 to index
            %parallel_loop3A_335 = arith.constant 32 : index
            %parallel_loop3A_336 = tpu.vector_load %arg12[%parallel_loop3A_334, %parallel_loop3A_335] {strides = array<i32>} : memref<128x128xf32, #tpu.memory_space<vmem>>, vector<16xf32>,
            %parallel_loop3A_337 = vector.bitcast %parallel_loop3A_336 : vector<16xf32> to vector<16xi32>
            %parallel_loop3A_338 = arith.constant 16 : i32
            %parallel_loop3A_339 = vector.broadcast %parallel_loop3A_338 : i32 to vector<16xi32>
            %parallel_loop3A_340 = arith.shli %parallel_loop3A_337, %parallel_loop3A_339 : vector<16xi32>
            %parallel_loop3A_341 = vector.bitcast %parallel_loop3A_340 : vector<16xi32> to vector<16xf32>
            %parallel_loop3A_342 = vector.bitcast %parallel_loop3A_337 : vector<16xi32> to vector<16xf32>
            %parallel_loop3A_343 = arith.addf %parallel_loop3A_297, %parallel_loop3A_341 : vector<16xf32>
            %parallel_loop3A_344 = arith.addf %parallel_loop3A_305, %parallel_loop3A_342 : vector<16xf32>
            %parallel_loop3A_345 = arith.index_cast %parallel_loop3A_311 : i32 to index
            %parallel_loop3A_346 = arith.constant 48 : index
            %parallel_loop3A_347 = tpu.vector_load %arg12[%parallel_loop3A_345, %parallel_loop3A_346] {strides = array<i32>} : memref<128x128xf32, #tpu.memory_space<vmem>>, vector<16xf32>,
            %parallel_loop3A_348 = vector.bitcast %parallel_loop3A_347 : vector<16xf32> to vector<16xi32>
            %parallel_loop3A_349 = arith.constant 16 : i32
            %parallel_loop3A_350 = vector.broadcast %parallel_loop3A_349 : i32 to vector<16xi32>
            %parallel_loop3A_351 = arith.shli %parallel_loop3A_348, %parallel_loop3A_350 : vector<16xi32>
            %parallel_loop3A_352 = vector.bitcast %parallel_loop3A_351 : vector<16xi32> to vector<16xf32>
            %parallel_loop3A_353 = vector.bitcast %parallel_loop3A_348 : vector<16xi32> to vector<16xf32>
            %parallel_loop3A_354 = arith.addf %parallel_loop3A_298, %parallel_loop3A_352 : vector<16xf32>
            %parallel_loop3A_355 = arith.addf %parallel_loop3A_306, %parallel_loop3A_353 : vector<16xf32>
            %parallel_loop3A_356 = arith.index_cast %parallel_loop3A_311 : i32 to index
            %parallel_loop3A_357 = arith.constant 64 : index
            %parallel_loop3A_358 = tpu.vector_load %arg12[%parallel_loop3A_356, %parallel_loop3A_357] {strides = array<i32>} : memref<128x128xf32, #tpu.memory_space<vmem>>, vector<16xf32>,
            %parallel_loop3A_359 = vector.bitcast %parallel_loop3A_358 : vector<16xf32> to vector<16xi32>
            %parallel_loop3A_360 = arith.constant 16 : i32
            %parallel_loop3A_361 = vector.broadcast %parallel_loop3A_360 : i32 to vector<16xi32>
            %parallel_loop3A_362 = arith.shli %parallel_loop3A_359, %parallel_loop3A_361 : vector<16xi32>
            %parallel_loop3A_363 = vector.bitcast %parallel_loop3A_362 : vector<16xi32> to vector<16xf32>
            %parallel_loop3A_364 = vector.bitcast %parallel_loop3A_359 : vector<16xi32> to vector<16xf32>
            %parallel_loop3A_365 = arith.addf %parallel_loop3A_299, %parallel_loop3A_363 : vector<16xf32>
            %parallel_loop3A_366 = arith.addf %parallel_loop3A_307, %parallel_loop3A_364 : vector<16xf32>
            %parallel_loop3A_367 = arith.index_cast %parallel_loop3A_311 : i32 to index
            %parallel_loop3A_368 = arith.constant 80 : index
            %parallel_loop3A_369 = tpu.vector_load %arg12[%parallel_loop3A_367, %parallel_loop3A_368] {strides = array<i32>} : memref<128x128xf32, #tpu.memory_space<vmem>>, vector<16xf32>,
            %parallel_loop3A_370 = vector.bitcast %parallel_loop3A_369 : vector<16xf32> to vector<16xi32>
            %parallel_loop3A_371 = arith.constant 16 : i32
            %parallel_loop3A_372 = vector.broadcast %parallel_loop3A_371 : i32 to vector<16xi32>
            %parallel_loop3A_373 = arith.shli %parallel_loop3A_370, %parallel_loop3A_372 : vector<16xi32>
            %parallel_loop3A_374 = vector.bitcast %parallel_loop3A_373 : vector<16xi32> to vector<16xf32>
            %parallel_loop3A_375 = vector.bitcast %parallel_loop3A_370 : vector<16xi32> to vector<16xf32>
            %parallel_loop3A_376 = arith.addf %parallel_loop3A_300, %parallel_loop3A_374 : vector<16xf32>
            %parallel_loop3A_377 = arith.addf %parallel_loop3A_308, %parallel_loop3A_375 : vector<16xf32>
            %parallel_loop3A_378 = arith.index_cast %parallel_loop3A_311 : i32 to index
            %parallel_loop3A_379 = arith.constant 96 : index
            %parallel_loop3A_380 = tpu.vector_load %arg12[%parallel_loop3A_378, %parallel_loop3A_379] {strides = array<i32>} : memref<128x128xf32, #tpu.memory_space<vmem>>, vector<16xf32>,
            %parallel_loop3A_381 = vector.bitcast %parallel_loop3A_380 : vector<16xf32> to vector<16xi32>
            %parallel_loop3A_382 = arith.constant 16 : i32
            %parallel_loop3A_383 = vector.broadcast %parallel_loop3A_382 : i32 to vector<16xi32>
            %parallel_loop3A_384 = arith.shli %parallel_loop3A_381, %parallel_loop3A_383 : vector<16xi32>
            %parallel_loop3A_385 = vector.bitcast %parallel_loop3A_384 : vector<16xi32> to vector<16xf32>
            %parallel_loop3A_386 = vector.bitcast %parallel_loop3A_381 : vector<16xi32> to vector<16xf32>
            %parallel_loop3A_387 = arith.addf %parallel_loop3A_301, %parallel_loop3A_385 : vector<16xf32>
            %parallel_loop3A_388 = arith.addf %parallel_loop3A_309, %parallel_loop3A_386 : vector<16xf32>
            %parallel_loop3A_389 = arith.index_cast %parallel_loop3A_311 : i32 to index
            %parallel_loop3A_390 = arith.constant 112 : index
            %parallel_loop3A_391 = tpu.vector_load %arg12[%parallel_loop3A_389, %parallel_loop3A_390] {strides = array<i32>} : memref<128x128xf32, #tpu.memory_space<vmem>>, vector<16xf32>,
            %parallel_loop3A_392 = vector.bitcast %parallel_loop3A_391 : vector<16xf32> to vector<16xi32>
            %parallel_loop3A_393 = arith.constant 16 : i32
            %parallel_loop3A_394 = vector.broadcast %parallel_loop3A_393 : i32 to vector<16xi32>
            %parallel_loop3A_395 = arith.shli %parallel_loop3A_392, %parallel_loop3A_394 : vector<16xi32>
            %parallel_loop3A_396 = vector.bitcast %parallel_loop3A_395 : vector<16xi32> to vector<16xf32>
            %parallel_loop3A_397 = vector.bitcast %parallel_loop3A_392 : vector<16xi32> to vector<16xf32>
            %parallel_loop3A_398 = arith.addf %parallel_loop3A_302, %parallel_loop3A_396 : vector<16xf32>
            %parallel_loop3A_399 = arith.addf %parallel_loop3A_310, %parallel_loop3A_397 : vector<16xf32>
            scf.yield %parallel_loop3A_321, %parallel_loop3A_332, %parallel_loop3A_343, %parallel_loop3A_354, %parallel_loop3A_365, %parallel_loop3A_376, %parallel_loop3A_387, %parallel_loop3A_398, %parallel_loop3A_322, %parallel_loop3A_333, %parallel_loop3A_344, %parallel_loop3A_355, %parallel_loop3A_366, %parallel_loop3A_377, %parallel_loop3A_388, %parallel_loop3A_399 : vector<16xf32>, vector<16xf32>, vector<16xf32>, vector<16xf32>, vector<16xf32>, vector<16xf32>, vector<16xf32>, vector<16xf32>, vector<16xf32>, vector<16xf32>, vector<16xf32>, vector<16xf32>, vector<16xf32>, vector<16xf32>, vector<16xf32>, vector<16xf32>
          } {sc.loop_unroll_factor = 4 : i64, sc.parallel_access}
          %sub3A_246 = arith.subi %while3A_209#0, %mul3A_14 : i32
          %swap3A = arith.index_cast %sub3A_246 : i32 to index
          %swap3A_247 = arith.constant 0 : index
          %swap3A_248 = tpu.vector_load %arg13[%swap3A, %swap3A_247] {strides = array<i32>} : memref<256x256xf32, #tpu.memory_space<vmem>>, vector<16xf32>,
          tpu.vector_store %arg13[%swap3A, %swap3A_247], %parallel_loop3A_245#0 {add = true, strides = array<i32>} : memref<256x256xf32, #tpu.memory_space<vmem>>, vector<16xf32>,
          %swap3A_249 = arith.index_cast %sub3A_246 : i32 to index
          %swap3A_250 = arith.constant 16 : index
          %swap3A_251 = tpu.vector_load %arg13[%swap3A_249, %swap3A_250] {strides = array<i32>} : memref<256x256xf32, #tpu.memory_space<vmem>>, vector<16xf32>,
          tpu.vector_store %arg13[%swap3A_249, %swap3A_250], %parallel_loop3A_245#1 {add = true, strides = array<i32>} : memref<256x256xf32, #tpu.memory_space<vmem>>, vector<16xf32>,
          %swap3A_252 = arith.index_cast %sub3A_246 : i32 to index
          %swap3A_253 = arith.constant 32 : index
          %swap3A_254 = tpu.vector_load %arg13[%swap3A_252, %swap3A_253] {strides = array<i32>} : memref<256x256xf32, #tpu.memory_space<vmem>>, vector<16xf32>,
          tpu.vector_store %arg13[%swap3A_252, %swap3A_253], %parallel_loop3A_245#2 {add = true, strides = array<i32>} : memref<256x256xf32, #tpu.memory_space<vmem>>, vector<16xf32>,
          %swap3A_255 = arith.index_cast %sub3A_246 : i32 to index
          %swap3A_256 = arith.constant 48 : index
          %swap3A_257 = tpu.vector_load %arg13[%swap3A_255, %swap3A_256] {strides = array<i32>} : memref<256x256xf32, #tpu.memory_space<vmem>>, vector<16xf32>,
          tpu.vector_store %arg13[%swap3A_255, %swap3A_256], %parallel_loop3A_245#3 {add = true, strides = array<i32>} : memref<256x256xf32, #tpu.memory_space<vmem>>, vector<16xf32>,
          %swap3A_258 = arith.index_cast %sub3A_246 : i32 to index
          %swap3A_259 = arith.constant 64 : index
          %swap3A_260 = tpu.vector_load %arg13[%swap3A_258, %swap3A_259] {strides = array<i32>} : memref<256x256xf32, #tpu.memory_space<vmem>>, vector<16xf32>,
          tpu.vector_store %arg13[%swap3A_258, %swap3A_259], %parallel_loop3A_245#4 {add = true, strides = array<i32>} : memref<256x256xf32, #tpu.memory_space<vmem>>, vector<16xf32>,
          %swap3A_261 = arith.index_cast %sub3A_246 : i32 to index
          %swap3A_262 = arith.constant 80 : index
          %swap3A_263 = tpu.vector_load %arg13[%swap3A_261, %swap3A_262] {strides = array<i32>} : memref<256x256xf32, #tpu.memory_space<vmem>>, vector<16xf32>,
          tpu.vector_store %arg13[%swap3A_261, %swap3A_262], %parallel_loop3A_245#5 {add = true, strides = array<i32>} : memref<256x256xf32, #tpu.memory_space<vmem>>, vector<16xf32>,
          %swap3A_264 = arith.index_cast %sub3A_246 : i32 to index
          %swap3A_265 = arith.constant 96 : index
          %swap3A_266 = tpu.vector_load %arg13[%swap3A_264, %swap3A_265] {strides = array<i32>} : memref<256x256xf32, #tpu.memory_space<vmem>>, vector<16xf32>,
          tpu.vector_store %arg13[%swap3A_264, %swap3A_265], %parallel_loop3A_245#6 {add = true, strides = array<i32>} : memref<256x256xf32, #tpu.memory_space<vmem>>, vector<16xf32>,
          %swap3A_267 = arith.index_cast %sub3A_246 : i32 to index
          %swap3A_268 = arith.constant 112 : index
          %swap3A_269 = tpu.vector_load %arg13[%swap3A_267, %swap3A_268] {strides = array<i32>} : memref<256x256xf32, #tpu.memory_space<vmem>>, vector<16xf32>,
          tpu.vector_store %arg13[%swap3A_267, %swap3A_268], %parallel_loop3A_245#7 {add = true, strides = array<i32>} : memref<256x256xf32, #tpu.memory_space<vmem>>, vector<16xf32>,
          %swap3A_270 = arith.index_cast %sub3A_246 : i32 to index
          %swap3A_271 = arith.constant 128 : index
          %swap3A_272 = tpu.vector_load %arg13[%swap3A_270, %swap3A_271] {strides = array<i32>} : memref<256x256xf32, #tpu.memory_space<vmem>>, vector<16xf32>,
          tpu.vector_store %arg13[%swap3A_270, %swap3A_271], %parallel_loop3A_245#8 {add = true, strides = array<i32>} : memref<256x256xf32, #tpu.memory_space<vmem>>, vector<16xf32>,
          %swap3A_273 = arith.index_cast %sub3A_246 : i32 to index
          %swap3A_274 = arith.constant 144 : index
          %swap3A_275 = tpu.vector_load %arg13[%swap3A_273, %swap3A_274] {strides = array<i32>} : memref<256x256xf32, #tpu.memory_space<vmem>>, vector<16xf32>,
          tpu.vector_store %arg13[%swap3A_273, %swap3A_274], %parallel_loop3A_245#9 {add = true, strides = array<i32>} : memref<256x256xf32, #tpu.memory_space<vmem>>, vector<16xf32>,
          %swap3A_276 = arith.index_cast %sub3A_246 : i32 to index
          %swap3A_277 = arith.constant 160 : index
          %swap3A_278 = tpu.vector_load %arg13[%swap3A_276, %swap3A_277] {strides = array<i32>} : memref<256x256xf32, #tpu.memory_space<vmem>>, vector<16xf32>,
          tpu.vector_store %arg13[%swap3A_276, %swap3A_277], %parallel_loop3A_245#10 {add = true, strides = array<i32>} : memref<256x256xf32, #tpu.memory_space<vmem>>, vector<16xf32>,
          %swap3A_279 = arith.index_cast %sub3A_246 : i32 to index
          %swap3A_280 = arith.constant 176 : index
          %swap3A_281 = tpu.vector_load %arg13[%swap3A_279, %swap3A_280] {strides = array<i32>} : memref<256x256xf32, #tpu.memory_space<vmem>>, vector<16xf32>,
          tpu.vector_store %arg13[%swap3A_279, %swap3A_280], %parallel_loop3A_245#11 {add = true, strides = array<i32>} : memref<256x256xf32, #tpu.memory_space<vmem>>, vector<16xf32>,
          %swap3A_282 = arith.index_cast %sub3A_246 : i32 to index
          %swap3A_283 = arith.constant 192 : index
          %swap3A_284 = tpu.vector_load %arg13[%swap3A_282, %swap3A_283] {strides = array<i32>} : memref<256x256xf32, #tpu.memory_space<vmem>>, vector<16xf32>,
          tpu.vector_store %arg13[%swap3A_282, %swap3A_283], %parallel_loop3A_245#12 {add = true, strides = array<i32>} : memref<256x256xf32, #tpu.memory_space<vmem>>, vector<16xf32>,
          %swap3A_285 = arith.index_cast %sub3A_246 : i32 to index
          %swap3A_286 = arith.constant 208 : index
          %swap3A_287 = tpu.vector_load %arg13[%swap3A_285, %swap3A_286] {strides = array<i32>} : memref<256x256xf32, #tpu.memory_space<vmem>>, vector<16xf32>,
          tpu.vector_store %arg13[%swap3A_285, %swap3A_286], %parallel_loop3A_245#13 {add = true, strides = array<i32>} : memref<256x256xf32, #tpu.memory_space<vmem>>, vector<16xf32>,
          %swap3A_288 = arith.index_cast %sub3A_246 : i32 to index
          %swap3A_289 = arith.constant 224 : index
          %swap3A_290 = tpu.vector_load %arg13[%swap3A_288, %swap3A_289] {strides = array<i32>} : memref<256x256xf32, #tpu.memory_space<vmem>>, vector<16xf32>,
          tpu.vector_store %arg13[%swap3A_288, %swap3A_289], %parallel_loop3A_245#14 {add = true, strides = array<i32>} : memref<256x256xf32, #tpu.memory_space<vmem>>, vector<16xf32>,
          %swap3A_291 = arith.index_cast %sub3A_246 : i32 to index
          %swap3A_292 = arith.constant 240 : index
          %swap3A_293 = tpu.vector_load %arg13[%swap3A_291, %swap3A_292] {strides = array<i32>} : memref<256x256xf32, #tpu.memory_space<vmem>>, vector<16xf32>,
          tpu.vector_store %arg13[%swap3A_291, %swap3A_292], %parallel_loop3A_245#15 {add = true, strides = array<i32>} : memref<256x256xf32, #tpu.memory_space<vmem>>, vector<16xf32>,
          scf.yield %while3A_209#0, %min3A_210 : i32, i32
        }
        scf.yield %while3A_200#0, %while3A_200#1 : i32, i32
      }
      %while3A_113 = arith.constant 1 : i32
      %while3A_114:2 = scf.for %while3A_128 = %while3A_110 to %while3A_106 step %while3A_113 iter_args(%while3A_129 = %while3A_112#0, %while3A_130 = %while3A_112#1) -> (i32, i32)  : i32 {
        %mul3A_131 = arith.constant 2 : i32
        %mul3A_132 = arith.muli %mul3A_131, %while3A_128 : i32
        %add3A_133 = arith.constant 1 : i32
        %add3A_134 = arith.addi %mul3A_132, %add3A_133 : i32
        %mul3A_135 = arith.constant 128 : i32
        %mul3A_136 = arith.muli %add3A_134, %mul3A_135 : i32
        %add3A_137 = arith.addi %mul3A_38, %mul3A_136 : i32
        %min3A_138 = arith.constant 204672 : i32
        %min3A_139 = arith.minsi %add3A_137, %min3A_138 : i32
        %dma_wait3A_140 = tpu.memref_slice %arg2[%min3A_139] : memref<204800xi32, #tpu.memory_space<hbm>> -> memref<128xi32, #tpu.memory_space<hbm>>
        %dma_wait3A_141 = tpu.memref_slice %arg2[%min3A_139] : memref<204800xi32, #tpu.memory_space<hbm>> -> memref<128xi32, #tpu.memory_space<hbm>>
        tpu.wait_dma2 semaphore(%arg17 : memref<!tpu.dma_semaphore, #tpu.memory_space<semaphore_mem>>) src(%dma_wait3A_141 : memref<128xi32, #tpu.memory_space<hbm>>) dst(%arg10 : memref<128xi32, #tpu.memory_space<vmem>>)
        %dma_start3A_142 = arith.constant 0 : i32
        %dma_start3A_143 = arith.constant 0 : i32
        %dma_start3A_144 = tpu.memref_slice %arg5[%dma_start3A_142, %dma_start3A_143] : memref<100000x128xf32, #tpu.memory_space<hbm>> -> memref<100000x128xf32, #tpu.memory_space<hbm>>
        tpu.enqueue_indirect_dma source(%dma_start3A_144 : memref<100000x128xf32, #tpu.memory_space<hbm>>) target(%arg12 : memref<128x128xf32, #tpu.memory_space<vmem>>) offsets(%arg10 : memref<128xi32, #tpu.memory_space<vmem>>) semaphore(%arg15 : memref<!tpu.dma_semaphore, #tpu.memory_space<semaphore_mem>>)
        %dma_wait3A_145 = arith.constant 0 : i32
        %dma_wait3A_146 = arith.constant 0 : i32
        %dma_wait3A_147 = tpu.memref_slice %arg5[%dma_wait3A_145, %dma_wait3A_146] : memref<100000x128xf32, #tpu.memory_space<hbm>> -> memref<100000x128xf32, #tpu.memory_space<hbm>>
        tpu.wait_indirect_dma semaphore(%arg14 : memref<!tpu.dma_semaphore, #tpu.memory_space<semaphore_mem>>) src(%dma_wait3A_147 : memref<100000x128xf32, #tpu.memory_space<hbm>>) dst(%arg11 : memref<128x128xf32, #tpu.memory_space<vmem>>)
        %add3A_148 = arith.constant 1 : i32
        %add3A_149 = arith.addi %add3A_134, %add3A_148 : i32
        %mul3A_150 = arith.constant 128 : i32
        %mul3A_151 = arith.muli %add3A_149, %mul3A_150 : i32
        %add3A_152 = arith.addi %mul3A_38, %mul3A_151 : i32
        %min3A_153 = arith.constant 204672 : i32
        %min3A_154 = arith.minsi %add3A_152, %min3A_153 : i32
        %dma_start3A_155 = tpu.memref_slice %arg2[%min3A_154] : memref<204800xi32, #tpu.memory_space<hbm>> -> memref<128xi32, #tpu.memory_space<hbm>>
        %dma_start3A_156 = tpu.memref_slice %arg2[%min3A_154] : memref<204800xi32, #tpu.memory_space<hbm>> -> memref<128xi32, #tpu.memory_space<hbm>>
        tpu.enqueue_dma source(%dma_start3A_156 : memref<128xi32, #tpu.memory_space<hbm>>) target(%arg9 : memref<128xi32, #tpu.memory_space<vmem>>) target_semaphore(%arg16 : memref<!tpu.dma_semaphore, #tpu.memory_space<semaphore_mem>>)
        %sub3A_157 = arith.constant 1 : i32
        %sub3A_158 = arith.subi %add3A_134, %sub3A_157 : i32
        %mul3A_159 = arith.constant 128 : i32
        %mul3A_160 = arith.muli %sub3A_158, %mul3A_159 : i32
        %add3A_161 = arith.addi %mul3A_38, %mul3A_160 : i32
        %min3A_162 = arith.constant 204672 : i32
        %min3A_163 = arith.minsi %add3A_161, %min3A_162 : i32
        %add3A_164 = arith.constant 128 : i32
        %add3A_165 = arith.addi %min3A_163, %add3A_164 : i32
        %min3A_166 = arith.minsi %squeeze3A_20, %add3A_165 : i32
        %while3A_167:2 = scf.while (%while3A_201 = %while3A_129, %while3A_202 = %while3A_130) : (i32, i32) -> (i32, i32) {
          %lt3A = arith.cmpi slt, %while3A_202, %min3A_166 : i32
          scf.condition(%lt3A) %while3A_201, %while3A_202 : i32, i32
        } do {
        ^bb0(%while3A_201: i32, %while3A_202: i32):
          %add3A_203 = arith.constant 1 : i32
          %add3A_204 = arith.addi %while3A_201, %add3A_203 : i32
          %get3A_205 = arith.index_cast %add3A_204 : i32 to index
          %get3A_206 = tpu.vector_load %arg8[%get3A_205] {strides = array<i32>} : memref<4224xi32, #tpu.memory_space<vmem>>, vector<16xi32>,
          %slice3A_207 = vector.extract_strided_slice %get3A_206 {offsets = [0], sizes = [1], strides = [1]} : vector<16xi32> to vector<1xi32>
          %squeeze3A_208 = vector.extract %slice3A_207[0] : i32 from vector<1xi32>
          %while3A_209:2 = scf.while (%while3A_294 = %while3A_201, %while3A_295 = %squeeze3A_208) : (i32, i32) -> (i32, i32) {
            %le3A = arith.cmpi sle, %while3A_295, %while3A_202 : i32
            scf.condition(%le3A) %while3A_294, %while3A_295 : i32, i32
          } do {
          ^bb0(%while3A_294: i32, %while3A_295: i32):
            %add3A_296 = arith.constant 1 : i32
            %add3A_297 = arith.addi %while3A_294, %add3A_296 : i32
            %add3A_298 = arith.constant 1 : i32
            %add3A_299 = arith.addi %add3A_297, %add3A_298 : i32
            %get3A_300 = arith.index_cast %add3A_299 : i32 to index
            %get3A_301 = tpu.vector_load %arg8[%get3A_300] {strides = array<i32>} : memref<4224xi32, #tpu.memory_space<vmem>>, vector<16xi32>,
            %slice3A_302 = vector.extract_strided_slice %get3A_301 {offsets = [0], sizes = [1], strides = [1]} : vector<16xi32> to vector<1xi32>
            %squeeze3A_303 = vector.extract %slice3A_302[0] : i32 from vector<1xi32>
            scf.yield %add3A_297, %squeeze3A_303 : i32, i32
          }
          %min3A_210 = arith.minsi %while3A_209#1, %min3A_166 : i32
          %sub3A_211 = arith.subi %while3A_202, %min3A_163 : i32
          %sub3A_212 = arith.subi %min3A_210, %while3A_202 : i32
          %broadcast_in_dim3A = arith.constant 0.000000e+00 : f32
          %broadcast_in_dim3A_213 = vector.broadcast %broadcast_in_dim3A : f32 to vector<16xf32>
          %broadcast_in_dim3A_214 = arith.constant 0.000000e+00 : f32
          %broadcast_in_dim3A_215 = vector.broadcast %broadcast_in_dim3A_214 : f32 to vector<16xf32>
          %broadcast_in_dim3A_216 = arith.constant 0.000000e+00 : f32
          %broadcast_in_dim3A_217 = vector.broadcast %broadcast_in_dim3A_216 : f32 to vector<16xf32>
          %broadcast_in_dim3A_218 = arith.constant 0.000000e+00 : f32
          %broadcast_in_dim3A_219 = vector.broadcast %broadcast_in_dim3A_218 : f32 to vector<16xf32>
          %broadcast_in_dim3A_220 = arith.constant 0.000000e+00 : f32
          %broadcast_in_dim3A_221 = vector.broadcast %broadcast_in_dim3A_220 : f32 to vector<16xf32>
          %broadcast_in_dim3A_222 = arith.constant 0.000000e+00 : f32
          %broadcast_in_dim3A_223 = vector.broadcast %broadcast_in_dim3A_222 : f32 to vector<16xf32>
          %broadcast_in_dim3A_224 = arith.constant 0.000000e+00 : f32
          %broadcast_in_dim3A_225 = vector.broadcast %broadcast_in_dim3A_224 : f32 to vector<16xf32>
          %broadcast_in_dim3A_226 = arith.constant 0.000000e+00 : f32
          %broadcast_in_dim3A_227 = vector.broadcast %broadcast_in_dim3A_226 : f32 to vector<16xf32>
          %broadcast_in_dim3A_228 = arith.constant 0.000000e+00 : f32
          %broadcast_in_dim3A_229 = vector.broadcast %broadcast_in_dim3A_228 : f32 to vector<16xf32>
          %broadcast_in_dim3A_230 = arith.constant 0.000000e+00 : f32
          %broadcast_in_dim3A_231 = vector.broadcast %broadcast_in_dim3A_230 : f32 to vector<16xf32>
          %broadcast_in_dim3A_232 = arith.constant 0.000000e+00 : f32
          %broadcast_in_dim3A_233 = vector.broadcast %broadcast_in_dim3A_232 : f32 to vector<16xf32>
          %broadcast_in_dim3A_234 = arith.constant 0.000000e+00 : f32
          %broadcast_in_dim3A_235 = vector.broadcast %broadcast_in_dim3A_234 : f32 to vector<16xf32>
          %broadcast_in_dim3A_236 = arith.constant 0.000000e+00 : f32
          %broadcast_in_dim3A_237 = vector.broadcast %broadcast_in_dim3A_236 : f32 to vector<16xf32>
          %broadcast_in_dim3A_238 = arith.constant 0.000000e+00 : f32
          %broadcast_in_dim3A_239 = vector.broadcast %broadcast_in_dim3A_238 : f32 to vector<16xf32>
          %broadcast_in_dim3A_240 = arith.constant 0.000000e+00 : f32
          %broadcast_in_dim3A_241 = vector.broadcast %broadcast_in_dim3A_240 : f32 to vector<16xf32>
          %broadcast_in_dim3A_242 = arith.constant 0.000000e+00 : f32
          %broadcast_in_dim3A_243 = vector.broadcast %broadcast_in_dim3A_242 : f32 to vector<16xf32>
          %parallel_loop3A = arith.constant 0 : i32
          %parallel_loop3A_244 = arith.constant 1 : i32
          %parallel_loop3A_245:16 = scf.for %parallel_loop3A_294 = %parallel_loop3A to %sub3A_212 step %parallel_loop3A_244 iter_args(%parallel_loop3A_295 = %broadcast_in_dim3A_213, %parallel_loop3A_296 = %broadcast_in_dim3A_215, %parallel_loop3A_297 = %broadcast_in_dim3A_217, %parallel_loop3A_298 = %broadcast_in_dim3A_219, %parallel_loop3A_299 = %broadcast_in_dim3A_221, %parallel_loop3A_300 = %broadcast_in_dim3A_223, %parallel_loop3A_301 = %broadcast_in_dim3A_225, %parallel_loop3A_302 = %broadcast_in_dim3A_227, %parallel_loop3A_303 = %broadcast_in_dim3A_229, %parallel_loop3A_304 = %broadcast_in_dim3A_231, %parallel_loop3A_305 = %broadcast_in_dim3A_233, %parallel_loop3A_306 = %broadcast_in_dim3A_235, %parallel_loop3A_307 = %broadcast_in_dim3A_237, %parallel_loop3A_308 = %broadcast_in_dim3A_239, %parallel_loop3A_309 = %broadcast_in_dim3A_241, %parallel_loop3A_310 = %broadcast_in_dim3A_243) -> (vector<16xf32>, vector<16xf32>, vector<16xf32>, vector<16xf32>, vector<16xf32>, vector<16xf32>, vector<16xf32>, vector<16xf32>, vector<16xf32>, vector<16xf32>, vector<16xf32>, vector<16xf32>, vector<16xf32>, vector<16xf32>, vector<16xf32>, vector<16xf32>)  : i32 {
            %parallel_loop3A_311 = arith.addi %sub3A_211, %parallel_loop3A_294 : i32
            %parallel_loop3A_312 = arith.index_cast %parallel_loop3A_311 : i32 to index
            %parallel_loop3A_313 = arith.constant 0 : index
            %parallel_loop3A_314 = tpu.vector_load %arg11[%parallel_loop3A_312, %parallel_loop3A_313] {strides = array<i32>} : memref<128x128xf32, #tpu.memory_space<vmem>>, vector<16xf32>,
            %parallel_loop3A_315 = vector.bitcast %parallel_loop3A_314 : vector<16xf32> to vector<16xi32>
            %parallel_loop3A_316 = arith.constant 16 : i32
            %parallel_loop3A_317 = vector.broadcast %parallel_loop3A_316 : i32 to vector<16xi32>
            %parallel_loop3A_318 = arith.shli %parallel_loop3A_315, %parallel_loop3A_317 : vector<16xi32>
            %parallel_loop3A_319 = vector.bitcast %parallel_loop3A_318 : vector<16xi32> to vector<16xf32>
            %parallel_loop3A_320 = vector.bitcast %parallel_loop3A_315 : vector<16xi32> to vector<16xf32>
            %parallel_loop3A_321 = arith.addf %parallel_loop3A_295, %parallel_loop3A_319 : vector<16xf32>
            %parallel_loop3A_322 = arith.addf %parallel_loop3A_303, %parallel_loop3A_320 : vector<16xf32>
            %parallel_loop3A_323 = arith.index_cast %parallel_loop3A_311 : i32 to index
            %parallel_loop3A_324 = arith.constant 16 : index
            %parallel_loop3A_325 = tpu.vector_load %arg11[%parallel_loop3A_323, %parallel_loop3A_324] {strides = array<i32>} : memref<128x128xf32, #tpu.memory_space<vmem>>, vector<16xf32>,
            %parallel_loop3A_326 = vector.bitcast %parallel_loop3A_325 : vector<16xf32> to vector<16xi32>
            %parallel_loop3A_327 = arith.constant 16 : i32
            %parallel_loop3A_328 = vector.broadcast %parallel_loop3A_327 : i32 to vector<16xi32>
            %parallel_loop3A_329 = arith.shli %parallel_loop3A_326, %parallel_loop3A_328 : vector<16xi32>
            %parallel_loop3A_330 = vector.bitcast %parallel_loop3A_329 : vector<16xi32> to vector<16xf32>
            %parallel_loop3A_331 = vector.bitcast %parallel_loop3A_326 : vector<16xi32> to vector<16xf32>
            %parallel_loop3A_332 = arith.addf %parallel_loop3A_296, %parallel_loop3A_330 : vector<16xf32>
            %parallel_loop3A_333 = arith.addf %parallel_loop3A_304, %parallel_loop3A_331 : vector<16xf32>
            %parallel_loop3A_334 = arith.index_cast %parallel_loop3A_311 : i32 to index
            %parallel_loop3A_335 = arith.constant 32 : index
            %parallel_loop3A_336 = tpu.vector_load %arg11[%parallel_loop3A_334, %parallel_loop3A_335] {strides = array<i32>} : memref<128x128xf32, #tpu.memory_space<vmem>>, vector<16xf32>,
            %parallel_loop3A_337 = vector.bitcast %parallel_loop3A_336 : vector<16xf32> to vector<16xi32>
            %parallel_loop3A_338 = arith.constant 16 : i32
            %parallel_loop3A_339 = vector.broadcast %parallel_loop3A_338 : i32 to vector<16xi32>
            %parallel_loop3A_340 = arith.shli %parallel_loop3A_337, %parallel_loop3A_339 : vector<16xi32>
            %parallel_loop3A_341 = vector.bitcast %parallel_loop3A_340 : vector<16xi32> to vector<16xf32>
            %parallel_loop3A_342 = vector.bitcast %parallel_loop3A_337 : vector<16xi32> to vector<16xf32>
            %parallel_loop3A_343 = arith.addf %parallel_loop3A_297, %parallel_loop3A_341 : vector<16xf32>
            %parallel_loop3A_344 = arith.addf %parallel_loop3A_305, %parallel_loop3A_342 : vector<16xf32>
            %parallel_loop3A_345 = arith.index_cast %parallel_loop3A_311 : i32 to index
            %parallel_loop3A_346 = arith.constant 48 : index
            %parallel_loop3A_347 = tpu.vector_load %arg11[%parallel_loop3A_345, %parallel_loop3A_346] {strides = array<i32>} : memref<128x128xf32, #tpu.memory_space<vmem>>, vector<16xf32>,
            %parallel_loop3A_348 = vector.bitcast %parallel_loop3A_347 : vector<16xf32> to vector<16xi32>
            %parallel_loop3A_349 = arith.constant 16 : i32
            %parallel_loop3A_350 = vector.broadcast %parallel_loop3A_349 : i32 to vector<16xi32>
            %parallel_loop3A_351 = arith.shli %parallel_loop3A_348, %parallel_loop3A_350 : vector<16xi32>
            %parallel_loop3A_352 = vector.bitcast %parallel_loop3A_351 : vector<16xi32> to vector<16xf32>
            %parallel_loop3A_353 = vector.bitcast %parallel_loop3A_348 : vector<16xi32> to vector<16xf32>
            %parallel_loop3A_354 = arith.addf %parallel_loop3A_298, %parallel_loop3A_352 : vector<16xf32>
            %parallel_loop3A_355 = arith.addf %parallel_loop3A_306, %parallel_loop3A_353 : vector<16xf32>
            %parallel_loop3A_356 = arith.index_cast %parallel_loop3A_311 : i32 to index
            %parallel_loop3A_357 = arith.constant 64 : index
            %parallel_loop3A_358 = tpu.vector_load %arg11[%parallel_loop3A_356, %parallel_loop3A_357] {strides = array<i32>} : memref<128x128xf32, #tpu.memory_space<vmem>>, vector<16xf32>,
            %parallel_loop3A_359 = vector.bitcast %parallel_loop3A_358 : vector<16xf32> to vector<16xi32>
            %parallel_loop3A_360 = arith.constant 16 : i32
            %parallel_loop3A_361 = vector.broadcast %parallel_loop3A_360 : i32 to vector<16xi32>
            %parallel_loop3A_362 = arith.shli %parallel_loop3A_359, %parallel_loop3A_361 : vector<16xi32>
            %parallel_loop3A_363 = vector.bitcast %parallel_loop3A_362 : vector<16xi32> to vector<16xf32>
            %parallel_loop3A_364 = vector.bitcast %parallel_loop3A_359 : vector<16xi32> to vector<16xf32>
            %parallel_loop3A_365 = arith.addf %parallel_loop3A_299, %parallel_loop3A_363 : vector<16xf32>
            %parallel_loop3A_366 = arith.addf %parallel_loop3A_307, %parallel_loop3A_364 : vector<16xf32>
            %parallel_loop3A_367 = arith.index_cast %parallel_loop3A_311 : i32 to index
            %parallel_loop3A_368 = arith.constant 80 : index
            %parallel_loop3A_369 = tpu.vector_load %arg11[%parallel_loop3A_367, %parallel_loop3A_368] {strides = array<i32>} : memref<128x128xf32, #tpu.memory_space<vmem>>, vector<16xf32>,
            %parallel_loop3A_370 = vector.bitcast %parallel_loop3A_369 : vector<16xf32> to vector<16xi32>
            %parallel_loop3A_371 = arith.constant 16 : i32
            %parallel_loop3A_372 = vector.broadcast %parallel_loop3A_371 : i32 to vector<16xi32>
            %parallel_loop3A_373 = arith.shli %parallel_loop3A_370, %parallel_loop3A_372 : vector<16xi32>
            %parallel_loop3A_374 = vector.bitcast %parallel_loop3A_373 : vector<16xi32> to vector<16xf32>
            %parallel_loop3A_375 = vector.bitcast %parallel_loop3A_370 : vector<16xi32> to vector<16xf32>
            %parallel_loop3A_376 = arith.addf %parallel_loop3A_300, %parallel_loop3A_374 : vector<16xf32>
            %parallel_loop3A_377 = arith.addf %parallel_loop3A_308, %parallel_loop3A_375 : vector<16xf32>
            %parallel_loop3A_378 = arith.index_cast %parallel_loop3A_311 : i32 to index
            %parallel_loop3A_379 = arith.constant 96 : index
            %parallel_loop3A_380 = tpu.vector_load %arg11[%parallel_loop3A_378, %parallel_loop3A_379] {strides = array<i32>} : memref<128x128xf32, #tpu.memory_space<vmem>>, vector<16xf32>,
            %parallel_loop3A_381 = vector.bitcast %parallel_loop3A_380 : vector<16xf32> to vector<16xi32>
            %parallel_loop3A_382 = arith.constant 16 : i32
            %parallel_loop3A_383 = vector.broadcast %parallel_loop3A_382 : i32 to vector<16xi32>
            %parallel_loop3A_384 = arith.shli %parallel_loop3A_381, %parallel_loop3A_383 : vector<16xi32>
            %parallel_loop3A_385 = vector.bitcast %parallel_loop3A_384 : vector<16xi32> to vector<16xf32>
            %parallel_loop3A_386 = vector.bitcast %parallel_loop3A_381 : vector<16xi32> to vector<16xf32>
            %parallel_loop3A_387 = arith.addf %parallel_loop3A_301, %parallel_loop3A_385 : vector<16xf32>
            %parallel_loop3A_388 = arith.addf %parallel_loop3A_309, %parallel_loop3A_386 : vector<16xf32>
            %parallel_loop3A_389 = arith.index_cast %parallel_loop3A_311 : i32 to index
            %parallel_loop3A_390 = arith.constant 112 : index
            %parallel_loop3A_391 = tpu.vector_load %arg11[%parallel_loop3A_389, %parallel_loop3A_390] {strides = array<i32>} : memref<128x128xf32, #tpu.memory_space<vmem>>, vector<16xf32>,
            %parallel_loop3A_392 = vector.bitcast %parallel_loop3A_391 : vector<16xf32> to vector<16xi32>
            %parallel_loop3A_393 = arith.constant 16 : i32
            %parallel_loop3A_394 = vector.broadcast %parallel_loop3A_393 : i32 to vector<16xi32>
            %parallel_loop3A_395 = arith.shli %parallel_loop3A_392, %parallel_loop3A_394 : vector<16xi32>
            %parallel_loop3A_396 = vector.bitcast %parallel_loop3A_395 : vector<16xi32> to vector<16xf32>
            %parallel_loop3A_397 = vector.bitcast %parallel_loop3A_392 : vector<16xi32> to vector<16xf32>
            %parallel_loop3A_398 = arith.addf %parallel_loop3A_302, %parallel_loop3A_396 : vector<16xf32>
            %parallel_loop3A_399 = arith.addf %parallel_loop3A_310, %parallel_loop3A_397 : vector<16xf32>
            scf.yield %parallel_loop3A_321, %parallel_loop3A_332, %parallel_loop3A_343, %parallel_loop3A_354, %parallel_loop3A_365, %parallel_loop3A_376, %parallel_loop3A_387, %parallel_loop3A_398, %parallel_loop3A_322, %parallel_loop3A_333, %parallel_loop3A_344, %parallel_loop3A_355, %parallel_loop3A_366, %parallel_loop3A_377, %parallel_loop3A_388, %parallel_loop3A_399 : vector<16xf32>, vector<16xf32>, vector<16xf32>, vector<16xf32>, vector<16xf32>, vector<16xf32>, vector<16xf32>, vector<16xf32>, vector<16xf32>, vector<16xf32>, vector<16xf32>, vector<16xf32>, vector<16xf32>, vector<16xf32>, vector<16xf32>, vector<16xf32>
          } {sc.loop_unroll_factor = 4 : i64, sc.parallel_access}
          %sub3A_246 = arith.subi %while3A_209#0, %mul3A_14 : i32
          %swap3A = arith.index_cast %sub3A_246 : i32 to index
          %swap3A_247 = arith.constant 0 : index
          %swap3A_248 = tpu.vector_load %arg13[%swap3A, %swap3A_247] {strides = array<i32>} : memref<256x256xf32, #tpu.memory_space<vmem>>, vector<16xf32>,
          tpu.vector_store %arg13[%swap3A, %swap3A_247], %parallel_loop3A_245#0 {add = true, strides = array<i32>} : memref<256x256xf32, #tpu.memory_space<vmem>>, vector<16xf32>,
          %swap3A_249 = arith.index_cast %sub3A_246 : i32 to index
          %swap3A_250 = arith.constant 16 : index
          %swap3A_251 = tpu.vector_load %arg13[%swap3A_249, %swap3A_250] {strides = array<i32>} : memref<256x256xf32, #tpu.memory_space<vmem>>, vector<16xf32>,
          tpu.vector_store %arg13[%swap3A_249, %swap3A_250], %parallel_loop3A_245#1 {add = true, strides = array<i32>} : memref<256x256xf32, #tpu.memory_space<vmem>>, vector<16xf32>,
          %swap3A_252 = arith.index_cast %sub3A_246 : i32 to index
          %swap3A_253 = arith.constant 32 : index
          %swap3A_254 = tpu.vector_load %arg13[%swap3A_252, %swap3A_253] {strides = array<i32>} : memref<256x256xf32, #tpu.memory_space<vmem>>, vector<16xf32>,
          tpu.vector_store %arg13[%swap3A_252, %swap3A_253], %parallel_loop3A_245#2 {add = true, strides = array<i32>} : memref<256x256xf32, #tpu.memory_space<vmem>>, vector<16xf32>,
          %swap3A_255 = arith.index_cast %sub3A_246 : i32 to index
          %swap3A_256 = arith.constant 48 : index
          %swap3A_257 = tpu.vector_load %arg13[%swap3A_255, %swap3A_256] {strides = array<i32>} : memref<256x256xf32, #tpu.memory_space<vmem>>, vector<16xf32>,
          tpu.vector_store %arg13[%swap3A_255, %swap3A_256], %parallel_loop3A_245#3 {add = true, strides = array<i32>} : memref<256x256xf32, #tpu.memory_space<vmem>>, vector<16xf32>,
          %swap3A_258 = arith.index_cast %sub3A_246 : i32 to index
          %swap3A_259 = arith.constant 64 : index
          %swap3A_260 = tpu.vector_load %arg13[%swap3A_258, %swap3A_259] {strides = array<i32>} : memref<256x256xf32, #tpu.memory_space<vmem>>, vector<16xf32>,
          tpu.vector_store %arg13[%swap3A_258, %swap3A_259], %parallel_loop3A_245#4 {add = true, strides = array<i32>} : memref<256x256xf32, #tpu.memory_space<vmem>>, vector<16xf32>,
          %swap3A_261 = arith.index_cast %sub3A_246 : i32 to index
          %swap3A_262 = arith.constant 80 : index
          %swap3A_263 = tpu.vector_load %arg13[%swap3A_261, %swap3A_262] {strides = array<i32>} : memref<256x256xf32, #tpu.memory_space<vmem>>, vector<16xf32>,
          tpu.vector_store %arg13[%swap3A_261, %swap3A_262], %parallel_loop3A_245#5 {add = true, strides = array<i32>} : memref<256x256xf32, #tpu.memory_space<vmem>>, vector<16xf32>,
          %swap3A_264 = arith.index_cast %sub3A_246 : i32 to index
          %swap3A_265 = arith.constant 96 : index
          %swap3A_266 = tpu.vector_load %arg13[%swap3A_264, %swap3A_265] {strides = array<i32>} : memref<256x256xf32, #tpu.memory_space<vmem>>, vector<16xf32>,
          tpu.vector_store %arg13[%swap3A_264, %swap3A_265], %parallel_loop3A_245#6 {add = true, strides = array<i32>} : memref<256x256xf32, #tpu.memory_space<vmem>>, vector<16xf32>,
          %swap3A_267 = arith.index_cast %sub3A_246 : i32 to index
          %swap3A_268 = arith.constant 112 : index
          %swap3A_269 = tpu.vector_load %arg13[%swap3A_267, %swap3A_268] {strides = array<i32>} : memref<256x256xf32, #tpu.memory_space<vmem>>, vector<16xf32>,
          tpu.vector_store %arg13[%swap3A_267, %swap3A_268], %parallel_loop3A_245#7 {add = true, strides = array<i32>} : memref<256x256xf32, #tpu.memory_space<vmem>>, vector<16xf32>,
          %swap3A_270 = arith.index_cast %sub3A_246 : i32 to index
          %swap3A_271 = arith.constant 128 : index
          %swap3A_272 = tpu.vector_load %arg13[%swap3A_270, %swap3A_271] {strides = array<i32>} : memref<256x256xf32, #tpu.memory_space<vmem>>, vector<16xf32>,
          tpu.vector_store %arg13[%swap3A_270, %swap3A_271], %parallel_loop3A_245#8 {add = true, strides = array<i32>} : memref<256x256xf32, #tpu.memory_space<vmem>>, vector<16xf32>,
          %swap3A_273 = arith.index_cast %sub3A_246 : i32 to index
          %swap3A_274 = arith.constant 144 : index
          %swap3A_275 = tpu.vector_load %arg13[%swap3A_273, %swap3A_274] {strides = array<i32>} : memref<256x256xf32, #tpu.memory_space<vmem>>, vector<16xf32>,
          tpu.vector_store %arg13[%swap3A_273, %swap3A_274], %parallel_loop3A_245#9 {add = true, strides = array<i32>} : memref<256x256xf32, #tpu.memory_space<vmem>>, vector<16xf32>,
          %swap3A_276 = arith.index_cast %sub3A_246 : i32 to index
          %swap3A_277 = arith.constant 160 : index
          %swap3A_278 = tpu.vector_load %arg13[%swap3A_276, %swap3A_277] {strides = array<i32>} : memref<256x256xf32, #tpu.memory_space<vmem>>, vector<16xf32>,
          tpu.vector_store %arg13[%swap3A_276, %swap3A_277], %parallel_loop3A_245#10 {add = true, strides = array<i32>} : memref<256x256xf32, #tpu.memory_space<vmem>>, vector<16xf32>,
          %swap3A_279 = arith.index_cast %sub3A_246 : i32 to index
          %swap3A_280 = arith.constant 176 : index
          %swap3A_281 = tpu.vector_load %arg13[%swap3A_279, %swap3A_280] {strides = array<i32>} : memref<256x256xf32, #tpu.memory_space<vmem>>, vector<16xf32>,
          tpu.vector_store %arg13[%swap3A_279, %swap3A_280], %parallel_loop3A_245#11 {add = true, strides = array<i32>} : memref<256x256xf32, #tpu.memory_space<vmem>>, vector<16xf32>,
          %swap3A_282 = arith.index_cast %sub3A_246 : i32 to index
          %swap3A_283 = arith.constant 192 : index
          %swap3A_284 = tpu.vector_load %arg13[%swap3A_282, %swap3A_283] {strides = array<i32>} : memref<256x256xf32, #tpu.memory_space<vmem>>, vector<16xf32>,
          tpu.vector_store %arg13[%swap3A_282, %swap3A_283], %parallel_loop3A_245#12 {add = true, strides = array<i32>} : memref<256x256xf32, #tpu.memory_space<vmem>>, vector<16xf32>,
          %swap3A_285 = arith.index_cast %sub3A_246 : i32 to index
          %swap3A_286 = arith.constant 208 : index
          %swap3A_287 = tpu.vector_load %arg13[%swap3A_285, %swap3A_286] {strides = array<i32>} : memref<256x256xf32, #tpu.memory_space<vmem>>, vector<16xf32>,
          tpu.vector_store %arg13[%swap3A_285, %swap3A_286], %parallel_loop3A_245#13 {add = true, strides = array<i32>} : memref<256x256xf32, #tpu.memory_space<vmem>>, vector<16xf32>,
          %swap3A_288 = arith.index_cast %sub3A_246 : i32 to index
          %swap3A_289 = arith.constant 224 : index
          %swap3A_290 = tpu.vector_load %arg13[%swap3A_288, %swap3A_289] {strides = array<i32>} : memref<256x256xf32, #tpu.memory_space<vmem>>, vector<16xf32>,
          tpu.vector_store %arg13[%swap3A_288, %swap3A_289], %parallel_loop3A_245#14 {add = true, strides = array<i32>} : memref<256x256xf32, #tpu.memory_space<vmem>>, vector<16xf32>,
          %swap3A_291 = arith.index_cast %sub3A_246 : i32 to index
          %swap3A_292 = arith.constant 240 : index
          %swap3A_293 = tpu.vector_load %arg13[%swap3A_291, %swap3A_292] {strides = array<i32>} : memref<256x256xf32, #tpu.memory_space<vmem>>, vector<16xf32>,
          tpu.vector_store %arg13[%swap3A_291, %swap3A_292], %parallel_loop3A_245#15 {add = true, strides = array<i32>} : memref<256x256xf32, #tpu.memory_space<vmem>>, vector<16xf32>,
          scf.yield %while3A_209#0, %min3A_210 : i32, i32
        }
        %add3A_168 = arith.constant 1 : i32
        %add3A_169 = arith.addi %add3A_134, %add3A_168 : i32
        %mul3A_170 = arith.constant 128 : i32
        %mul3A_171 = arith.muli %add3A_169, %mul3A_170 : i32
        %add3A_172 = arith.addi %mul3A_38, %mul3A_171 : i32
        %min3A_173 = arith.constant 204672 : i32
        %min3A_174 = arith.minsi %add3A_172, %min3A_173 : i32
        %dma_wait3A_175 = tpu.memref_slice %arg2[%min3A_174] : memref<204800xi32, #tpu.memory_space<hbm>> -> memref<128xi32, #tpu.memory_space<hbm>>
        %dma_wait3A_176 = tpu.memref_slice %arg2[%min3A_174] : memref<204800xi32, #tpu.memory_space<hbm>> -> memref<128xi32, #tpu.memory_space<hbm>>
        tpu.wait_dma2 semaphore(%arg16 : memref<!tpu.dma_semaphore, #tpu.memory_space<semaphore_mem>>) src(%dma_wait3A_176 : memref<128xi32, #tpu.memory_space<hbm>>) dst(%arg9 : memref<128xi32, #tpu.memory_space<vmem>>)
        %dma_start3A_177 = arith.constant 0 : i32
        %dma_start3A_178 = arith.constant 0 : i32
        %dma_start3A_179 = tpu.memref_slice %arg5[%dma_start3A_177, %dma_start3A_178] : memref<100000x128xf32, #tpu.memory_space<hbm>> -> memref<100000x128xf32, #tpu.memory_space<hbm>>
        tpu.enqueue_indirect_dma source(%dma_start3A_179 : memref<100000x128xf32, #tpu.memory_space<hbm>>) target(%arg11 : memref<128x128xf32, #tpu.memory_space<vmem>>) offsets(%arg9 : memref<128xi32, #tpu.memory_space<vmem>>) semaphore(%arg14 : memref<!tpu.dma_semaphore, #tpu.memory_space<semaphore_mem>>)
        %dma_wait3A_180 = arith.constant 0 : i32
        %dma_wait3A_181 = arith.constant 0 : i32
        %dma_wait3A_182 = tpu.memref_slice %arg5[%dma_wait3A_180, %dma_wait3A_181] : memref<100000x128xf32, #tpu.memory_space<hbm>> -> memref<100000x128xf32, #tpu.memory_space<hbm>>
        tpu.wait_indirect_dma semaphore(%arg15 : memref<!tpu.dma_semaphore, #tpu.memory_space<semaphore_mem>>) src(%dma_wait3A_182 : memref<100000x128xf32, #tpu.memory_space<hbm>>) dst(%arg12 : memref<128x128xf32, #tpu.memory_space<vmem>>)
        %add3A_183 = arith.constant 2 : i32
        %add3A_184 = arith.addi %add3A_134, %add3A_183 : i32
        %mul3A_185 = arith.constant 128 : i32
        %mul3A_186 = arith.muli %add3A_184, %mul3A_185 : i32
        %add3A_187 = arith.addi %mul3A_38, %mul3A_186 : i32
        %min3A_188 = arith.constant 204672 : i32
        %min3A_189 = arith.minsi %add3A_187, %min3A_188 : i32
        %dma_start3A_190 = tpu.memref_slice %arg2[%min3A_189] : memref<204800xi32, #tpu.memory_space<hbm>> -> memref<128xi32, #tpu.memory_space<hbm>>
        %dma_start3A_191 = tpu.memref_slice %arg2[%min3A_189] : memref<204800xi32, #tpu.memory_space<hbm>> -> memref<128xi32, #tpu.memory_space<hbm>>
        tpu.enqueue_dma source(%dma_start3A_191 : memref<128xi32, #tpu.memory_space<hbm>>) target(%arg10 : memref<128xi32, #tpu.memory_space<vmem>>) target_semaphore(%arg17 : memref<!tpu.dma_semaphore, #tpu.memory_space<semaphore_mem>>)
        %mul3A_192 = arith.constant 128 : i32
        %mul3A_193 = arith.muli %add3A_134, %mul3A_192 : i32
        %add3A_194 = arith.addi %mul3A_38, %mul3A_193 : i32
        %min3A_195 = arith.constant 204672 : i32
        %min3A_196 = arith.minsi %add3A_194, %min3A_195 : i32
        %add3A_197 = arith.constant 128 : i32
        %add3A_198 = arith.addi %min3A_196, %add3A_197 : i32
        %min3A_199 = arith.minsi %squeeze3A_20, %add3A_198 : i32
        %while3A_200:2 = scf.while (%while3A_201 = %while3A_167#0, %while3A_202 = %while3A_167#1) : (i32, i32) -> (i32, i32) {
          %lt3A = arith.cmpi slt, %while3A_202, %min3A_199 : i32
          scf.condition(%lt3A) %while3A_201, %while3A_202 : i32, i32
        } do {
        ^bb0(%while3A_201: i32, %while3A_202: i32):
          %add3A_203 = arith.constant 1 : i32
          %add3A_204 = arith.addi %while3A_201, %add3A_203 : i32
          %get3A_205 = arith.index_cast %add3A_204 : i32 to index
          %get3A_206 = tpu.vector_load %arg8[%get3A_205] {strides = array<i32>} : memref<4224xi32, #tpu.memory_space<vmem>>, vector<16xi32>,
          %slice3A_207 = vector.extract_strided_slice %get3A_206 {offsets = [0], sizes = [1], strides = [1]} : vector<16xi32> to vector<1xi32>
          %squeeze3A_208 = vector.extract %slice3A_207[0] : i32 from vector<1xi32>
          %while3A_209:2 = scf.while (%while3A_294 = %while3A_201, %while3A_295 = %squeeze3A_208) : (i32, i32) -> (i32, i32) {
            %le3A = arith.cmpi sle, %while3A_295, %while3A_202 : i32
            scf.condition(%le3A) %while3A_294, %while3A_295 : i32, i32
          } do {
          ^bb0(%while3A_294: i32, %while3A_295: i32):
            %add3A_296 = arith.constant 1 : i32
            %add3A_297 = arith.addi %while3A_294, %add3A_296 : i32
            %add3A_298 = arith.constant 1 : i32
            %add3A_299 = arith.addi %add3A_297, %add3A_298 : i32
            %get3A_300 = arith.index_cast %add3A_299 : i32 to index
            %get3A_301 = tpu.vector_load %arg8[%get3A_300] {strides = array<i32>} : memref<4224xi32, #tpu.memory_space<vmem>>, vector<16xi32>,
            %slice3A_302 = vector.extract_strided_slice %get3A_301 {offsets = [0], sizes = [1], strides = [1]} : vector<16xi32> to vector<1xi32>
            %squeeze3A_303 = vector.extract %slice3A_302[0] : i32 from vector<1xi32>
            scf.yield %add3A_297, %squeeze3A_303 : i32, i32
          }
          %min3A_210 = arith.minsi %while3A_209#1, %min3A_199 : i32
          %sub3A_211 = arith.subi %while3A_202, %min3A_196 : i32
          %sub3A_212 = arith.subi %min3A_210, %while3A_202 : i32
          %broadcast_in_dim3A = arith.constant 0.000000e+00 : f32
          %broadcast_in_dim3A_213 = vector.broadcast %broadcast_in_dim3A : f32 to vector<16xf32>
          %broadcast_in_dim3A_214 = arith.constant 0.000000e+00 : f32
          %broadcast_in_dim3A_215 = vector.broadcast %broadcast_in_dim3A_214 : f32 to vector<16xf32>
          %broadcast_in_dim3A_216 = arith.constant 0.000000e+00 : f32
          %broadcast_in_dim3A_217 = vector.broadcast %broadcast_in_dim3A_216 : f32 to vector<16xf32>
          %broadcast_in_dim3A_218 = arith.constant 0.000000e+00 : f32
          %broadcast_in_dim3A_219 = vector.broadcast %broadcast_in_dim3A_218 : f32 to vector<16xf32>
          %broadcast_in_dim3A_220 = arith.constant 0.000000e+00 : f32
          %broadcast_in_dim3A_221 = vector.broadcast %broadcast_in_dim3A_220 : f32 to vector<16xf32>
          %broadcast_in_dim3A_222 = arith.constant 0.000000e+00 : f32
          %broadcast_in_dim3A_223 = vector.broadcast %broadcast_in_dim3A_222 : f32 to vector<16xf32>
          %broadcast_in_dim3A_224 = arith.constant 0.000000e+00 : f32
          %broadcast_in_dim3A_225 = vector.broadcast %broadcast_in_dim3A_224 : f32 to vector<16xf32>
          %broadcast_in_dim3A_226 = arith.constant 0.000000e+00 : f32
          %broadcast_in_dim3A_227 = vector.broadcast %broadcast_in_dim3A_226 : f32 to vector<16xf32>
          %broadcast_in_dim3A_228 = arith.constant 0.000000e+00 : f32
          %broadcast_in_dim3A_229 = vector.broadcast %broadcast_in_dim3A_228 : f32 to vector<16xf32>
          %broadcast_in_dim3A_230 = arith.constant 0.000000e+00 : f32
          %broadcast_in_dim3A_231 = vector.broadcast %broadcast_in_dim3A_230 : f32 to vector<16xf32>
          %broadcast_in_dim3A_232 = arith.constant 0.000000e+00 : f32
          %broadcast_in_dim3A_233 = vector.broadcast %broadcast_in_dim3A_232 : f32 to vector<16xf32>
          %broadcast_in_dim3A_234 = arith.constant 0.000000e+00 : f32
          %broadcast_in_dim3A_235 = vector.broadcast %broadcast_in_dim3A_234 : f32 to vector<16xf32>
          %broadcast_in_dim3A_236 = arith.constant 0.000000e+00 : f32
          %broadcast_in_dim3A_237 = vector.broadcast %broadcast_in_dim3A_236 : f32 to vector<16xf32>
          %broadcast_in_dim3A_238 = arith.constant 0.000000e+00 : f32
          %broadcast_in_dim3A_239 = vector.broadcast %broadcast_in_dim3A_238 : f32 to vector<16xf32>
          %broadcast_in_dim3A_240 = arith.constant 0.000000e+00 : f32
          %broadcast_in_dim3A_241 = vector.broadcast %broadcast_in_dim3A_240 : f32 to vector<16xf32>
          %broadcast_in_dim3A_242 = arith.constant 0.000000e+00 : f32
          %broadcast_in_dim3A_243 = vector.broadcast %broadcast_in_dim3A_242 : f32 to vector<16xf32>
          %parallel_loop3A = arith.constant 0 : i32
          %parallel_loop3A_244 = arith.constant 1 : i32
          %parallel_loop3A_245:16 = scf.for %parallel_loop3A_294 = %parallel_loop3A to %sub3A_212 step %parallel_loop3A_244 iter_args(%parallel_loop3A_295 = %broadcast_in_dim3A_213, %parallel_loop3A_296 = %broadcast_in_dim3A_215, %parallel_loop3A_297 = %broadcast_in_dim3A_217, %parallel_loop3A_298 = %broadcast_in_dim3A_219, %parallel_loop3A_299 = %broadcast_in_dim3A_221, %parallel_loop3A_300 = %broadcast_in_dim3A_223, %parallel_loop3A_301 = %broadcast_in_dim3A_225, %parallel_loop3A_302 = %broadcast_in_dim3A_227, %parallel_loop3A_303 = %broadcast_in_dim3A_229, %parallel_loop3A_304 = %broadcast_in_dim3A_231, %parallel_loop3A_305 = %broadcast_in_dim3A_233, %parallel_loop3A_306 = %broadcast_in_dim3A_235, %parallel_loop3A_307 = %broadcast_in_dim3A_237, %parallel_loop3A_308 = %broadcast_in_dim3A_239, %parallel_loop3A_309 = %broadcast_in_dim3A_241, %parallel_loop3A_310 = %broadcast_in_dim3A_243) -> (vector<16xf32>, vector<16xf32>, vector<16xf32>, vector<16xf32>, vector<16xf32>, vector<16xf32>, vector<16xf32>, vector<16xf32>, vector<16xf32>, vector<16xf32>, vector<16xf32>, vector<16xf32>, vector<16xf32>, vector<16xf32>, vector<16xf32>, vector<16xf32>)  : i32 {
            %parallel_loop3A_311 = arith.addi %sub3A_211, %parallel_loop3A_294 : i32
            %parallel_loop3A_312 = arith.index_cast %parallel_loop3A_311 : i32 to index
            %parallel_loop3A_313 = arith.constant 0 : index
            %parallel_loop3A_314 = tpu.vector_load %arg12[%parallel_loop3A_312, %parallel_loop3A_313] {strides = array<i32>} : memref<128x128xf32, #tpu.memory_space<vmem>>, vector<16xf32>,
            %parallel_loop3A_315 = vector.bitcast %parallel_loop3A_314 : vector<16xf32> to vector<16xi32>
            %parallel_loop3A_316 = arith.constant 16 : i32
            %parallel_loop3A_317 = vector.broadcast %parallel_loop3A_316 : i32 to vector<16xi32>
            %parallel_loop3A_318 = arith.shli %parallel_loop3A_315, %parallel_loop3A_317 : vector<16xi32>
            %parallel_loop3A_319 = vector.bitcast %parallel_loop3A_318 : vector<16xi32> to vector<16xf32>
            %parallel_loop3A_320 = vector.bitcast %parallel_loop3A_315 : vector<16xi32> to vector<16xf32>
            %parallel_loop3A_321 = arith.addf %parallel_loop3A_295, %parallel_loop3A_319 : vector<16xf32>
            %parallel_loop3A_322 = arith.addf %parallel_loop3A_303, %parallel_loop3A_320 : vector<16xf32>
            %parallel_loop3A_323 = arith.index_cast %parallel_loop3A_311 : i32 to index
            %parallel_loop3A_324 = arith.constant 16 : index
            %parallel_loop3A_325 = tpu.vector_load %arg12[%parallel_loop3A_323, %parallel_loop3A_324] {strides = array<i32>} : memref<128x128xf32, #tpu.memory_space<vmem>>, vector<16xf32>,
            %parallel_loop3A_326 = vector.bitcast %parallel_loop3A_325 : vector<16xf32> to vector<16xi32>
            %parallel_loop3A_327 = arith.constant 16 : i32
            %parallel_loop3A_328 = vector.broadcast %parallel_loop3A_327 : i32 to vector<16xi32>
            %parallel_loop3A_329 = arith.shli %parallel_loop3A_326, %parallel_loop3A_328 : vector<16xi32>
            %parallel_loop3A_330 = vector.bitcast %parallel_loop3A_329 : vector<16xi32> to vector<16xf32>
            %parallel_loop3A_331 = vector.bitcast %parallel_loop3A_326 : vector<16xi32> to vector<16xf32>
            %parallel_loop3A_332 = arith.addf %parallel_loop3A_296, %parallel_loop3A_330 : vector<16xf32>
            %parallel_loop3A_333 = arith.addf %parallel_loop3A_304, %parallel_loop3A_331 : vector<16xf32>
            %parallel_loop3A_334 = arith.index_cast %parallel_loop3A_311 : i32 to index
            %parallel_loop3A_335 = arith.constant 32 : index
            %parallel_loop3A_336 = tpu.vector_load %arg12[%parallel_loop3A_334, %parallel_loop3A_335] {strides = array<i32>} : memref<128x128xf32, #tpu.memory_space<vmem>>, vector<16xf32>,
            %parallel_loop3A_337 = vector.bitcast %parallel_loop3A_336 : vector<16xf32> to vector<16xi32>
            %parallel_loop3A_338 = arith.constant 16 : i32
            %parallel_loop3A_339 = vector.broadcast %parallel_loop3A_338 : i32 to vector<16xi32>
            %parallel_loop3A_340 = arith.shli %parallel_loop3A_337, %parallel_loop3A_339 : vector<16xi32>
            %parallel_loop3A_341 = vector.bitcast %parallel_loop3A_340 : vector<16xi32> to vector<16xf32>
            %parallel_loop3A_342 = vector.bitcast %parallel_loop3A_337 : vector<16xi32> to vector<16xf32>
            %parallel_loop3A_343 = arith.addf %parallel_loop3A_297, %parallel_loop3A_341 : vector<16xf32>
            %parallel_loop3A_344 = arith.addf %parallel_loop3A_305, %parallel_loop3A_342 : vector<16xf32>
            %parallel_loop3A_345 = arith.index_cast %parallel_loop3A_311 : i32 to index
            %parallel_loop3A_346 = arith.constant 48 : index
            %parallel_loop3A_347 = tpu.vector_load %arg12[%parallel_loop3A_345, %parallel_loop3A_346] {strides = array<i32>} : memref<128x128xf32, #tpu.memory_space<vmem>>, vector<16xf32>,
            %parallel_loop3A_348 = vector.bitcast %parallel_loop3A_347 : vector<16xf32> to vector<16xi32>
            %parallel_loop3A_349 = arith.constant 16 : i32
            %parallel_loop3A_350 = vector.broadcast %parallel_loop3A_349 : i32 to vector<16xi32>
            %parallel_loop3A_351 = arith.shli %parallel_loop3A_348, %parallel_loop3A_350 : vector<16xi32>
            %parallel_loop3A_352 = vector.bitcast %parallel_loop3A_351 : vector<16xi32> to vector<16xf32>
            %parallel_loop3A_353 = vector.bitcast %parallel_loop3A_348 : vector<16xi32> to vector<16xf32>
            %parallel_loop3A_354 = arith.addf %parallel_loop3A_298, %parallel_loop3A_352 : vector<16xf32>
            %parallel_loop3A_355 = arith.addf %parallel_loop3A_306, %parallel_loop3A_353 : vector<16xf32>
            %parallel_loop3A_356 = arith.index_cast %parallel_loop3A_311 : i32 to index
            %parallel_loop3A_357 = arith.constant 64 : index
            %parallel_loop3A_358 = tpu.vector_load %arg12[%parallel_loop3A_356, %parallel_loop3A_357] {strides = array<i32>} : memref<128x128xf32, #tpu.memory_space<vmem>>, vector<16xf32>,
            %parallel_loop3A_359 = vector.bitcast %parallel_loop3A_358 : vector<16xf32> to vector<16xi32>
            %parallel_loop3A_360 = arith.constant 16 : i32
            %parallel_loop3A_361 = vector.broadcast %parallel_loop3A_360 : i32 to vector<16xi32>
            %parallel_loop3A_362 = arith.shli %parallel_loop3A_359, %parallel_loop3A_361 : vector<16xi32>
            %parallel_loop3A_363 = vector.bitcast %parallel_loop3A_362 : vector<16xi32> to vector<16xf32>
            %parallel_loop3A_364 = vector.bitcast %parallel_loop3A_359 : vector<16xi32> to vector<16xf32>
            %parallel_loop3A_365 = arith.addf %parallel_loop3A_299, %parallel_loop3A_363 : vector<16xf32>
            %parallel_loop3A_366 = arith.addf %parallel_loop3A_307, %parallel_loop3A_364 : vector<16xf32>
            %parallel_loop3A_367 = arith.index_cast %parallel_loop3A_311 : i32 to index
            %parallel_loop3A_368 = arith.constant 80 : index
            %parallel_loop3A_369 = tpu.vector_load %arg12[%parallel_loop3A_367, %parallel_loop3A_368] {strides = array<i32>} : memref<128x128xf32, #tpu.memory_space<vmem>>, vector<16xf32>,
            %parallel_loop3A_370 = vector.bitcast %parallel_loop3A_369 : vector<16xf32> to vector<16xi32>
            %parallel_loop3A_371 = arith.constant 16 : i32
            %parallel_loop3A_372 = vector.broadcast %parallel_loop3A_371 : i32 to vector<16xi32>
            %parallel_loop3A_373 = arith.shli %parallel_loop3A_370, %parallel_loop3A_372 : vector<16xi32>
            %parallel_loop3A_374 = vector.bitcast %parallel_loop3A_373 : vector<16xi32> to vector<16xf32>
            %parallel_loop3A_375 = vector.bitcast %parallel_loop3A_370 : vector<16xi32> to vector<16xf32>
            %parallel_loop3A_376 = arith.addf %parallel_loop3A_300, %parallel_loop3A_374 : vector<16xf32>
            %parallel_loop3A_377 = arith.addf %parallel_loop3A_308, %parallel_loop3A_375 : vector<16xf32>
            %parallel_loop3A_378 = arith.index_cast %parallel_loop3A_311 : i32 to index
            %parallel_loop3A_379 = arith.constant 96 : index
            %parallel_loop3A_380 = tpu.vector_load %arg12[%parallel_loop3A_378, %parallel_loop3A_379] {strides = array<i32>} : memref<128x128xf32, #tpu.memory_space<vmem>>, vector<16xf32>,
            %parallel_loop3A_381 = vector.bitcast %parallel_loop3A_380 : vector<16xf32> to vector<16xi32>
            %parallel_loop3A_382 = arith.constant 16 : i32
            %parallel_loop3A_383 = vector.broadcast %parallel_loop3A_382 : i32 to vector<16xi32>
            %parallel_loop3A_384 = arith.shli %parallel_loop3A_381, %parallel_loop3A_383 : vector<16xi32>
            %parallel_loop3A_385 = vector.bitcast %parallel_loop3A_384 : vector<16xi32> to vector<16xf32>
            %parallel_loop3A_386 = vector.bitcast %parallel_loop3A_381 : vector<16xi32> to vector<16xf32>
            %parallel_loop3A_387 = arith.addf %parallel_loop3A_301, %parallel_loop3A_385 : vector<16xf32>
            %parallel_loop3A_388 = arith.addf %parallel_loop3A_309, %parallel_loop3A_386 : vector<16xf32>
            %parallel_loop3A_389 = arith.index_cast %parallel_loop3A_311 : i32 to index
            %parallel_loop3A_390 = arith.constant 112 : index
            %parallel_loop3A_391 = tpu.vector_load %arg12[%parallel_loop3A_389, %parallel_loop3A_390] {strides = array<i32>} : memref<128x128xf32, #tpu.memory_space<vmem>>, vector<16xf32>,
            %parallel_loop3A_392 = vector.bitcast %parallel_loop3A_391 : vector<16xf32> to vector<16xi32>
            %parallel_loop3A_393 = arith.constant 16 : i32
            %parallel_loop3A_394 = vector.broadcast %parallel_loop3A_393 : i32 to vector<16xi32>
            %parallel_loop3A_395 = arith.shli %parallel_loop3A_392, %parallel_loop3A_394 : vector<16xi32>
            %parallel_loop3A_396 = vector.bitcast %parallel_loop3A_395 : vector<16xi32> to vector<16xf32>
            %parallel_loop3A_397 = vector.bitcast %parallel_loop3A_392 : vector<16xi32> to vector<16xf32>
            %parallel_loop3A_398 = arith.addf %parallel_loop3A_302, %parallel_loop3A_396 : vector<16xf32>
            %parallel_loop3A_399 = arith.addf %parallel_loop3A_310, %parallel_loop3A_397 : vector<16xf32>
            scf.yield %parallel_loop3A_321, %parallel_loop3A_332, %parallel_loop3A_343, %parallel_loop3A_354, %parallel_loop3A_365, %parallel_loop3A_376, %parallel_loop3A_387, %parallel_loop3A_398, %parallel_loop3A_322, %parallel_loop3A_333, %parallel_loop3A_344, %parallel_loop3A_355, %parallel_loop3A_366, %parallel_loop3A_377, %parallel_loop3A_388, %parallel_loop3A_399 : vector<16xf32>, vector<16xf32>, vector<16xf32>, vector<16xf32>, vector<16xf32>, vector<16xf32>, vector<16xf32>, vector<16xf32>, vector<16xf32>, vector<16xf32>, vector<16xf32>, vector<16xf32>, vector<16xf32>, vector<16xf32>, vector<16xf32>, vector<16xf32>
          } {sc.loop_unroll_factor = 4 : i64, sc.parallel_access}
          %sub3A_246 = arith.subi %while3A_209#0, %mul3A_14 : i32
          %swap3A = arith.index_cast %sub3A_246 : i32 to index
          %swap3A_247 = arith.constant 0 : index
          %swap3A_248 = tpu.vector_load %arg13[%swap3A, %swap3A_247] {strides = array<i32>} : memref<256x256xf32, #tpu.memory_space<vmem>>, vector<16xf32>,
          tpu.vector_store %arg13[%swap3A, %swap3A_247], %parallel_loop3A_245#0 {add = true, strides = array<i32>} : memref<256x256xf32, #tpu.memory_space<vmem>>, vector<16xf32>,
          %swap3A_249 = arith.index_cast %sub3A_246 : i32 to index
          %swap3A_250 = arith.constant 16 : index
          %swap3A_251 = tpu.vector_load %arg13[%swap3A_249, %swap3A_250] {strides = array<i32>} : memref<256x256xf32, #tpu.memory_space<vmem>>, vector<16xf32>,
          tpu.vector_store %arg13[%swap3A_249, %swap3A_250], %parallel_loop3A_245#1 {add = true, strides = array<i32>} : memref<256x256xf32, #tpu.memory_space<vmem>>, vector<16xf32>,
          %swap3A_252 = arith.index_cast %sub3A_246 : i32 to index
          %swap3A_253 = arith.constant 32 : index
          %swap3A_254 = tpu.vector_load %arg13[%swap3A_252, %swap3A_253] {strides = array<i32>} : memref<256x256xf32, #tpu.memory_space<vmem>>, vector<16xf32>,
          tpu.vector_store %arg13[%swap3A_252, %swap3A_253], %parallel_loop3A_245#2 {add = true, strides = array<i32>} : memref<256x256xf32, #tpu.memory_space<vmem>>, vector<16xf32>,
          %swap3A_255 = arith.index_cast %sub3A_246 : i32 to index
          %swap3A_256 = arith.constant 48 : index
          %swap3A_257 = tpu.vector_load %arg13[%swap3A_255, %swap3A_256] {strides = array<i32>} : memref<256x256xf32, #tpu.memory_space<vmem>>, vector<16xf32>,
          tpu.vector_store %arg13[%swap3A_255, %swap3A_256], %parallel_loop3A_245#3 {add = true, strides = array<i32>} : memref<256x256xf32, #tpu.memory_space<vmem>>, vector<16xf32>,
          %swap3A_258 = arith.index_cast %sub3A_246 : i32 to index
          %swap3A_259 = arith.constant 64 : index
          %swap3A_260 = tpu.vector_load %arg13[%swap3A_258, %swap3A_259] {strides = array<i32>} : memref<256x256xf32, #tpu.memory_space<vmem>>, vector<16xf32>,
          tpu.vector_store %arg13[%swap3A_258, %swap3A_259], %parallel_loop3A_245#4 {add = true, strides = array<i32>} : memref<256x256xf32, #tpu.memory_space<vmem>>, vector<16xf32>,
          %swap3A_261 = arith.index_cast %sub3A_246 : i32 to index
          %swap3A_262 = arith.constant 80 : index
          %swap3A_263 = tpu.vector_load %arg13[%swap3A_261, %swap3A_262] {strides = array<i32>} : memref<256x256xf32, #tpu.memory_space<vmem>>, vector<16xf32>,
          tpu.vector_store %arg13[%swap3A_261, %swap3A_262], %parallel_loop3A_245#5 {add = true, strides = array<i32>} : memref<256x256xf32, #tpu.memory_space<vmem>>, vector<16xf32>,
          %swap3A_264 = arith.index_cast %sub3A_246 : i32 to index
          %swap3A_265 = arith.constant 96 : index
          %swap3A_266 = tpu.vector_load %arg13[%swap3A_264, %swap3A_265] {strides = array<i32>} : memref<256x256xf32, #tpu.memory_space<vmem>>, vector<16xf32>,
          tpu.vector_store %arg13[%swap3A_264, %swap3A_265], %parallel_loop3A_245#6 {add = true, strides = array<i32>} : memref<256x256xf32, #tpu.memory_space<vmem>>, vector<16xf32>,
          %swap3A_267 = arith.index_cast %sub3A_246 : i32 to index
          %swap3A_268 = arith.constant 112 : index
          %swap3A_269 = tpu.vector_load %arg13[%swap3A_267, %swap3A_268] {strides = array<i32>} : memref<256x256xf32, #tpu.memory_space<vmem>>, vector<16xf32>,
          tpu.vector_store %arg13[%swap3A_267, %swap3A_268], %parallel_loop3A_245#7 {add = true, strides = array<i32>} : memref<256x256xf32, #tpu.memory_space<vmem>>, vector<16xf32>,
          %swap3A_270 = arith.index_cast %sub3A_246 : i32 to index
          %swap3A_271 = arith.constant 128 : index
          %swap3A_272 = tpu.vector_load %arg13[%swap3A_270, %swap3A_271] {strides = array<i32>} : memref<256x256xf32, #tpu.memory_space<vmem>>, vector<16xf32>,
          tpu.vector_store %arg13[%swap3A_270, %swap3A_271], %parallel_loop3A_245#8 {add = true, strides = array<i32>} : memref<256x256xf32, #tpu.memory_space<vmem>>, vector<16xf32>,
          %swap3A_273 = arith.index_cast %sub3A_246 : i32 to index
          %swap3A_274 = arith.constant 144 : index
          %swap3A_275 = tpu.vector_load %arg13[%swap3A_273, %swap3A_274] {strides = array<i32>} : memref<256x256xf32, #tpu.memory_space<vmem>>, vector<16xf32>,
          tpu.vector_store %arg13[%swap3A_273, %swap3A_274], %parallel_loop3A_245#9 {add = true, strides = array<i32>} : memref<256x256xf32, #tpu.memory_space<vmem>>, vector<16xf32>,
          %swap3A_276 = arith.index_cast %sub3A_246 : i32 to index
          %swap3A_277 = arith.constant 160 : index
          %swap3A_278 = tpu.vector_load %arg13[%swap3A_276, %swap3A_277] {strides = array<i32>} : memref<256x256xf32, #tpu.memory_space<vmem>>, vector<16xf32>,
          tpu.vector_store %arg13[%swap3A_276, %swap3A_277], %parallel_loop3A_245#10 {add = true, strides = array<i32>} : memref<256x256xf32, #tpu.memory_space<vmem>>, vector<16xf32>,
          %swap3A_279 = arith.index_cast %sub3A_246 : i32 to index
          %swap3A_280 = arith.constant 176 : index
          %swap3A_281 = tpu.vector_load %arg13[%swap3A_279, %swap3A_280] {strides = array<i32>} : memref<256x256xf32, #tpu.memory_space<vmem>>, vector<16xf32>,
          tpu.vector_store %arg13[%swap3A_279, %swap3A_280], %parallel_loop3A_245#11 {add = true, strides = array<i32>} : memref<256x256xf32, #tpu.memory_space<vmem>>, vector<16xf32>,
          %swap3A_282 = arith.index_cast %sub3A_246 : i32 to index
          %swap3A_283 = arith.constant 192 : index
          %swap3A_284 = tpu.vector_load %arg13[%swap3A_282, %swap3A_283] {strides = array<i32>} : memref<256x256xf32, #tpu.memory_space<vmem>>, vector<16xf32>,
          tpu.vector_store %arg13[%swap3A_282, %swap3A_283], %parallel_loop3A_245#12 {add = true, strides = array<i32>} : memref<256x256xf32, #tpu.memory_space<vmem>>, vector<16xf32>,
          %swap3A_285 = arith.index_cast %sub3A_246 : i32 to index
          %swap3A_286 = arith.constant 208 : index
          %swap3A_287 = tpu.vector_load %arg13[%swap3A_285, %swap3A_286] {strides = array<i32>} : memref<256x256xf32, #tpu.memory_space<vmem>>, vector<16xf32>,
          tpu.vector_store %arg13[%swap3A_285, %swap3A_286], %parallel_loop3A_245#13 {add = true, strides = array<i32>} : memref<256x256xf32, #tpu.memory_space<vmem>>, vector<16xf32>,
          %swap3A_288 = arith.index_cast %sub3A_246 : i32 to index
          %swap3A_289 = arith.constant 224 : index
          %swap3A_290 = tpu.vector_load %arg13[%swap3A_288, %swap3A_289] {strides = array<i32>} : memref<256x256xf32, #tpu.memory_space<vmem>>, vector<16xf32>,
          tpu.vector_store %arg13[%swap3A_288, %swap3A_289], %parallel_loop3A_245#14 {add = true, strides = array<i32>} : memref<256x256xf32, #tpu.memory_space<vmem>>, vector<16xf32>,
          %swap3A_291 = arith.index_cast %sub3A_246 : i32 to index
          %swap3A_292 = arith.constant 240 : index
          %swap3A_293 = tpu.vector_load %arg13[%swap3A_291, %swap3A_292] {strides = array<i32>} : memref<256x256xf32, #tpu.memory_space<vmem>>, vector<16xf32>,
          tpu.vector_store %arg13[%swap3A_291, %swap3A_292], %parallel_loop3A_245#15 {add = true, strides = array<i32>} : memref<256x256xf32, #tpu.memory_space<vmem>>, vector<16xf32>,
          scf.yield %while3A_209#0, %min3A_210 : i32, i32
        }
        scf.yield %while3A_200#0, %while3A_200#1 : i32, i32
      }
      %dma_wait3A = arith.constant 0 : i32
      %dma_wait3A_115 = arith.constant 0 : i32
      %dma_wait3A_116 = tpu.memref_slice %arg5[%dma_wait3A, %dma_wait3A_115] : memref<100000x128xf32, #tpu.memory_space<hbm>> -> memref<100000x128xf32, #tpu.memory_space<hbm>>
      tpu.wait_indirect_dma semaphore(%arg14 : memref<!tpu.dma_semaphore, #tpu.memory_space<semaphore_mem>>) src(%dma_wait3A_116 : memref<100000x128xf32, #tpu.memory_space<hbm>>) dst(%arg11 : memref<128x128xf32, #tpu.memory_space<vmem>>)
      %mul3A_117 = arith.constant 2 : i32
      %mul3A_118 = arith.muli %mul3A_117, %select_n3A_93 : i32
      %add3A_119 = arith.constant 1 : i32
      %add3A_120 = arith.addi %mul3A_118, %add3A_119 : i32
      %mul3A_121 = arith.constant 128 : i32
      %mul3A_122 = arith.muli %add3A_120, %mul3A_121 : i32
      %add3A_123 = arith.addi %mul3A_38, %mul3A_122 : i32
      %min3A_124 = arith.constant 204672 : i32
      %min3A_125 = arith.minsi %add3A_123, %min3A_124 : i32
      %dma_wait3A_126 = tpu.memref_slice %arg2[%min3A_125] : memref<204800xi32, #tpu.memory_space<hbm>> -> memref<128xi32, #tpu.memory_space<hbm>>
      %dma_wait3A_127 = tpu.memref_slice %arg2[%min3A_125] : memref<204800xi32, #tpu.memory_space<hbm>> -> memref<128xi32, #tpu.memory_space<hbm>>
      tpu.wait_dma2 semaphore(%arg17 : memref<!tpu.dma_semaphore, #tpu.memory_space<semaphore_mem>>) src(%dma_wait3A_127 : memref<128xi32, #tpu.memory_space<hbm>>) dst(%arg10 : memref<128xi32, #tpu.memory_space<vmem>>)
      "tpu.region"() ({
        %run_scoped3A = tpu.sem_alloc : memref<!tpu.dma_semaphore, #tpu.memory_space<semaphore_mem>>
        %dma_start3A_128 = arith.constant 0 : i32
        %dma_start3A_129 = tpu.memref_slice %arg7[%mul3A_0, %dma_start3A_128] : memref<4096x256xf32, #tpu.memory_space<hbm>> -> memref<256x256xf32, #tpu.memory_space<hbm>>
        %dma_start3A_130 = arith.constant 0 : i32
        %dma_start3A_131 = tpu.memref_slice %arg7[%mul3A_0, %dma_start3A_130] : memref<4096x256xf32, #tpu.memory_space<hbm>> -> memref<256x256xf32, #tpu.memory_space<hbm>>
        tpu.enqueue_dma source(%arg13 : memref<256x256xf32, #tpu.memory_space<vmem>>) target(%dma_start3A_131 : memref<256x256xf32, #tpu.memory_space<hbm>>) target_semaphore(%run_scoped3A : memref<!tpu.dma_semaphore, #tpu.memory_space<semaphore_mem>>)
        %dma_wait3A_132 = arith.constant 0 : i32
        %dma_wait3A_133 = tpu.memref_slice %arg7[%mul3A_0, %dma_wait3A_132] : memref<4096x256xf32, #tpu.memory_space<hbm>> -> memref<256x256xf32, #tpu.memory_space<hbm>>
        %dma_wait3A_134 = arith.constant 0 : i32
        %dma_wait3A_135 = tpu.memref_slice %arg7[%mul3A_0, %dma_wait3A_134] : memref<4096x256xf32, #tpu.memory_space<hbm>> -> memref<256x256xf32, #tpu.memory_space<hbm>>
        tpu.wait_dma2 semaphore(%run_scoped3A : memref<!tpu.dma_semaphore, #tpu.memory_space<semaphore_mem>>) src(%arg13 : memref<256x256xf32, #tpu.memory_space<vmem>>) dst(%dma_wait3A_135 : memref<256x256xf32, #tpu.memory_space<hbm>>)
        tpu.yield
      }) : () -> ()
    } else {
    }
    return
  }
}

module attributes {stable_mosaic.version = 14 : i64} {
  func.func @_mlp1_body(%arg0: i32, %arg1: memref<4000x128xf32, #tpu.memory_space<vmem>>, %arg2: memref<128x512xf32, #tpu.memory_space<vmem>>, %arg3: memref<1x512xf32, #tpu.memory_space<vmem>>, %arg4: memref<4000x128xf32, #tpu.memory_space<vmem>>, %arg5: memref<4000x128xf32, #tpu.memory_space<vmem>>) attributes {dimension_semantics = [#tpu.dimension_semantics<arbitrary>], iteration_bounds = array<i64: 25>, scalar_prefetch = 0 : i64, scratch_operands = 0 : i64, tpu.core_type = #tpu.core_type<tc>, window_params = [{transform_indices = @transform_0, window_bounds = array<i64: 4000, 128>}, {pipeline_mode = #tpu.pipeline_mode<synchronous>, transform_indices = @transform_1, window_bounds = array<i64: 128, 512>}, {pipeline_mode = #tpu.pipeline_mode<synchronous>, transform_indices = @transform_2, window_bounds = array<i64: 1, 512>}, {transform_indices = @transform_3, window_bounds = array<i64: 4000, 128>}, {transform_indices = @transform_4, window_bounds = array<i64: 4000, 128>}]} {
    %get3A = arith.constant 0 : index
    %get3A_0 = arith.constant 0 : index
    %get3A_1 = vector.load %arg1[%get3A, %get3A_0] : memref<4000x128xf32, #tpu.memory_space<vmem>>, vector<4000x128xf32>
    %get3A_2 = arith.constant 0 : index
    %get3A_3 = arith.constant 0 : index
    %get3A_4 = vector.load %arg2[%get3A_2, %get3A_3] : memref<128x512xf32, #tpu.memory_space<vmem>>, vector<128x512xf32>
    %dot_general3A = arith.constant dense<0.000000e+00> : vector<4000x512xf32>
    %dot_general3A_5 = tpu.matmul %get3A_1, %get3A_4, %dot_general3A {dimension_numbers = #tpu.dot_dimension_numbers<[1], [0], [0], [1], [0, 0, 1, 1], [], []>, transpose_lhs_hint = false} : vector<4000x128xf32>, vector<128x512xf32>, vector<4000x512xf32> -> vector<4000x512xf32>
    %get3A_6 = arith.constant 0 : index
    %get3A_7 = arith.constant 0 : index
    %get3A_8 = vector.load %arg3[%get3A_6, %get3A_7] : memref<1x512xf32, #tpu.memory_space<vmem>>, vector<1x512xf32>
    %add3A = vector.broadcast %get3A_8 : vector<1x512xf32> to vector<4000x512xf32>
    %add3A_9 = arith.addf %dot_general3A_5, %add3A : vector<4000x512xf32>
    %max3A = arith.constant 0.000000e+00 : f32
    %max3A_10 = vector.broadcast %max3A : f32 to vector<4000x512xf32>
    %max3A_11 = arith.maximumf %add3A_9, %max3A_10 : vector<4000x512xf32>
    %slice3A = vector.extract_strided_slice %max3A_11 {offsets = [0, 0], sizes = [4000, 256], strides = [1, 1]} : vector<4000x512xf32> to vector<4000x256xf32>
    %slice3A_12 = vector.extract_strided_slice %slice3A {offsets = [0, 0], sizes = [4000, 128], strides = [1, 1]} : vector<4000x256xf32> to vector<4000x128xf32>
    %bitcast_convert_type3A = tpu.bitcast %slice3A_12 : vector<4000x128xf32> -> vector<4000x128xi32>
    %add3A_13 = arith.constant 32768 : i32
    %add3A_14 = vector.broadcast %add3A_13 : i32 to vector<4000x128xi32>
    %add3A_15 = arith.addi %bitcast_convert_type3A, %add3A_14 : vector<4000x128xi32>
    %shift_right_logical3A = arith.constant 16 : i32
    %shift_right_logical3A_16 = vector.broadcast %shift_right_logical3A : i32 to vector<4000x128xi32>
    %shift_right_logical3A_17 = arith.shrui %add3A_15, %shift_right_logical3A_16 : vector<4000x128xi32>
    %slice3A_18 = vector.extract_strided_slice %slice3A {offsets = [0, 128], sizes = [4000, 128], strides = [1, 1]} : vector<4000x256xf32> to vector<4000x128xf32>
    %bitcast_convert_type3A_19 = tpu.bitcast %slice3A_18 : vector<4000x128xf32> -> vector<4000x128xi32>
    %add3A_20 = arith.constant 32768 : i32
    %add3A_21 = vector.broadcast %add3A_20 : i32 to vector<4000x128xi32>
    %add3A_22 = arith.addi %bitcast_convert_type3A_19, %add3A_21 : vector<4000x128xi32>
    %and3A = arith.constant -65536 : i32
    %and3A_23 = vector.broadcast %and3A : i32 to vector<4000x128xi32>
    %and3A_24 = arith.andi %add3A_22, %and3A_23 : vector<4000x128xi32>
    %or3A = arith.ori %shift_right_logical3A_17, %and3A_24 : vector<4000x128xi32>
    %bitcast_convert_type3A_25 = tpu.bitcast %or3A : vector<4000x128xi32> -> vector<4000x128xf32>
    %swap3A = arith.constant 0 : index
    %swap3A_26 = arith.constant 0 : index
    %swap3A_27 = vector.load %arg4[%swap3A, %swap3A_26] : memref<4000x128xf32, #tpu.memory_space<vmem>>, vector<4000x128xf32>
    tpu.vector_store %arg4[%swap3A, %swap3A_26], %bitcast_convert_type3A_25 {strides = array<i32>} : memref<4000x128xf32, #tpu.memory_space<vmem>>, vector<4000x128xf32>,
    %slice3A_28 = vector.extract_strided_slice %max3A_11 {offsets = [0, 256], sizes = [4000, 256], strides = [1, 1]} : vector<4000x512xf32> to vector<4000x256xf32>
    %slice3A_29 = vector.extract_strided_slice %slice3A_28 {offsets = [0, 0], sizes = [4000, 128], strides = [1, 1]} : vector<4000x256xf32> to vector<4000x128xf32>
    %bitcast_convert_type3A_30 = tpu.bitcast %slice3A_29 : vector<4000x128xf32> -> vector<4000x128xi32>
    %add3A_31 = arith.constant 32768 : i32
    %add3A_32 = vector.broadcast %add3A_31 : i32 to vector<4000x128xi32>
    %add3A_33 = arith.addi %bitcast_convert_type3A_30, %add3A_32 : vector<4000x128xi32>
    %shift_right_logical3A_34 = arith.constant 16 : i32
    %shift_right_logical3A_35 = vector.broadcast %shift_right_logical3A_34 : i32 to vector<4000x128xi32>
    %shift_right_logical3A_36 = arith.shrui %add3A_33, %shift_right_logical3A_35 : vector<4000x128xi32>
    %slice3A_37 = vector.extract_strided_slice %slice3A_28 {offsets = [0, 128], sizes = [4000, 128], strides = [1, 1]} : vector<4000x256xf32> to vector<4000x128xf32>
    %bitcast_convert_type3A_38 = tpu.bitcast %slice3A_37 : vector<4000x128xf32> -> vector<4000x128xi32>
    %add3A_39 = arith.constant 32768 : i32
    %add3A_40 = vector.broadcast %add3A_39 : i32 to vector<4000x128xi32>
    %add3A_41 = arith.addi %bitcast_convert_type3A_38, %add3A_40 : vector<4000x128xi32>
    %and3A_42 = arith.constant -65536 : i32
    %and3A_43 = vector.broadcast %and3A_42 : i32 to vector<4000x128xi32>
    %and3A_44 = arith.andi %add3A_41, %and3A_43 : vector<4000x128xi32>
    %or3A_45 = arith.ori %shift_right_logical3A_36, %and3A_44 : vector<4000x128xi32>
    %bitcast_convert_type3A_46 = tpu.bitcast %or3A_45 : vector<4000x128xi32> -> vector<4000x128xf32>
    %swap3A_47 = arith.constant 0 : index
    %swap3A_48 = arith.constant 0 : index
    %swap3A_49 = vector.load %arg5[%swap3A_47, %swap3A_48] : memref<4000x128xf32, #tpu.memory_space<vmem>>, vector<4000x128xf32>
    tpu.vector_store %arg5[%swap3A_47, %swap3A_48], %bitcast_convert_type3A_46 {strides = array<i32>} : memref<4000x128xf32, #tpu.memory_space<vmem>>, vector<4000x128xf32>,
    return
  }
  func.func @transform_0(%arg0: i32) -> (i32, i32) {
    %c0_i32 = arith.constant 0 : i32
    %c0_i32_0 = arith.constant 0 : i32
    return %arg0, %c0_i32 : i32, i32
  }
  func.func @transform_1(%arg0: i32) -> (i32, i32) {
    %c0_i32 = arith.constant 0 : i32
    %c0_i32_0 = arith.constant 0 : i32
    %c0_i32_1 = arith.constant 0 : i32
    return %c0_i32, %c0_i32_0 : i32, i32
  }
  func.func @transform_2(%arg0: i32) -> (i32, i32) {
    %c0_i32 = arith.constant 0 : i32
    %c0_i32_0 = arith.constant 0 : i32
    %c0_i32_1 = arith.constant 0 : i32
    return %c0_i32, %c0_i32_0 : i32, i32
  }
  func.func @transform_3(%arg0: i32) -> (i32, i32) {
    %c0_i32 = arith.constant 0 : i32
    %c0_i32_0 = arith.constant 0 : i32
    return %arg0, %c0_i32 : i32, i32
  }
  func.func @transform_4(%arg0: i32) -> (i32, i32) {
    %c0_i32 = arith.constant 0 : i32
    %c0_i32_0 = arith.constant 0 : i32
    return %arg0, %c0_i32 : i32, i32
  }
}

module attributes {stable_mosaic.version = 14 : i64} {
  func.func @_out_body(%arg0: i32, %arg1: memref<512x256xf32, #tpu.memory_space<vmem>>, %arg2: memref<512x256xf32, #tpu.memory_space<vmem>>, %arg3: memref<512x1xi32, #tpu.memory_space<vmem>>, %arg4: memref<512x1xi32, #tpu.memory_space<vmem>>, %arg5: memref<256x128xf32, #tpu.memory_space<vmem>>, %arg6: memref<256x128xf32, #tpu.memory_space<vmem>>, %arg7: memref<1x128xf32, #tpu.memory_space<vmem>>, %arg8: memref<512x128xf32, #tpu.memory_space<vmem>>) attributes {dimension_semantics = [#tpu.dimension_semantics<arbitrary>], iteration_bounds = array<i64: 8>, scalar_prefetch = 0 : i64, scratch_operands = 0 : i64, tpu.core_type = #tpu.core_type<tc>, window_params = [{transform_indices = @transform_0, window_bounds = array<i64: 512, 256>}, {transform_indices = @transform_1, window_bounds = array<i64: 512, 256>}, {transform_indices = @transform_2, window_bounds = array<i64: 512, 1>}, {transform_indices = @transform_3, window_bounds = array<i64: 512, 1>}, {pipeline_mode = #tpu.pipeline_mode<synchronous>, transform_indices = @transform_4, window_bounds = array<i64: 256, 128>}, {pipeline_mode = #tpu.pipeline_mode<synchronous>, transform_indices = @transform_5, window_bounds = array<i64: 256, 128>}, {pipeline_mode = #tpu.pipeline_mode<synchronous>, transform_indices = @transform_6, window_bounds = array<i64: 1, 128>}, {transform_indices = @transform_7, window_bounds = array<i64: 512, 128>}]} {
    %get3A = arith.constant 0 : index
    %get3A_0 = arith.constant 0 : index
    %get3A_1 = vector.load %arg4[%get3A, %get3A_0] : memref<512x1xi32, #tpu.memory_space<vmem>>, vector<512x1xi32>
    %get3A_2 = arith.constant 0 : index
    %get3A_3 = arith.constant 0 : index
    %get3A_4 = vector.load %arg3[%get3A_2, %get3A_3] : memref<512x1xi32, #tpu.memory_space<vmem>>, vector<512x1xi32>
    %sub3A = arith.subi %get3A_1, %get3A_4 : vector<512x1xi32>
    %convert_element_type3A = arith.sitofp %sub3A : vector<512x1xi32> to vector<512x1xf32>
    %max3A = arith.constant 1.000000e+00 : f32
    %max3A_5 = vector.broadcast %max3A : f32 to vector<512x1xf32>
    %max3A_6 = arith.maximumf %convert_element_type3A, %max3A_5 : vector<512x1xf32>
    %div3A = arith.constant 1.000000e+00 : f32
    %div3A_7 = vector.broadcast %div3A : f32 to vector<512x1xf32>
    %div3A_8 = arith.divf %div3A_7, %max3A_6 : vector<512x1xf32>
    %get3A_9 = arith.constant 0 : index
    %get3A_10 = arith.constant 0 : index
    %get3A_11 = vector.load %arg1[%get3A_9, %get3A_10] : memref<512x256xf32, #tpu.memory_space<vmem>>, vector<512x256xf32>
    %mul3A = vector.broadcast %div3A_8 : vector<512x1xf32> to vector<512x256xf32>
    %mul3A_12 = arith.mulf %get3A_11, %mul3A : vector<512x256xf32>
    %get3A_13 = arith.constant 0 : index
    %get3A_14 = arith.constant 0 : index
    %get3A_15 = vector.load %arg5[%get3A_13, %get3A_14] : memref<256x128xf32, #tpu.memory_space<vmem>>, vector<256x128xf32>
    %dot_general3A = arith.constant dense<0.000000e+00> : vector<512x128xf32>
    %dot_general3A_16 = tpu.matmul %mul3A_12, %get3A_15, %dot_general3A {dimension_numbers = #tpu.dot_dimension_numbers<[1], [0], [0], [1], [0, 0, 1, 1], [], []>, transpose_lhs_hint = false} : vector<512x256xf32>, vector<256x128xf32>, vector<512x128xf32> -> vector<512x128xf32>
    %get3A_17 = arith.constant 0 : index
    %get3A_18 = arith.constant 0 : index
    %get3A_19 = vector.load %arg2[%get3A_17, %get3A_18] : memref<512x256xf32, #tpu.memory_space<vmem>>, vector<512x256xf32>
    %mul3A_20 = vector.broadcast %div3A_8 : vector<512x1xf32> to vector<512x256xf32>
    %mul3A_21 = arith.mulf %get3A_19, %mul3A_20 : vector<512x256xf32>
    %get3A_22 = arith.constant 0 : index
    %get3A_23 = arith.constant 0 : index
    %get3A_24 = vector.load %arg6[%get3A_22, %get3A_23] : memref<256x128xf32, #tpu.memory_space<vmem>>, vector<256x128xf32>
    %dot_general3A_25 = arith.constant dense<0.000000e+00> : vector<512x128xf32>
    %dot_general3A_26 = tpu.matmul %mul3A_21, %get3A_24, %dot_general3A_25 {dimension_numbers = #tpu.dot_dimension_numbers<[1], [0], [0], [1], [0, 0, 1, 1], [], []>, transpose_lhs_hint = false} : vector<512x256xf32>, vector<256x128xf32>, vector<512x128xf32> -> vector<512x128xf32>
    %add3A = arith.addf %dot_general3A_16, %dot_general3A_26 : vector<512x128xf32>
    %get3A_27 = arith.constant 0 : index
    %get3A_28 = arith.constant 0 : index
    %get3A_29 = vector.load %arg7[%get3A_27, %get3A_28] : memref<1x128xf32, #tpu.memory_space<vmem>>, vector<1x128xf32>
    %add3A_30 = vector.broadcast %get3A_29 : vector<1x128xf32> to vector<512x128xf32>
    %add3A_31 = arith.addf %add3A, %add3A_30 : vector<512x128xf32>
    %gt3A = arith.constant 0.000000e+00 : f32
    %gt3A_32 = vector.broadcast %gt3A : f32 to vector<512x1xf32>
    %gt3A_33 = arith.cmpf ogt, %convert_element_type3A, %gt3A_32 : vector<512x1xf32>
    %broadcast_in_dim3A = arith.constant 0.000000e+00 : f32
    %broadcast_in_dim3A_34 = vector.broadcast %broadcast_in_dim3A : f32 to vector<512x128xf32>
    %broadcast_in_dim3A_35 = vector.shape_cast %gt3A_33 : vector<512x1xi1> to vector<512x1xi1>
    %broadcast_in_dim3A_36 = vector.broadcast %broadcast_in_dim3A_35 : vector<512x1xi1> to vector<512x128xi1>
    %select_n3A = arith.select %broadcast_in_dim3A_36, %add3A_31, %broadcast_in_dim3A_34 : vector<512x128xi1>, vector<512x128xf32>
    %swap3A = arith.constant 0 : index
    %swap3A_37 = arith.constant 0 : index
    %swap3A_38 = vector.load %arg8[%swap3A, %swap3A_37] : memref<512x128xf32, #tpu.memory_space<vmem>>, vector<512x128xf32>
    tpu.vector_store %arg8[%swap3A, %swap3A_37], %select_n3A {strides = array<i32>} : memref<512x128xf32, #tpu.memory_space<vmem>>, vector<512x128xf32>,
    return
  }
  func.func @transform_0(%arg0: i32) -> (i32, i32) {
    %c0_i32 = arith.constant 0 : i32
    %c0_i32_0 = arith.constant 0 : i32
    return %arg0, %c0_i32 : i32, i32
  }
  func.func @transform_1(%arg0: i32) -> (i32, i32) {
    %c0_i32 = arith.constant 0 : i32
    %c0_i32_0 = arith.constant 0 : i32
    return %arg0, %c0_i32 : i32, i32
  }
  func.func @transform_2(%arg0: i32) -> (i32, i32) {
    %c0_i32 = arith.constant 0 : i32
    %c0_i32_0 = arith.constant 0 : i32
    return %arg0, %c0_i32 : i32, i32
  }
  func.func @transform_3(%arg0: i32) -> (i32, i32) {
    %c0_i32 = arith.constant 0 : i32
    %c0_i32_0 = arith.constant 0 : i32
    return %arg0, %c0_i32 : i32, i32
  }
  func.func @transform_4(%arg0: i32) -> (i32, i32) {
    %c0_i32 = arith.constant 0 : i32
    %c0_i32_0 = arith.constant 0 : i32
    %c0_i32_1 = arith.constant 0 : i32
    return %c0_i32, %c0_i32_0 : i32, i32
  }
  func.func @transform_5(%arg0: i32) -> (i32, i32) {
    %c0_i32 = arith.constant 0 : i32
    %c0_i32_0 = arith.constant 0 : i32
    %c0_i32_1 = arith.constant 0 : i32
    return %c0_i32, %c0_i32_0 : i32, i32
  }
  func.func @transform_6(%arg0: i32) -> (i32, i32) {
    %c0_i32 = arith.constant 0 : i32
    %c0_i32_0 = arith.constant 0 : i32
    %c0_i32_1 = arith.constant 0 : i32
    return %c0_i32, %c0_i32_0 : i32, i32
  }
  func.func @transform_7(%arg0: i32) -> (i32, i32) {
    %c0_i32 = arith.constant 0 : i32
    %c0_i32_0 = arith.constant 0 : i32
    return %arg0, %c0_i32 : i32, i32
  }
}

</mosaic_0001>

<sc_bundles>
// kernel: kernel.5.cloned.1.call-start
scs
__scs_entry_jumppad:
0x0: {  	(pc) =	sbr.rel $0x88, $3  }
0x1: {  	(tag) =	ssettag $0x0;
	lr =	simm.s32 $0x1  }
0x2: {  	[smem:$0x3F9A] =	sst lr;
	_ =	strace $0xD0000000  }
0x3: {  	_ = 	snop  }
0x4: {  	_ = 	snop  }
0x5: {  	_ = 	snop  }
0x6: {  	_ = 	snop  }
0x7: {  	_ = 	snop  }
__scs_overlays_trampoline_lowered:
0x8: {  	[smem:$0x3FA9] =	sst s0  }
0x9: {  	[smem:$0x3FAA] =	sst s1  }
0xa: {  	[smem:$0x3FAB] =	sst s2  }
0xb: {  	[smem:$0x3FAC] =	sst s3  }
0xc: {  	[smem:$0x3FAD] =	sst s4  }
0xd: {  	[smem:$0x3FAE] =	sst s5  }
0xe: {  	[smem:$0x3FAF] =	sst s6  }
0xf: {  	[smem:$0x3FB0] =	sst s7  }
0x10: {  	[smem:$0x3FB1] =	sst s8  }
0x11: {  	[smem:$0x3FB2] =	sst s9;
	s0 =	simm.s32 @!p0 $0x0  }
0x12: {  	s1 =	sld [smem:$0x3F98];
	s0 =	simm.s32 @p0 $0x1  }
0x13: {  	[smem:$0x3FB3] =	sst s0;
	s0 =	simm.s32 @!p1 $0x0  }
0x14: {  	s2 =	sld [smem:$0x3F97];
	s0 =	simm.s32 @p1 $0x1  }
0x15: {  	[smem:$0x3FB4] =	sst s0;
	s0 =	simm.s32 @!p2 $0x0  }
0x16: {  	s3 =	sld [smem:$0x3FDB];
	s0 =	simm.s32 @p2 $0x1  }
0x17: {  	s4 =	simm.s32 $0x1BF5;
	[smem:$0x3FB6] =	sst s0  }
0x18: {  	s0 =	sld [smem:$0x3F99];
	_ =	swait.ge [sflag:s4], $0x0  }
0x19: {  	s7 =	sld [smem:$0x3F9A]  }
0x1a: {  	s8 =	sadd.s32 $0xFFFFE003, lr  }
0x1b: {  	s9 =	sadd.s32 $0xFFFFFEF7, lr;
	s5 =	simm.s32 $0xFFFFFFFF;
	p2 =	slt.u32 s8, $0xFFFFF086  }
0x1c: {  	p1 =	slt.u32 s9, $0xF7A;
	s5 =	simm.s32 @!p2 $0x0  }
0x1d: {  	s5 =	simm.s32 @p1 $0x1;
	p0 =	seq.s32 s7, s2  }
0x1e: {  	s7 =	smul.u32 @!p0 $0xF7A, s2;
	p2 =	seq.s32 @!p0 s5, $0x0  }
0x1f: {  	s9 =	smul.u32 $0xF7A, s1;
	s8 =	simm.s32 @!p0 $0x1BF5;
	p2 =	por !p2, p0  }
0x20: {  	[sflag:s8] =	ssyncset.s32 @!p0 $0xFFFFF086;
	s6 =	sadd.s32 @!p0 s3, s7;
	s7 =	simm.s32 @!p0 $0x108  }
0x21: {  	s3 =	sadd.s32 s3, s9;
	s6 =	sadd.s32 @!p0 $0x88, s6;
	s7 =	simm.s32 @p2 $0x1082  }
0x22: {  	[simem:s7], [sflag:s8] =	dma.local @!p0 [hbm:s6], $0xF7A  }
0x23: {  	s9 =	sor.u32 $0xD0000000, s2;
	s6 =	simm.s32 $0x108;
	_ =	swait.ge @!p0 [sflag:s8], $0x0  }
0x24: {  	s3 =	sadd.s32 $0x88, s3;
	s6 =	simm.s32 @!p1 $0x1082;
	[sflag:s4] =	ssyncset.s32 $0xFFFFF086  }
0x25: {  	[simem:s6], [sflag:s4] =	dma.local [hbm:s3], $0xF7A  }
0x26: {  	[smem:$0x3F9A] =	sst s1;
	(tag) =	ssettag s2;
	_ =	strace s9  }
0x27: {  	s1 =	sld [smem:$0x3FAA]  }
0x28: {  	s2 =	sld [smem:$0x3FAB]  }
0x29: {  	s4 =	sld [smem:$0x3FAD]  }
0x2a: {  	p0 =	seq.s32 s5, $0x0;
	s5 =	sld [smem:$0x3FAE]  }
0x2b: {  	s6 =	sld [smem:$0x3FAF]  }
0x2c: {  	s7 =	sld [smem:$0x3FB0]  }
0x2d: {  	s3 =	simm.s32 $0x108;
	s8 =	sld [smem:$0x3FB1]  }
0x2e: {  	s3 =	simm.s32 @!p0 $0x1082;
	s9 =	sld [smem:$0x3FB2]  }
0x2f: {  	lr =	sadd.s32 s0, s3;
	s0 =	sld [smem:$0x3FA9]  }
0x30: {  	s3 =	sld [smem:$0x3FAC]  }
0x31: {  	[smem:$0x3FB5] =	sst s10  }
0x32: {  	s10 =	sld [smem:$0x3FB3];
	_ =	sdelay $0x3  }
0x33: {  	p0 =	seq.s32 s10, $0x1;
	s10 =	sld [smem:$0x3FB5];
	_ =	sdelay $0x3  }
0x34: {  	[smem:$0x3FB5] =	sst s10  }
0x35: {  	s10 =	sld [smem:$0x3FB4];
	_ =	sdelay $0x3  }
0x36: {  	p1 =	seq.s32 s10, $0x1;
	s10 =	sld [smem:$0x3FB5];
	_ =	sdelay $0x3  }
0x37: {  	[smem:$0x3FB5] =	sst s10  }
0x38: {  	s10 =	sld [smem:$0x3FB6]  }
0x39: {  	_ = 	snop;
	(pc) =	sbr.ind lr, $3  }
0x3a: {  	_ = 	snop  }
0x3b: {  	_ = 	snop  }
0x3c: {  	p2 =	seq.s32 s10, $0x1;
	s10 =	sld [smem:$0x3FB5]  }
0x3d: {  	_ =	shalt  }
0x3e: {  	_ =	shalt  }
0x3f: {  	_ =	shalt  }
0x40: {  	_ =	shalt  }
0x41: {  	_ =	shalt  }
0x42: {  	_ =	shalt  }
0x43: {  	_ =	shalt  }
0x44: {  	_ =	shalt  }
0x45: {  	_ =	shalt  }
0x46: {  	_ =	shalt  }
0x47: {  	_ =	shalt  }
0x48: {  	_ =	shalt  }
0x49: {  	_ =	shalt  }
0x4a: {  	_ =	shalt  }
0x4b: {  	_ =	shalt  }
0x4c: {  	_ =	shalt  }
0x4d: {  	_ =	shalt  }
0x4e: {  	_ =	shalt  }
0x4f: {  	_ =	shalt  }
0x50: {  	_ =	shalt  }
0x51: {  	_ =	shalt  }
0x52: {  	_ =	shalt  }
0x53: {  	_ =	shalt  }
0x54: {  	_ =	shalt  }
0x55: {  	_ =	shalt  }
0x56: {  	_ =	shalt  }
0x57: {  	_ =	shalt  }
0x58: {  	_ =	shalt  }
0x59: {  	_ =	shalt  }
0x5a: {  	_ =	shalt  }
0x5b: {  	_ =	shalt  }
0x5c: {  	_ =	shalt  }
0x5d: {  	_ =	shalt  }
0x5e: {  	_ =	shalt  }
0x5f: {  	_ =	shalt  }
0x60: {  	_ =	shalt  }
0x61: {  	_ =	shalt  }
0x62: {  	_ =	shalt  }
0x63: {  	_ =	shalt  }
0x64: {  	_ =	shalt  }
0x65: {  	_ =	shalt  }
0x66: {  	_ =	shalt  }
0x67: {  	_ =	shalt  }
0x68: {  	_ =	shalt  }
0x69: {  	_ =	shalt  }
0x6a: {  	_ =	shalt  }
0x6b: {  	_ =	shalt  }
0x6c: {  	_ =	shalt  }
0x6d: {  	_ =	shalt  }
0x6e: {  	_ =	shalt  }
0x6f: {  	_ =	shalt  }
0x70: {  	_ =	shalt  }
0x71: {  	_ =	shalt  }
0x72: {  	_ =	shalt  }
0x73: {  	_ =	shalt  }
0x74: {  	_ =	shalt  }
0x75: {  	_ =	shalt  }
0x76: {  	_ =	shalt  }
0x77: {  	_ =	shalt  }
0x78: {  	_ =	shalt  }
0x79: {  	_ =	shalt  }
0x7a: {  	_ =	shalt  }
0x7b: {  	_ =	shalt  }
0x7c: {  	_ =	shalt  }
0x7d: {  	_ =	shalt  }
0x7e: {  	_ =	shalt  }
0x7f: {  	_ =	shalt  }
0x80: {  	_ =	shalt  }
0x81: {  	_ =	shalt  }
0x82: {  	_ =	shalt  }
0x83: {  	_ =	shalt  }
0x84: {  	_ =	shalt  }
0x85: {  	_ =	shalt  }
0x86: {  	_ =	shalt  }
0x87: {  	_ =	shalt  }
.Lfunc_end0:
.L_simem_size_0:
called_computation_lowered:
.L_overlay_start_0:
0x88: {  	s2 =	sld [smem:$0x3FD9]  }
0x89: {  	s3 =	sld [smem:$0x3FFE];
	_ =	sdelay $0x1  }
0x8a: {  	s1 =	srdreg.scid  }
0x8b: {  	s0 =	sand.u32 $0x1, s1  }
0x8c: {  	s17 =	sshll.u32 s0, $0xA;
	s2 =	sadd.s32 s3, s2  }
0x8d: {  	s2 =	sadd.s32 s2, s17  }
0x8e: {  	[smem:$0x3FC1] =	sst s2  }
0x8f: {  	_ = 	snop  }
0x90: {  	s2 =	sld [smem:$0x3FC9]  }
0x91: {  	s18 =	sld [smem:$0x3FC8];
	(tm) =	ssettm $0x1  }
0x92: {  	s4 =	sld [smem:$0x3FFB];
	_ =	sdelay $0x3  }
0x93: {  	_ =	strace s4  }
0x94: {  	s4 =	sld [smem:$0x3FFC];
	_ =	sdelay $0x3  }
0x95: {  	_ =	strace s4  }
0x96: {  	s4 =	sld [smem:$0x3FFD];
	_ =	sdelay $0x3  }
0x97: {  	_ =	strace s4  }
0x98: {  	_ =	strace $0x8FFFFFFF  }
0x99: {  	s19 =	sld [smem:$0x3FDB];
	_ =	sdelay $0x1  }
0x9a: {  	s5 =	simm.s32 $_scs_section_size  }
0x9b: {  	s6 =	simm.s32 $_size__tile_overlayer_lowered;
	s7 =	simm.s32 $_tile_overlayer_lowered  }
0x9c: {  	s22 =	simm.s32 $0x1BFF;
	s21 =	sshll.u32 s7, $0x1;
	s4 =	sadd.s32 s5, s19  }
0x9d: {  	s8 =	simm.s32 $0x0;
	s20 =	sshll.u32 s6, $0x1;
	s6 =	sadd.s32 s21, s4  }
0x9e: {  	[timem:s8], [sflag:s22] =	dma.local [hbm:s6], s20  }
0x9f: {  	_ =	swait.ge [sflag:s22], s20  }
0xa0: {  	s5 =	ssub.s32 $0x0, s20;
	[sflag:s22] =	ssyncset.done $0x0  }
0xa1: {  	[sflag:s22] =	ssyncadd.s32 s5;
	_ =	sdelay $0x1  }
0xa2: {  	s23 =	simm.s32 $0x1B8B  }
0xa3: {  	_ =	swait.ge [sflag:s23], $0x1  }
0xa4: {  	[sflag:s23] =	ssyncset.done $0x0  }
0xa5: {  	s25 =	simm.s32 $0x1B8E;
	s24 =	sld [smem:$0x3FFE];
	[sflag:s23] =	ssyncadd.s32 $0xFFFFFFFF  }
0xa6: {  	s26 =	simm.s32 $execute0_lowered;
	[smem:$0x3FD2] =	sst s25  }
0xa7: {  	s6 =	sshll.u32 s26, $0x1;
	_ =	strace $0x80000046;
	[dreg:$0x1] =	wrdreg $0xFFFFFFFF  }
0xa8: {  	s28 =	simm.s32 $_size_execute0_lowered;
	s4 =	sadd.s32 s4, s6;
	[dreg:$0x0] =	wrdreg $0x0  }
0xa9: {  	s6 =	sshll.u32 s28, $0x1;
	[dreg:$0x2] =	wrdreg s4  }
0xaa: {  	[dreg:$0x3] =	wrdreg s6  }
0xab: {  	[dreg:$0x4] =	wrdreg $0xC0  }
0xac: {  	_ =	task [dreg:s8], $0x5FFFF  }
0xad: {  	[dreg:$0x1] =	wrdreg $0xFFFFFFFF  }
0xae: {  	[dreg:$0x0] =	wrdreg $0x60  }
0xaf: {  	[dreg:$0x2] =	wrdreg s2  }
0xb0: {  	[dreg:$0x3] =	wrdreg s18  }
0xb1: {  	[dreg:$0x4] =	wrdreg s24  }
0xb2: {  	[dreg:$0x5] =	wrdreg $0x9  }
0xb3: {  	_ =	task.clear_ibuf [dreg:s8], $0x6FFFF;
	_ =	strace $0x90000046  }
0xb4: {  	s29 =	simm.s32 $0x9;
	_ =	strace $0x80000048  }
0xb5: {  	_ =	swait.ge [sflag:s29], $0x1  }
0xb6: {  	[sflag:s29] =	ssyncadd.s32 $0xFFFFFFFF  }
0xb7: {  	_ =	strace $0x90000048  }
0xb8: {  	_ =	sfence  }
0xb9: {  	s30 =	sld [smem:$0x0];
	_ =	sdelay $0x2  }
0xba: {  	s31 =	sshll.u32 s1, $0xD;
	s1 =	sshrl.u32 s1, $0x2  }
0xbb: {  	s3 =	sand.u32 $0x4000, s31;
	s1 =	sadd.s32 s1, s30  }
0xbc: {  	s0 =	sor.u32 s3, s0;
	s1 =	sshll.u32 s1, $0x11  }
0xbd: {  	s0 =	sor.u32 s1, s0  }
0xbe: {  	s0 =	sadd.s32 $0x8F2B, s0  }
0xbf: {  	[sflag:s0] =	ssyncadd.remote.s32 $0x1  }
0xc0: {  	_ =	sfence.sel $0xFFFF  }
0xc1: {  	[dreg:$0x0] =	wrdreg $0xFFFFFFFF;
	(pc) =	sbr.abs _section_cstart, $3  }
0xc2: {  	[dreg:$0x1] =	wrdreg $0xFFFFFFFF  }
0xc3: {  	_ =	task.clear_ibuf [dreg:s8], $0x2FFFF;
	_ =	strace $0x9FFFFFFF  }
0xc4: {  	(tm) =	ssettm $0x7FFFFFFF  }
0xc5: {  	_ =	shalt  }
tec
execute0_lowered:
.L_overlay_start_1:
0x0: {  	(tag) =	ssettag $0x1  }
0x1: {  	s1 =	rddreg [dreg:$0x0]  }
0x2: {  	s0 =	rddreg [dreg:$0x2]  }
0x3: {  	s3 =	simm.s32 $0x0;
	s2 =	srdreg.scid;
	s6 =	stileid.u32  }
0x4: {  	s8 =	simm.s32 $0x5;
	s13 =	simm.s32 $0x1;
	s14 =	simm.s32 $0x1080  }
0x5: {  	s15 =	simm.s32 $0x80;
	s17 =	simm.s32 $0x1100;
	s18 =	simm.s32 $0x4  }
0x6: {  	s20 =	simm.s32 $0x3;
	s21 =	simm.s32 $0x2;
	[smem:$0x7FF] =	sst s3  }
0x7: {  	s2 =	sand.u32 $0x1, s2;
	s4 =	sadd.s32 $0x1C00, s0;
	s26 =	sadd.s32 $0x188600, s0  }
0x8: {  	s5 =	sadd.s32 $0x30F000, s0;
	_ =	strace $0x80000047;
	[dreg:$0x4] =	wrdreg s4  }
.Ltmp0:
0x9: {  	[dreg:$0x5] =	wrdreg s26;
	s28 =	ssub.s32 $0x2, s2;
	(pc) =	sbr.rel .LBB2_1-.Ltmp0, $4  }
0xa: {  	s0 =	sadd.s32 $0x32F000, s0;
	[dreg:$0x6] =	wrdreg s5;
	s29 =	sshrl.u32 s28, $0x1  }
0xb: {  	s31 =	sshll.u32 s6, $0xD;
	[dreg:$0x7] =	wrdreg s0;
	s30 =	ssub.s32 s28, s29  }
0xc: {  	s9 =	simm.s32 $0x0;
	[dreg:$0x8] =	wrdreg s31;
	s0 =	smax.u32 s30, $0x1  }
0xd: {  	v0 =	vimm.f32 $0.0e+00;
	s22 =	sshll.u32 s6, $0x8;
	p0 =	seq.s32 s2, $0x1;
	[dreg:$0x9] =	wrdreg s0  }
.LBB2_34:
0xe: {  	s0 =	rddreg [dreg:$0x6]  }
0xf: {  	s8 =	simm.s32 $0x5;
	s9 =	rddreg [dreg:$0xa]  }
.LBB2_35:
0x10: {  	_ =	swait.ge [sflag:s13], $0x4000  }
0x11: {  	[sflag:s13] =	ssyncset.done $0x0  }
0x12: {  	[sflag:s13] =	ssyncadd.s32 $0xFFFFC000  }
0x13: {  	_ =	swait.ge [sflag:s18], $0x80  }
0x14: {  	[sflag:s18] =	ssyncset.done $0x0;
	s2 =	rddreg [dreg:$0x8]  }
0x15: {  	s30 =	simm.s32 $0x9180;
	s0 =	sadd.s32 s0, s2;
	[sflag:s18] =	ssyncadd.s32 $0xFFFFFF80  }
0x16: {  	[hbm4b:s0+s3] =	stream.linear.scatter [tilespmem:s30], [sflag:$0x5], $0x10000, $0x38;
	[tilespmem:$0x19180] =	vst v63  }
0x17: {  	_ =	swait.ge [sflag:s8], $0x10000  }
0x18: {  	s9 =	sadd.s32 $0x1, s9;
	s31 =	rddreg [dreg:$0x9]  }
0x19: {  	p1 =	sne.s32 s9, s31  }
.Ltmp1:
0x1a: {  	_ = 	snop;
	(pc) =	sbr.rel @!p1 .LBB2_36-.Ltmp1, $3  }
0x1b: {  	_ =	sdelay $0x1  }
0x1c: {  	[sflag:s8] =	ssyncset.done $0x0  }
0x1d: {  	[sflag:s8] =	ssyncadd.s32 $0xFFFF0000  }
.LBB2_1:
0x1e: {  	s0 =	rddreg [dreg:$0x1]  }
0x1f: {  	[tilespmem:s3], [sflag:$0x5] =	stream.linear.gather [hbm4b:s0+s3], $0x1001, $0x38;
	[tilespmem:$0x19180] =	vst v63  }
0x20: {  	_ =	swait.ge [sflag:s8], $0x1001  }
0x21: {  	s31 =	sand.u32 $0xF800, s3;
	s2 =	sand.u32 $0x380, s3;
	[sflag:s8] =	ssyncset.done $0x0  }
0x22: {  	s0 =	sor.u32 s2, s31;
	[sflag:s8] =	ssyncadd.s32 $0xFFFFEFFF  }
0x23: {  	[tilespmem:s0+$0x95F0] =	vst v0  }
0x24: {  	[tilespmem:s0+$0x9180] =	vst v0  }
0x25: {  	[tilespmem:s0+$0x9190] =	vst v0  }
0x26: {  	[tilespmem:s0+$0x91A0] =	vst v0  }
0x27: {  	[tilespmem:s0+$0x91B0] =	vst v0  }
0x28: {  	[tilespmem:s0+$0x91C0] =	vst v0  }
0x29: {  	[tilespmem:s0+$0x91D0] =	vst v0  }
0x2a: {  	[tilespmem:s0+$0x91E0] =	vst v0  }
0x2b: {  	[tilespmem:s0+$0x91F0] =	vst v0  }
0x2c: {  	[tilespmem:s0+$0x9580] =	vst v0  }
0x2d: {  	[tilespmem:s0+$0x9590] =	vst v0  }
0x2e: {  	[tilespmem:s0+$0x95A0] =	vst v0  }
0x2f: {  	[tilespmem:s0+$0x95B0] =	vst v0  }
0x30: {  	s4 =	simm.s32 $0x100;
	s2 =	simm.s32 $0x80;
	[tilespmem:s0+$0x95C0] =	vst v0  }
0x31: {  	s5 =	sand.u32 $0xF800, s4;
	s4 =	simm.s32 $0x200;
	s6 =	sand.u32 $0x380, s2;
	[tilespmem:s0+$0x95D0] =	vst v0  }
.LBB2_2:
0x32: {  	p1 =	sne.s32 s4, $0xFF00;
	[tilespmem:s0+$0x95E0] =	vst v0;
	s0 =	sor.u32 s6, s5  }
0x33: {  	[tilespmem:s0+$0x95F0] =	vst v0  }
0x34: {  	[tilespmem:s0+$0x9180] =	vst v0  }
0x35: {  	[tilespmem:s0+$0x9190] =	vst v0  }
0x36: {  	[tilespmem:s0+$0x91A0] =	vst v0  }
0x37: {  	[tilespmem:s0+$0x91B0] =	vst v0  }
0x38: {  	[tilespmem:s0+$0x91C0] =	vst v0  }
0x39: {  	[tilespmem:s0+$0x91D0] =	vst v0  }
0x3a: {  	[tilespmem:s0+$0x91E0] =	vst v0  }
0x3b: {  	[tilespmem:s0+$0x91F0] =	vst v0  }
0x3c: {  	[tilespmem:s0+$0x9580] =	vst v0  }
.Ltmp2:
0x3d: {  	[tilespmem:s0+$0x9590] =	vst v0;
	(pc) =	sbr.rel @p1 .LBB2_2-.Ltmp2, $4  }
0x3e: {  	[tilespmem:s0+$0x95A0] =	vst v0  }
0x3f: {  	[tilespmem:s0+$0x95B0] =	vst v0  }
0x40: {  	s2 =	sadd.s32 $0x80, s2;
	[tilespmem:s0+$0x95C0] =	vst v0  }
0x41: {  	s5 =	sand.u32 $0xF800, s4;
	s4 =	sadd.s32 $0x100, s4;
	s6 =	sand.u32 $0x380, s2;
	[tilespmem:s0+$0x95D0] =	vst v0  }
0x42: {  	s2 =	sor.u32 s6, s5;
	[tilespmem:s0+$0x95E0] =	vst v0  }
0x43: {  	[tilespmem:s2+$0x95F0] =	vst v0  }
0x44: {  	[tilespmem:s2+$0x9180] =	vst v0  }
0x45: {  	[tilespmem:s2+$0x9190] =	vst v0  }
0x46: {  	[tilespmem:s2+$0x91A0] =	vst v0  }
0x47: {  	[tilespmem:s2+$0x91B0] =	vst v0  }
0x48: {  	[tilespmem:s2+$0x91C0] =	vst v0  }
0x49: {  	[tilespmem:s2+$0x91D0] =	vst v0  }
0x4a: {  	[tilespmem:s2+$0x91E0] =	vst v0  }
0x4b: {  	[tilespmem:s2+$0x91F0] =	vst v0  }
0x4c: {  	[tilespmem:s2+$0x9580] =	vst v0  }
0x4d: {  	[tilespmem:s2+$0x9590] =	vst v0  }
0x4e: {  	[tilespmem:s2+$0x95A0] =	vst v0  }
0x4f: {  	[tilespmem:s2+$0x95B0] =	vst v0  }
0x50: {  	[tilespmem:s2+$0x95C0] =	vst v0  }
0x51: {  	[tilespmem:s2+$0x95D0] =	vst v0  }
0x52: {  	[tilespmem:s2+$0x95E0] =	vst v0  }
0x53: {  	v1 =	vld [tilespmem:s22+$0x0];
	_ =	sdelay $0x4  }
0x54: {  	(v2sf) =	vpush v1, $0x0;
	_ =	sdelay $0x1  }
0x55: {  	v1 =	vld [tilespmem:s22+$0x100];
	_ =	sdelay $0x4  }
0x56: {  	(v2sf) =	vpush v1, $0x0;
	_ =	sdelay $0x7  }
0x57: {  	s7 =	spop (v2sf)  }
0x58: {  	s11 =	sand.u32 $0x7, s7  }
0x59: {  	s12 =	sshra.s32 s7, $0x1F;
	p1 =	slt.s32 s7, $0x1;
	p2 =	sne.s32 s11, $0x0  }
0x5a: {  	s16 =	sshrl.u32 s12, $0x1D;
	p1 =	por !p1, !p2  }
0x5b: {  	s2 =	simm.s32 $0x1;
	s0 =	sadd.s32 s16, s7;
	p1 =	por !p1, !p1  }
0x5c: {  	s0 =	sshrl.u32 s0, $0x3;
	s2 =	simm.s32 @!p1 $0x0  }
0x5d: {  	s0 =	ssub.s32 s0, s2  }
0x5e: {  	s24 =	spop (v2sf);
	s11 =	sshll.u32 s0, $0x3  }
0x5f: {  	s0 =	ssub.s32 s24, s11  }
0x60: {  	s0 =	sadd.s32 $0x7F, s0  }
0x61: {  	s19 =	sand.u32 $0x7F, s0  }
0x62: {  	s4 =	sshra.s32 s0, $0x1F;
	p3 =	slt.s32 s0, $0x1;
	p4 =	sne.s32 s19, $0x0  }
0x63: {  	s23 =	sshrl.u32 s4, $0x19;
	p1 =	por !p3, !p4  }
0x64: {  	s2 =	simm.s32 $0x1;
	s0 =	sadd.s32 s23, s0;
	p1 =	por !p1, !p1  }
0x65: {  	s4 =	sadd.s32 $0x80, s11;
	s0 =	sshra.s32 s0, $0x7;
	s2 =	simm.s32 @!p1 $0x0  }
0x66: {  	p1 =	slt.s32 s11, $0x31F80;
	s0 =	ssub.s32 s0, s2;
	s2 =	smov.u32 s11  }
0x67: {  	s5 =	simm.s32 $0x1;
	p2 =	slt.s32 s4, $0x31F80;
	s2 =	simm.s32 @!p1 $0x31F80  }
0x68: {  	s25 =	sadd.s32 $0x1, s0;
	p5 =	slt.s32 s0, $0x0;
	s2 =	sshrl.u32 s2, $0x3  }
0x69: {  	s26 =	sand.u32 $0x1, s25;
	s29 =	sshrl.u32 s25, $0x1F;
	s30 =	sadd.s32 s1, s2  }
0x6a: {  	[tilespmem:s14], [sflag:$0x5] =	stream.linear.gather [hbm4b:s30+s3], $0x80, $0x38;
	[tilespmem:$0x19180] =	vst v63  }
.Ltmp3:
0x6b: {  	p6 =	seq.s32 s26, $0x1;
	s31 =	sadd.s32 s29, s25;
	(pc) =	sbr.rel @!p0 .LBB2_4-.Ltmp3, $4  }
0x6c: {  	s2 =	smov.u32 s4;
	p1 =	por !p5, !p6;
	s0 =	sshra.s32 s31, $0x1  }
0x6d: {  	s2 =	simm.s32 @!p2 $0x31F80;
	p1 =	por !p1, !p1;
	_ =	swait.ge [sflag:s8], $0x80  }
0x6e: {  	s2 =	sshrl.u32 s2, $0x3;
	s5 =	simm.s32 @!p1 $0x0;
	[sflag:s8] =	ssyncset.done $0x0  }
0x6f: {  	s28 =	ssub.s32 s0, s5;
	[sflag:s8] =	ssyncadd.s32 $0xFFFFFF80;
	s0 =	sadd.s32 s1, s2  }
0x70: {  	p1 =	slt.s32 s28, $0x1  }
.Ltmp4:
0x71: {  	s2 =	rddreg [dreg:$0x5];
	s5 =	simm.s32 $0x1180;
	(pc) =	sbr.rel @p1 .LBB2_35-.Ltmp4, $4  }
0x72: {  	[tilespmem:s5], [sflag:$0x1] =	stream.indirect.gather [hbm4b:s2+s15], $0x80, s14, s15, $0xb8;
	[tilespmem:$0x19180] =	vst v63  }
0x73: {  	_ = 	snop  }
0x74: {  	[tilespmem:s17], [sflag:$0x4] =	stream.linear.gather [hbm4b:s0+s3], $0x80, $0x38;
	[tilespmem:$0x19180] =	vst v63  }
0x75: {  	s0 =	rddreg [dreg:$0x7]  }
.Ltmp5:
0x76: {  	(pc) =	sbr.rel .LBB2_42-.Ltmp5, $4  }
0x77: {  	_ = 	snop  }
0x78: {  	[dreg:$0xa] =	wrdreg s9  }
0x79: {  	s30 =	sadd.s32 $0x100, s11;
	s31 =	sadd.s32 $0x180, s11;
	s0 =	simm.s32 $0x0  }
0x7a: {  	s26 =	smov.u32 s4;
	s25 =	smov.u32 s11;
	s9 =	smov.u32 s22  }
.LBB2_55:
0x7b: {  	s7 =	smov.u32 s29  }
.LBB2_69:
0x7c: {  	s0 =	sadd.s32 $0x1, s0  }
0x7d: {  	p1 =	sne.s32 s0, s28  }
.Ltmp6:
0x7e: {  	_ = 	snop;
	(pc) =	sbr.rel @!p1 .LBB2_70-.Ltmp6, $2  }
0x7f: {  	_ =	sdelay $0x2  }
0x80: {  	s25 =	sadd.s32 $0x100, s25;
	s26 =	sadd.s32 $0x100, s26  }
.LBB2_42:
0x81: {  	_ =	swait.ge [sflag:s18], $0x80  }
0x82: {  	s8 =	sshll.u32 s0, $0x8;
	[sflag:s18] =	ssyncset.done $0x0  }
0x83: {  	s5 =	simm.s32 $0x5180;
	s2 =	rddreg [dreg:$0x5];
	[sflag:s18] =	ssyncadd.s32 $0xFFFFFF80  }
0x84: {  	[tilespmem:s5], [sflag:$0x2] =	stream.indirect.gather [hbm4b:s2+s15], $0x80, s17, s15, $0xb8;
	[tilespmem:$0x19180] =	vst v63  }
0x85: {  	s2 =	sadd.s32 s8, s30  }
0x86: {  	p1 =	slt.s32 s2, $0x31F80  }
0x87: {  	_ =	swait.ge [sflag:s13], $0x4000;
	s2 =	simm.s32 @!p1 $0x31F80  }
0x88: {  	[sflag:s13] =	ssyncset.done $0x0;
	s2 =	sshrl.u32 s2, $0x3  }
0x89: {  	[sflag:s13] =	ssyncadd.s32 $0xFFFFC000;
	s2 =	sadd.s32 s1, s2  }
0x8a: {  	[tilespmem:s14], [sflag:$0x3] =	stream.linear.gather [hbm4b:s2+s3], $0x80, $0x38;
	[tilespmem:$0x19180] =	vst v63  }
0x8b: {  	s2 =	sadd.s32 s11, s8  }
0x8c: {  	p1 =	slt.s32 s2, $0x31F80  }
0x8d: {  	s2 =	simm.s32 @!p1 $0x31F80  }
0x8e: {  	s10 =	sadd.s32 $0x80, s2  }
0x8f: {  	p1 =	slt.s32 s24, s10  }
0x90: {  	s10 =	smov.u32 @p1 s24  }
0x91: {  	p1 =	sge.s32 s7, s10  }
.Ltmp7:
0x92: {  	_ = 	snop;
	(pc) =	sbr.rel @p1 .LBB2_43-.Ltmp7, $1  }
0x93: {  	_ =	sdelay $0x3  }
0x94: {  	p1 =	slt.s32 s25, $0x31F80;
	s2 =	smov.u32 s25  }
.Ltmp8:
0x95: {  	s2 =	simm.s32 @!p1 $0x31F80;
	(pc) =	sbr.rel .LBB2_45-.Ltmp8, $4  }
0x96: {  	s5 =	sshll.u32 s2, $0x9  }
0x97: {  	s5 =	ssub.s32 $0x0, s5  }
0x98: {  	s5 =	sshra.s32 s5, $0x2  }
0x99: {  	s12 =	sadd.s32 $0x80, s2;
	s23 =	sadd.s32 $0x1280, s5  }
.LBB2_53:
0x9a: {  	s5 =	ssub.s32 s9, s22  }
0x9b: {  	s6 =	sshll.u32 s9, $0x7;
	s5 =	sshll.u32 s5, $0x8  }
0x9c: {  	s6 =	sand.u32 $0x380, s6;
	s5 =	sand.u32 $0xFFFFF800, s5  }
0x9d: {  	s5 =	sor.u32 s6, s5  }
0x9e: {  	[tilespmem:s5+$0x9180] =	vst.add.f32.msk $0xffff, v1  }
0x9f: {  	[tilespmem:s5+$0x9190] =	vst.add.f32.msk $0xffff, v3  }
0xa0: {  	[tilespmem:s5+$0x91A0] =	vst.add.f32.msk $0xffff, v5  }
0xa1: {  	[tilespmem:s5+$0x91B0] =	vst.add.f32.msk $0xffff, v7  }
0xa2: {  	[tilespmem:s5+$0x91C0] =	vst.add.f32.msk $0xffff, v9  }
0xa3: {  	[tilespmem:s5+$0x91D0] =	vst.add.f32.msk $0xffff, v11  }
0xa4: {  	[tilespmem:s5+$0x91E0] =	vst.add.f32.msk $0xffff, v13  }
0xa5: {  	[tilespmem:s5+$0x91F0] =	vst.add.f32.msk $0xffff, v15  }
0xa6: {  	[tilespmem:s5+$0x9580] =	vst.add.f32.msk $0xffff, v2  }
0xa7: {  	[tilespmem:s5+$0x9590] =	vst.add.f32.msk $0xffff, v4  }
0xa8: {  	[tilespmem:s5+$0x95A0] =	vst.add.f32.msk $0xffff, v6  }
.Ltmp9:
0xa9: {  	[tilespmem:s5+$0x95B0] =	vst.add.f32.msk $0xffff, v8;
	(pc) =	sbr.rel @!p1 .LBB2_54-.Ltmp9, $4  }
0xaa: {  	[tilespmem:s5+$0x95C0] =	vst.add.f32.msk $0xffff, v10  }
0xab: {  	[tilespmem:s5+$0x95D0] =	vst.add.f32.msk $0xffff, v12  }
0xac: {  	[tilespmem:s5+$0x95E0] =	vst.add.f32.msk $0xffff, v14  }
0xad: {  	s7 =	smov.u32 s29;
	[tilespmem:s5+$0x95F0] =	vst.add.f32.msk $0xffff, v16  }
.LBB2_45:
0xae: {  	v1 =	vld [tilespmem:s9+$0x1];
	_ =	sdelay $0x4  }
0xaf: {  	(v2sf) =	vpush v1, $0x0;
	_ =	sdelay $0xe  }
0xb0: {  	s19 =	spop (v2sf)  }
0xb1: {  	p1 =	sgt.s32 s19, s7  }
.Ltmp10:
0xb2: {  	_ = 	snop;
	(pc) =	sbr.rel @p1 .LBB2_48-.Ltmp10, $1  }
0xb3: {  	_ =	sdelay $0x3  }
0xb4: {  	s5 =	sshll.u32 s9, $0x2  }
0xb5: {  	s5 =	sshra.s32 s5, $0x2  }
0xb6: {  	s5 =	sadd.s32 $0x2, s5  }
.LBB2_47:
0xb7: {  	v1 =	vld [tilespmem:s5+$0x0];
	_ =	sdelay $0x4  }
0xb8: {  	(v2sf) =	vpush v1, $0x0;
	_ =	sdelay $0xe  }
0xb9: {  	s19 =	spop (v2sf)  }
0xba: {  	p1 =	sle.s32 s19, s7  }
.Ltmp11:
0xbb: {  	_ = 	snop;
	(pc) =	sbr.rel @p1 .LBB2_47-.Ltmp11, $2  }
0xbc: {  	_ =	sdelay $0x2  }
0xbd: {  	s9 =	sadd.s32 $0x1, s9;
	s5 =	sadd.s32 $0x1, s5  }
.LBB2_48:
0xbe: {  	p1 =	slt.s32 s19, s10;
	s29 =	smov.u32 s10  }
0xbf: {  	s29 =	smov.u32 @p1 s19  }
0xc0: {  	s16 =	ssub.s32 s29, s7  }
0xc1: {  	s5 =	sshra.s32 s16, $0x1F  }
0xc2: {  	s5 =	sshrl.u32 s5, $0x1E  }
0xc3: {  	s5 =	sadd.s32 s5, s16  }
0xc4: {  	s5 =	sand.u32 $0xFFFFFFFC, s5  }
0xc5: {  	p2 =	slt.s32 s5, $0x1  }
.Ltmp12:
0xc6: {  	_ = 	snop;
	(pc) =	sbr.rel @p2 .LBB2_49-.Ltmp12, $1  }
0xc7: {  	_ =	sdelay $0x3  }
0xc8: {  	s6 =	sshll.u32 s7, $0x9  }
0xc9: {  	s6 =	sshra.s32 s6, $0x2  }
0xca: {  	s6 =	sadd.s32 s6, s23  }
0xcb: {  	v1 =	vld [tilespmem:s6+$0xFFFFFF00]  }
0xcc: {  	v2 =	vld [tilespmem:s6+$0xFFFFFF10]  }
0xcd: {  	v3 =	vld [tilespmem:s6+$0xFFFFFF80]  }
0xce: {  	v4 =	vld [tilespmem:s6+$0xFFFFFF90]  }
0xcf: {  	v5 =	vld [tilespmem:s6+$0x0]  }
0xd0: {  	v13 =	vimm.f32 $0.0e+00;
	v7 =	vld [tilespmem:s6+$0x10]  }
0xd1: {  	v9 =	vld [tilespmem:s6+$0x80];
	v6 =	vshll.u32 v1, $0x10;
	v1 =	vadd.f32 v1, v13  }
0xd2: {  	v11 =	vld [tilespmem:s6+$0x90];
	v8 =	vshll.u32 v2, $0x10;
	v2 =	vadd.f32 v2, v13;
	v6 =	vadd.f32 v6, v13  }
0xd3: {  	v12 =	vld [tilespmem:s6+$0xFFFFFF20];
	v10 =	vshll.u32 v3, $0x10;
	v8 =	vadd.f32 v8, v13;
	v1 =	vadd.f32 v3, v1  }
0xd4: {  	v3 =	vshll.u32 v4, $0x10;
	v2 =	vadd.f32 v4, v2;
	v6 =	vadd.f32 v10, v6  }
0xd5: {  	v4 =	vshll.u32 v5, $0x10;
	v10 =	vld [tilespmem:s6+$0xFFFFFF30];
	v3 =	vadd.f32 v3, v8;
	v5 =	vadd.f32 v5, v1  }
0xd6: {  	v8 =	vld [tilespmem:s6+$0xFFFFFFA0];
	v1 =	vshll.u32 v7, $0x10;
	v7 =	vadd.f32 v7, v2;
	v4 =	vadd.f32 v4, v6  }
0xd7: {  	v6 =	vld [tilespmem:s6+$0xFFFFFFB0];
	v3 =	vadd.f32 v1, v3;
	v1 =	vshll.u32 v9, $0x10;
	v2 =	vadd.f32 v9, v5  }
0xd8: {  	v14 =	vld [tilespmem:s6+$0x20];
	v5 =	vshll.u32 v12, $0x10;
	v1 =	vadd.f32 v1, v4;
	v4 =	vshll.u32 v11, $0x10  }
0xd9: {  	v9 =	vld [tilespmem:s6+$0x30];
	v5 =	vadd.f32 v5, v13;
	v3 =	vadd.f32 v4, v3  }
0xda: {  	v4 =	vadd.f32 v11, v7;
	v7 =	vadd.f32 v12, v13;
	v11 =	vshll.u32 v10, $0x10;
	v12 =	vld [tilespmem:s6+$0xA0]  }
0xdb: {  	v16 =	vld [tilespmem:s6+$0xB0];
	v10 =	vadd.f32 v10, v13;
	v15 =	vshll.u32 v8, $0x10;
	v11 =	vadd.f32 v11, v13  }
0xdc: {  	v17 =	vld [tilespmem:s6+$0xFFFFFF40];
	v5 =	vadd.f32 v15, v5;
	v7 =	vadd.f32 v8, v7;
	v8 =	vshll.u32 v6, $0x10  }
0xdd: {  	v15 =	vld [tilespmem:s6+$0xFFFFFF50];
	v6 =	vadd.f32 v6, v10;
	v10 =	vshll.u32 v14, $0x10;
	v8 =	vadd.f32 v8, v11  }
0xde: {  	v11 =	vld [tilespmem:s6+$0xFFFFFFC0];
	v5 =	vadd.f32 v10, v5;
	v10 =	vshll.u32 v9, $0x10;
	v7 =	vadd.f32 v14, v7  }
0xdf: {  	v14 =	vld [tilespmem:s6+$0xFFFFFFD0];
	v9 =	vadd.f32 v9, v6;
	v8 =	vadd.f32 v10, v8;
	v6 =	vshll.u32 v12, $0x10  }
0xe0: {  	v10 =	vld [tilespmem:s6+$0x40];
	v5 =	vadd.f32 v6, v5;
	v6 =	vadd.f32 v12, v7;
	v7 =	vshll.u32 v16, $0x10  }
0xe1: {  	v19 =	vld [tilespmem:s6+$0x50];
	v12 =	vshll.u32 v17, $0x10;
	v7 =	vadd.f32 v7, v8;
	v8 =	vadd.f32 v16, v9  }
0xe2: {  	v22 =	vld [tilespmem:s6+$0xFFFFFF60];
	v9 =	vadd.f32 v12, v13;
	v12 =	vadd.f32 v17, v13;
	v16 =	vshll.u32 v15, $0x10  }
0xe3: {  	v20 =	vld [tilespmem:s6+$0xC0];
	v15 =	vadd.f32 v15, v13;
	v16 =	vadd.f32 v16, v13;
	v17 =	vshll.u32 v11, $0x10  }
0xe4: {  	v21 =	vld [tilespmem:s6+$0xD0];
	v9 =	vadd.f32 v17, v9;
	v11 =	vadd.f32 v11, v12  }
0xe5: {  	v12 =	vshll.u32 v14, $0x10;
	v14 =	vadd.f32 v14, v15;
	v15 =	vshll.u32 v10, $0x10  }
0xe6: {  	v23 =	vld [tilespmem:s6+$0xFFFFFF70];
	v12 =	vadd.f32 v12, v16;
	v9 =	vadd.f32 v15, v9  }
0xe7: {  	p2 =	sgt.s32 s5, $0x4;
	v17 =	vld [tilespmem:s6+$0xFFFFFFE0];
	v10 =	vadd.f32 v10, v11;
	v11 =	vshll.u32 v19, $0x10;
	v15 =	vshll.u32 v22, $0x10  }
.Ltmp13:
0xe8: {  	v18 =	vld [tilespmem:s6+$0xFFFFFFF0];
	v11 =	vadd.f32 v11, v12;
	v12 =	vadd.f32 v19, v14;
	v14 =	vshll.u32 v20, $0x10;
	(pc) =	sbr.rel @!p2 .LBB2_58-.Ltmp13, $4  }
0xe9: {  	v22 =	vadd.f32 v22, v13;
	v19 =	vld [tilespmem:s6+$0x60];
	v9 =	vadd.f32 v14, v9;
	v14 =	vshll.u32 v21, $0x10  }
0xea: {  	v10 =	vadd.f32 v20, v10;
	v20 =	vld [tilespmem:s6+$0x70];
	v11 =	vadd.f32 v14, v11  }
0xeb: {  	v12 =	vadd.f32 v21, v12;
	v21 =	vadd.f32 v15, v13;
	v15 =	vshll.u32 v23, $0x10;
	v14 =	vld [tilespmem:s6+$0xE0]  }
0xec: {  	s7 =	simm.s32 $0x4;
	v16 =	vld [tilespmem:s6+$0xF0];
	s6 =	sadd.s32 $0x200, s6;
	v15 =	vadd.f32 v15, v13;
	v13 =	vadd.f32 v23, v13;
	v23 =	vshll.u32 v17, $0x10  }
.LBB2_57:
0xed: {  	v24 =	vld [tilespmem:s6+$0xFFFFFF00];
	v21 =	vadd.f32 v23, v21;
	v17 =	vadd.f32 v17, v22;
	v22 =	vshll.u32 v18, $0x10  }
0xee: {  	v23 =	vld [tilespmem:s6+$0xFFFFFF10];
	v15 =	vadd.f32 v22, v15;
	v13 =	vadd.f32 v18, v13;
	v18 =	vshll.u32 v19, $0x10  }
0xef: {  	v22 =	vld [tilespmem:s6+$0xFFFFFF80];
	v18 =	vadd.f32 v18, v21;
	v17 =	vadd.f32 v19, v17;
	v19 =	vshll.u32 v20, $0x10  }
0xf0: {  	v21 =	vld [tilespmem:s6+$0xFFFFFF90];
	v15 =	vadd.f32 v19, v15;
	v19 =	vadd.f32 v20, v13;
	v13 =	vshll.u32 v14, $0x10  }
0xf1: {  	v20 =	vld [tilespmem:s6+$0x0];
	v13 =	vadd.f32 v13, v18;
	v14 =	vadd.f32 v14, v17;
	v17 =	vshll.u32 v16, $0x10  }
0xf2: {  	v18 =	vshll.u32 v24, $0x10;
	v25 =	vld [tilespmem:s6+$0x10];
	v15 =	vadd.f32 v17, v15;
	v16 =	vadd.f32 v16, v19  }
0xf3: {  	v2 =	vadd.f32 v24, v2;
	v1 =	vadd.f32 v18, v1;
	v17 =	vshll.u32 v23, $0x10;
	v18 =	vld [tilespmem:s6+$0x80]  }
0xf4: {  	v4 =	vadd.f32 v23, v4;
	v3 =	vadd.f32 v17, v3;
	v17 =	vshll.u32 v22, $0x10;
	v19 =	vld [tilespmem:s6+$0x90]  }
0xf5: {  	v2 =	vadd.f32 v22, v2;
	v23 =	vld [tilespmem:s6+$0xFFFFFF20];
	v1 =	vadd.f32 v17, v1;
	v17 =	vshll.u32 v21, $0x10  }
0xf6: {  	v4 =	vadd.f32 v21, v4;
	v22 =	vld [tilespmem:s6+$0xFFFFFF30];
	v3 =	vadd.f32 v17, v3;
	v17 =	vshll.u32 v20, $0x10  }
0xf7: {  	v2 =	vadd.f32 v20, v2;
	v21 =	vld [tilespmem:s6+$0xFFFFFFA0];
	v1 =	vadd.f32 v17, v1;
	v17 =	vshll.u32 v25, $0x10  }
0xf8: {  	v4 =	vadd.f32 v25, v4;
	v20 =	vld [tilespmem:s6+$0xFFFFFFB0];
	v3 =	vadd.f32 v17, v3;
	v17 =	vshll.u32 v18, $0x10  }
0xf9: {  	v2 =	vadd.f32 v18, v2;
	v24 =	vld [tilespmem:s6+$0x20];
	v1 =	vadd.f32 v17, v1;
	v17 =	vshll.u32 v19, $0x10  }
0xfa: {  	v4 =	vadd.f32 v19, v4;
	v18 =	vshll.u32 v23, $0x10;
	v25 =	vld [tilespmem:s6+$0x30];
	v3 =	vadd.f32 v17, v3  }
0xfb: {  	v6 =	vadd.f32 v23, v6;
	v5 =	vadd.f32 v18, v5;
	v17 =	vshll.u32 v22, $0x10;
	v18 =	vld [tilespmem:s6+$0xA0]  }
0xfc: {  	v8 =	vadd.f32 v22, v8;
	v7 =	vadd.f32 v17, v7;
	v17 =	vshll.u32 v21, $0x10;
	v19 =	vld [tilespmem:s6+$0xB0]  }
0xfd: {  	v6 =	vadd.f32 v21, v6;
	v22 =	vld [tilespmem:s6+$0xFFFFFF40];
	v5 =	vadd.f32 v17, v5;
	v17 =	vshll.u32 v20, $0x10  }
0xfe: {  	v8 =	vadd.f32 v20, v8;
	v21 =	vld [tilespmem:s6+$0xFFFFFF50];
	v7 =	vadd.f32 v17, v7;
	v17 =	vshll.u32 v24, $0x10  }
0xff: {  	v6 =	vadd.f32 v24, v6;
	v20 =	vld [tilespmem:s6+$0xFFFFFFC0];
	v5 =	vadd.f32 v17, v5;
	v17 =	vshll.u32 v25, $0x10  }
0x100: {  	v8 =	vadd.f32 v25, v8;
	v23 =	vld [tilespmem:s6+$0xFFFFFFD0];
	v7 =	vadd.f32 v17, v7;
	v17 =	vshll.u32 v18, $0x10  }
0x101: {  	v6 =	vadd.f32 v18, v6;
	v24 =	vld [tilespmem:s6+$0x40];
	v5 =	vadd.f32 v17, v5;
	v17 =	vshll.u32 v19, $0x10  }
0x102: {  	v8 =	vadd.f32 v19, v8;
	v18 =	vshll.u32 v22, $0x10;
	v25 =	vld [tilespmem:s6+$0x50];
	v7 =	vadd.f32 v17, v7  }
0x103: {  	v10 =	vadd.f32 v22, v10;
	v9 =	vadd.f32 v18, v9;
	v17 =	vshll.u32 v21, $0x10;
	v22 =	vld [tilespmem:s6+$0xC0]  }
0x104: {  	v12 =	vadd.f32 v21, v12;
	v11 =	vadd.f32 v17, v11;
	v17 =	vshll.u32 v20, $0x10;
	v21 =	vld [tilespmem:s6+$0xD0]  }
0x105: {  	v10 =	vadd.f32 v20, v10;
	v26 =	vld [tilespmem:s6+$0xFFFFFF60];
	v9 =	vadd.f32 v17, v9;
	v17 =	vshll.u32 v23, $0x10  }
0x106: {  	s7 =	sadd.s32 $0x4, s7;
	v12 =	vadd.f32 v23, v12;
	v27 =	vld [tilespmem:s6+$0xFFFFFF70];
	v11 =	vadd.f32 v17, v11;
	v18 =	vshll.u32 v24, $0x10  }
0x107: {  	p2 =	slt.s32 s7, s5;
	v10 =	vadd.f32 v24, v10;
	v17 =	vld [tilespmem:s6+$0xFFFFFFE0];
	v9 =	vadd.f32 v18, v9;
	v19 =	vshll.u32 v25, $0x10  }
.Ltmp14:
0x108: {  	v12 =	vadd.f32 v25, v12;
	v18 =	vld [tilespmem:s6+$0xFFFFFFF0];
	v11 =	vadd.f32 v19, v11;
	v20 =	vshll.u32 v22, $0x10;
	(pc) =	sbr.rel @p2 .LBB2_57-.Ltmp14, $4  }
0x109: {  	v10 =	vadd.f32 v22, v10;
	v19 =	vld [tilespmem:s6+$0x60];
	v9 =	vadd.f32 v20, v9;
	v22 =	vshll.u32 v21, $0x10  }
0x10a: {  	v12 =	vadd.f32 v21, v12;
	v23 =	vshll.u32 v26, $0x10;
	v20 =	vld [tilespmem:s6+$0x70];
	v11 =	vadd.f32 v22, v11  }
0x10b: {  	v22 =	vadd.f32 v26, v14;
	v21 =	vadd.f32 v23, v13;
	v13 =	vshll.u32 v27, $0x10;
	v14 =	vld [tilespmem:s6+$0xE0]  }
0x10c: {  	v15 =	vadd.f32 v13, v15;
	v13 =	vadd.f32 v27, v16;
	v23 =	vshll.u32 v17, $0x10;
	v16 =	vld [tilespmem:s6+$0xF0];
	s6 =	sadd.s32 $0x200, s6  }
.LBB2_58:
0x10d: {  	v21 =	vadd.f32 v23, v21;
	v17 =	vadd.f32 v17, v22;
	v63 =	vshll.u32 v18, $0x10  }
.Ltmp15:
0x10e: {  	v15 =	vadd.f32 v63, v15;
	v13 =	vadd.f32 v18, v13;
	v18 =	vshll.u32 v19, $0x10;
	(pc) =	sbr.rel .LBB2_50-.Ltmp15, $4  }
0x10f: {  	v18 =	vadd.f32 v18, v21;
	v17 =	vadd.f32 v19, v17;
	v19 =	vshll.u32 v20, $0x10  }
0x110: {  	v15 =	vadd.f32 v19, v15;
	v19 =	vadd.f32 v20, v13;
	v13 =	vshll.u32 v14, $0x10  }
0x111: {  	v13 =	vadd.f32 v13, v18;
	v14 =	vadd.f32 v14, v17;
	v17 =	vshll.u32 v16, $0x10  }
0x112: {  	v15 =	vadd.f32 v17, v15;
	v16 =	vadd.f32 v16, v19  }
.LBB2_49:
0x113: {  	v1 =	vimm.f32 $0.0e+00  }
0x114: {  	v3 =	vimm.f32 $0.0e+00;
	v5 =	vimm.f32 $0.0e+00;
	v7 =	vimm.f32 $0.0e+00  }
0x115: {  	v9 =	vimm.f32 $0.0e+00;
	v11 =	vimm.f32 $0.0e+00;
	v13 =	vimm.f32 $0.0e+00  }
0x116: {  	v15 =	vimm.f32 $0.0e+00;
	v2 =	vimm.f32 $0.0e+00;
	v4 =	vimm.f32 $0.0e+00  }
0x117: {  	v6 =	vimm.f32 $0.0e+00;
	v8 =	vimm.f32 $0.0e+00;
	v10 =	vimm.f32 $0.0e+00  }
0x118: {  	v12 =	vimm.f32 $0.0e+00;
	v14 =	vimm.f32 $0.0e+00;
	v16 =	vimm.f32 $0.0e+00  }
.LBB2_50:
0x119: {  	p2 =	sge.s32 s5, s16  }
.Ltmp16:
0x11a: {  	_ = 	snop;
	(pc) =	sbr.rel @p2 .LBB2_53-.Ltmp16, $1  }
0x11b: {  	_ =	sdelay $0x3  }
0x11c: {  	p2 =	slt.s32 s24, s19  }
0x11d: {  	s19 =	smov.u32 @p2 s24  }
0x11e: {  	s5 =	ssub.s32 s16, s5;
	s6 =	smov.u32 s12;
	p2 =	slt.s32 s19, s12  }
0x11f: {  	s7 =	sadd.s32 s5, s2;
	s6 =	smov.u32 @p2 s19  }
0x120: {  	s7 =	sshll.u32 s7, $0x9;
	s6 =	sshll.u32 s6, $0x9  }
0x121: {  	s6 =	ssub.s32 s6, s7  }
0x122: {  	s6 =	sshra.s32 s6, $0x2  }
0x123: {  	s6 =	sadd.s32 $0x11C0, s6  }
.LBB2_52:
0x124: {  	v17 =	vld [tilespmem:s6+$0xFFFFFFC0]  }
0x125: {  	v18 =	vld [tilespmem:s6+$0xFFFFFFD0]  }
0x126: {  	v19 =	vld [tilespmem:s6+$0xFFFFFFE0]  }
0x127: {  	v20 =	vld [tilespmem:s6+$0xFFFFFFF0]  }
0x128: {  	v21 =	vld [tilespmem:s6+$0x0]  }
0x129: {  	v23 =	vld [tilespmem:s6+$0x10];
	v22 =	vshll.u32 v17, $0x10  }
0x12a: {  	v63 =	vld [tilespmem:s6+$0x20];
	v2 =	vadd.f32 v17, v2;
	v17 =	vshll.u32 v18, $0x10;
	v4 =	vadd.f32 v18, v4  }
0x12b: {  	v18 =	vld [tilespmem:s6+$0x30];
	v6 =	vadd.f32 v19, v6;
	v3 =	vadd.f32 v17, v3;
	v17 =	vshll.u32 v19, $0x10  }
0x12c: {  	p2 =	sne.s32 s5, $0x1;
	v8 =	vadd.f32 v20, v8;
	v5 =	vadd.f32 v17, v5;
	v17 =	vshll.u32 v20, $0x10  }
.Ltmp17:
0x12d: {  	v10 =	vadd.f32 v21, v10;
	v7 =	vadd.f32 v17, v7;
	v17 =	vshll.u32 v21, $0x10;
	(pc) =	sbr.rel @p2 .LBB2_52-.Ltmp17, $4  }
0x12e: {  	v12 =	vadd.f32 v23, v12;
	v9 =	vadd.f32 v17, v9;
	v17 =	vshll.u32 v23, $0x10  }
0x12f: {  	v14 =	vadd.f32 v63, v14;
	v11 =	vadd.f32 v17, v11;
	v17 =	vshll.u32 v63, $0x10  }
0x130: {  	v1 =	vadd.f32 v22, v1;
	v13 =	vadd.f32 v17, v13;
	v17 =	vshll.u32 v18, $0x10  }
0x131: {  	s5 =	sadd.s32 $0xFFFFFFFF, s5;
	s6 =	sadd.s32 $0x80, s6;
	v16 =	vadd.f32 v18, v16;
	v15 =	vadd.f32 v17, v15  }
.Ltmp18:
0x132: {  	_ = 	snop;
	(pc) =	sbr.rel .LBB2_53-.Ltmp18, $1  }
0x133: {  	_ =	sdelay $0x3  }
.LBB2_43:
0x134: {  	s29 =	smov.u32 s7  }
.LBB2_54:
0x135: {  	_ =	swait.ge [sflag:s20], $0x80  }
0x136: {  	[sflag:s20] =	ssyncset.done $0x0  }
0x137: {  	s5 =	simm.s32 $0x1180;
	s2 =	rddreg [dreg:$0x5];
	[sflag:s20] =	ssyncadd.s32 $0xFFFFFF80  }
0x138: {  	[tilespmem:s5], [sflag:$0x1] =	stream.indirect.gather [hbm4b:s2+s15], $0x80, s14, s15, $0xb8;
	[tilespmem:$0x19180] =	vst v63  }
0x139: {  	s2 =	sadd.s32 s8, s31  }
0x13a: {  	s5 =	sadd.s32 s8, s4;
	p1 =	slt.s32 s2, $0x31F80  }
0x13b: {  	s2 =	simm.s32 @!p1 $0x31F80;
	p1 =	slt.s32 s5, $0x31F80  }
0x13c: {  	s5 =	simm.s32 @!p1 $0x31F80  }
0x13d: {  	s8 =	sadd.s32 $0x80, s5  }
0x13e: {  	p1 =	slt.s32 s24, s8  }
0x13f: {  	s8 =	smov.u32 @p1 s24  }
0x140: {  	p1 =	sge.s32 s29, s8  }
.Ltmp19:
0x141: {  	_ = 	snop;
	(pc) =	sbr.rel @p1 .LBB2_55-.Ltmp19, $4  }
0x142: {  	_ =	swait.ge [sflag:s21], $0x4000  }
0x143: {  	[sflag:s21] =	ssyncset.done $0x0;
	s2 =	sshrl.u32 s2, $0x3  }
0x144: {  	[sflag:s21] =	ssyncadd.s32 $0xFFFFC000;
	s2 =	sadd.s32 s1, s2  }
0x145: {  	[tilespmem:s17], [sflag:$0x4] =	stream.linear.gather [hbm4b:s2+s3], $0x80, $0x38;
	[tilespmem:$0x19180] =	vst v63  }
0x146: {  	p1 =	slt.s32 s26, $0x31F80;
	s2 =	smov.u32 s26  }
.Ltmp20:
0x147: {  	s2 =	simm.s32 @!p1 $0x31F80;
	(pc) =	sbr.rel .LBB2_60-.Ltmp20, $4  }
0x148: {  	s5 =	sshll.u32 s2, $0x9  }
0x149: {  	s5 =	ssub.s32 $0x0, s5  }
0x14a: {  	s5 =	sshra.s32 s5, $0x2  }
0x14b: {  	s10 =	sadd.s32 $0x80, s2;
	s12 =	sadd.s32 $0x5280, s5  }
.LBB2_68:
0x14c: {  	s5 =	ssub.s32 s9, s22  }
0x14d: {  	s6 =	sshll.u32 s9, $0x7;
	s5 =	sshll.u32 s5, $0x8  }
0x14e: {  	s6 =	sand.u32 $0x380, s6;
	s5 =	sand.u32 $0xFFFFF800, s5  }
0x14f: {  	s5 =	sor.u32 s6, s5  }
0x150: {  	[tilespmem:s5+$0x9180] =	vst.add.f32.msk $0xffff, v1  }
0x151: {  	[tilespmem:s5+$0x9190] =	vst.add.f32.msk $0xffff, v3  }
0x152: {  	[tilespmem:s5+$0x91A0] =	vst.add.f32.msk $0xffff, v5  }
0x153: {  	[tilespmem:s5+$0x91B0] =	vst.add.f32.msk $0xffff, v7  }
0x154: {  	[tilespmem:s5+$0x91C0] =	vst.add.f32.msk $0xffff, v9  }
0x155: {  	[tilespmem:s5+$0x91D0] =	vst.add.f32.msk $0xffff, v11  }
0x156: {  	[tilespmem:s5+$0x91E0] =	vst.add.f32.msk $0xffff, v13  }
0x157: {  	[tilespmem:s5+$0x91F0] =	vst.add.f32.msk $0xffff, v15  }
0x158: {  	[tilespmem:s5+$0x9580] =	vst.add.f32.msk $0xffff, v2  }
0x159: {  	[tilespmem:s5+$0x9590] =	vst.add.f32.msk $0xffff, v4  }
0x15a: {  	[tilespmem:s5+$0x95A0] =	vst.add.f32.msk $0xffff, v6  }
.Ltmp21:
0x15b: {  	[tilespmem:s5+$0x95B0] =	vst.add.f32.msk $0xffff, v8;
	(pc) =	sbr.rel @!p1 .LBB2_69-.Ltmp21, $4  }
0x15c: {  	[tilespmem:s5+$0x95C0] =	vst.add.f32.msk $0xffff, v10  }
0x15d: {  	[tilespmem:s5+$0x95D0] =	vst.add.f32.msk $0xffff, v12  }
0x15e: {  	[tilespmem:s5+$0x95E0] =	vst.add.f32.msk $0xffff, v14  }
0x15f: {  	s29 =	smov.u32 s7;
	[tilespmem:s5+$0x95F0] =	vst.add.f32.msk $0xffff, v16  }
.LBB2_60:
0x160: {  	v1 =	vld [tilespmem:s9+$0x1];
	_ =	sdelay $0x4  }
0x161: {  	(v2sf) =	vpush v1, $0x0;
	_ =	sdelay $0xe  }
0x162: {  	s19 =	spop (v2sf)  }
0x163: {  	p1 =	sgt.s32 s19, s29  }
.Ltmp22:
0x164: {  	_ = 	snop;
	(pc) =	sbr.rel @p1 .LBB2_63-.Ltmp22, $1  }
0x165: {  	_ =	sdelay $0x3  }
0x166: {  	s5 =	sshll.u32 s9, $0x2  }
0x167: {  	s5 =	sshra.s32 s5, $0x2  }
0x168: {  	s5 =	sadd.s32 $0x2, s5  }
.LBB2_62:
0x169: {  	v1 =	vld [tilespmem:s5+$0x0];
	_ =	sdelay $0x4  }
0x16a: {  	(v2sf) =	vpush v1, $0x0;
	_ =	sdelay $0xe  }
0x16b: {  	s19 =	spop (v2sf)  }
0x16c: {  	p1 =	sle.s32 s19, s29  }
.Ltmp23:
0x16d: {  	_ = 	snop;
	(pc) =	sbr.rel @p1 .LBB2_62-.Ltmp23, $2  }
0x16e: {  	_ =	sdelay $0x2  }
0x16f: {  	s9 =	sadd.s32 $0x1, s9;
	s5 =	sadd.s32 $0x1, s5  }
.LBB2_63:
0x170: {  	p1 =	slt.s32 s19, s8;
	s7 =	smov.u32 s8  }
0x171: {  	s7 =	smov.u32 @p1 s19  }
0x172: {  	s16 =	ssub.s32 s7, s29  }
0x173: {  	s5 =	sshra.s32 s16, $0x1F  }
0x174: {  	s5 =	sshrl.u32 s5, $0x1E  }
0x175: {  	s5 =	sadd.s32 s5, s16  }
0x176: {  	s5 =	sand.u32 $0xFFFFFFFC, s5  }
0x177: {  	p2 =	slt.s32 s5, $0x1  }
.Ltmp24:
0x178: {  	_ = 	snop;
	(pc) =	sbr.rel @p2 .LBB2_64-.Ltmp24, $1  }
0x179: {  	_ =	sdelay $0x3  }
0x17a: {  	s6 =	sshll.u32 s29, $0x9  }
0x17b: {  	s6 =	sshra.s32 s6, $0x2  }
0x17c: {  	s6 =	sadd.s32 s6, s12  }
0x17d: {  	v1 =	vld [tilespmem:s6+$0xFFFFFF00]  }
0x17e: {  	v2 =	vld [tilespmem:s6+$0xFFFFFF10]  }
0x17f: {  	v3 =	vld [tilespmem:s6+$0xFFFFFF80]  }
0x180: {  	v4 =	vld [tilespmem:s6+$0xFFFFFF90]  }
0x181: {  	v5 =	vld [tilespmem:s6+$0x0]  }
0x182: {  	v13 =	vimm.f32 $0.0e+00;
	v7 =	vld [tilespmem:s6+$0x10]  }
0x183: {  	v9 =	vld [tilespmem:s6+$0x80];
	v6 =	vshll.u32 v1, $0x10;
	v1 =	vadd.f32 v1, v13  }
0x184: {  	v11 =	vld [tilespmem:s6+$0x90];
	v8 =	vshll.u32 v2, $0x10;
	v2 =	vadd.f32 v2, v13;
	v6 =	vadd.f32 v6, v13  }
0x185: {  	v12 =	vld [tilespmem:s6+$0xFFFFFF20];
	v10 =	vshll.u32 v3, $0x10;
	v8 =	vadd.f32 v8, v13;
	v1 =	vadd.f32 v3, v1  }
0x186: {  	v3 =	vshll.u32 v4, $0x10;
	v2 =	vadd.f32 v4, v2;
	v6 =	vadd.f32 v10, v6  }
0x187: {  	v4 =	vshll.u32 v5, $0x10;
	v10 =	vld [tilespmem:s6+$0xFFFFFF30];
	v3 =	vadd.f32 v3, v8;
	v5 =	vadd.f32 v5, v1  }
0x188: {  	v8 =	vld [tilespmem:s6+$0xFFFFFFA0];
	v1 =	vshll.u32 v7, $0x10;
	v7 =	vadd.f32 v7, v2;
	v4 =	vadd.f32 v4, v6  }
0x189: {  	v6 =	vld [tilespmem:s6+$0xFFFFFFB0];
	v3 =	vadd.f32 v1, v3;
	v1 =	vshll.u32 v9, $0x10;
	v2 =	vadd.f32 v9, v5  }
0x18a: {  	v14 =	vld [tilespmem:s6+$0x20];
	v5 =	vshll.u32 v12, $0x10;
	v1 =	vadd.f32 v1, v4;
	v4 =	vshll.u32 v11, $0x10  }
0x18b: {  	v9 =	vld [tilespmem:s6+$0x30];
	v5 =	vadd.f32 v5, v13;
	v3 =	vadd.f32 v4, v3  }
0x18c: {  	v4 =	vadd.f32 v11, v7;
	v7 =	vadd.f32 v12, v13;
	v11 =	vshll.u32 v10, $0x10;
	v12 =	vld [tilespmem:s6+$0xA0]  }
0x18d: {  	v16 =	vld [tilespmem:s6+$0xB0];
	v10 =	vadd.f32 v10, v13;
	v15 =	vshll.u32 v8, $0x10;
	v11 =	vadd.f32 v11, v13  }
0x18e: {  	v17 =	vld [tilespmem:s6+$0xFFFFFF40];
	v5 =	vadd.f32 v15, v5;
	v7 =	vadd.f32 v8, v7;
	v8 =	vshll.u32 v6, $0x10  }
0x18f: {  	v15 =	vld [tilespmem:s6+$0xFFFFFF50];
	v6 =	vadd.f32 v6, v10;
	v10 =	vshll.u32 v14, $0x10;
	v8 =	vadd.f32 v8, v11  }
0x190: {  	v11 =	vld [tilespmem:s6+$0xFFFFFFC0];
	v5 =	vadd.f32 v10, v5;
	v10 =	vshll.u32 v9, $0x10;
	v7 =	vadd.f32 v14, v7  }
0x191: {  	v14 =	vld [tilespmem:s6+$0xFFFFFFD0];
	v9 =	vadd.f32 v9, v6;
	v8 =	vadd.f32 v10, v8;
	v6 =	vshll.u32 v12, $0x10  }
0x192: {  	v10 =	vld [tilespmem:s6+$0x40];
	v5 =	vadd.f32 v6, v5;
	v6 =	vadd.f32 v12, v7;
	v7 =	vshll.u32 v16, $0x10  }
0x193: {  	v19 =	vld [tilespmem:s6+$0x50];
	v12 =	vshll.u32 v17, $0x10;
	v7 =	vadd.f32 v7, v8;
	v8 =	vadd.f32 v16, v9  }
0x194: {  	v22 =	vld [tilespmem:s6+$0xFFFFFF60];
	v9 =	vadd.f32 v12, v13;
	v12 =	vadd.f32 v17, v13;
	v16 =	vshll.u32 v15, $0x10  }
0x195: {  	v20 =	vld [tilespmem:s6+$0xC0];
	v15 =	vadd.f32 v15, v13;
	v16 =	vadd.f32 v16, v13;
	v17 =	vshll.u32 v11, $0x10  }
0x196: {  	v21 =	vld [tilespmem:s6+$0xD0];
	v9 =	vadd.f32 v17, v9;
	v11 =	vadd.f32 v11, v12  }
0x197: {  	v12 =	vshll.u32 v14, $0x10;
	v14 =	vadd.f32 v14, v15;
	v15 =	vshll.u32 v10, $0x10  }
0x198: {  	v23 =	vld [tilespmem:s6+$0xFFFFFF70];
	v12 =	vadd.f32 v12, v16;
	v9 =	vadd.f32 v15, v9  }
0x199: {  	p2 =	sgt.s32 s5, $0x4;
	v17 =	vld [tilespmem:s6+$0xFFFFFFE0];
	v10 =	vadd.f32 v10, v11;
	v11 =	vshll.u32 v19, $0x10;
	v15 =	vshll.u32 v22, $0x10  }
.Ltmp25:
0x19a: {  	v18 =	vld [tilespmem:s6+$0xFFFFFFF0];
	v11 =	vadd.f32 v11, v12;
	v12 =	vadd.f32 v19, v14;
	v14 =	vshll.u32 v20, $0x10;
	(pc) =	sbr.rel @!p2 .LBB2_73-.Ltmp25, $4  }
0x19b: {  	v22 =	vadd.f32 v22, v13;
	v19 =	vld [tilespmem:s6+$0x60];
	v9 =	vadd.f32 v14, v9;
	v14 =	vshll.u32 v21, $0x10  }
0x19c: {  	v10 =	vadd.f32 v20, v10;
	v20 =	vld [tilespmem:s6+$0x70];
	v11 =	vadd.f32 v14, v11  }
0x19d: {  	v12 =	vadd.f32 v21, v12;
	v21 =	vadd.f32 v15, v13;
	v15 =	vshll.u32 v23, $0x10;
	v14 =	vld [tilespmem:s6+$0xE0]  }
0x19e: {  	s23 =	simm.s32 $0x4;
	v16 =	vld [tilespmem:s6+$0xF0];
	s6 =	sadd.s32 $0x200, s6;
	v15 =	vadd.f32 v15, v13;
	v13 =	vadd.f32 v23, v13;
	v23 =	vshll.u32 v17, $0x10  }
.LBB2_72:
0x19f: {  	v24 =	vld [tilespmem:s6+$0xFFFFFF00];
	v21 =	vadd.f32 v23, v21;
	v17 =	vadd.f32 v17, v22;
	v22 =	vshll.u32 v18, $0x10  }
0x1a0: {  	v23 =	vld [tilespmem:s6+$0xFFFFFF10];
	v15 =	vadd.f32 v22, v15;
	v13 =	vadd.f32 v18, v13;
	v18 =	vshll.u32 v19, $0x10  }
0x1a1: {  	v22 =	vld [tilespmem:s6+$0xFFFFFF80];
	v18 =	vadd.f32 v18, v21;
	v17 =	vadd.f32 v19, v17;
	v19 =	vshll.u32 v20, $0x10  }
0x1a2: {  	v21 =	vld [tilespmem:s6+$0xFFFFFF90];
	v15 =	vadd.f32 v19, v15;
	v19 =	vadd.f32 v20, v13;
	v13 =	vshll.u32 v14, $0x10  }
0x1a3: {  	v20 =	vld [tilespmem:s6+$0x0];
	v13 =	vadd.f32 v13, v18;
	v14 =	vadd.f32 v14, v17;
	v17 =	vshll.u32 v16, $0x10  }
0x1a4: {  	v18 =	vshll.u32 v24, $0x10;
	v25 =	vld [tilespmem:s6+$0x10];
	v15 =	vadd.f32 v17, v15;
	v16 =	vadd.f32 v16, v19  }
0x1a5: {  	v2 =	vadd.f32 v24, v2;
	v1 =	vadd.f32 v18, v1;
	v17 =	vshll.u32 v23, $0x10;
	v18 =	vld [tilespmem:s6+$0x80]  }
0x1a6: {  	v4 =	vadd.f32 v23, v4;
	v3 =	vadd.f32 v17, v3;
	v17 =	vshll.u32 v22, $0x10;
	v19 =	vld [tilespmem:s6+$0x90]  }
0x1a7: {  	v2 =	vadd.f32 v22, v2;
	v23 =	vld [tilespmem:s6+$0xFFFFFF20];
	v1 =	vadd.f32 v17, v1;
	v17 =	vshll.u32 v21, $0x10  }
0x1a8: {  	v4 =	vadd.f32 v21, v4;
	v22 =	vld [tilespmem:s6+$0xFFFFFF30];
	v3 =	vadd.f32 v17, v3;
	v17 =	vshll.u32 v20, $0x10  }
0x1a9: {  	v2 =	vadd.f32 v20, v2;
	v21 =	vld [tilespmem:s6+$0xFFFFFFA0];
	v1 =	vadd.f32 v17, v1;
	v17 =	vshll.u32 v25, $0x10  }
0x1aa: {  	v4 =	vadd.f32 v25, v4;
	v20 =	vld [tilespmem:s6+$0xFFFFFFB0];
	v3 =	vadd.f32 v17, v3;
	v17 =	vshll.u32 v18, $0x10  }
0x1ab: {  	v2 =	vadd.f32 v18, v2;
	v24 =	vld [tilespmem:s6+$0x20];
	v1 =	vadd.f32 v17, v1;
	v17 =	vshll.u32 v19, $0x10  }
0x1ac: {  	v4 =	vadd.f32 v19, v4;
	v18 =	vshll.u32 v23, $0x10;
	v25 =	vld [tilespmem:s6+$0x30];
	v3 =	vadd.f32 v17, v3  }
0x1ad: {  	v6 =	vadd.f32 v23, v6;
	v5 =	vadd.f32 v18, v5;
	v17 =	vshll.u32 v22, $0x10;
	v18 =	vld [tilespmem:s6+$0xA0]  }
0x1ae: {  	v8 =	vadd.f32 v22, v8;
	v7 =	vadd.f32 v17, v7;
	v17 =	vshll.u32 v21, $0x10;
	v19 =	vld [tilespmem:s6+$0xB0]  }
0x1af: {  	v6 =	vadd.f32 v21, v6;
	v22 =	vld [tilespmem:s6+$0xFFFFFF40];
	v5 =	vadd.f32 v17, v5;
	v17 =	vshll.u32 v20, $0x10  }
0x1b0: {  	v8 =	vadd.f32 v20, v8;
	v21 =	vld [tilespmem:s6+$0xFFFFFF50];
	v7 =	vadd.f32 v17, v7;
	v17 =	vshll.u32 v24, $0x10  }
0x1b1: {  	v6 =	vadd.f32 v24, v6;
	v20 =	vld [tilespmem:s6+$0xFFFFFFC0];
	v5 =	vadd.f32 v17, v5;
	v17 =	vshll.u32 v25, $0x10  }
0x1b2: {  	v8 =	vadd.f32 v25, v8;
	v23 =	vld [tilespmem:s6+$0xFFFFFFD0];
	v7 =	vadd.f32 v17, v7;
	v17 =	vshll.u32 v18, $0x10  }
0x1b3: {  	v6 =	vadd.f32 v18, v6;
	v24 =	vld [tilespmem:s6+$0x40];
	v5 =	vadd.f32 v17, v5;
	v17 =	vshll.u32 v19, $0x10  }
0x1b4: {  	v8 =	vadd.f32 v19, v8;
	v18 =	vshll.u32 v22, $0x10;
	v25 =	vld [tilespmem:s6+$0x50];
	v7 =	vadd.f32 v17, v7  }
0x1b5: {  	v10 =	vadd.f32 v22, v10;
	v9 =	vadd.f32 v18, v9;
	v17 =	vshll.u32 v21, $0x10;
	v22 =	vld [tilespmem:s6+$0xC0]  }
0x1b6: {  	v12 =	vadd.f32 v21, v12;
	v11 =	vadd.f32 v17, v11;
	v17 =	vshll.u32 v20, $0x10;
	v21 =	vld [tilespmem:s6+$0xD0]  }
0x1b7: {  	v10 =	vadd.f32 v20, v10;
	v26 =	vld [tilespmem:s6+$0xFFFFFF60];
	v9 =	vadd.f32 v17, v9;
	v17 =	vshll.u32 v23, $0x10  }
0x1b8: {  	s23 =	sadd.s32 $0x4, s23;
	v12 =	vadd.f32 v23, v12;
	v27 =	vld [tilespmem:s6+$0xFFFFFF70];
	v11 =	vadd.f32 v17, v11;
	v18 =	vshll.u32 v24, $0x10  }
0x1b9: {  	p2 =	slt.s32 s23, s5;
	v10 =	vadd.f32 v24, v10;
	v17 =	vld [tilespmem:s6+$0xFFFFFFE0];
	v9 =	vadd.f32 v18, v9;
	v19 =	vshll.u32 v25, $0x10  }
.Ltmp26:
0x1ba: {  	v12 =	vadd.f32 v25, v12;
	v18 =	vld [tilespmem:s6+$0xFFFFFFF0];
	v11 =	vadd.f32 v19, v11;
	v20 =	vshll.u32 v22, $0x10;
	(pc) =	sbr.rel @p2 .LBB2_72-.Ltmp26, $4  }
0x1bb: {  	v10 =	vadd.f32 v22, v10;
	v19 =	vld [tilespmem:s6+$0x60];
	v9 =	vadd.f32 v20, v9;
	v22 =	vshll.u32 v21, $0x10  }
0x1bc: {  	v12 =	vadd.f32 v21, v12;
	v23 =	vshll.u32 v26, $0x10;
	v20 =	vld [tilespmem:s6+$0x70];
	v11 =	vadd.f32 v22, v11  }
0x1bd: {  	v22 =	vadd.f32 v26, v14;
	v21 =	vadd.f32 v23, v13;
	v13 =	vshll.u32 v27, $0x10;
	v14 =	vld [tilespmem:s6+$0xE0]  }
0x1be: {  	v15 =	vadd.f32 v13, v15;
	v13 =	vadd.f32 v27, v16;
	v23 =	vshll.u32 v17, $0x10;
	v16 =	vld [tilespmem:s6+$0xF0];
	s6 =	sadd.s32 $0x200, s6  }
.LBB2_73:
0x1bf: {  	v21 =	vadd.f32 v23, v21;
	v17 =	vadd.f32 v17, v22;
	v63 =	vshll.u32 v18, $0x10  }
.Ltmp27:
0x1c0: {  	v15 =	vadd.f32 v63, v15;
	v13 =	vadd.f32 v18, v13;
	v18 =	vshll.u32 v19, $0x10;
	(pc) =	sbr.rel .LBB2_65-.Ltmp27, $4  }
0x1c1: {  	v18 =	vadd.f32 v18, v21;
	v17 =	vadd.f32 v19, v17;
	v19 =	vshll.u32 v20, $0x10  }
0x1c2: {  	v15 =	vadd.f32 v19, v15;
	v19 =	vadd.f32 v20, v13;
	v13 =	vshll.u32 v14, $0x10  }
0x1c3: {  	v13 =	vadd.f32 v13, v18;
	v14 =	vadd.f32 v14, v17;
	v17 =	vshll.u32 v16, $0x10  }
0x1c4: {  	v15 =	vadd.f32 v17, v15;
	v16 =	vadd.f32 v16, v19  }
.LBB2_64:
0x1c5: {  	v1 =	vimm.f32 $0.0e+00  }
0x1c6: {  	v3 =	vimm.f32 $0.0e+00;
	v5 =	vimm.f32 $0.0e+00;
	v7 =	vimm.f32 $0.0e+00  }
0x1c7: {  	v9 =	vimm.f32 $0.0e+00;
	v11 =	vimm.f32 $0.0e+00;
	v13 =	vimm.f32 $0.0e+00  }
0x1c8: {  	v15 =	vimm.f32 $0.0e+00;
	v2 =	vimm.f32 $0.0e+00;
	v4 =	vimm.f32 $0.0e+00  }
0x1c9: {  	v6 =	vimm.f32 $0.0e+00;
	v8 =	vimm.f32 $0.0e+00;
	v10 =	vimm.f32 $0.0e+00  }
0x1ca: {  	v12 =	vimm.f32 $0.0e+00;
	v14 =	vimm.f32 $0.0e+00;
	v16 =	vimm.f32 $0.0e+00  }
.LBB2_65:
0x1cb: {  	p2 =	sge.s32 s5, s16  }
.Ltmp28:
0x1cc: {  	_ = 	snop;
	(pc) =	sbr.rel @p2 .LBB2_68-.Ltmp28, $1  }
0x1cd: {  	_ =	sdelay $0x3  }
0x1ce: {  	p2 =	slt.s32 s24, s19  }
0x1cf: {  	s19 =	smov.u32 @p2 s24  }
0x1d0: {  	s5 =	ssub.s32 s16, s5;
	s6 =	smov.u32 s10;
	p2 =	slt.s32 s19, s10  }
0x1d1: {  	s16 =	sadd.s32 s5, s2;
	s6 =	smov.u32 @p2 s19  }
0x1d2: {  	s16 =	sshll.u32 s16, $0x9;
	s6 =	sshll.u32 s6, $0x9  }
0x1d3: {  	s6 =	ssub.s32 s6, s16  }
0x1d4: {  	s6 =	sshra.s32 s6, $0x2  }
0x1d5: {  	s6 =	sadd.s32 $0x51C0, s6  }
.LBB2_67:
0x1d6: {  	v17 =	vld [tilespmem:s6+$0xFFFFFFC0]  }
0x1d7: {  	v18 =	vld [tilespmem:s6+$0xFFFFFFD0]  }
0x1d8: {  	v19 =	vld [tilespmem:s6+$0xFFFFFFE0]  }
0x1d9: {  	v20 =	vld [tilespmem:s6+$0xFFFFFFF0]  }
0x1da: {  	v21 =	vld [tilespmem:s6+$0x0]  }
0x1db: {  	v23 =	vld [tilespmem:s6+$0x10];
	v22 =	vshll.u32 v17, $0x10  }
0x1dc: {  	v63 =	vld [tilespmem:s6+$0x20];
	v2 =	vadd.f32 v17, v2;
	v17 =	vshll.u32 v18, $0x10;
	v4 =	vadd.f32 v18, v4  }
0x1dd: {  	v18 =	vld [tilespmem:s6+$0x30];
	v6 =	vadd.f32 v19, v6;
	v3 =	vadd.f32 v17, v3;
	v17 =	vshll.u32 v19, $0x10  }
0x1de: {  	p2 =	sne.s32 s5, $0x1;
	v8 =	vadd.f32 v20, v8;
	v5 =	vadd.f32 v17, v5;
	v17 =	vshll.u32 v20, $0x10  }
.Ltmp29:
0x1df: {  	v10 =	vadd.f32 v21, v10;
	v7 =	vadd.f32 v17, v7;
	v17 =	vshll.u32 v21, $0x10;
	(pc) =	sbr.rel @p2 .LBB2_67-.Ltmp29, $4  }
0x1e0: {  	v12 =	vadd.f32 v23, v12;
	v9 =	vadd.f32 v17, v9;
	v17 =	vshll.u32 v23, $0x10  }
0x1e1: {  	v14 =	vadd.f32 v63, v14;
	v11 =	vadd.f32 v17, v11;
	v17 =	vshll.u32 v63, $0x10  }
0x1e2: {  	v1 =	vadd.f32 v22, v1;
	v13 =	vadd.f32 v17, v13;
	v17 =	vshll.u32 v18, $0x10  }
0x1e3: {  	s5 =	sadd.s32 $0xFFFFFFFF, s5;
	s6 =	sadd.s32 $0x80, s6;
	v16 =	vadd.f32 v18, v16;
	v15 =	vadd.f32 v17, v15  }
.Ltmp30:
0x1e4: {  	_ = 	snop;
	(pc) =	sbr.rel .LBB2_68-.Ltmp30, $1  }
0x1e5: {  	_ =	sdelay $0x3  }
.LBB2_4:
0x1e6: {  	p1 =	slt.s32 s28, $0x1  }
.Ltmp31:
0x1e7: {  	s2 =	rddreg [dreg:$0x4];
	s5 =	simm.s32 $0x1180;
	(pc) =	sbr.rel @p1 .LBB2_35-.Ltmp31, $4  }
0x1e8: {  	[tilespmem:s5], [sflag:$0x1] =	stream.indirect.gather [hbm4b:s2+s15], $0x80, s14, s15, $0xb8;
	[tilespmem:$0x19180] =	vst v63  }
0x1e9: {  	_ = 	snop  }
0x1ea: {  	[tilespmem:s17], [sflag:$0x4] =	stream.linear.gather [hbm4b:s0+s3], $0x80, $0x38;
	[tilespmem:$0x19180] =	vst v63  }
0x1eb: {  	s0 =	rddreg [dreg:$0x6]  }
.Ltmp32:
0x1ec: {  	(pc) =	sbr.rel .LBB2_6-.Ltmp32, $4  }
0x1ed: {  	_ = 	snop  }
0x1ee: {  	[dreg:$0xa] =	wrdreg s9  }
0x1ef: {  	s30 =	sadd.s32 $0x100, s11;
	s31 =	sadd.s32 $0x180, s11;
	s0 =	simm.s32 $0x0  }
0x1f0: {  	s26 =	smov.u32 s4;
	s2 =	smov.u32 s11;
	s9 =	smov.u32 s22  }
.LBB2_19:
0x1f1: {  	s7 =	smov.u32 s29  }
.LBB2_33:
0x1f2: {  	s0 =	sadd.s32 $0x1, s0  }
0x1f3: {  	p1 =	seq.s32 s0, s28  }
.Ltmp33:
0x1f4: {  	_ = 	snop;
	(pc) =	sbr.rel @p1 .LBB2_34-.Ltmp33, $2  }
0x1f5: {  	_ =	sdelay $0x2  }
0x1f6: {  	s2 =	sadd.s32 $0x100, s2;
	s26 =	sadd.s32 $0x100, s26  }
.LBB2_6:
0x1f7: {  	_ =	swait.ge [sflag:s18], $0x80  }
0x1f8: {  	s8 =	sshll.u32 s0, $0x8;
	[sflag:s18] =	ssyncset.done $0x0  }
0x1f9: {  	s6 =	simm.s32 $0x5180;
	s5 =	rddreg [dreg:$0x4];
	[sflag:s18] =	ssyncadd.s32 $0xFFFFFF80  }
0x1fa: {  	[tilespmem:s6], [sflag:$0x2] =	stream.indirect.gather [hbm4b:s5+s15], $0x80, s17, s15, $0xb8;
	[tilespmem:$0x19180] =	vst v63  }
0x1fb: {  	s5 =	sadd.s32 s8, s30  }
0x1fc: {  	p1 =	slt.s32 s5, $0x31F80  }
0x1fd: {  	_ =	swait.ge [sflag:s13], $0x4000;
	s5 =	simm.s32 @!p1 $0x31F80  }
0x1fe: {  	[sflag:s13] =	ssyncset.done $0x0;
	s5 =	sshrl.u32 s5, $0x3  }
0x1ff: {  	[sflag:s13] =	ssyncadd.s32 $0xFFFFC000;
	s5 =	sadd.s32 s1, s5  }
0x200: {  	[tilespmem:s14], [sflag:$0x3] =	stream.linear.gather [hbm4b:s5+s3], $0x80, $0x38;
	[tilespmem:$0x19180] =	vst v63  }
0x201: {  	s5 =	sadd.s32 s11, s8  }
0x202: {  	p1 =	slt.s32 s5, $0x31F80  }
0x203: {  	s5 =	simm.s32 @!p1 $0x31F80  }
0x204: {  	s10 =	sadd.s32 $0x80, s5  }
0x205: {  	p1 =	slt.s32 s24, s10  }
0x206: {  	s10 =	smov.u32 @p1 s24  }
0x207: {  	p1 =	sge.s32 s7, s10  }
.Ltmp34:
0x208: {  	_ = 	snop;
	(pc) =	sbr.rel @p1 .LBB2_7-.Ltmp34, $1  }
0x209: {  	_ =	sdelay $0x3  }
0x20a: {  	p1 =	slt.s32 s2, $0x31F80;
	s25 =	smov.u32 s2  }
.Ltmp35:
0x20b: {  	s25 =	simm.s32 @!p1 $0x31F80;
	(pc) =	sbr.rel .LBB2_9-.Ltmp35, $4  }
0x20c: {  	s5 =	sshll.u32 s25, $0x9  }
0x20d: {  	s5 =	ssub.s32 $0x0, s5  }
0x20e: {  	s5 =	sshra.s32 s5, $0x2  }
0x20f: {  	s12 =	sadd.s32 $0x80, s25;
	s23 =	sadd.s32 $0x1280, s5  }
.LBB2_17:
0x210: {  	s5 =	ssub.s32 s9, s22  }
0x211: {  	s6 =	sshll.u32 s9, $0x7;
	s5 =	sshll.u32 s5, $0x8  }
0x212: {  	s6 =	sand.u32 $0x380, s6;
	s5 =	sand.u32 $0xFFFFF800, s5  }
0x213: {  	s5 =	sor.u32 s6, s5  }
0x214: {  	[tilespmem:s5+$0x9180] =	vst.add.f32.msk $0xffff, v1  }
0x215: {  	[tilespmem:s5+$0x9190] =	vst.add.f32.msk $0xffff, v3  }
0x216: {  	[tilespmem:s5+$0x91A0] =	vst.add.f32.msk $0xffff, v5  }
0x217: {  	[tilespmem:s5+$0x91B0] =	vst.add.f32.msk $0xffff, v7  }
0x218: {  	[tilespmem:s5+$0x91C0] =	vst.add.f32.msk $0xffff, v9  }
0x219: {  	[tilespmem:s5+$0x91D0] =	vst.add.f32.msk $0xffff, v11  }
0x21a: {  	[tilespmem:s5+$0x91E0] =	vst.add.f32.msk $0xffff, v13  }
0x21b: {  	[tilespmem:s5+$0x91F0] =	vst.add.f32.msk $0xffff, v15  }
0x21c: {  	[tilespmem:s5+$0x9580] =	vst.add.f32.msk $0xffff, v2  }
0x21d: {  	[tilespmem:s5+$0x9590] =	vst.add.f32.msk $0xffff, v4  }
0x21e: {  	[tilespmem:s5+$0x95A0] =	vst.add.f32.msk $0xffff, v6  }
.Ltmp36:
0x21f: {  	[tilespmem:s5+$0x95B0] =	vst.add.f32.msk $0xffff, v8;
	(pc) =	sbr.rel @!p1 .LBB2_18-.Ltmp36, $4  }
0x220: {  	[tilespmem:s5+$0x95C0] =	vst.add.f32.msk $0xffff, v10  }
0x221: {  	[tilespmem:s5+$0x95D0] =	vst.add.f32.msk $0xffff, v12  }
0x222: {  	[tilespmem:s5+$0x95E0] =	vst.add.f32.msk $0xffff, v14  }
0x223: {  	s7 =	smov.u32 s29;
	[tilespmem:s5+$0x95F0] =	vst.add.f32.msk $0xffff, v16  }
.LBB2_9:
0x224: {  	v1 =	vld [tilespmem:s9+$0x1];
	_ =	sdelay $0x4  }
0x225: {  	(v2sf) =	vpush v1, $0x0;
	_ =	sdelay $0xe  }
0x226: {  	s19 =	spop (v2sf)  }
0x227: {  	p1 =	sgt.s32 s19, s7  }
.Ltmp37:
0x228: {  	_ = 	snop;
	(pc) =	sbr.rel @p1 .LBB2_12-.Ltmp37, $1  }
0x229: {  	_ =	sdelay $0x3  }
0x22a: {  	s5 =	sshll.u32 s9, $0x2  }
0x22b: {  	s5 =	sshra.s32 s5, $0x2  }
0x22c: {  	s5 =	sadd.s32 $0x2, s5  }
.LBB2_11:
0x22d: {  	v1 =	vld [tilespmem:s5+$0x0];
	_ =	sdelay $0x4  }
0x22e: {  	(v2sf) =	vpush v1, $0x0;
	_ =	sdelay $0xe  }
0x22f: {  	s19 =	spop (v2sf)  }
0x230: {  	p1 =	sle.s32 s19, s7  }
.Ltmp38:
0x231: {  	_ = 	snop;
	(pc) =	sbr.rel @p1 .LBB2_11-.Ltmp38, $2  }
0x232: {  	_ =	sdelay $0x2  }
0x233: {  	s9 =	sadd.s32 $0x1, s9;
	s5 =	sadd.s32 $0x1, s5  }
.LBB2_12:
0x234: {  	p1 =	slt.s32 s19, s10;
	s29 =	smov.u32 s10  }
0x235: {  	s29 =	smov.u32 @p1 s19  }
0x236: {  	s16 =	ssub.s32 s29, s7  }
0x237: {  	s5 =	sshra.s32 s16, $0x1F  }
0x238: {  	s5 =	sshrl.u32 s5, $0x1E  }
0x239: {  	s5 =	sadd.s32 s5, s16  }
0x23a: {  	s5 =	sand.u32 $0xFFFFFFFC, s5  }
0x23b: {  	p2 =	slt.s32 s5, $0x1  }
.Ltmp39:
0x23c: {  	_ = 	snop;
	(pc) =	sbr.rel @p2 .LBB2_13-.Ltmp39, $1  }
0x23d: {  	_ =	sdelay $0x3  }
0x23e: {  	s6 =	sshll.u32 s7, $0x9  }
0x23f: {  	s6 =	sshra.s32 s6, $0x2  }
0x240: {  	s6 =	sadd.s32 s6, s23  }
0x241: {  	v1 =	vld [tilespmem:s6+$0xFFFFFF00]  }
0x242: {  	v2 =	vld [tilespmem:s6+$0xFFFFFF10]  }
0x243: {  	v3 =	vld [tilespmem:s6+$0xFFFFFF80]  }
0x244: {  	v4 =	vld [tilespmem:s6+$0xFFFFFF90]  }
0x245: {  	v5 =	vld [tilespmem:s6+$0x0]  }
0x246: {  	v13 =	vimm.f32 $0.0e+00;
	v7 =	vld [tilespmem:s6+$0x10]  }
0x247: {  	v9 =	vld [tilespmem:s6+$0x80];
	v6 =	vshll.u32 v1, $0x10;
	v1 =	vadd.f32 v1, v13  }
0x248: {  	v11 =	vld [tilespmem:s6+$0x90];
	v8 =	vshll.u32 v2, $0x10;
	v2 =	vadd.f32 v2, v13;
	v6 =	vadd.f32 v6, v13  }
0x249: {  	v12 =	vld [tilespmem:s6+$0xFFFFFF20];
	v10 =	vshll.u32 v3, $0x10;
	v8 =	vadd.f32 v8, v13;
	v1 =	vadd.f32 v3, v1  }
0x24a: {  	v3 =	vshll.u32 v4, $0x10;
	v2 =	vadd.f32 v4, v2;
	v6 =	vadd.f32 v10, v6  }
0x24b: {  	v4 =	vshll.u32 v5, $0x10;
	v10 =	vld [tilespmem:s6+$0xFFFFFF30];
	v3 =	vadd.f32 v3, v8;
	v5 =	vadd.f32 v5, v1  }
0x24c: {  	v8 =	vld [tilespmem:s6+$0xFFFFFFA0];
	v1 =	vshll.u32 v7, $0x10;
	v7 =	vadd.f32 v7, v2;
	v4 =	vadd.f32 v4, v6  }
0x24d: {  	v6 =	vld [tilespmem:s6+$0xFFFFFFB0];
	v3 =	vadd.f32 v1, v3;
	v1 =	vshll.u32 v9, $0x10;
	v2 =	vadd.f32 v9, v5  }
0x24e: {  	v14 =	vld [tilespmem:s6+$0x20];
	v5 =	vshll.u32 v12, $0x10;
	v1 =	vadd.f32 v1, v4;
	v4 =	vshll.u32 v11, $0x10  }
0x24f: {  	v9 =	vld [tilespmem:s6+$0x30];
	v5 =	vadd.f32 v5, v13;
	v3 =	vadd.f32 v4, v3  }
0x250: {  	v4 =	vadd.f32 v11, v7;
	v7 =	vadd.f32 v12, v13;
	v11 =	vshll.u32 v10, $0x10;
	v12 =	vld [tilespmem:s6+$0xA0]  }
0x251: {  	v16 =	vld [tilespmem:s6+$0xB0];
	v10 =	vadd.f32 v10, v13;
	v15 =	vshll.u32 v8, $0x10;
	v11 =	vadd.f32 v11, v13  }
0x252: {  	v17 =	vld [tilespmem:s6+$0xFFFFFF40];
	v5 =	vadd.f32 v15, v5;
	v7 =	vadd.f32 v8, v7;
	v8 =	vshll.u32 v6, $0x10  }
0x253: {  	v15 =	vld [tilespmem:s6+$0xFFFFFF50];
	v6 =	vadd.f32 v6, v10;
	v10 =	vshll.u32 v14, $0x10;
	v8 =	vadd.f32 v8, v11  }
0x254: {  	v11 =	vld [tilespmem:s6+$0xFFFFFFC0];
	v5 =	vadd.f32 v10, v5;
	v10 =	vshll.u32 v9, $0x10;
	v7 =	vadd.f32 v14, v7  }
0x255: {  	v14 =	vld [tilespmem:s6+$0xFFFFFFD0];
	v9 =	vadd.f32 v9, v6;
	v8 =	vadd.f32 v10, v8;
	v6 =	vshll.u32 v12, $0x10  }
0x256: {  	v10 =	vld [tilespmem:s6+$0x40];
	v5 =	vadd.f32 v6, v5;
	v6 =	vadd.f32 v12, v7;
	v7 =	vshll.u32 v16, $0x10  }
0x257: {  	v19 =	vld [tilespmem:s6+$0x50];
	v12 =	vshll.u32 v17, $0x10;
	v7 =	vadd.f32 v7, v8;
	v8 =	vadd.f32 v16, v9  }
0x258: {  	v22 =	vld [tilespmem:s6+$0xFFFFFF60];
	v9 =	vadd.f32 v12, v13;
	v12 =	vadd.f32 v17, v13;
	v16 =	vshll.u32 v15, $0x10  }
0x259: {  	v20 =	vld [tilespmem:s6+$0xC0];
	v15 =	vadd.f32 v15, v13;
	v16 =	vadd.f32 v16, v13;
	v17 =	vshll.u32 v11, $0x10  }
0x25a: {  	v21 =	vld [tilespmem:s6+$0xD0];
	v9 =	vadd.f32 v17, v9;
	v11 =	vadd.f32 v11, v12  }
0x25b: {  	v12 =	vshll.u32 v14, $0x10;
	v14 =	vadd.f32 v14, v15;
	v15 =	vshll.u32 v10, $0x10  }
0x25c: {  	v23 =	vld [tilespmem:s6+$0xFFFFFF70];
	v12 =	vadd.f32 v12, v16;
	v9 =	vadd.f32 v15, v9  }
0x25d: {  	p2 =	sgt.s32 s5, $0x4;
	v17 =	vld [tilespmem:s6+$0xFFFFFFE0];
	v10 =	vadd.f32 v10, v11;
	v11 =	vshll.u32 v19, $0x10;
	v15 =	vshll.u32 v22, $0x10  }
.Ltmp40:
0x25e: {  	v18 =	vld [tilespmem:s6+$0xFFFFFFF0];
	v11 =	vadd.f32 v11, v12;
	v12 =	vadd.f32 v19, v14;
	v14 =	vshll.u32 v20, $0x10;
	(pc) =	sbr.rel @!p2 .LBB2_22-.Ltmp40, $4  }
0x25f: {  	v22 =	vadd.f32 v22, v13;
	v19 =	vld [tilespmem:s6+$0x60];
	v9 =	vadd.f32 v14, v9;
	v14 =	vshll.u32 v21, $0x10  }
0x260: {  	v10 =	vadd.f32 v20, v10;
	v20 =	vld [tilespmem:s6+$0x70];
	v11 =	vadd.f32 v14, v11  }
0x261: {  	v12 =	vadd.f32 v21, v12;
	v21 =	vadd.f32 v15, v13;
	v15 =	vshll.u32 v23, $0x10;
	v14 =	vld [tilespmem:s6+$0xE0]  }
0x262: {  	s7 =	simm.s32 $0x4;
	v16 =	vld [tilespmem:s6+$0xF0];
	s6 =	sadd.s32 $0x200, s6;
	v15 =	vadd.f32 v15, v13;
	v13 =	vadd.f32 v23, v13;
	v23 =	vshll.u32 v17, $0x10  }
.LBB2_21:
0x263: {  	v24 =	vld [tilespmem:s6+$0xFFFFFF00];
	v21 =	vadd.f32 v23, v21;
	v17 =	vadd.f32 v17, v22;
	v22 =	vshll.u32 v18, $0x10  }
0x264: {  	v23 =	vld [tilespmem:s6+$0xFFFFFF10];
	v15 =	vadd.f32 v22, v15;
	v13 =	vadd.f32 v18, v13;
	v18 =	vshll.u32 v19, $0x10  }
0x265: {  	v22 =	vld [tilespmem:s6+$0xFFFFFF80];
	v18 =	vadd.f32 v18, v21;
	v17 =	vadd.f32 v19, v17;
	v19 =	vshll.u32 v20, $0x10  }
0x266: {  	v21 =	vld [tilespmem:s6+$0xFFFFFF90];
	v15 =	vadd.f32 v19, v15;
	v19 =	vadd.f32 v20, v13;
	v13 =	vshll.u32 v14, $0x10  }
0x267: {  	v20 =	vld [tilespmem:s6+$0x0];
	v13 =	vadd.f32 v13, v18;
	v14 =	vadd.f32 v14, v17;
	v17 =	vshll.u32 v16, $0x10  }
0x268: {  	v18 =	vshll.u32 v24, $0x10;
	v25 =	vld [tilespmem:s6+$0x10];
	v15 =	vadd.f32 v17, v15;
	v16 =	vadd.f32 v16, v19  }
0x269: {  	v2 =	vadd.f32 v24, v2;
	v1 =	vadd.f32 v18, v1;
	v17 =	vshll.u32 v23, $0x10;
	v18 =	vld [tilespmem:s6+$0x80]  }
0x26a: {  	v4 =	vadd.f32 v23, v4;
	v3 =	vadd.f32 v17, v3;
	v17 =	vshll.u32 v22, $0x10;
	v19 =	vld [tilespmem:s6+$0x90]  }
0x26b: {  	v2 =	vadd.f32 v22, v2;
	v23 =	vld [tilespmem:s6+$0xFFFFFF20];
	v1 =	vadd.f32 v17, v1;
	v17 =	vshll.u32 v21, $0x10  }
0x26c: {  	v4 =	vadd.f32 v21, v4;
	v22 =	vld [tilespmem:s6+$0xFFFFFF30];
	v3 =	vadd.f32 v17, v3;
	v17 =	vshll.u32 v20, $0x10  }
0x26d: {  	v2 =	vadd.f32 v20, v2;
	v21 =	vld [tilespmem:s6+$0xFFFFFFA0];
	v1 =	vadd.f32 v17, v1;
	v17 =	vshll.u32 v25, $0x10  }
0x26e: {  	v4 =	vadd.f32 v25, v4;
	v20 =	vld [tilespmem:s6+$0xFFFFFFB0];
	v3 =	vadd.f32 v17, v3;
	v17 =	vshll.u32 v18, $0x10  }
0x26f: {  	v2 =	vadd.f32 v18, v2;
	v24 =	vld [tilespmem:s6+$0x20];
	v1 =	vadd.f32 v17, v1;
	v17 =	vshll.u32 v19, $0x10  }
0x270: {  	v4 =	vadd.f32 v19, v4;
	v18 =	vshll.u32 v23, $0x10;
	v25 =	vld [tilespmem:s6+$0x30];
	v3 =	vadd.f32 v17, v3  }
0x271: {  	v6 =	vadd.f32 v23, v6;
	v5 =	vadd.f32 v18, v5;
	v17 =	vshll.u32 v22, $0x10;
	v18 =	vld [tilespmem:s6+$0xA0]  }
0x272: {  	v8 =	vadd.f32 v22, v8;
	v7 =	vadd.f32 v17, v7;
	v17 =	vshll.u32 v21, $0x10;
	v19 =	vld [tilespmem:s6+$0xB0]  }
0x273: {  	v6 =	vadd.f32 v21, v6;
	v22 =	vld [tilespmem:s6+$0xFFFFFF40];
	v5 =	vadd.f32 v17, v5;
	v17 =	vshll.u32 v20, $0x10  }
0x274: {  	v8 =	vadd.f32 v20, v8;
	v21 =	vld [tilespmem:s6+$0xFFFFFF50];
	v7 =	vadd.f32 v17, v7;
	v17 =	vshll.u32 v24, $0x10  }
0x275: {  	v6 =	vadd.f32 v24, v6;
	v20 =	vld [tilespmem:s6+$0xFFFFFFC0];
	v5 =	vadd.f32 v17, v5;
	v17 =	vshll.u32 v25, $0x10  }
0x276: {  	v8 =	vadd.f32 v25, v8;
	v23 =	vld [tilespmem:s6+$0xFFFFFFD0];
	v7 =	vadd.f32 v17, v7;
	v17 =	vshll.u32 v18, $0x10  }
0x277: {  	v6 =	vadd.f32 v18, v6;
	v24 =	vld [tilespmem:s6+$0x40];
	v5 =	vadd.f32 v17, v5;
	v17 =	vshll.u32 v19, $0x10  }
0x278: {  	v8 =	vadd.f32 v19, v8;
	v18 =	vshll.u32 v22, $0x10;
	v25 =	vld [tilespmem:s6+$0x50];
	v7 =	vadd.f32 v17, v7  }
0x279: {  	v10 =	vadd.f32 v22, v10;
	v9 =	vadd.f32 v18, v9;
	v17 =	vshll.u32 v21, $0x10;
	v22 =	vld [tilespmem:s6+$0xC0]  }
0x27a: {  	v12 =	vadd.f32 v21, v12;
	v11 =	vadd.f32 v17, v11;
	v17 =	vshll.u32 v20, $0x10;
	v21 =	vld [tilespmem:s6+$0xD0]  }
0x27b: {  	v10 =	vadd.f32 v20, v10;
	v26 =	vld [tilespmem:s6+$0xFFFFFF60];
	v9 =	vadd.f32 v17, v9;
	v17 =	vshll.u32 v23, $0x10  }
0x27c: {  	s7 =	sadd.s32 $0x4, s7;
	v12 =	vadd.f32 v23, v12;
	v27 =	vld [tilespmem:s6+$0xFFFFFF70];
	v11 =	vadd.f32 v17, v11;
	v18 =	vshll.u32 v24, $0x10  }
0x27d: {  	p2 =	slt.s32 s7, s5;
	v10 =	vadd.f32 v24, v10;
	v17 =	vld [tilespmem:s6+$0xFFFFFFE0];
	v9 =	vadd.f32 v18, v9;
	v19 =	vshll.u32 v25, $0x10  }
.Ltmp41:
0x27e: {  	v12 =	vadd.f32 v25, v12;
	v18 =	vld [tilespmem:s6+$0xFFFFFFF0];
	v11 =	vadd.f32 v19, v11;
	v20 =	vshll.u32 v22, $0x10;
	(pc) =	sbr.rel @p2 .LBB2_21-.Ltmp41, $4  }
0x27f: {  	v10 =	vadd.f32 v22, v10;
	v19 =	vld [tilespmem:s6+$0x60];
	v9 =	vadd.f32 v20, v9;
	v22 =	vshll.u32 v21, $0x10  }
0x280: {  	v12 =	vadd.f32 v21, v12;
	v23 =	vshll.u32 v26, $0x10;
	v20 =	vld [tilespmem:s6+$0x70];
	v11 =	vadd.f32 v22, v11  }
0x281: {  	v22 =	vadd.f32 v26, v14;
	v21 =	vadd.f32 v23, v13;
	v13 =	vshll.u32 v27, $0x10;
	v14 =	vld [tilespmem:s6+$0xE0]  }
0x282: {  	v15 =	vadd.f32 v13, v15;
	v13 =	vadd.f32 v27, v16;
	v23 =	vshll.u32 v17, $0x10;
	v16 =	vld [tilespmem:s6+$0xF0];
	s6 =	sadd.s32 $0x200, s6  }
.LBB2_22:
0x283: {  	v21 =	vadd.f32 v23, v21;
	v17 =	vadd.f32 v17, v22;
	v63 =	vshll.u32 v18, $0x10  }
.Ltmp42:
0x284: {  	v15 =	vadd.f32 v63, v15;
	v13 =	vadd.f32 v18, v13;
	v18 =	vshll.u32 v19, $0x10;
	(pc) =	sbr.rel .LBB2_14-.Ltmp42, $4  }
0x285: {  	v18 =	vadd.f32 v18, v21;
	v17 =	vadd.f32 v19, v17;
	v19 =	vshll.u32 v20, $0x10  }
0x286: {  	v15 =	vadd.f32 v19, v15;
	v19 =	vadd.f32 v20, v13;
	v13 =	vshll.u32 v14, $0x10  }
0x287: {  	v13 =	vadd.f32 v13, v18;
	v14 =	vadd.f32 v14, v17;
	v17 =	vshll.u32 v16, $0x10  }
0x288: {  	v15 =	vadd.f32 v17, v15;
	v16 =	vadd.f32 v16, v19  }
.LBB2_13:
0x289: {  	v1 =	vimm.f32 $0.0e+00  }
0x28a: {  	v3 =	vimm.f32 $0.0e+00;
	v5 =	vimm.f32 $0.0e+00;
	v7 =	vimm.f32 $0.0e+00  }
0x28b: {  	v9 =	vimm.f32 $0.0e+00;
	v11 =	vimm.f32 $0.0e+00;
	v13 =	vimm.f32 $0.0e+00  }
0x28c: {  	v15 =	vimm.f32 $0.0e+00;
	v2 =	vimm.f32 $0.0e+00;
	v4 =	vimm.f32 $0.0e+00  }
0x28d: {  	v6 =	vimm.f32 $0.0e+00;
	v8 =	vimm.f32 $0.0e+00;
	v10 =	vimm.f32 $0.0e+00  }
0x28e: {  	v12 =	vimm.f32 $0.0e+00;
	v14 =	vimm.f32 $0.0e+00;
	v16 =	vimm.f32 $0.0e+00  }
.LBB2_14:
0x28f: {  	p2 =	sge.s32 s5, s16  }
.Ltmp43:
0x290: {  	_ = 	snop;
	(pc) =	sbr.rel @p2 .LBB2_17-.Ltmp43, $1  }
0x291: {  	_ =	sdelay $0x3  }
0x292: {  	p2 =	slt.s32 s24, s19  }
0x293: {  	s19 =	smov.u32 @p2 s24  }
0x294: {  	s5 =	ssub.s32 s16, s5;
	s6 =	smov.u32 s12;
	p2 =	slt.s32 s19, s12  }
0x295: {  	s7 =	sadd.s32 s5, s25;
	s6 =	smov.u32 @p2 s19  }
0x296: {  	s7 =	sshll.u32 s7, $0x9;
	s6 =	sshll.u32 s6, $0x9  }
0x297: {  	s6 =	ssub.s32 s6, s7  }
0x298: {  	s6 =	sshra.s32 s6, $0x2  }
0x299: {  	s6 =	sadd.s32 $0x11C0, s6  }
.LBB2_16:
0x29a: {  	v17 =	vld [tilespmem:s6+$0xFFFFFFC0]  }
0x29b: {  	v18 =	vld [tilespmem:s6+$0xFFFFFFD0]  }
0x29c: {  	v19 =	vld [tilespmem:s6+$0xFFFFFFE0]  }
0x29d: {  	v20 =	vld [tilespmem:s6+$0xFFFFFFF0]  }
0x29e: {  	v21 =	vld [tilespmem:s6+$0x0]  }
0x29f: {  	v23 =	vld [tilespmem:s6+$0x10];
	v22 =	vshll.u32 v17, $0x10  }
0x2a0: {  	v63 =	vld [tilespmem:s6+$0x20];
	v2 =	vadd.f32 v17, v2;
	v17 =	vshll.u32 v18, $0x10;
	v4 =	vadd.f32 v18, v4  }
0x2a1: {  	v18 =	vld [tilespmem:s6+$0x30];
	v6 =	vadd.f32 v19, v6;
	v3 =	vadd.f32 v17, v3;
	v17 =	vshll.u32 v19, $0x10  }
0x2a2: {  	p2 =	sne.s32 s5, $0x1;
	v8 =	vadd.f32 v20, v8;
	v5 =	vadd.f32 v17, v5;
	v17 =	vshll.u32 v20, $0x10  }
.Ltmp44:
0x2a3: {  	v10 =	vadd.f32 v21, v10;
	v7 =	vadd.f32 v17, v7;
	v17 =	vshll.u32 v21, $0x10;
	(pc) =	sbr.rel @p2 .LBB2_16-.Ltmp44, $4  }
0x2a4: {  	v12 =	vadd.f32 v23, v12;
	v9 =	vadd.f32 v17, v9;
	v17 =	vshll.u32 v23, $0x10  }
0x2a5: {  	v14 =	vadd.f32 v63, v14;
	v11 =	vadd.f32 v17, v11;
	v17 =	vshll.u32 v63, $0x10  }
0x2a6: {  	v1 =	vadd.f32 v22, v1;
	v13 =	vadd.f32 v17, v13;
	v17 =	vshll.u32 v18, $0x10  }
0x2a7: {  	s5 =	sadd.s32 $0xFFFFFFFF, s5;
	s6 =	sadd.s32 $0x80, s6;
	v16 =	vadd.f32 v18, v16;
	v15 =	vadd.f32 v17, v15  }
.Ltmp45:
0x2a8: {  	_ = 	snop;
	(pc) =	sbr.rel .LBB2_17-.Ltmp45, $1  }
0x2a9: {  	_ =	sdelay $0x3  }
.LBB2_7:
0x2aa: {  	s29 =	smov.u32 s7  }
.LBB2_18:
0x2ab: {  	_ =	swait.ge [sflag:s20], $0x80  }
0x2ac: {  	[sflag:s20] =	ssyncset.done $0x0  }
0x2ad: {  	s6 =	simm.s32 $0x1180;
	s5 =	rddreg [dreg:$0x4];
	[sflag:s20] =	ssyncadd.s32 $0xFFFFFF80  }
0x2ae: {  	[tilespmem:s6], [sflag:$0x1] =	stream.indirect.gather [hbm4b:s5+s15], $0x80, s14, s15, $0xb8;
	[tilespmem:$0x19180] =	vst v63  }
0x2af: {  	s5 =	sadd.s32 s8, s31  }
0x2b0: {  	s6 =	sadd.s32 s8, s4;
	p1 =	slt.s32 s5, $0x31F80  }
0x2b1: {  	s5 =	simm.s32 @!p1 $0x31F80;
	p1 =	slt.s32 s6, $0x31F80  }
0x2b2: {  	s6 =	simm.s32 @!p1 $0x31F80  }
0x2b3: {  	s8 =	sadd.s32 $0x80, s6  }
0x2b4: {  	p1 =	slt.s32 s24, s8  }
0x2b5: {  	s8 =	smov.u32 @p1 s24  }
0x2b6: {  	p1 =	sge.s32 s29, s8  }
.Ltmp46:
0x2b7: {  	_ = 	snop;
	(pc) =	sbr.rel @p1 .LBB2_19-.Ltmp46, $4  }
0x2b8: {  	_ =	swait.ge [sflag:s21], $0x4000  }
0x2b9: {  	[sflag:s21] =	ssyncset.done $0x0;
	s5 =	sshrl.u32 s5, $0x3  }
0x2ba: {  	[sflag:s21] =	ssyncadd.s32 $0xFFFFC000;
	s5 =	sadd.s32 s1, s5  }
0x2bb: {  	[tilespmem:s17], [sflag:$0x4] =	stream.linear.gather [hbm4b:s5+s3], $0x80, $0x38;
	[tilespmem:$0x19180] =	vst v63  }
0x2bc: {  	p1 =	slt.s32 s26, $0x31F80;
	s10 =	smov.u32 s26  }
.Ltmp47:
0x2bd: {  	s10 =	simm.s32 @!p1 $0x31F80;
	(pc) =	sbr.rel .LBB2_24-.Ltmp47, $4  }
0x2be: {  	s5 =	sshll.u32 s10, $0x9  }
0x2bf: {  	s5 =	ssub.s32 $0x0, s5  }
0x2c0: {  	s5 =	sshra.s32 s5, $0x2  }
0x2c1: {  	s25 =	sadd.s32 $0x80, s10;
	s12 =	sadd.s32 $0x5280, s5  }
.LBB2_32:
0x2c2: {  	s5 =	ssub.s32 s9, s22  }
0x2c3: {  	s6 =	sshll.u32 s9, $0x7;
	s5 =	sshll.u32 s5, $0x8  }
0x2c4: {  	s6 =	sand.u32 $0x380, s6;
	s5 =	sand.u32 $0xFFFFF800, s5  }
0x2c5: {  	s5 =	sor.u32 s6, s5  }
0x2c6: {  	[tilespmem:s5+$0x9180] =	vst.add.f32.msk $0xffff, v1  }
0x2c7: {  	[tilespmem:s5+$0x9190] =	vst.add.f32.msk $0xffff, v3  }
0x2c8: {  	[tilespmem:s5+$0x91A0] =	vst.add.f32.msk $0xffff, v5  }
0x2c9: {  	[tilespmem:s5+$0x91B0] =	vst.add.f32.msk $0xffff, v7  }
0x2ca: {  	[tilespmem:s5+$0x91C0] =	vst.add.f32.msk $0xffff, v9  }
0x2cb: {  	[tilespmem:s5+$0x91D0] =	vst.add.f32.msk $0xffff, v11  }
0x2cc: {  	[tilespmem:s5+$0x91E0] =	vst.add.f32.msk $0xffff, v13  }
0x2cd: {  	[tilespmem:s5+$0x91F0] =	vst.add.f32.msk $0xffff, v15  }
0x2ce: {  	[tilespmem:s5+$0x9580] =	vst.add.f32.msk $0xffff, v2  }
0x2cf: {  	[tilespmem:s5+$0x9590] =	vst.add.f32.msk $0xffff, v4  }
0x2d0: {  	[tilespmem:s5+$0x95A0] =	vst.add.f32.msk $0xffff, v6  }
.Ltmp48:
0x2d1: {  	[tilespmem:s5+$0x95B0] =	vst.add.f32.msk $0xffff, v8;
	(pc) =	sbr.rel @!p1 .LBB2_33-.Ltmp48, $4  }
0x2d2: {  	[tilespmem:s5+$0x95C0] =	vst.add.f32.msk $0xffff, v10  }
0x2d3: {  	[tilespmem:s5+$0x95D0] =	vst.add.f32.msk $0xffff, v12  }
0x2d4: {  	[tilespmem:s5+$0x95E0] =	vst.add.f32.msk $0xffff, v14  }
0x2d5: {  	s29 =	smov.u32 s7;
	[tilespmem:s5+$0x95F0] =	vst.add.f32.msk $0xffff, v16  }
.LBB2_24:
0x2d6: {  	v1 =	vld [tilespmem:s9+$0x1];
	_ =	sdelay $0x4  }
0x2d7: {  	(v2sf) =	vpush v1, $0x0;
	_ =	sdelay $0xe  }
0x2d8: {  	s19 =	spop (v2sf)  }
0x2d9: {  	p1 =	sgt.s32 s19, s29  }
.Ltmp49:
0x2da: {  	_ = 	snop;
	(pc) =	sbr.rel @p1 .LBB2_27-.Ltmp49, $1  }
0x2db: {  	_ =	sdelay $0x3  }
0x2dc: {  	s5 =	sshll.u32 s9, $0x2  }
0x2dd: {  	s5 =	sshra.s32 s5, $0x2  }
0x2de: {  	s5 =	sadd.s32 $0x2, s5  }
.LBB2_26:
0x2df: {  	v1 =	vld [tilespmem:s5+$0x0];
	_ =	sdelay $0x4  }
0x2e0: {  	(v2sf) =	vpush v1, $0x0;
	_ =	sdelay $0xe  }
0x2e1: {  	s19 =	spop (v2sf)  }
0x2e2: {  	p1 =	sle.s32 s19, s29  }
.Ltmp50:
0x2e3: {  	_ = 	snop;
	(pc) =	sbr.rel @p1 .LBB2_26-.Ltmp50, $2  }
0x2e4: {  	_ =	sdelay $0x2  }
0x2e5: {  	s9 =	sadd.s32 $0x1, s9;
	s5 =	sadd.s32 $0x1, s5  }
.LBB2_27:
0x2e6: {  	p1 =	slt.s32 s19, s8;
	s7 =	smov.u32 s8  }
0x2e7: {  	s7 =	smov.u32 @p1 s19  }
0x2e8: {  	s16 =	ssub.s32 s7, s29  }
0x2e9: {  	s5 =	sshra.s32 s16, $0x1F  }
0x2ea: {  	s5 =	sshrl.u32 s5, $0x1E  }
0x2eb: {  	s5 =	sadd.s32 s5, s16  }
0x2ec: {  	s5 =	sand.u32 $0xFFFFFFFC, s5  }
0x2ed: {  	p2 =	slt.s32 s5, $0x1  }
.Ltmp51:
0x2ee: {  	_ = 	snop;
	(pc) =	sbr.rel @p2 .LBB2_28-.Ltmp51, $1  }
0x2ef: {  	_ =	sdelay $0x3  }
0x2f0: {  	s6 =	sshll.u32 s29, $0x9  }
0x2f1: {  	s6 =	sshra.s32 s6, $0x2  }
0x2f2: {  	s6 =	sadd.s32 s6, s12  }
0x2f3: {  	v1 =	vld [tilespmem:s6+$0xFFFFFF00]  }
0x2f4: {  	v2 =	vld [tilespmem:s6+$0xFFFFFF10]  }
0x2f5: {  	v3 =	vld [tilespmem:s6+$0xFFFFFF80]  }
0x2f6: {  	v4 =	vld [tilespmem:s6+$0xFFFFFF90]  }
0x2f7: {  	v5 =	vld [tilespmem:s6+$0x0]  }
0x2f8: {  	v13 =	vimm.f32 $0.0e+00;
	v7 =	vld [tilespmem:s6+$0x10]  }
0x2f9: {  	v9 =	vld [tilespmem:s6+$0x80];
	v6 =	vshll.u32 v1, $0x10;
	v1 =	vadd.f32 v1, v13  }
0x2fa: {  	v11 =	vld [tilespmem:s6+$0x90];
	v8 =	vshll.u32 v2, $0x10;
	v2 =	vadd.f32 v2, v13;
	v6 =	vadd.f32 v6, v13  }
0x2fb: {  	v12 =	vld [tilespmem:s6+$0xFFFFFF20];
	v10 =	vshll.u32 v3, $0x10;
	v8 =	vadd.f32 v8, v13;
	v1 =	vadd.f32 v3, v1  }
0x2fc: {  	v3 =	vshll.u32 v4, $0x10;
	v2 =	vadd.f32 v4, v2;
	v6 =	vadd.f32 v10, v6  }
0x2fd: {  	v4 =	vshll.u32 v5, $0x10;
	v10 =	vld [tilespmem:s6+$0xFFFFFF30];
	v3 =	vadd.f32 v3, v8;
	v5 =	vadd.f32 v5, v1  }
0x2fe: {  	v8 =	vld [tilespmem:s6+$0xFFFFFFA0];
	v1 =	vshll.u32 v7, $0x10;
	v7 =	vadd.f32 v7, v2;
	v4 =	vadd.f32 v4, v6  }
0x2ff: {  	v6 =	vld [tilespmem:s6+$0xFFFFFFB0];
	v3 =	vadd.f32 v1, v3;
	v1 =	vshll.u32 v9, $0x10;
	v2 =	vadd.f32 v9, v5  }
0x300: {  	v14 =	vld [tilespmem:s6+$0x20];
	v5 =	vshll.u32 v12, $0x10;
	v1 =	vadd.f32 v1, v4;
	v4 =	vshll.u32 v11, $0x10  }
0x301: {  	v9 =	vld [tilespmem:s6+$0x30];
	v5 =	vadd.f32 v5, v13;
	v3 =	vadd.f32 v4, v3  }
0x302: {  	v4 =	vadd.f32 v11, v7;
	v7 =	vadd.f32 v12, v13;
	v11 =	vshll.u32 v10, $0x10;
	v12 =	vld [tilespmem:s6+$0xA0]  }
0x303: {  	v16 =	vld [tilespmem:s6+$0xB0];
	v10 =	vadd.f32 v10, v13;
	v15 =	vshll.u32 v8, $0x10;
	v11 =	vadd.f32 v11, v13  }
0x304: {  	v17 =	vld [tilespmem:s6+$0xFFFFFF40];
	v5 =	vadd.f32 v15, v5;
	v7 =	vadd.f32 v8, v7;
	v8 =	vshll.u32 v6, $0x10  }
0x305: {  	v15 =	vld [tilespmem:s6+$0xFFFFFF50];
	v6 =	vadd.f32 v6, v10;
	v10 =	vshll.u32 v14, $0x10;
	v8 =	vadd.f32 v8, v11  }
0x306: {  	v11 =	vld [tilespmem:s6+$0xFFFFFFC0];
	v5 =	vadd.f32 v10, v5;
	v10 =	vshll.u32 v9, $0x10;
	v7 =	vadd.f32 v14, v7  }
0x307: {  	v14 =	vld [tilespmem:s6+$0xFFFFFFD0];
	v9 =	vadd.f32 v9, v6;
	v8 =	vadd.f32 v10, v8;
	v6 =	vshll.u32 v12, $0x10  }
0x308: {  	v10 =	vld [tilespmem:s6+$0x40];
	v5 =	vadd.f32 v6, v5;
	v6 =	vadd.f32 v12, v7;
	v7 =	vshll.u32 v16, $0x10  }
0x309: {  	v19 =	vld [tilespmem:s6+$0x50];
	v12 =	vshll.u32 v17, $0x10;
	v7 =	vadd.f32 v7, v8;
	v8 =	vadd.f32 v16, v9  }
0x30a: {  	v22 =	vld [tilespmem:s6+$0xFFFFFF60];
	v9 =	vadd.f32 v12, v13;
	v12 =	vadd.f32 v17, v13;
	v16 =	vshll.u32 v15, $0x10  }
0x30b: {  	v20 =	vld [tilespmem:s6+$0xC0];
	v15 =	vadd.f32 v15, v13;
	v16 =	vadd.f32 v16, v13;
	v17 =	vshll.u32 v11, $0x10  }
0x30c: {  	v21 =	vld [tilespmem:s6+$0xD0];
	v9 =	vadd.f32 v17, v9;
	v11 =	vadd.f32 v11, v12  }
0x30d: {  	v12 =	vshll.u32 v14, $0x10;
	v14 =	vadd.f32 v14, v15;
	v15 =	vshll.u32 v10, $0x10  }
0x30e: {  	v23 =	vld [tilespmem:s6+$0xFFFFFF70];
	v12 =	vadd.f32 v12, v16;
	v9 =	vadd.f32 v15, v9  }
0x30f: {  	p2 =	sgt.s32 s5, $0x4;
	v17 =	vld [tilespmem:s6+$0xFFFFFFE0];
	v10 =	vadd.f32 v10, v11;
	v11 =	vshll.u32 v19, $0x10;
	v15 =	vshll.u32 v22, $0x10  }
.Ltmp52:
0x310: {  	v18 =	vld [tilespmem:s6+$0xFFFFFFF0];
	v11 =	vadd.f32 v11, v12;
	v12 =	vadd.f32 v19, v14;
	v14 =	vshll.u32 v20, $0x10;
	(pc) =	sbr.rel @!p2 .LBB2_39-.Ltmp52, $4  }
0x311: {  	v22 =	vadd.f32 v22, v13;
	v19 =	vld [tilespmem:s6+$0x60];
	v9 =	vadd.f32 v14, v9;
	v14 =	vshll.u32 v21, $0x10  }
0x312: {  	v10 =	vadd.f32 v20, v10;
	v20 =	vld [tilespmem:s6+$0x70];
	v11 =	vadd.f32 v14, v11  }
0x313: {  	v12 =	vadd.f32 v21, v12;
	v21 =	vadd.f32 v15, v13;
	v15 =	vshll.u32 v23, $0x10;
	v14 =	vld [tilespmem:s6+$0xE0]  }
0x314: {  	s23 =	simm.s32 $0x4;
	v16 =	vld [tilespmem:s6+$0xF0];
	s6 =	sadd.s32 $0x200, s6;
	v15 =	vadd.f32 v15, v13;
	v13 =	vadd.f32 v23, v13;
	v23 =	vshll.u32 v17, $0x10  }
.LBB2_38:
0x315: {  	v24 =	vld [tilespmem:s6+$0xFFFFFF00];
	v21 =	vadd.f32 v23, v21;
	v17 =	vadd.f32 v17, v22;
	v22 =	vshll.u32 v18, $0x10  }
0x316: {  	v23 =	vld [tilespmem:s6+$0xFFFFFF10];
	v15 =	vadd.f32 v22, v15;
	v13 =	vadd.f32 v18, v13;
	v18 =	vshll.u32 v19, $0x10  }
0x317: {  	v22 =	vld [tilespmem:s6+$0xFFFFFF80];
	v18 =	vadd.f32 v18, v21;
	v17 =	vadd.f32 v19, v17;
	v19 =	vshll.u32 v20, $0x10  }
0x318: {  	v21 =	vld [tilespmem:s6+$0xFFFFFF90];
	v15 =	vadd.f32 v19, v15;
	v19 =	vadd.f32 v20, v13;
	v13 =	vshll.u32 v14, $0x10  }
0x319: {  	v20 =	vld [tilespmem:s6+$0x0];
	v13 =	vadd.f32 v13, v18;
	v14 =	vadd.f32 v14, v17;
	v17 =	vshll.u32 v16, $0x10  }
0x31a: {  	v18 =	vshll.u32 v24, $0x10;
	v25 =	vld [tilespmem:s6+$0x10];
	v15 =	vadd.f32 v17, v15;
	v16 =	vadd.f32 v16, v19  }
0x31b: {  	v2 =	vadd.f32 v24, v2;
	v1 =	vadd.f32 v18, v1;
	v17 =	vshll.u32 v23, $0x10;
	v18 =	vld [tilespmem:s6+$0x80]  }
0x31c: {  	v4 =	vadd.f32 v23, v4;
	v3 =	vadd.f32 v17, v3;
	v17 =	vshll.u32 v22, $0x10;
	v19 =	vld [tilespmem:s6+$0x90]  }
0x31d: {  	v2 =	vadd.f32 v22, v2;
	v23 =	vld [tilespmem:s6+$0xFFFFFF20];
	v1 =	vadd.f32 v17, v1;
	v17 =	vshll.u32 v21, $0x10  }
0x31e: {  	v4 =	vadd.f32 v21, v4;
	v22 =	vld [tilespmem:s6+$0xFFFFFF30];
	v3 =	vadd.f32 v17, v3;
	v17 =	vshll.u32 v20, $0x10  }
0x31f: {  	v2 =	vadd.f32 v20, v2;
	v21 =	vld [tilespmem:s6+$0xFFFFFFA0];
	v1 =	vadd.f32 v17, v1;
	v17 =	vshll.u32 v25, $0x10  }
0x320: {  	v4 =	vadd.f32 v25, v4;
	v20 =	vld [tilespmem:s6+$0xFFFFFFB0];
	v3 =	vadd.f32 v17, v3;
	v17 =	vshll.u32 v18, $0x10  }
0x321: {  	v2 =	vadd.f32 v18, v2;
	v24 =	vld [tilespmem:s6+$0x20];
	v1 =	vadd.f32 v17, v1;
	v17 =	vshll.u32 v19, $0x10  }
0x322: {  	v4 =	vadd.f32 v19, v4;
	v18 =	vshll.u32 v23, $0x10;
	v25 =	vld [tilespmem:s6+$0x30];
	v3 =	vadd.f32 v17, v3  }
0x323: {  	v6 =	vadd.f32 v23, v6;
	v5 =	vadd.f32 v18, v5;
	v17 =	vshll.u32 v22, $0x10;
	v18 =	vld [tilespmem:s6+$0xA0]  }
0x324: {  	v8 =	vadd.f32 v22, v8;
	v7 =	vadd.f32 v17, v7;
	v17 =	vshll.u32 v21, $0x10;
	v19 =	vld [tilespmem:s6+$0xB0]  }
0x325: {  	v6 =	vadd.f32 v21, v6;
	v22 =	vld [tilespmem:s6+$0xFFFFFF40];
	v5 =	vadd.f32 v17, v5;
	v17 =	vshll.u32 v20, $0x10  }
0x326: {  	v8 =	vadd.f32 v20, v8;
	v21 =	vld [tilespmem:s6+$0xFFFFFF50];
	v7 =	vadd.f32 v17, v7;
	v17 =	vshll.u32 v24, $0x10  }
0x327: {  	v6 =	vadd.f32 v24, v6;
	v20 =	vld [tilespmem:s6+$0xFFFFFFC0];
	v5 =	vadd.f32 v17, v5;
	v17 =	vshll.u32 v25, $0x10  }
0x328: {  	v8 =	vadd.f32 v25, v8;
	v23 =	vld [tilespmem:s6+$0xFFFFFFD0];
	v7 =	vadd.f32 v17, v7;
	v17 =	vshll.u32 v18, $0x10  }
0x329: {  	v6 =	vadd.f32 v18, v6;
	v24 =	vld [tilespmem:s6+$0x40];
	v5 =	vadd.f32 v17, v5;
	v17 =	vshll.u32 v19, $0x10  }
0x32a: {  	v8 =	vadd.f32 v19, v8;
	v18 =	vshll.u32 v22, $0x10;
	v25 =	vld [tilespmem:s6+$0x50];
	v7 =	vadd.f32 v17, v7  }
0x32b: {  	v10 =	vadd.f32 v22, v10;
	v9 =	vadd.f32 v18, v9;
	v17 =	vshll.u32 v21, $0x10;
	v22 =	vld [tilespmem:s6+$0xC0]  }
0x32c: {  	v12 =	vadd.f32 v21, v12;
	v11 =	vadd.f32 v17, v11;
	v17 =	vshll.u32 v20, $0x10;
	v21 =	vld [tilespmem:s6+$0xD0]  }
0x32d: {  	v10 =	vadd.f32 v20, v10;
	v26 =	vld [tilespmem:s6+$0xFFFFFF60];
	v9 =	vadd.f32 v17, v9;
	v17 =	vshll.u32 v23, $0x10  }
0x32e: {  	s23 =	sadd.s32 $0x4, s23;
	v12 =	vadd.f32 v23, v12;
	v27 =	vld [tilespmem:s6+$0xFFFFFF70];
	v11 =	vadd.f32 v17, v11;
	v18 =	vshll.u32 v24, $0x10  }
0x32f: {  	p2 =	slt.s32 s23, s5;
	v10 =	vadd.f32 v24, v10;
	v17 =	vld [tilespmem:s6+$0xFFFFFFE0];
	v9 =	vadd.f32 v18, v9;
	v19 =	vshll.u32 v25, $0x10  }
.Ltmp53:
0x330: {  	v12 =	vadd.f32 v25, v12;
	v18 =	vld [tilespmem:s6+$0xFFFFFFF0];
	v11 =	vadd.f32 v19, v11;
	v20 =	vshll.u32 v22, $0x10;
	(pc) =	sbr.rel @p2 .LBB2_38-.Ltmp53, $4  }
0x331: {  	v10 =	vadd.f32 v22, v10;
	v19 =	vld [tilespmem:s6+$0x60];
	v9 =	vadd.f32 v20, v9;
	v22 =	vshll.u32 v21, $0x10  }
0x332: {  	v12 =	vadd.f32 v21, v12;
	v23 =	vshll.u32 v26, $0x10;
	v20 =	vld [tilespmem:s6+$0x70];
	v11 =	vadd.f32 v22, v11  }
0x333: {  	v22 =	vadd.f32 v26, v14;
	v21 =	vadd.f32 v23, v13;
	v13 =	vshll.u32 v27, $0x10;
	v14 =	vld [tilespmem:s6+$0xE0]  }
0x334: {  	v15 =	vadd.f32 v13, v15;
	v13 =	vadd.f32 v27, v16;
	v23 =	vshll.u32 v17, $0x10;
	v16 =	vld [tilespmem:s6+$0xF0];
	s6 =	sadd.s32 $0x200, s6  }
.LBB2_39:
0x335: {  	v21 =	vadd.f32 v23, v21;
	v17 =	vadd.f32 v17, v22;
	v63 =	vshll.u32 v18, $0x10  }
.Ltmp54:
0x336: {  	v15 =	vadd.f32 v63, v15;
	v13 =	vadd.f32 v18, v13;
	v18 =	vshll.u32 v19, $0x10;
	(pc) =	sbr.rel .LBB2_29-.Ltmp54, $4  }
0x337: {  	v18 =	vadd.f32 v18, v21;
	v17 =	vadd.f32 v19, v17;
	v19 =	vshll.u32 v20, $0x10  }
0x338: {  	v15 =	vadd.f32 v19, v15;
	v19 =	vadd.f32 v20, v13;
	v13 =	vshll.u32 v14, $0x10  }
0x339: {  	v13 =	vadd.f32 v13, v18;
	v14 =	vadd.f32 v14, v17;
	v17 =	vshll.u32 v16, $0x10  }
0x33a: {  	v15 =	vadd.f32 v17, v15;
	v16 =	vadd.f32 v16, v19  }
.LBB2_28:
0x33b: {  	v1 =	vimm.f32 $0.0e+00  }
0x33c: {  	v3 =	vimm.f32 $0.0e+00;
	v5 =	vimm.f32 $0.0e+00;
	v7 =	vimm.f32 $0.0e+00  }
0x33d: {  	v9 =	vimm.f32 $0.0e+00;
	v11 =	vimm.f32 $0.0e+00;
	v13 =	vimm.f32 $0.0e+00  }
0x33e: {  	v15 =	vimm.f32 $0.0e+00;
	v2 =	vimm.f32 $0.0e+00;
	v4 =	vimm.f32 $0.0e+00  }
0x33f: {  	v6 =	vimm.f32 $0.0e+00;
	v8 =	vimm.f32 $0.0e+00;
	v10 =	vimm.f32 $0.0e+00  }
0x340: {  	v12 =	vimm.f32 $0.0e+00;
	v14 =	vimm.f32 $0.0e+00;
	v16 =	vimm.f32 $0.0e+00  }
.LBB2_29:
0x341: {  	p2 =	sge.s32 s5, s16  }
.Ltmp55:
0x342: {  	_ = 	snop;
	(pc) =	sbr.rel @p2 .LBB2_32-.Ltmp55, $1  }
0x343: {  	_ =	sdelay $0x3  }
0x344: {  	p2 =	slt.s32 s24, s19  }
0x345: {  	s19 =	smov.u32 @p2 s24  }
0x346: {  	s5 =	ssub.s32 s16, s5;
	s6 =	smov.u32 s25;
	p2 =	slt.s32 s19, s25  }
0x347: {  	s16 =	sadd.s32 s5, s10;
	s6 =	smov.u32 @p2 s19  }
0x348: {  	s16 =	sshll.u32 s16, $0x9;
	s6 =	sshll.u32 s6, $0x9  }
0x349: {  	s6 =	ssub.s32 s6, s16  }
0x34a: {  	s6 =	sshra.s32 s6, $0x2  }
0x34b: {  	s6 =	sadd.s32 $0x51C0, s6  }
.LBB2_31:
0x34c: {  	v17 =	vld [tilespmem:s6+$0xFFFFFFC0]  }
0x34d: {  	v18 =	vld [tilespmem:s6+$0xFFFFFFD0]  }
0x34e: {  	v19 =	vld [tilespmem:s6+$0xFFFFFFE0]  }
0x34f: {  	v20 =	vld [tilespmem:s6+$0xFFFFFFF0]  }
0x350: {  	v21 =	vld [tilespmem:s6+$0x0]  }
0x351: {  	v23 =	vld [tilespmem:s6+$0x10];
	v22 =	vshll.u32 v17, $0x10  }
0x352: {  	v63 =	vld [tilespmem:s6+$0x20];
	v2 =	vadd.f32 v17, v2;
	v17 =	vshll.u32 v18, $0x10;
	v4 =	vadd.f32 v18, v4  }
0x353: {  	v18 =	vld [tilespmem:s6+$0x30];
	v6 =	vadd.f32 v19, v6;
	v3 =	vadd.f32 v17, v3;
	v17 =	vshll.u32 v19, $0x10  }
0x354: {  	p2 =	sne.s32 s5, $0x1;
	v8 =	vadd.f32 v20, v8;
	v5 =	vadd.f32 v17, v5;
	v17 =	vshll.u32 v20, $0x10  }
.Ltmp56:
0x355: {  	v10 =	vadd.f32 v21, v10;
	v7 =	vadd.f32 v17, v7;
	v17 =	vshll.u32 v21, $0x10;
	(pc) =	sbr.rel @p2 .LBB2_31-.Ltmp56, $4  }
0x356: {  	v12 =	vadd.f32 v23, v12;
	v9 =	vadd.f32 v17, v9;
	v17 =	vshll.u32 v23, $0x10  }
0x357: {  	v14 =	vadd.f32 v63, v14;
	v11 =	vadd.f32 v17, v11;
	v17 =	vshll.u32 v63, $0x10  }
0x358: {  	v1 =	vadd.f32 v22, v1;
	v13 =	vadd.f32 v17, v13;
	v17 =	vshll.u32 v18, $0x10  }
0x359: {  	s5 =	sadd.s32 $0xFFFFFFFF, s5;
	s6 =	sadd.s32 $0x80, s6;
	v16 =	vadd.f32 v18, v16;
	v15 =	vadd.f32 v17, v15  }
.Ltmp57:
0x35a: {  	_ = 	snop;
	(pc) =	sbr.rel .LBB2_32-.Ltmp57, $1  }
0x35b: {  	_ =	sdelay $0x3  }
.LBB2_70:
.Ltmp58:
0x35c: {  	(pc) =	sbr.rel .LBB2_35-.Ltmp58, $3  }
0x35d: {  	_ =	sdelay $0x1  }
0x35e: {  	s0 =	rddreg [dreg:$0x7]  }
0x35f: {  	s8 =	simm.s32 $0x5;
	s9 =	rddreg [dreg:$0xa]  }
.LBB2_36:
0x360: {  	_ =	sfence.sel $0x180000  }
0x361: {  	[bflag:$0x0] =	sbarrier.arrive $0xFFFF  }
0x362: {  	_ =	strace $0x90000047  }
0x363: {  	s0 =	stileid.u32;
	[bflag:$0x2] =	sbarrier.arrive $0xFFFF  }
0x364: {  	p0 =	sne.s32 s0, $0x0;
	s0 =	rddreg [dreg:$0x3]  }
0x365: {  	s0 =	sadd.s32 @!p0 $0x100000, s0  }
0x366: {  	[sflag:s0] =	ssyncadd.tile.s32 @!p0 $0x1;
	_ =	shalt  }
.Lfunc_end2:
_tile_overlayer_lowered:
.L_overlay_start_2:
0x367: {  	(tag) =	ssettag $0x2  }
0x368: {  	s0 =	rddreg [dreg:$0x0];
	s2 =	stileid.u32  }
0x369: {  	s1 =	rddreg [dreg:$0x1];
	p0 =	sne.s32 s2, $0x0  }
0x36a: {  	s3 =	rddreg [dreg:$0x2];
	[bflag:$0x3] =	sbarrier.arrive $0xFFFF;
	s2 =	simm.s32 @!p0 $0x1C05  }
0x36b: {  	[timem:s3], [sflag:s2] =	dma.local @!p0 [hbm:s0], s1  }
0x36c: {  	s0 =	simm.s32 @!p0 $0x5  }
0x36d: {  	_ =	swait.ge @!p0 [sflag:s0], s1  }
0x36e: {  	s1 =	ssub.s32 @!p0 $0x0, s1;
	[sflag:s0] =	ssyncset.done @!p0 $0x0  }
0x36f: {  	[sflag:s0] =	ssyncadd.s32 @!p0 s1  }
0x370: {  	[bflag:$0x3] =	sbarrier.arrive $0xFFFF  }
0x371: {  	_ =	shalt  }

</sc_bundles>
